<compile_context>
chip_gen: v7x
topology: tpu7x:2x2x1
jax: 0.10.2.dev20260603
libtpu: 0.0.44.dev20260713+nightly
codegen_flags: <defaults>
</compile_context>

<pallas_src>
import functools

import jax
import jax.numpy as jnp
from jax import lax
from jax.experimental import pallas as pl
from jax.experimental.pallas import tpu as pltpu
from jax.experimental.pallas import tpu_sc as plsc

NC = 2
NS = 16
NW = NC * NS
LANES = 16
CHUNK = 128
N_PASS = 2


def _mesh():
    return plsc.VectorSubcoreMesh(
        core_axis_name="c", subcore_axis_name="s",
        num_cores=NC, num_subcores=NS,
    )


def _cparams():
    return pltpu.CompilerParams(
        needs_layout_passes=False, use_tc_tiling_on_sc=True)


def _issue_rows(idx_v, table_hbm, dst_v, sem, b, rows_per_pass):
    r0 = b * LANES
    ti = idx_v[pl.ds(r0, LANES)]
    dr0 = (b % (rows_per_pass // LANES)) * LANES
    for r in range(LANES):
        pltpu.async_copy(table_hbm.at[pl.ds(ti[r], 1)],
                         dst_v.at[pl.ds(dr0 + r, 1)], sem)


@functools.lru_cache(maxsize=None)
def _build_k1(B: int, D: int):
    b_per_w = B // NW
    n_chunks = b_per_w // CHUNK
    rows_per_pass = b_per_w // N_PASS

    @functools.partial(
        pl.kernel,
        out_type=(jax.ShapeDtypeStruct((B, D), jnp.float32),
                  jax.ShapeDtypeStruct((B,), jnp.float32)),
        mesh=_mesh(),
        compiler_params=_cparams(),
        scratch_types=[
            pltpu.VMEM((b_per_w,), jnp.int32),
            pltpu.VMEM((rows_per_pass, D), jnp.float32),
            pltpu.VMEM((b_per_w,), jnp.float32),
            [pltpu.SemaphoreType.DMA] * 2,
        ],
    )
    def k1(tok_hbm, temb_hbm, tb_hbm, rows_out, bias_out,
           idx_i, wi_v, bi_v, sems):
        wid = lax.axis_index("s") * NC + lax.axis_index("c")
        base = wid * b_per_w
        pltpu.sync_copy(tok_hbm.at[pl.ds(base, b_per_w)], idx_i)
        for c in range(n_chunks):
            sl = pl.ds(c * CHUNK, CHUNK)
            pltpu.async_copy(tb_hbm.at[idx_i.at[sl]], bi_v.at[sl], sems[1])

        def issue(b, carry):
            _issue_rows(idx_i, temb_hbm, wi_v, sems[0], b, rows_per_pass)
            return carry

        blocks_per_pass = rows_per_pass // LANES
        for p in range(N_PASS):
            lax.fori_loop(p * blocks_per_pass, (p + 1) * blocks_per_pass,
                          issue, 0)
            pltpu.make_async_copy(temb_hbm.at[pl.ds(0, rows_per_pass)],
                                  wi_v, sems[0]).wait()
            pltpu.sync_copy(
                wi_v,
                rows_out.at[pl.ds(base + p * rows_per_pass,
                                  rows_per_pass)])
        pltpu.make_async_copy(tb_hbm.at[pl.ds(0, b_per_w)], bi_v,
                              sems[1]).wait()
        pltpu.sync_copy(bi_v, bias_out.at[pl.ds(base, b_per_w)])

    return k1


@functools.lru_cache(maxsize=None)
def _build_k2(B: int, D: int):
    b_per_w = B // NW
    n_chunks = b_per_w // CHUNK
    n_seg = D // LANES
    rows_per_pass = b_per_w // N_PASS

    @functools.partial(
        pl.kernel,
        out_type=jax.ShapeDtypeStruct((B,), jnp.float32),
        mesh=_mesh(),
        compiler_params=_cparams(),
        scratch_types=[
            pltpu.VMEM((b_per_w,), jnp.int32),
            pltpu.VMEM((rows_per_pass, D), jnp.float32),
            pltpu.VMEM((rows_per_pass, D), jnp.float32),
            pltpu.VMEM((b_per_w,), jnp.float32),
            pltpu.VMEM((b_per_w,), jnp.float32),
            pltpu.VMEM((b_per_w,), jnp.float32),
            [pltpu.SemaphoreType.DMA] * 3,
        ],
    )
    def k2(ctx_hbm, cemb_hbm, cb_hbm, wi_hbm, bi_hbm, out_hbm,
           idx_j, wi_v, wj_v, bi_v, bj_v, out_v, sems):
        wid = lax.axis_index("s") * NC + lax.axis_index("c")
        base = wid * b_per_w
        pltpu.sync_copy(ctx_hbm.at[pl.ds(base, b_per_w)], idx_j)
        for c in range(n_chunks):
            sl = pl.ds(c * CHUNK, CHUNK)
            pltpu.async_copy(cb_hbm.at[idx_j.at[sl]], bj_v.at[sl], sems[1])
        pltpu.sync_copy(bi_hbm.at[pl.ds(base, b_per_w)], bi_v)

        def issue(b, carry):
            _issue_rows(idx_j, cemb_hbm, wj_v, sems[0], b, rows_per_pass)
            return carry

        lane_ids = lax.iota(jnp.int32, LANES)

        def block(b, carry):
            r0 = b * LANES
            dr0 = (b % (rows_per_pass // LANES)) * LANES
            sums = jnp.zeros((LANES,), jnp.float32)
            for r in range(LANES):
                row = dr0 + r
                acc = wi_v[row, pl.ds(0, LANES)] * wj_v[row, pl.ds(0, LANES)]
                for s in range(1, n_seg):
                    sl = pl.ds(s * LANES, LANES)
                    acc = acc + wi_v[row, sl] * wj_v[row, sl]
                sums = jnp.where(lane_ids == r, jnp.sum(acc), sums)
            blk = pl.ds(r0, LANES)
            out_v[blk] = sums + bi_v[blk] + bj_v[blk]
            return carry

        pltpu.make_async_copy(cb_hbm.at[pl.ds(0, b_per_w)], bj_v,
                              sems[1]).wait()
        blocks_per_pass = rows_per_pass // LANES
        for p in range(N_PASS):
            lax.fori_loop(p * blocks_per_pass, (p + 1) * blocks_per_pass,
                          issue, 0)
            pltpu.async_copy(
                wi_hbm.at[pl.ds(base + p * rows_per_pass, rows_per_pass)],
                wi_v, sems[2])
            pltpu.make_async_copy(
                wi_hbm.at[pl.ds(0, rows_per_pass)], wi_v, sems[2]).wait()
            pltpu.make_async_copy(cemb_hbm.at[pl.ds(0, rows_per_pass)],
                                  wj_v, sems[0]).wait()
            lax.fori_loop(p * blocks_per_pass, (p + 1) * blocks_per_pass,
                          block, 0)
        pltpu.sync_copy(out_v, out_hbm.at[pl.ds(base, b_per_w)])

    return k2


def kernel(token, context_token, token_embedding, context_embedding,
           token_bias, context_bias):
    B = token.shape[0]
    D = token_embedding.shape[1]
    tok = token.astype(jnp.int32)
    ctx = context_token.astype(jnp.int32)
    tb = token_bias.sum(axis=1)
    cb = context_bias.sum(axis=1)
    wi_rows, bi = _build_k1(B, D)(tok, token_embedding, tb)
    return _build_k2(B, D)(ctx, context_embedding, cb, wi_rows, bi)

# --- scband reference (transcript-rebuilt; emitter-appended) ---
"""Pipeline reference for scband-glove-model-69518340653437 (READ-ONLY COPY).

The authoritative reference and input builder live on the scoring server;
editing this copy changes nothing except your own understanding.
"""

import jax, jax.numpy as jnp
import numpy as np

VOCAB = 100000
DIM = 64
BATCH = 16384


def setup_inputs(seed: int = 0) -> dict:
    key = jax.random.key(seed)
    k1, k2, k3, k4, k5, k6 = jax.random.split(key, 6)
    token = jax.random.randint(k1, (BATCH,), 0, VOCAB, dtype=jnp.int64) if jax.config.jax_enable_x64 else jax.random.randint(k1, (BATCH,), 0, VOCAB).astype(jnp.int32)
    context_token = jax.random.randint(k2, (BATCH,), 0, VOCAB).astype(token.dtype)
    token_embedding = jax.random.normal(k3, (VOCAB, DIM), dtype=jnp.float32)
    context_embedding = jax.random.normal(k4, (VOCAB, DIM), dtype=jnp.float32)
    token_bias = jax.random.normal(k5, (VOCAB, 1), dtype=jnp.float32)
    context_bias = jax.random.normal(k6, (VOCAB, 1), dtype=jnp.float32)
    return {
        "token": token,
        "context_token": context_token,
        "token_embedding": token_embedding,
        "context_embedding": context_embedding,
        "token_bias": token_bias,
        "context_bias": context_bias,
    }


def reference(token, context_token, token_embedding, context_embedding, token_bias, context_bias):
    # GloveModel.forward
    w_i = jnp.take(token_embedding, token, axis=0)        # [B, D]
    b_i = jnp.take(token_bias, token, axis=0)             # [B, 1]
    w_j = jnp.take(context_embedding, context_token, axis=0)  # [B, D]
    b_j = jnp.take(context_bias, context_token, axis=0)       # [B, 1]
    out = jnp.sum(w_i * w_j, axis=1, keepdims=True) + b_i + b_j  # [B, 1]
    return out.reshape(-1)

if __name__ == "__main__":
    import jax
    _d = setup_inputs()
    print(jax.jit(kernel)(*tuple(_d.values())))

</pallas_src>

<mosaic_0001>
#map = affine_map<(d0, d1) -> (0)>
#map1 = affine_map<(d0, d1) -> (0, 0)>
module attributes {stable_mosaic.version = 14 : i64} {
  func.func @k1(%arg0: i32, %arg1: i32, %arg2: memref<16384xi32, #tpu.memory_space<hbm>>, %arg3: memref<100000x64xf32, #tpu.memory_space<hbm>>, %arg4: memref<100000xf32, #tpu.memory_space<hbm>>, %arg5: memref<16384x64xf32, #tpu.memory_space<hbm>>, %arg6: memref<16384xf32, #tpu.memory_space<hbm>>, %arg7: memref<512xi32, #tpu.memory_space<vmem>>, %arg8: memref<256x64xf32, #tpu.memory_space<vmem>>, %arg9: memref<512xf32, #tpu.memory_space<vmem>>, %arg10: memref<!tpu.dma_semaphore, #tpu.memory_space<semaphore_mem>>, %arg11: memref<!tpu.dma_semaphore, #tpu.memory_space<semaphore_mem>>) attributes {dimension_semantics = [#tpu.dimension_semantics<core_parallel>, #tpu.dimension_semantics<subcore_parallel>], iteration_bounds = array<i64: 2, 16>, scalar_prefetch = 0 : i64, scratch_operands = 5 : i64, tpu.core_type = #tpu.core_type<sc_vector_subcore>, window_params = [{transform_indices = #map}, {transform_indices = #map1}, {transform_indices = #map}, {transform_indices = #map1}, {transform_indices = #map}]} {
    %mul3A = arith.constant 2 : i32
    %mul3A_0 = arith.muli %arg1, %mul3A : i32
    %add3A = arith.addi %mul3A_0, %arg0 : i32
    %mul3A_1 = arith.constant 512 : i32
    %mul3A_2 = arith.muli %add3A, %mul3A_1 : i32
    "tpu.region"() ({
      %run_scoped3A = tpu.sem_alloc : memref<!tpu.dma_semaphore, #tpu.memory_space<semaphore_mem>>
      %dma_start3A_56 = tpu.memref_slice %arg2[%mul3A_2] : memref<16384xi32, #tpu.memory_space<hbm>> -> memref<512xi32, #tpu.memory_space<hbm>>
      %dma_start3A_57 = tpu.memref_slice %arg2[%mul3A_2] : memref<16384xi32, #tpu.memory_space<hbm>> -> memref<512xi32, #tpu.memory_space<hbm>>
      tpu.enqueue_dma source(%dma_start3A_57 : memref<512xi32, #tpu.memory_space<hbm>>) target(%arg7 : memref<512xi32, #tpu.memory_space<vmem>>) target_semaphore(%run_scoped3A : memref<!tpu.dma_semaphore, #tpu.memory_space<semaphore_mem>>)
      %dma_wait3A_58 = tpu.memref_slice %arg2[%mul3A_2] : memref<16384xi32, #tpu.memory_space<hbm>> -> memref<512xi32, #tpu.memory_space<hbm>>
      %dma_wait3A_59 = tpu.memref_slice %arg2[%mul3A_2] : memref<16384xi32, #tpu.memory_space<hbm>> -> memref<512xi32, #tpu.memory_space<hbm>>
      tpu.wait_dma2 semaphore(%run_scoped3A : memref<!tpu.dma_semaphore, #tpu.memory_space<semaphore_mem>>) src(%dma_wait3A_59 : memref<512xi32, #tpu.memory_space<hbm>>) dst(%arg7 : memref<512xi32, #tpu.memory_space<vmem>>)
      tpu.yield
    }) : () -> ()
    %dma_start3A = arith.constant 0 : i32
    %dma_start3A_3 = tpu.memref_slice %arg9[%dma_start3A] : memref<512xf32, #tpu.memory_space<vmem>> -> memref<128xf32, #tpu.memory_space<vmem>>
    %dma_start3A_4 = arith.constant 0 : i32
    %dma_start3A_5 = tpu.memref_slice %arg7[%dma_start3A_4] : memref<512xi32, #tpu.memory_space<vmem>> -> memref<128xi32, #tpu.memory_space<vmem>>
    %dma_start3A_6 = arith.constant 0 : i32
    %dma_start3A_7 = tpu.memref_slice %arg4[%dma_start3A_6] : memref<100000xf32, #tpu.memory_space<hbm>> -> memref<100000xf32, #tpu.memory_space<hbm>>
    tpu.enqueue_indirect_dma source(%dma_start3A_7 : memref<100000xf32, #tpu.memory_space<hbm>>) target(%dma_start3A_3 : memref<128xf32, #tpu.memory_space<vmem>>) offsets(%dma_start3A_5 : memref<128xi32, #tpu.memory_space<vmem>>) semaphore(%arg11 : memref<!tpu.dma_semaphore, #tpu.memory_space<semaphore_mem>>)
    %dma_start3A_8 = arith.constant 128 : i32
    %dma_start3A_9 = tpu.memref_slice %arg9[%dma_start3A_8] : memref<512xf32, #tpu.memory_space<vmem>> -> memref<128xf32, #tpu.memory_space<vmem>>
    %dma_start3A_10 = arith.constant 128 : i32
    %dma_start3A_11 = tpu.memref_slice %arg7[%dma_start3A_10] : memref<512xi32, #tpu.memory_space<vmem>> -> memref<128xi32, #tpu.memory_space<vmem>>
    %dma_start3A_12 = arith.constant 0 : i32
    %dma_start3A_13 = tpu.memref_slice %arg4[%dma_start3A_12] : memref<100000xf32, #tpu.memory_space<hbm>> -> memref<100000xf32, #tpu.memory_space<hbm>>
    tpu.enqueue_indirect_dma source(%dma_start3A_13 : memref<100000xf32, #tpu.memory_space<hbm>>) target(%dma_start3A_9 : memref<128xf32, #tpu.memory_space<vmem>>) offsets(%dma_start3A_11 : memref<128xi32, #tpu.memory_space<vmem>>) semaphore(%arg11 : memref<!tpu.dma_semaphore, #tpu.memory_space<semaphore_mem>>)
    %dma_start3A_14 = arith.constant 256 : i32
    %dma_start3A_15 = tpu.memref_slice %arg9[%dma_start3A_14] : memref<512xf32, #tpu.memory_space<vmem>> -> memref<128xf32, #tpu.memory_space<vmem>>
    %dma_start3A_16 = arith.constant 256 : i32
    %dma_start3A_17 = tpu.memref_slice %arg7[%dma_start3A_16] : memref<512xi32, #tpu.memory_space<vmem>> -> memref<128xi32, #tpu.memory_space<vmem>>
    %dma_start3A_18 = arith.constant 0 : i32
    %dma_start3A_19 = tpu.memref_slice %arg4[%dma_start3A_18] : memref<100000xf32, #tpu.memory_space<hbm>> -> memref<100000xf32, #tpu.memory_space<hbm>>
    tpu.enqueue_indirect_dma source(%dma_start3A_19 : memref<100000xf32, #tpu.memory_space<hbm>>) target(%dma_start3A_15 : memref<128xf32, #tpu.memory_space<vmem>>) offsets(%dma_start3A_17 : memref<128xi32, #tpu.memory_space<vmem>>) semaphore(%arg11 : memref<!tpu.dma_semaphore, #tpu.memory_space<semaphore_mem>>)
    %dma_start3A_20 = arith.constant 384 : i32
    %dma_start3A_21 = tpu.memref_slice %arg9[%dma_start3A_20] : memref<512xf32, #tpu.memory_space<vmem>> -> memref<128xf32, #tpu.memory_space<vmem>>
    %dma_start3A_22 = arith.constant 384 : i32
    %dma_start3A_23 = tpu.memref_slice %arg7[%dma_start3A_22] : memref<512xi32, #tpu.memory_space<vmem>> -> memref<128xi32, #tpu.memory_space<vmem>>
    %dma_start3A_24 = arith.constant 0 : i32
    %dma_start3A_25 = tpu.memref_slice %arg4[%dma_start3A_24] : memref<100000xf32, #tpu.memory_space<hbm>> -> memref<100000xf32, #tpu.memory_space<hbm>>
    tpu.enqueue_indirect_dma source(%dma_start3A_25 : memref<100000xf32, #tpu.memory_space<hbm>>) target(%dma_start3A_21 : memref<128xf32, #tpu.memory_space<vmem>>) offsets(%dma_start3A_23 : memref<128xi32, #tpu.memory_space<vmem>>) semaphore(%arg11 : memref<!tpu.dma_semaphore, #tpu.memory_space<semaphore_mem>>)
    %scan3A = arith.constant 0 : i32
    %scan3A_26 = arith.constant 0 : i32
    %scan3A_27 = arith.constant 16 : i32
    %scan3A_28 = arith.addi %scan3A_26, %scan3A_27 : i32
    %scan3A_29 = arith.constant 1 : i32
    scf.for %scan3A_56 = %scan3A_26 to %scan3A_28 step %scan3A_29  : i32 {
      %mul3A_57 = arith.constant 16 : i32
      %mul3A_58 = arith.muli %scan3A_56, %mul3A_57 : i32
      %get3A = arith.index_cast %mul3A_58 : i32 to index
      %get3A_59 = tpu.vector_load %arg7[%get3A] {strides = array<i32>} : memref<512xi32, #tpu.memory_space<vmem>>, vector<16xi32>,
      %jit3A = arith.constant 16 : i32
      %eq3A = arith.constant 0 : i32
      %eq3A_60 = arith.cmpi eq, %jit3A, %eq3A : i32
      %jit3A_61 = arith.constant 1 : i32
      %select_n3A = arith.select %eq3A_60, %jit3A_61, %jit3A : i32
      %rem3A = arith.remsi %scan3A_56, %select_n3A : i32
      %ne3A = arith.constant 0 : i32
      %ne3A_62 = arith.cmpi ne, %rem3A, %ne3A : i32
      %lt3A = arith.constant 0 : i32
      %lt3A_63 = arith.cmpi slt, %rem3A, %lt3A : i32
      %lt3A_64 = arith.constant 0 : i32
      %lt3A_65 = arith.cmpi slt, %select_n3A, %lt3A_64 : i32
      %ne3A_66 = arith.xori %lt3A_63, %lt3A_65 : i1
      %and3A = arith.andi %ne3A_66, %ne3A_62 : i1
      %add3A_67 = arith.addi %rem3A, %select_n3A : i32
      %select_n3A_68 = arith.select %and3A, %add3A_67, %rem3A : i32
      %mul3A_69 = arith.constant 16 : i32
      %mul3A_70 = arith.muli %select_n3A_68, %mul3A_69 : i32
      %slice3A = vector.extract_strided_slice %get3A_59 {offsets = [0], sizes = [1], strides = [1]} : vector<16xi32> to vector<1xi32>
      %squeeze3A = vector.extract %slice3A[0] : i32 from vector<1xi32>
      %add3A_71 = arith.constant 0 : i32
      %add3A_72 = arith.addi %mul3A_70, %add3A_71 : i32
      %dma_start3A_73 = arith.constant 0 : i32
      %dma_start3A_74 = tpu.memref_slice %arg8[%add3A_72, %dma_start3A_73] : memref<256x64xf32, #tpu.memory_space<vmem>> -> memref<1x64xf32, #tpu.memory_space<vmem>>
      %dma_start3A_75 = arith.constant 0 : i32
      %dma_start3A_76 = tpu.memref_slice %arg3[%squeeze3A, %dma_start3A_75] : memref<100000x64xf32, #tpu.memory_space<hbm>> -> memref<1x64xf32, #tpu.memory_space<hbm>>
      %dma_start3A_77 = arith.constant 0 : i32
      %dma_start3A_78 = tpu.memref_slice %arg8[%add3A_72, %dma_start3A_77] : memref<256x64xf32, #tpu.memory_space<vmem>> -> memref<1x64xf32, #tpu.memory_space<vmem>>
      %dma_start3A_79 = arith.constant 0 : i32
      %dma_start3A_80 = tpu.memref_slice %arg3[%squeeze3A, %dma_start3A_79] : memref<100000x64xf32, #tpu.memory_space<hbm>> -> memref<1x64xf32, #tpu.memory_space<hbm>>
      tpu.enqueue_dma source(%dma_start3A_80 : memref<1x64xf32, #tpu.memory_space<hbm>>) target(%dma_start3A_78 : memref<1x64xf32, #tpu.memory_space<vmem>>) target_semaphore(%arg10 : memref<!tpu.dma_semaphore, #tpu.memory_space<semaphore_mem>>)
      %slice3A_81 = vector.extract_strided_slice %get3A_59 {offsets = [1], sizes = [1], strides = [1]} : vector<16xi32> to vector<1xi32>
      %squeeze3A_82 = vector.extract %slice3A_81[0] : i32 from vector<1xi32>
      %add3A_83 = arith.constant 1 : i32
      %add3A_84 = arith.addi %mul3A_70, %add3A_83 : i32
      %dma_start3A_85 = arith.constant 0 : i32
      %dma_start3A_86 = tpu.memref_slice %arg8[%add3A_84, %dma_start3A_85] : memref<256x64xf32, #tpu.memory_space<vmem>> -> memref<1x64xf32, #tpu.memory_space<vmem>>
      %dma_start3A_87 = arith.constant 0 : i32
      %dma_start3A_88 = tpu.memref_slice %arg3[%squeeze3A_82, %dma_start3A_87] : memref<100000x64xf32, #tpu.memory_space<hbm>> -> memref<1x64xf32, #tpu.memory_space<hbm>>
      %dma_start3A_89 = arith.constant 0 : i32
      %dma_start3A_90 = tpu.memref_slice %arg8[%add3A_84, %dma_start3A_89] : memref<256x64xf32, #tpu.memory_space<vmem>> -> memref<1x64xf32, #tpu.memory_space<vmem>>
      %dma_start3A_91 = arith.constant 0 : i32
      %dma_start3A_92 = tpu.memref_slice %arg3[%squeeze3A_82, %dma_start3A_91] : memref<100000x64xf32, #tpu.memory_space<hbm>> -> memref<1x64xf32, #tpu.memory_space<hbm>>
      tpu.enqueue_dma source(%dma_start3A_92 : memref<1x64xf32, #tpu.memory_space<hbm>>) target(%dma_start3A_90 : memref<1x64xf32, #tpu.memory_space<vmem>>) target_semaphore(%arg10 : memref<!tpu.dma_semaphore, #tpu.memory_space<semaphore_mem>>)
      %slice3A_93 = vector.extract_strided_slice %get3A_59 {offsets = [2], sizes = [1], strides = [1]} : vector<16xi32> to vector<1xi32>
      %squeeze3A_94 = vector.extract %slice3A_93[0] : i32 from vector<1xi32>
      %add3A_95 = arith.constant 2 : i32
      %add3A_96 = arith.addi %mul3A_70, %add3A_95 : i32
      %dma_start3A_97 = arith.constant 0 : i32
      %dma_start3A_98 = tpu.memref_slice %arg8[%add3A_96, %dma_start3A_97] : memref<256x64xf32, #tpu.memory_space<vmem>> -> memref<1x64xf32, #tpu.memory_space<vmem>>
      %dma_start3A_99 = arith.constant 0 : i32
      %dma_start3A_100 = tpu.memref_slice %arg3[%squeeze3A_94, %dma_start3A_99] : memref<100000x64xf32, #tpu.memory_space<hbm>> -> memref<1x64xf32, #tpu.memory_space<hbm>>
      %dma_start3A_101 = arith.constant 0 : i32
      %dma_start3A_102 = tpu.memref_slice %arg8[%add3A_96, %dma_start3A_101] : memref<256x64xf32, #tpu.memory_space<vmem>> -> memref<1x64xf32, #tpu.memory_space<vmem>>
      %dma_start3A_103 = arith.constant 0 : i32
      %dma_start3A_104 = tpu.memref_slice %arg3[%squeeze3A_94, %dma_start3A_103] : memref<100000x64xf32, #tpu.memory_space<hbm>> -> memref<1x64xf32, #tpu.memory_space<hbm>>
      tpu.enqueue_dma source(%dma_start3A_104 : memref<1x64xf32, #tpu.memory_space<hbm>>) target(%dma_start3A_102 : memref<1x64xf32, #tpu.memory_space<vmem>>) target_semaphore(%arg10 : memref<!tpu.dma_semaphore, #tpu.memory_space<semaphore_mem>>)
      %slice3A_105 = vector.extract_strided_slice %get3A_59 {offsets = [3], sizes = [1], strides = [1]} : vector<16xi32> to vector<1xi32>
      %squeeze3A_106 = vector.extract %slice3A_105[0] : i32 from vector<1xi32>
      %add3A_107 = arith.constant 3 : i32
      %add3A_108 = arith.addi %mul3A_70, %add3A_107 : i32
      %dma_start3A_109 = arith.constant 0 : i32
      %dma_start3A_110 = tpu.memref_slice %arg8[%add3A_108, %dma_start3A_109] : memref<256x64xf32, #tpu.memory_space<vmem>> -> memref<1x64xf32, #tpu.memory_space<vmem>>
      %dma_start3A_111 = arith.constant 0 : i32
      %dma_start3A_112 = tpu.memref_slice %arg3[%squeeze3A_106, %dma_start3A_111] : memref<100000x64xf32, #tpu.memory_space<hbm>> -> memref<1x64xf32, #tpu.memory_space<hbm>>
      %dma_start3A_113 = arith.constant 0 : i32
      %dma_start3A_114 = tpu.memref_slice %arg8[%add3A_108, %dma_start3A_113] : memref<256x64xf32, #tpu.memory_space<vmem>> -> memref<1x64xf32, #tpu.memory_space<vmem>>
      %dma_start3A_115 = arith.constant 0 : i32
      %dma_start3A_116 = tpu.memref_slice %arg3[%squeeze3A_106, %dma_start3A_115] : memref<100000x64xf32, #tpu.memory_space<hbm>> -> memref<1x64xf32, #tpu.memory_space<hbm>>
      tpu.enqueue_dma source(%dma_start3A_116 : memref<1x64xf32, #tpu.memory_space<hbm>>) target(%dma_start3A_114 : memref<1x64xf32, #tpu.memory_space<vmem>>) target_semaphore(%arg10 : memref<!tpu.dma_semaphore, #tpu.memory_space<semaphore_mem>>)
      %slice3A_117 = vector.extract_strided_slice %get3A_59 {offsets = [4], sizes = [1], strides = [1]} : vector<16xi32> to vector<1xi32>
      %squeeze3A_118 = vector.extract %slice3A_117[0] : i32 from vector<1xi32>
      %add3A_119 = arith.constant 4 : i32
      %add3A_120 = arith.addi %mul3A_70, %add3A_119 : i32
      %dma_start3A_121 = arith.constant 0 : i32
      %dma_start3A_122 = tpu.memref_slice %arg8[%add3A_120, %dma_start3A_121] : memref<256x64xf32, #tpu.memory_space<vmem>> -> memref<1x64xf32, #tpu.memory_space<vmem>>
      %dma_start3A_123 = arith.constant 0 : i32
      %dma_start3A_124 = tpu.memref_slice %arg3[%squeeze3A_118, %dma_start3A_123] : memref<100000x64xf32, #tpu.memory_space<hbm>> -> memref<1x64xf32, #tpu.memory_space<hbm>>
      %dma_start3A_125 = arith.constant 0 : i32
      %dma_start3A_126 = tpu.memref_slice %arg8[%add3A_120, %dma_start3A_125] : memref<256x64xf32, #tpu.memory_space<vmem>> -> memref<1x64xf32, #tpu.memory_space<vmem>>
      %dma_start3A_127 = arith.constant 0 : i32
      %dma_start3A_128 = tpu.memref_slice %arg3[%squeeze3A_118, %dma_start3A_127] : memref<100000x64xf32, #tpu.memory_space<hbm>> -> memref<1x64xf32, #tpu.memory_space<hbm>>
      tpu.enqueue_dma source(%dma_start3A_128 : memref<1x64xf32, #tpu.memory_space<hbm>>) target(%dma_start3A_126 : memref<1x64xf32, #tpu.memory_space<vmem>>) target_semaphore(%arg10 : memref<!tpu.dma_semaphore, #tpu.memory_space<semaphore_mem>>)
      %slice3A_129 = vector.extract_strided_slice %get3A_59 {offsets = [5], sizes = [1], strides = [1]} : vector<16xi32> to vector<1xi32>
      %squeeze3A_130 = vector.extract %slice3A_129[0] : i32 from vector<1xi32>
      %add3A_131 = arith.constant 5 : i32
      %add3A_132 = arith.addi %mul3A_70, %add3A_131 : i32
      %dma_start3A_133 = arith.constant 0 : i32
      %dma_start3A_134 = tpu.memref_slice %arg8[%add3A_132, %dma_start3A_133] : memref<256x64xf32, #tpu.memory_space<vmem>> -> memref<1x64xf32, #tpu.memory_space<vmem>>
      %dma_start3A_135 = arith.constant 0 : i32
      %dma_start3A_136 = tpu.memref_slice %arg3[%squeeze3A_130, %dma_start3A_135] : memref<100000x64xf32, #tpu.memory_space<hbm>> -> memref<1x64xf32, #tpu.memory_space<hbm>>
      %dma_start3A_137 = arith.constant 0 : i32
      %dma_start3A_138 = tpu.memref_slice %arg8[%add3A_132, %dma_start3A_137] : memref<256x64xf32, #tpu.memory_space<vmem>> -> memref<1x64xf32, #tpu.memory_space<vmem>>
      %dma_start3A_139 = arith.constant 0 : i32
      %dma_start3A_140 = tpu.memref_slice %arg3[%squeeze3A_130, %dma_start3A_139] : memref<100000x64xf32, #tpu.memory_space<hbm>> -> memref<1x64xf32, #tpu.memory_space<hbm>>
      tpu.enqueue_dma source(%dma_start3A_140 : memref<1x64xf32, #tpu.memory_space<hbm>>) target(%dma_start3A_138 : memref<1x64xf32, #tpu.memory_space<vmem>>) target_semaphore(%arg10 : memref<!tpu.dma_semaphore, #tpu.memory_space<semaphore_mem>>)
      %slice3A_141 = vector.extract_strided_slice %get3A_59 {offsets = [6], sizes = [1], strides = [1]} : vector<16xi32> to vector<1xi32>
      %squeeze3A_142 = vector.extract %slice3A_141[0] : i32 from vector<1xi32>
      %add3A_143 = arith.constant 6 : i32
      %add3A_144 = arith.addi %mul3A_70, %add3A_143 : i32
      %dma_start3A_145 = arith.constant 0 : i32
      %dma_start3A_146 = tpu.memref_slice %arg8[%add3A_144, %dma_start3A_145] : memref<256x64xf32, #tpu.memory_space<vmem>> -> memref<1x64xf32, #tpu.memory_space<vmem>>
      %dma_start3A_147 = arith.constant 0 : i32
      %dma_start3A_148 = tpu.memref_slice %arg3[%squeeze3A_142, %dma_start3A_147] : memref<100000x64xf32, #tpu.memory_space<hbm>> -> memref<1x64xf32, #tpu.memory_space<hbm>>
      %dma_start3A_149 = arith.constant 0 : i32
      %dma_start3A_150 = tpu.memref_slice %arg8[%add3A_144, %dma_start3A_149] : memref<256x64xf32, #tpu.memory_space<vmem>> -> memref<1x64xf32, #tpu.memory_space<vmem>>
      %dma_start3A_151 = arith.constant 0 : i32
      %dma_start3A_152 = tpu.memref_slice %arg3[%squeeze3A_142, %dma_start3A_151] : memref<100000x64xf32, #tpu.memory_space<hbm>> -> memref<1x64xf32, #tpu.memory_space<hbm>>
      tpu.enqueue_dma source(%dma_start3A_152 : memref<1x64xf32, #tpu.memory_space<hbm>>) target(%dma_start3A_150 : memref<1x64xf32, #tpu.memory_space<vmem>>) target_semaphore(%arg10 : memref<!tpu.dma_semaphore, #tpu.memory_space<semaphore_mem>>)
      %slice3A_153 = vector.extract_strided_slice %get3A_59 {offsets = [7], sizes = [1], strides = [1]} : vector<16xi32> to vector<1xi32>
      %squeeze3A_154 = vector.extract %slice3A_153[0] : i32 from vector<1xi32>
      %add3A_155 = arith.constant 7 : i32
      %add3A_156 = arith.addi %mul3A_70, %add3A_155 : i32
      %dma_start3A_157 = arith.constant 0 : i32
      %dma_start3A_158 = tpu.memref_slice %arg8[%add3A_156, %dma_start3A_157] : memref<256x64xf32, #tpu.memory_space<vmem>> -> memref<1x64xf32, #tpu.memory_space<vmem>>
      %dma_start3A_159 = arith.constant 0 : i32
      %dma_start3A_160 = tpu.memref_slice %arg3[%squeeze3A_154, %dma_start3A_159] : memref<100000x64xf32, #tpu.memory_space<hbm>> -> memref<1x64xf32, #tpu.memory_space<hbm>>
      %dma_start3A_161 = arith.constant 0 : i32
      %dma_start3A_162 = tpu.memref_slice %arg8[%add3A_156, %dma_start3A_161] : memref<256x64xf32, #tpu.memory_space<vmem>> -> memref<1x64xf32, #tpu.memory_space<vmem>>
      %dma_start3A_163 = arith.constant 0 : i32
      %dma_start3A_164 = tpu.memref_slice %arg3[%squeeze3A_154, %dma_start3A_163] : memref<100000x64xf32, #tpu.memory_space<hbm>> -> memref<1x64xf32, #tpu.memory_space<hbm>>
      tpu.enqueue_dma source(%dma_start3A_164 : memref<1x64xf32, #tpu.memory_space<hbm>>) target(%dma_start3A_162 : memref<1x64xf32, #tpu.memory_space<vmem>>) target_semaphore(%arg10 : memref<!tpu.dma_semaphore, #tpu.memory_space<semaphore_mem>>)
      %slice3A_165 = vector.extract_strided_slice %get3A_59 {offsets = [8], sizes = [1], strides = [1]} : vector<16xi32> to vector<1xi32>
      %squeeze3A_166 = vector.extract %slice3A_165[0] : i32 from vector<1xi32>
      %add3A_167 = arith.constant 8 : i32
      %add3A_168 = arith.addi %mul3A_70, %add3A_167 : i32
      %dma_start3A_169 = arith.constant 0 : i32
      %dma_start3A_170 = tpu.memref_slice %arg8[%add3A_168, %dma_start3A_169] : memref<256x64xf32, #tpu.memory_space<vmem>> -> memref<1x64xf32, #tpu.memory_space<vmem>>
      %dma_start3A_171 = arith.constant 0 : i32
      %dma_start3A_172 = tpu.memref_slice %arg3[%squeeze3A_166, %dma_start3A_171] : memref<100000x64xf32, #tpu.memory_space<hbm>> -> memref<1x64xf32, #tpu.memory_space<hbm>>
      %dma_start3A_173 = arith.constant 0 : i32
      %dma_start3A_174 = tpu.memref_slice %arg8[%add3A_168, %dma_start3A_173] : memref<256x64xf32, #tpu.memory_space<vmem>> -> memref<1x64xf32, #tpu.memory_space<vmem>>
      %dma_start3A_175 = arith.constant 0 : i32
      %dma_start3A_176 = tpu.memref_slice %arg3[%squeeze3A_166, %dma_start3A_175] : memref<100000x64xf32, #tpu.memory_space<hbm>> -> memref<1x64xf32, #tpu.memory_space<hbm>>
      tpu.enqueue_dma source(%dma_start3A_176 : memref<1x64xf32, #tpu.memory_space<hbm>>) target(%dma_start3A_174 : memref<1x64xf32, #tpu.memory_space<vmem>>) target_semaphore(%arg10 : memref<!tpu.dma_semaphore, #tpu.memory_space<semaphore_mem>>)
      %slice3A_177 = vector.extract_strided_slice %get3A_59 {offsets = [9], sizes = [1], strides = [1]} : vector<16xi32> to vector<1xi32>
      %squeeze3A_178 = vector.extract %slice3A_177[0] : i32 from vector<1xi32>
      %add3A_179 = arith.constant 9 : i32
      %add3A_180 = arith.addi %mul3A_70, %add3A_179 : i32
      %dma_start3A_181 = arith.constant 0 : i32
      %dma_start3A_182 = tpu.memref_slice %arg8[%add3A_180, %dma_start3A_181] : memref<256x64xf32, #tpu.memory_space<vmem>> -> memref<1x64xf32, #tpu.memory_space<vmem>>
      %dma_start3A_183 = arith.constant 0 : i32
      %dma_start3A_184 = tpu.memref_slice %arg3[%squeeze3A_178, %dma_start3A_183] : memref<100000x64xf32, #tpu.memory_space<hbm>> -> memref<1x64xf32, #tpu.memory_space<hbm>>
      %dma_start3A_185 = arith.constant 0 : i32
      %dma_start3A_186 = tpu.memref_slice %arg8[%add3A_180, %dma_start3A_185] : memref<256x64xf32, #tpu.memory_space<vmem>> -> memref<1x64xf32, #tpu.memory_space<vmem>>
      %dma_start3A_187 = arith.constant 0 : i32
      %dma_start3A_188 = tpu.memref_slice %arg3[%squeeze3A_178, %dma_start3A_187] : memref<100000x64xf32, #tpu.memory_space<hbm>> -> memref<1x64xf32, #tpu.memory_space<hbm>>
      tpu.enqueue_dma source(%dma_start3A_188 : memref<1x64xf32, #tpu.memory_space<hbm>>) target(%dma_start3A_186 : memref<1x64xf32, #tpu.memory_space<vmem>>) target_semaphore(%arg10 : memref<!tpu.dma_semaphore, #tpu.memory_space<semaphore_mem>>)
      %slice3A_189 = vector.extract_strided_slice %get3A_59 {offsets = [10], sizes = [1], strides = [1]} : vector<16xi32> to vector<1xi32>
      %squeeze3A_190 = vector.extract %slice3A_189[0] : i32 from vector<1xi32>
      %add3A_191 = arith.constant 10 : i32
      %add3A_192 = arith.addi %mul3A_70, %add3A_191 : i32
      %dma_start3A_193 = arith.constant 0 : i32
      %dma_start3A_194 = tpu.memref_slice %arg8[%add3A_192, %dma_start3A_193] : memref<256x64xf32, #tpu.memory_space<vmem>> -> memref<1x64xf32, #tpu.memory_space<vmem>>
      %dma_start3A_195 = arith.constant 0 : i32
      %dma_start3A_196 = tpu.memref_slice %arg3[%squeeze3A_190, %dma_start3A_195] : memref<100000x64xf32, #tpu.memory_space<hbm>> -> memref<1x64xf32, #tpu.memory_space<hbm>>
      %dma_start3A_197 = arith.constant 0 : i32
      %dma_start3A_198 = tpu.memref_slice %arg8[%add3A_192, %dma_start3A_197] : memref<256x64xf32, #tpu.memory_space<vmem>> -> memref<1x64xf32, #tpu.memory_space<vmem>>
      %dma_start3A_199 = arith.constant 0 : i32
      %dma_start3A_200 = tpu.memref_slice %arg3[%squeeze3A_190, %dma_start3A_199] : memref<100000x64xf32, #tpu.memory_space<hbm>> -> memref<1x64xf32, #tpu.memory_space<hbm>>
      tpu.enqueue_dma source(%dma_start3A_200 : memref<1x64xf32, #tpu.memory_space<hbm>>) target(%dma_start3A_198 : memref<1x64xf32, #tpu.memory_space<vmem>>) target_semaphore(%arg10 : memref<!tpu.dma_semaphore, #tpu.memory_space<semaphore_mem>>)
      %slice3A_201 = vector.extract_strided_slice %get3A_59 {offsets = [11], sizes = [1], strides = [1]} : vector<16xi32> to vector<1xi32>
      %squeeze3A_202 = vector.extract %slice3A_201[0] : i32 from vector<1xi32>
      %add3A_203 = arith.constant 11 : i32
      %add3A_204 = arith.addi %mul3A_70, %add3A_203 : i32
      %dma_start3A_205 = arith.constant 0 : i32
      %dma_start3A_206 = tpu.memref_slice %arg8[%add3A_204, %dma_start3A_205] : memref<256x64xf32, #tpu.memory_space<vmem>> -> memref<1x64xf32, #tpu.memory_space<vmem>>
      %dma_start3A_207 = arith.constant 0 : i32
      %dma_start3A_208 = tpu.memref_slice %arg3[%squeeze3A_202, %dma_start3A_207] : memref<100000x64xf32, #tpu.memory_space<hbm>> -> memref<1x64xf32, #tpu.memory_space<hbm>>
      %dma_start3A_209 = arith.constant 0 : i32
      %dma_start3A_210 = tpu.memref_slice %arg8[%add3A_204, %dma_start3A_209] : memref<256x64xf32, #tpu.memory_space<vmem>> -> memref<1x64xf32, #tpu.memory_space<vmem>>
      %dma_start3A_211 = arith.constant 0 : i32
      %dma_start3A_212 = tpu.memref_slice %arg3[%squeeze3A_202, %dma_start3A_211] : memref<100000x64xf32, #tpu.memory_space<hbm>> -> memref<1x64xf32, #tpu.memory_space<hbm>>
      tpu.enqueue_dma source(%dma_start3A_212 : memref<1x64xf32, #tpu.memory_space<hbm>>) target(%dma_start3A_210 : memref<1x64xf32, #tpu.memory_space<vmem>>) target_semaphore(%arg10 : memref<!tpu.dma_semaphore, #tpu.memory_space<semaphore_mem>>)
      %slice3A_213 = vector.extract_strided_slice %get3A_59 {offsets = [12], sizes = [1], strides = [1]} : vector<16xi32> to vector<1xi32>
      %squeeze3A_214 = vector.extract %slice3A_213[0] : i32 from vector<1xi32>
      %add3A_215 = arith.constant 12 : i32
      %add3A_216 = arith.addi %mul3A_70, %add3A_215 : i32
      %dma_start3A_217 = arith.constant 0 : i32
      %dma_start3A_218 = tpu.memref_slice %arg8[%add3A_216, %dma_start3A_217] : memref<256x64xf32, #tpu.memory_space<vmem>> -> memref<1x64xf32, #tpu.memory_space<vmem>>
      %dma_start3A_219 = arith.constant 0 : i32
      %dma_start3A_220 = tpu.memref_slice %arg3[%squeeze3A_214, %dma_start3A_219] : memref<100000x64xf32, #tpu.memory_space<hbm>> -> memref<1x64xf32, #tpu.memory_space<hbm>>
      %dma_start3A_221 = arith.constant 0 : i32
      %dma_start3A_222 = tpu.memref_slice %arg8[%add3A_216, %dma_start3A_221] : memref<256x64xf32, #tpu.memory_space<vmem>> -> memref<1x64xf32, #tpu.memory_space<vmem>>
      %dma_start3A_223 = arith.constant 0 : i32
      %dma_start3A_224 = tpu.memref_slice %arg3[%squeeze3A_214, %dma_start3A_223] : memref<100000x64xf32, #tpu.memory_space<hbm>> -> memref<1x64xf32, #tpu.memory_space<hbm>>
      tpu.enqueue_dma source(%dma_start3A_224 : memref<1x64xf32, #tpu.memory_space<hbm>>) target(%dma_start3A_222 : memref<1x64xf32, #tpu.memory_space<vmem>>) target_semaphore(%arg10 : memref<!tpu.dma_semaphore, #tpu.memory_space<semaphore_mem>>)
      %slice3A_225 = vector.extract_strided_slice %get3A_59 {offsets = [13], sizes = [1], strides = [1]} : vector<16xi32> to vector<1xi32>
      %squeeze3A_226 = vector.extract %slice3A_225[0] : i32 from vector<1xi32>
      %add3A_227 = arith.constant 13 : i32
      %add3A_228 = arith.addi %mul3A_70, %add3A_227 : i32
      %dma_start3A_229 = arith.constant 0 : i32
      %dma_start3A_230 = tpu.memref_slice %arg8[%add3A_228, %dma_start3A_229] : memref<256x64xf32, #tpu.memory_space<vmem>> -> memref<1x64xf32, #tpu.memory_space<vmem>>
      %dma_start3A_231 = arith.constant 0 : i32
      %dma_start3A_232 = tpu.memref_slice %arg3[%squeeze3A_226, %dma_start3A_231] : memref<100000x64xf32, #tpu.memory_space<hbm>> -> memref<1x64xf32, #tpu.memory_space<hbm>>
      %dma_start3A_233 = arith.constant 0 : i32
      %dma_start3A_234 = tpu.memref_slice %arg8[%add3A_228, %dma_start3A_233] : memref<256x64xf32, #tpu.memory_space<vmem>> -> memref<1x64xf32, #tpu.memory_space<vmem>>
      %dma_start3A_235 = arith.constant 0 : i32
      %dma_start3A_236 = tpu.memref_slice %arg3[%squeeze3A_226, %dma_start3A_235] : memref<100000x64xf32, #tpu.memory_space<hbm>> -> memref<1x64xf32, #tpu.memory_space<hbm>>
      tpu.enqueue_dma source(%dma_start3A_236 : memref<1x64xf32, #tpu.memory_space<hbm>>) target(%dma_start3A_234 : memref<1x64xf32, #tpu.memory_space<vmem>>) target_semaphore(%arg10 : memref<!tpu.dma_semaphore, #tpu.memory_space<semaphore_mem>>)
      %slice3A_237 = vector.extract_strided_slice %get3A_59 {offsets = [14], sizes = [1], strides = [1]} : vector<16xi32> to vector<1xi32>
      %squeeze3A_238 = vector.extract %slice3A_237[0] : i32 from vector<1xi32>
      %add3A_239 = arith.constant 14 : i32
      %add3A_240 = arith.addi %mul3A_70, %add3A_239 : i32
      %dma_start3A_241 = arith.constant 0 : i32
      %dma_start3A_242 = tpu.memref_slice %arg8[%add3A_240, %dma_start3A_241] : memref<256x64xf32, #tpu.memory_space<vmem>> -> memref<1x64xf32, #tpu.memory_space<vmem>>
      %dma_start3A_243 = arith.constant 0 : i32
      %dma_start3A_244 = tpu.memref_slice %arg3[%squeeze3A_238, %dma_start3A_243] : memref<100000x64xf32, #tpu.memory_space<hbm>> -> memref<1x64xf32, #tpu.memory_space<hbm>>
      %dma_start3A_245 = arith.constant 0 : i32
      %dma_start3A_246 = tpu.memref_slice %arg8[%add3A_240, %dma_start3A_245] : memref<256x64xf32, #tpu.memory_space<vmem>> -> memref<1x64xf32, #tpu.memory_space<vmem>>
      %dma_start3A_247 = arith.constant 0 : i32
      %dma_start3A_248 = tpu.memref_slice %arg3[%squeeze3A_238, %dma_start3A_247] : memref<100000x64xf32, #tpu.memory_space<hbm>> -> memref<1x64xf32, #tpu.memory_space<hbm>>
      tpu.enqueue_dma source(%dma_start3A_248 : memref<1x64xf32, #tpu.memory_space<hbm>>) target(%dma_start3A_246 : memref<1x64xf32, #tpu.memory_space<vmem>>) target_semaphore(%arg10 : memref<!tpu.dma_semaphore, #tpu.memory_space<semaphore_mem>>)
      %slice3A_249 = vector.extract_strided_slice %get3A_59 {offsets = [15], sizes = [1], strides = [1]} : vector<16xi32> to vector<1xi32>
      %squeeze3A_250 = vector.extract %slice3A_249[0] : i32 from vector<1xi32>
      %add3A_251 = arith.constant 15 : i32
      %add3A_252 = arith.addi %mul3A_70, %add3A_251 : i32
      %dma_start3A_253 = arith.constant 0 : i32
      %dma_start3A_254 = tpu.memref_slice %arg8[%add3A_252, %dma_start3A_253] : memref<256x64xf32, #tpu.memory_space<vmem>> -> memref<1x64xf32, #tpu.memory_space<vmem>>
      %dma_start3A_255 = arith.constant 0 : i32
      %dma_start3A_256 = tpu.memref_slice %arg3[%squeeze3A_250, %dma_start3A_255] : memref<100000x64xf32, #tpu.memory_space<hbm>> -> memref<1x64xf32, #tpu.memory_space<hbm>>
      %dma_start3A_257 = arith.constant 0 : i32
      %dma_start3A_258 = tpu.memref_slice %arg8[%add3A_252, %dma_start3A_257] : memref<256x64xf32, #tpu.memory_space<vmem>> -> memref<1x64xf32, #tpu.memory_space<vmem>>
      %dma_start3A_259 = arith.constant 0 : i32
      %dma_start3A_260 = tpu.memref_slice %arg3[%squeeze3A_250, %dma_start3A_259] : memref<100000x64xf32, #tpu.memory_space<hbm>> -> memref<1x64xf32, #tpu.memory_space<hbm>>
      tpu.enqueue_dma source(%dma_start3A_260 : memref<1x64xf32, #tpu.memory_space<hbm>>) target(%dma_start3A_258 : memref<1x64xf32, #tpu.memory_space<vmem>>) target_semaphore(%arg10 : memref<!tpu.dma_semaphore, #tpu.memory_space<semaphore_mem>>)
    }
    %scan3A_30 = arith.constant 16 : i32
    %dma_wait3A = arith.constant 0 : i32
    %dma_wait3A_31 = arith.constant 0 : i32
    %dma_wait3A_32 = tpu.memref_slice %arg3[%dma_wait3A, %dma_wait3A_31] : memref<100000x64xf32, #tpu.memory_space<hbm>> -> memref<256x64xf32, #tpu.memory_space<hbm>>
    %dma_wait3A_33 = arith.constant 0 : i32
    %dma_wait3A_34 = arith.constant 0 : i32
    %dma_wait3A_35 = tpu.memref_slice %arg3[%dma_wait3A_33, %dma_wait3A_34] : memref<100000x64xf32, #tpu.memory_space<hbm>> -> memref<256x64xf32, #tpu.memory_space<hbm>>
    tpu.wait_dma2 semaphore(%arg10 : memref<!tpu.dma_semaphore, #tpu.memory_space<semaphore_mem>>) src(%dma_wait3A_35 : memref<256x64xf32, #tpu.memory_space<hbm>>) dst(%arg8 : memref<256x64xf32, #tpu.memory_space<vmem>>)
    %add3A_36 = arith.constant 0 : i32
    %add3A_37 = arith.addi %mul3A_2, %add3A_36 : i32
    "tpu.region"() ({
      %run_scoped3A = tpu.sem_alloc : memref<!tpu.dma_semaphore, #tpu.memory_space<semaphore_mem>>
      %dma_start3A_56 = arith.constant 0 : i32
      %dma_start3A_57 = tpu.memref_slice %arg5[%add3A_37, %dma_start3A_56] : memref<16384x64xf32, #tpu.memory_space<hbm>> -> memref<256x64xf32, #tpu.memory_space<hbm>>
      %dma_start3A_58 = arith.constant 0 : i32
      %dma_start3A_59 = tpu.memref_slice %arg5[%add3A_37, %dma_start3A_58] : memref<16384x64xf32, #tpu.memory_space<hbm>> -> memref<256x64xf32, #tpu.memory_space<hbm>>
      tpu.enqueue_dma source(%arg8 : memref<256x64xf32, #tpu.memory_space<vmem>>) target(%dma_start3A_59 : memref<256x64xf32, #tpu.memory_space<hbm>>) target_semaphore(%run_scoped3A : memref<!tpu.dma_semaphore, #tpu.memory_space<semaphore_mem>>)
      %dma_wait3A_60 = arith.constant 0 : i32
      %dma_wait3A_61 = tpu.memref_slice %arg5[%add3A_37, %dma_wait3A_60] : memref<16384x64xf32, #tpu.memory_space<hbm>> -> memref<256x64xf32, #tpu.memory_space<hbm>>
      %dma_wait3A_62 = arith.constant 0 : i32
      %dma_wait3A_63 = tpu.memref_slice %arg5[%add3A_37, %dma_wait3A_62] : memref<16384x64xf32, #tpu.memory_space<hbm>> -> memref<256x64xf32, #tpu.memory_space<hbm>>
      tpu.wait_dma2 semaphore(%run_scoped3A : memref<!tpu.dma_semaphore, #tpu.memory_space<semaphore_mem>>) src(%arg8 : memref<256x64xf32, #tpu.memory_space<vmem>>) dst(%dma_wait3A_63 : memref<256x64xf32, #tpu.memory_space<hbm>>)
      tpu.yield
    }) : () -> ()
    %scan3A_38 = arith.constant 0 : i32
    %scan3A_39 = arith.constant 16 : i32
    %scan3A_40 = arith.constant 16 : i32
    %scan3A_41 = arith.addi %scan3A_39, %scan3A_40 : i32
    %scan3A_42 = arith.constant 1 : i32
    scf.for %scan3A_56 = %scan3A_39 to %scan3A_41 step %scan3A_42  : i32 {
      %mul3A_57 = arith.constant 16 : i32
      %mul3A_58 = arith.muli %scan3A_56, %mul3A_57 : i32
      %get3A = arith.index_cast %mul3A_58 : i32 to index
      %get3A_59 = tpu.vector_load %arg7[%get3A] {strides = array<i32>} : memref<512xi32, #tpu.memory_space<vmem>>, vector<16xi32>,
      %jit3A = arith.constant 16 : i32
      %eq3A = arith.constant 0 : i32
      %eq3A_60 = arith.cmpi eq, %jit3A, %eq3A : i32
      %jit3A_61 = arith.constant 1 : i32
      %select_n3A = arith.select %eq3A_60, %jit3A_61, %jit3A : i32
      %rem3A = arith.remsi %scan3A_56, %select_n3A : i32
      %ne3A = arith.constant 0 : i32
      %ne3A_62 = arith.cmpi ne, %rem3A, %ne3A : i32
      %lt3A = arith.constant 0 : i32
      %lt3A_63 = arith.cmpi slt, %rem3A, %lt3A : i32
      %lt3A_64 = arith.constant 0 : i32
      %lt3A_65 = arith.cmpi slt, %select_n3A, %lt3A_64 : i32
      %ne3A_66 = arith.xori %lt3A_63, %lt3A_65 : i1
      %and3A = arith.andi %ne3A_66, %ne3A_62 : i1
      %add3A_67 = arith.addi %rem3A, %select_n3A : i32
      %select_n3A_68 = arith.select %and3A, %add3A_67, %rem3A : i32
      %mul3A_69 = arith.constant 16 : i32
      %mul3A_70 = arith.muli %select_n3A_68, %mul3A_69 : i32
      %slice3A = vector.extract_strided_slice %get3A_59 {offsets = [0], sizes = [1], strides = [1]} : vector<16xi32> to vector<1xi32>
      %squeeze3A = vector.extract %slice3A[0] : i32 from vector<1xi32>
      %add3A_71 = arith.constant 0 : i32
      %add3A_72 = arith.addi %mul3A_70, %add3A_71 : i32
      %dma_start3A_73 = arith.constant 0 : i32
      %dma_start3A_74 = tpu.memref_slice %arg8[%add3A_72, %dma_start3A_73] : memref<256x64xf32, #tpu.memory_space<vmem>> -> memref<1x64xf32, #tpu.memory_space<vmem>>
      %dma_start3A_75 = arith.constant 0 : i32
      %dma_start3A_76 = tpu.memref_slice %arg3[%squeeze3A, %dma_start3A_75] : memref<100000x64xf32, #tpu.memory_space<hbm>> -> memref<1x64xf32, #tpu.memory_space<hbm>>
      %dma_start3A_77 = arith.constant 0 : i32
      %dma_start3A_78 = tpu.memref_slice %arg8[%add3A_72, %dma_start3A_77] : memref<256x64xf32, #tpu.memory_space<vmem>> -> memref<1x64xf32, #tpu.memory_space<vmem>>
      %dma_start3A_79 = arith.constant 0 : i32
      %dma_start3A_80 = tpu.memref_slice %arg3[%squeeze3A, %dma_start3A_79] : memref<100000x64xf32, #tpu.memory_space<hbm>> -> memref<1x64xf32, #tpu.memory_space<hbm>>
      tpu.enqueue_dma source(%dma_start3A_80 : memref<1x64xf32, #tpu.memory_space<hbm>>) target(%dma_start3A_78 : memref<1x64xf32, #tpu.memory_space<vmem>>) target_semaphore(%arg10 : memref<!tpu.dma_semaphore, #tpu.memory_space<semaphore_mem>>)
      %slice3A_81 = vector.extract_strided_slice %get3A_59 {offsets = [1], sizes = [1], strides = [1]} : vector<16xi32> to vector<1xi32>
      %squeeze3A_82 = vector.extract %slice3A_81[0] : i32 from vector<1xi32>
      %add3A_83 = arith.constant 1 : i32
      %add3A_84 = arith.addi %mul3A_70, %add3A_83 : i32
      %dma_start3A_85 = arith.constant 0 : i32
      %dma_start3A_86 = tpu.memref_slice %arg8[%add3A_84, %dma_start3A_85] : memref<256x64xf32, #tpu.memory_space<vmem>> -> memref<1x64xf32, #tpu.memory_space<vmem>>
      %dma_start3A_87 = arith.constant 0 : i32
      %dma_start3A_88 = tpu.memref_slice %arg3[%squeeze3A_82, %dma_start3A_87] : memref<100000x64xf32, #tpu.memory_space<hbm>> -> memref<1x64xf32, #tpu.memory_space<hbm>>
      %dma_start3A_89 = arith.constant 0 : i32
      %dma_start3A_90 = tpu.memref_slice %arg8[%add3A_84, %dma_start3A_89] : memref<256x64xf32, #tpu.memory_space<vmem>> -> memref<1x64xf32, #tpu.memory_space<vmem>>
      %dma_start3A_91 = arith.constant 0 : i32
      %dma_start3A_92 = tpu.memref_slice %arg3[%squeeze3A_82, %dma_start3A_91] : memref<100000x64xf32, #tpu.memory_space<hbm>> -> memref<1x64xf32, #tpu.memory_space<hbm>>
      tpu.enqueue_dma source(%dma_start3A_92 : memref<1x64xf32, #tpu.memory_space<hbm>>) target(%dma_start3A_90 : memref<1x64xf32, #tpu.memory_space<vmem>>) target_semaphore(%arg10 : memref<!tpu.dma_semaphore, #tpu.memory_space<semaphore_mem>>)
      %slice3A_93 = vector.extract_strided_slice %get3A_59 {offsets = [2], sizes = [1], strides = [1]} : vector<16xi32> to vector<1xi32>
      %squeeze3A_94 = vector.extract %slice3A_93[0] : i32 from vector<1xi32>
      %add3A_95 = arith.constant 2 : i32
      %add3A_96 = arith.addi %mul3A_70, %add3A_95 : i32
      %dma_start3A_97 = arith.constant 0 : i32
      %dma_start3A_98 = tpu.memref_slice %arg8[%add3A_96, %dma_start3A_97] : memref<256x64xf32, #tpu.memory_space<vmem>> -> memref<1x64xf32, #tpu.memory_space<vmem>>
      %dma_start3A_99 = arith.constant 0 : i32
      %dma_start3A_100 = tpu.memref_slice %arg3[%squeeze3A_94, %dma_start3A_99] : memref<100000x64xf32, #tpu.memory_space<hbm>> -> memref<1x64xf32, #tpu.memory_space<hbm>>
      %dma_start3A_101 = arith.constant 0 : i32
      %dma_start3A_102 = tpu.memref_slice %arg8[%add3A_96, %dma_start3A_101] : memref<256x64xf32, #tpu.memory_space<vmem>> -> memref<1x64xf32, #tpu.memory_space<vmem>>
      %dma_start3A_103 = arith.constant 0 : i32
      %dma_start3A_104 = tpu.memref_slice %arg3[%squeeze3A_94, %dma_start3A_103] : memref<100000x64xf32, #tpu.memory_space<hbm>> -> memref<1x64xf32, #tpu.memory_space<hbm>>
      tpu.enqueue_dma source(%dma_start3A_104 : memref<1x64xf32, #tpu.memory_space<hbm>>) target(%dma_start3A_102 : memref<1x64xf32, #tpu.memory_space<vmem>>) target_semaphore(%arg10 : memref<!tpu.dma_semaphore, #tpu.memory_space<semaphore_mem>>)
      %slice3A_105 = vector.extract_strided_slice %get3A_59 {offsets = [3], sizes = [1], strides = [1]} : vector<16xi32> to vector<1xi32>
      %squeeze3A_106 = vector.extract %slice3A_105[0] : i32 from vector<1xi32>
      %add3A_107 = arith.constant 3 : i32
      %add3A_108 = arith.addi %mul3A_70, %add3A_107 : i32
      %dma_start3A_109 = arith.constant 0 : i32
      %dma_start3A_110 = tpu.memref_slice %arg8[%add3A_108, %dma_start3A_109] : memref<256x64xf32, #tpu.memory_space<vmem>> -> memref<1x64xf32, #tpu.memory_space<vmem>>
      %dma_start3A_111 = arith.constant 0 : i32
      %dma_start3A_112 = tpu.memref_slice %arg3[%squeeze3A_106, %dma_start3A_111] : memref<100000x64xf32, #tpu.memory_space<hbm>> -> memref<1x64xf32, #tpu.memory_space<hbm>>
      %dma_start3A_113 = arith.constant 0 : i32
      %dma_start3A_114 = tpu.memref_slice %arg8[%add3A_108, %dma_start3A_113] : memref<256x64xf32, #tpu.memory_space<vmem>> -> memref<1x64xf32, #tpu.memory_space<vmem>>
      %dma_start3A_115 = arith.constant 0 : i32
      %dma_start3A_116 = tpu.memref_slice %arg3[%squeeze3A_106, %dma_start3A_115] : memref<100000x64xf32, #tpu.memory_space<hbm>> -> memref<1x64xf32, #tpu.memory_space<hbm>>
      tpu.enqueue_dma source(%dma_start3A_116 : memref<1x64xf32, #tpu.memory_space<hbm>>) target(%dma_start3A_114 : memref<1x64xf32, #tpu.memory_space<vmem>>) target_semaphore(%arg10 : memref<!tpu.dma_semaphore, #tpu.memory_space<semaphore_mem>>)
      %slice3A_117 = vector.extract_strided_slice %get3A_59 {offsets = [4], sizes = [1], strides = [1]} : vector<16xi32> to vector<1xi32>
      %squeeze3A_118 = vector.extract %slice3A_117[0] : i32 from vector<1xi32>
      %add3A_119 = arith.constant 4 : i32
      %add3A_120 = arith.addi %mul3A_70, %add3A_119 : i32
      %dma_start3A_121 = arith.constant 0 : i32
      %dma_start3A_122 = tpu.memref_slice %arg8[%add3A_120, %dma_start3A_121] : memref<256x64xf32, #tpu.memory_space<vmem>> -> memref<1x64xf32, #tpu.memory_space<vmem>>
      %dma_start3A_123 = arith.constant 0 : i32
      %dma_start3A_124 = tpu.memref_slice %arg3[%squeeze3A_118, %dma_start3A_123] : memref<100000x64xf32, #tpu.memory_space<hbm>> -> memref<1x64xf32, #tpu.memory_space<hbm>>
      %dma_start3A_125 = arith.constant 0 : i32
      %dma_start3A_126 = tpu.memref_slice %arg8[%add3A_120, %dma_start3A_125] : memref<256x64xf32, #tpu.memory_space<vmem>> -> memref<1x64xf32, #tpu.memory_space<vmem>>
      %dma_start3A_127 = arith.constant 0 : i32
      %dma_start3A_128 = tpu.memref_slice %arg3[%squeeze3A_118, %dma_start3A_127] : memref<100000x64xf32, #tpu.memory_space<hbm>> -> memref<1x64xf32, #tpu.memory_space<hbm>>
      tpu.enqueue_dma source(%dma_start3A_128 : memref<1x64xf32, #tpu.memory_space<hbm>>) target(%dma_start3A_126 : memref<1x64xf32, #tpu.memory_space<vmem>>) target_semaphore(%arg10 : memref<!tpu.dma_semaphore, #tpu.memory_space<semaphore_mem>>)
      %slice3A_129 = vector.extract_strided_slice %get3A_59 {offsets = [5], sizes = [1], strides = [1]} : vector<16xi32> to vector<1xi32>
      %squeeze3A_130 = vector.extract %slice3A_129[0] : i32 from vector<1xi32>
      %add3A_131 = arith.constant 5 : i32
      %add3A_132 = arith.addi %mul3A_70, %add3A_131 : i32
      %dma_start3A_133 = arith.constant 0 : i32
      %dma_start3A_134 = tpu.memref_slice %arg8[%add3A_132, %dma_start3A_133] : memref<256x64xf32, #tpu.memory_space<vmem>> -> memref<1x64xf32, #tpu.memory_space<vmem>>
      %dma_start3A_135 = arith.constant 0 : i32
      %dma_start3A_136 = tpu.memref_slice %arg3[%squeeze3A_130, %dma_start3A_135] : memref<100000x64xf32, #tpu.memory_space<hbm>> -> memref<1x64xf32, #tpu.memory_space<hbm>>
      %dma_start3A_137 = arith.constant 0 : i32
      %dma_start3A_138 = tpu.memref_slice %arg8[%add3A_132, %dma_start3A_137] : memref<256x64xf32, #tpu.memory_space<vmem>> -> memref<1x64xf32, #tpu.memory_space<vmem>>
      %dma_start3A_139 = arith.constant 0 : i32
      %dma_start3A_140 = tpu.memref_slice %arg3[%squeeze3A_130, %dma_start3A_139] : memref<100000x64xf32, #tpu.memory_space<hbm>> -> memref<1x64xf32, #tpu.memory_space<hbm>>
      tpu.enqueue_dma source(%dma_start3A_140 : memref<1x64xf32, #tpu.memory_space<hbm>>) target(%dma_start3A_138 : memref<1x64xf32, #tpu.memory_space<vmem>>) target_semaphore(%arg10 : memref<!tpu.dma_semaphore, #tpu.memory_space<semaphore_mem>>)
      %slice3A_141 = vector.extract_strided_slice %get3A_59 {offsets = [6], sizes = [1], strides = [1]} : vector<16xi32> to vector<1xi32>
      %squeeze3A_142 = vector.extract %slice3A_141[0] : i32 from vector<1xi32>
      %add3A_143 = arith.constant 6 : i32
      %add3A_144 = arith.addi %mul3A_70, %add3A_143 : i32
      %dma_start3A_145 = arith.constant 0 : i32
      %dma_start3A_146 = tpu.memref_slice %arg8[%add3A_144, %dma_start3A_145] : memref<256x64xf32, #tpu.memory_space<vmem>> -> memref<1x64xf32, #tpu.memory_space<vmem>>
      %dma_start3A_147 = arith.constant 0 : i32
      %dma_start3A_148 = tpu.memref_slice %arg3[%squeeze3A_142, %dma_start3A_147] : memref<100000x64xf32, #tpu.memory_space<hbm>> -> memref<1x64xf32, #tpu.memory_space<hbm>>
      %dma_start3A_149 = arith.constant 0 : i32
      %dma_start3A_150 = tpu.memref_slice %arg8[%add3A_144, %dma_start3A_149] : memref<256x64xf32, #tpu.memory_space<vmem>> -> memref<1x64xf32, #tpu.memory_space<vmem>>
      %dma_start3A_151 = arith.constant 0 : i32
      %dma_start3A_152 = tpu.memref_slice %arg3[%squeeze3A_142, %dma_start3A_151] : memref<100000x64xf32, #tpu.memory_space<hbm>> -> memref<1x64xf32, #tpu.memory_space<hbm>>
      tpu.enqueue_dma source(%dma_start3A_152 : memref<1x64xf32, #tpu.memory_space<hbm>>) target(%dma_start3A_150 : memref<1x64xf32, #tpu.memory_space<vmem>>) target_semaphore(%arg10 : memref<!tpu.dma_semaphore, #tpu.memory_space<semaphore_mem>>)
      %slice3A_153 = vector.extract_strided_slice %get3A_59 {offsets = [7], sizes = [1], strides = [1]} : vector<16xi32> to vector<1xi32>
      %squeeze3A_154 = vector.extract %slice3A_153[0] : i32 from vector<1xi32>
      %add3A_155 = arith.constant 7 : i32
      %add3A_156 = arith.addi %mul3A_70, %add3A_155 : i32
      %dma_start3A_157 = arith.constant 0 : i32
      %dma_start3A_158 = tpu.memref_slice %arg8[%add3A_156, %dma_start3A_157] : memref<256x64xf32, #tpu.memory_space<vmem>> -> memref<1x64xf32, #tpu.memory_space<vmem>>
      %dma_start3A_159 = arith.constant 0 : i32
      %dma_start3A_160 = tpu.memref_slice %arg3[%squeeze3A_154, %dma_start3A_159] : memref<100000x64xf32, #tpu.memory_space<hbm>> -> memref<1x64xf32, #tpu.memory_space<hbm>>
      %dma_start3A_161 = arith.constant 0 : i32
      %dma_start3A_162 = tpu.memref_slice %arg8[%add3A_156, %dma_start3A_161] : memref<256x64xf32, #tpu.memory_space<vmem>> -> memref<1x64xf32, #tpu.memory_space<vmem>>
      %dma_start3A_163 = arith.constant 0 : i32
      %dma_start3A_164 = tpu.memref_slice %arg3[%squeeze3A_154, %dma_start3A_163] : memref<100000x64xf32, #tpu.memory_space<hbm>> -> memref<1x64xf32, #tpu.memory_space<hbm>>
      tpu.enqueue_dma source(%dma_start3A_164 : memref<1x64xf32, #tpu.memory_space<hbm>>) target(%dma_start3A_162 : memref<1x64xf32, #tpu.memory_space<vmem>>) target_semaphore(%arg10 : memref<!tpu.dma_semaphore, #tpu.memory_space<semaphore_mem>>)
      %slice3A_165 = vector.extract_strided_slice %get3A_59 {offsets = [8], sizes = [1], strides = [1]} : vector<16xi32> to vector<1xi32>
      %squeeze3A_166 = vector.extract %slice3A_165[0] : i32 from vector<1xi32>
      %add3A_167 = arith.constant 8 : i32
      %add3A_168 = arith.addi %mul3A_70, %add3A_167 : i32
      %dma_start3A_169 = arith.constant 0 : i32
      %dma_start3A_170 = tpu.memref_slice %arg8[%add3A_168, %dma_start3A_169] : memref<256x64xf32, #tpu.memory_space<vmem>> -> memref<1x64xf32, #tpu.memory_space<vmem>>
      %dma_start3A_171 = arith.constant 0 : i32
      %dma_start3A_172 = tpu.memref_slice %arg3[%squeeze3A_166, %dma_start3A_171] : memref<100000x64xf32, #tpu.memory_space<hbm>> -> memref<1x64xf32, #tpu.memory_space<hbm>>
      %dma_start3A_173 = arith.constant 0 : i32
      %dma_start3A_174 = tpu.memref_slice %arg8[%add3A_168, %dma_start3A_173] : memref<256x64xf32, #tpu.memory_space<vmem>> -> memref<1x64xf32, #tpu.memory_space<vmem>>
      %dma_start3A_175 = arith.constant 0 : i32
      %dma_start3A_176 = tpu.memref_slice %arg3[%squeeze3A_166, %dma_start3A_175] : memref<100000x64xf32, #tpu.memory_space<hbm>> -> memref<1x64xf32, #tpu.memory_space<hbm>>
      tpu.enqueue_dma source(%dma_start3A_176 : memref<1x64xf32, #tpu.memory_space<hbm>>) target(%dma_start3A_174 : memref<1x64xf32, #tpu.memory_space<vmem>>) target_semaphore(%arg10 : memref<!tpu.dma_semaphore, #tpu.memory_space<semaphore_mem>>)
      %slice3A_177 = vector.extract_strided_slice %get3A_59 {offsets = [9], sizes = [1], strides = [1]} : vector<16xi32> to vector<1xi32>
      %squeeze3A_178 = vector.extract %slice3A_177[0] : i32 from vector<1xi32>
      %add3A_179 = arith.constant 9 : i32
      %add3A_180 = arith.addi %mul3A_70, %add3A_179 : i32
      %dma_start3A_181 = arith.constant 0 : i32
      %dma_start3A_182 = tpu.memref_slice %arg8[%add3A_180, %dma_start3A_181] : memref<256x64xf32, #tpu.memory_space<vmem>> -> memref<1x64xf32, #tpu.memory_space<vmem>>
      %dma_start3A_183 = arith.constant 0 : i32
      %dma_start3A_184 = tpu.memref_slice %arg3[%squeeze3A_178, %dma_start3A_183] : memref<100000x64xf32, #tpu.memory_space<hbm>> -> memref<1x64xf32, #tpu.memory_space<hbm>>
      %dma_start3A_185 = arith.constant 0 : i32
      %dma_start3A_186 = tpu.memref_slice %arg8[%add3A_180, %dma_start3A_185] : memref<256x64xf32, #tpu.memory_space<vmem>> -> memref<1x64xf32, #tpu.memory_space<vmem>>
      %dma_start3A_187 = arith.constant 0 : i32
      %dma_start3A_188 = tpu.memref_slice %arg3[%squeeze3A_178, %dma_start3A_187] : memref<100000x64xf32, #tpu.memory_space<hbm>> -> memref<1x64xf32, #tpu.memory_space<hbm>>
      tpu.enqueue_dma source(%dma_start3A_188 : memref<1x64xf32, #tpu.memory_space<hbm>>) target(%dma_start3A_186 : memref<1x64xf32, #tpu.memory_space<vmem>>) target_semaphore(%arg10 : memref<!tpu.dma_semaphore, #tpu.memory_space<semaphore_mem>>)
      %slice3A_189 = vector.extract_strided_slice %get3A_59 {offsets = [10], sizes = [1], strides = [1]} : vector<16xi32> to vector<1xi32>
      %squeeze3A_190 = vector.extract %slice3A_189[0] : i32 from vector<1xi32>
      %add3A_191 = arith.constant 10 : i32
      %add3A_192 = arith.addi %mul3A_70, %add3A_191 : i32
      %dma_start3A_193 = arith.constant 0 : i32
      %dma_start3A_194 = tpu.memref_slice %arg8[%add3A_192, %dma_start3A_193] : memref<256x64xf32, #tpu.memory_space<vmem>> -> memref<1x64xf32, #tpu.memory_space<vmem>>
      %dma_start3A_195 = arith.constant 0 : i32
      %dma_start3A_196 = tpu.memref_slice %arg3[%squeeze3A_190, %dma_start3A_195] : memref<100000x64xf32, #tpu.memory_space<hbm>> -> memref<1x64xf32, #tpu.memory_space<hbm>>
      %dma_start3A_197 = arith.constant 0 : i32
      %dma_start3A_198 = tpu.memref_slice %arg8[%add3A_192, %dma_start3A_197] : memref<256x64xf32, #tpu.memory_space<vmem>> -> memref<1x64xf32, #tpu.memory_space<vmem>>
      %dma_start3A_199 = arith.constant 0 : i32
      %dma_start3A_200 = tpu.memref_slice %arg3[%squeeze3A_190, %dma_start3A_199] : memref<100000x64xf32, #tpu.memory_space<hbm>> -> memref<1x64xf32, #tpu.memory_space<hbm>>
      tpu.enqueue_dma source(%dma_start3A_200 : memref<1x64xf32, #tpu.memory_space<hbm>>) target(%dma_start3A_198 : memref<1x64xf32, #tpu.memory_space<vmem>>) target_semaphore(%arg10 : memref<!tpu.dma_semaphore, #tpu.memory_space<semaphore_mem>>)
      %slice3A_201 = vector.extract_strided_slice %get3A_59 {offsets = [11], sizes = [1], strides = [1]} : vector<16xi32> to vector<1xi32>
      %squeeze3A_202 = vector.extract %slice3A_201[0] : i32 from vector<1xi32>
      %add3A_203 = arith.constant 11 : i32
      %add3A_204 = arith.addi %mul3A_70, %add3A_203 : i32
      %dma_start3A_205 = arith.constant 0 : i32
      %dma_start3A_206 = tpu.memref_slice %arg8[%add3A_204, %dma_start3A_205] : memref<256x64xf32, #tpu.memory_space<vmem>> -> memref<1x64xf32, #tpu.memory_space<vmem>>
      %dma_start3A_207 = arith.constant 0 : i32
      %dma_start3A_208 = tpu.memref_slice %arg3[%squeeze3A_202, %dma_start3A_207] : memref<100000x64xf32, #tpu.memory_space<hbm>> -> memref<1x64xf32, #tpu.memory_space<hbm>>
      %dma_start3A_209 = arith.constant 0 : i32
      %dma_start3A_210 = tpu.memref_slice %arg8[%add3A_204, %dma_start3A_209] : memref<256x64xf32, #tpu.memory_space<vmem>> -> memref<1x64xf32, #tpu.memory_space<vmem>>
      %dma_start3A_211 = arith.constant 0 : i32
      %dma_start3A_212 = tpu.memref_slice %arg3[%squeeze3A_202, %dma_start3A_211] : memref<100000x64xf32, #tpu.memory_space<hbm>> -> memref<1x64xf32, #tpu.memory_space<hbm>>
      tpu.enqueue_dma source(%dma_start3A_212 : memref<1x64xf32, #tpu.memory_space<hbm>>) target(%dma_start3A_210 : memref<1x64xf32, #tpu.memory_space<vmem>>) target_semaphore(%arg10 : memref<!tpu.dma_semaphore, #tpu.memory_space<semaphore_mem>>)
      %slice3A_213 = vector.extract_strided_slice %get3A_59 {offsets = [12], sizes = [1], strides = [1]} : vector<16xi32> to vector<1xi32>
      %squeeze3A_214 = vector.extract %slice3A_213[0] : i32 from vector<1xi32>
      %add3A_215 = arith.constant 12 : i32
      %add3A_216 = arith.addi %mul3A_70, %add3A_215 : i32
      %dma_start3A_217 = arith.constant 0 : i32
      %dma_start3A_218 = tpu.memref_slice %arg8[%add3A_216, %dma_start3A_217] : memref<256x64xf32, #tpu.memory_space<vmem>> -> memref<1x64xf32, #tpu.memory_space<vmem>>
      %dma_start3A_219 = arith.constant 0 : i32
      %dma_start3A_220 = tpu.memref_slice %arg3[%squeeze3A_214, %dma_start3A_219] : memref<100000x64xf32, #tpu.memory_space<hbm>> -> memref<1x64xf32, #tpu.memory_space<hbm>>
      %dma_start3A_221 = arith.constant 0 : i32
      %dma_start3A_222 = tpu.memref_slice %arg8[%add3A_216, %dma_start3A_221] : memref<256x64xf32, #tpu.memory_space<vmem>> -> memref<1x64xf32, #tpu.memory_space<vmem>>
      %dma_start3A_223 = arith.constant 0 : i32
      %dma_start3A_224 = tpu.memref_slice %arg3[%squeeze3A_214, %dma_start3A_223] : memref<100000x64xf32, #tpu.memory_space<hbm>> -> memref<1x64xf32, #tpu.memory_space<hbm>>
      tpu.enqueue_dma source(%dma_start3A_224 : memref<1x64xf32, #tpu.memory_space<hbm>>) target(%dma_start3A_222 : memref<1x64xf32, #tpu.memory_space<vmem>>) target_semaphore(%arg10 : memref<!tpu.dma_semaphore, #tpu.memory_space<semaphore_mem>>)
      %slice3A_225 = vector.extract_strided_slice %get3A_59 {offsets = [13], sizes = [1], strides = [1]} : vector<16xi32> to vector<1xi32>
      %squeeze3A_226 = vector.extract %slice3A_225[0] : i32 from vector<1xi32>
      %add3A_227 = arith.constant 13 : i32
      %add3A_228 = arith.addi %mul3A_70, %add3A_227 : i32
      %dma_start3A_229 = arith.constant 0 : i32
      %dma_start3A_230 = tpu.memref_slice %arg8[%add3A_228, %dma_start3A_229] : memref<256x64xf32, #tpu.memory_space<vmem>> -> memref<1x64xf32, #tpu.memory_space<vmem>>
      %dma_start3A_231 = arith.constant 0 : i32
      %dma_start3A_232 = tpu.memref_slice %arg3[%squeeze3A_226, %dma_start3A_231] : memref<100000x64xf32, #tpu.memory_space<hbm>> -> memref<1x64xf32, #tpu.memory_space<hbm>>
      %dma_start3A_233 = arith.constant 0 : i32
      %dma_start3A_234 = tpu.memref_slice %arg8[%add3A_228, %dma_start3A_233] : memref<256x64xf32, #tpu.memory_space<vmem>> -> memref<1x64xf32, #tpu.memory_space<vmem>>
      %dma_start3A_235 = arith.constant 0 : i32
      %dma_start3A_236 = tpu.memref_slice %arg3[%squeeze3A_226, %dma_start3A_235] : memref<100000x64xf32, #tpu.memory_space<hbm>> -> memref<1x64xf32, #tpu.memory_space<hbm>>
      tpu.enqueue_dma source(%dma_start3A_236 : memref<1x64xf32, #tpu.memory_space<hbm>>) target(%dma_start3A_234 : memref<1x64xf32, #tpu.memory_space<vmem>>) target_semaphore(%arg10 : memref<!tpu.dma_semaphore, #tpu.memory_space<semaphore_mem>>)
      %slice3A_237 = vector.extract_strided_slice %get3A_59 {offsets = [14], sizes = [1], strides = [1]} : vector<16xi32> to vector<1xi32>
      %squeeze3A_238 = vector.extract %slice3A_237[0] : i32 from vector<1xi32>
      %add3A_239 = arith.constant 14 : i32
      %add3A_240 = arith.addi %mul3A_70, %add3A_239 : i32
      %dma_start3A_241 = arith.constant 0 : i32
      %dma_start3A_242 = tpu.memref_slice %arg8[%add3A_240, %dma_start3A_241] : memref<256x64xf32, #tpu.memory_space<vmem>> -> memref<1x64xf32, #tpu.memory_space<vmem>>
      %dma_start3A_243 = arith.constant 0 : i32
      %dma_start3A_244 = tpu.memref_slice %arg3[%squeeze3A_238, %dma_start3A_243] : memref<100000x64xf32, #tpu.memory_space<hbm>> -> memref<1x64xf32, #tpu.memory_space<hbm>>
      %dma_start3A_245 = arith.constant 0 : i32
      %dma_start3A_246 = tpu.memref_slice %arg8[%add3A_240, %dma_start3A_245] : memref<256x64xf32, #tpu.memory_space<vmem>> -> memref<1x64xf32, #tpu.memory_space<vmem>>
      %dma_start3A_247 = arith.constant 0 : i32
      %dma_start3A_248 = tpu.memref_slice %arg3[%squeeze3A_238, %dma_start3A_247] : memref<100000x64xf32, #tpu.memory_space<hbm>> -> memref<1x64xf32, #tpu.memory_space<hbm>>
      tpu.enqueue_dma source(%dma_start3A_248 : memref<1x64xf32, #tpu.memory_space<hbm>>) target(%dma_start3A_246 : memref<1x64xf32, #tpu.memory_space<vmem>>) target_semaphore(%arg10 : memref<!tpu.dma_semaphore, #tpu.memory_space<semaphore_mem>>)
      %slice3A_249 = vector.extract_strided_slice %get3A_59 {offsets = [15], sizes = [1], strides = [1]} : vector<16xi32> to vector<1xi32>
      %squeeze3A_250 = vector.extract %slice3A_249[0] : i32 from vector<1xi32>
      %add3A_251 = arith.constant 15 : i32
      %add3A_252 = arith.addi %mul3A_70, %add3A_251 : i32
      %dma_start3A_253 = arith.constant 0 : i32
      %dma_start3A_254 = tpu.memref_slice %arg8[%add3A_252, %dma_start3A_253] : memref<256x64xf32, #tpu.memory_space<vmem>> -> memref<1x64xf32, #tpu.memory_space<vmem>>
      %dma_start3A_255 = arith.constant 0 : i32
      %dma_start3A_256 = tpu.memref_slice %arg3[%squeeze3A_250, %dma_start3A_255] : memref<100000x64xf32, #tpu.memory_space<hbm>> -> memref<1x64xf32, #tpu.memory_space<hbm>>
      %dma_start3A_257 = arith.constant 0 : i32
      %dma_start3A_258 = tpu.memref_slice %arg8[%add3A_252, %dma_start3A_257] : memref<256x64xf32, #tpu.memory_space<vmem>> -> memref<1x64xf32, #tpu.memory_space<vmem>>
      %dma_start3A_259 = arith.constant 0 : i32
      %dma_start3A_260 = tpu.memref_slice %arg3[%squeeze3A_250, %dma_start3A_259] : memref<100000x64xf32, #tpu.memory_space<hbm>> -> memref<1x64xf32, #tpu.memory_space<hbm>>
      tpu.enqueue_dma source(%dma_start3A_260 : memref<1x64xf32, #tpu.memory_space<hbm>>) target(%dma_start3A_258 : memref<1x64xf32, #tpu.memory_space<vmem>>) target_semaphore(%arg10 : memref<!tpu.dma_semaphore, #tpu.memory_space<semaphore_mem>>)
    }
    %scan3A_43 = arith.constant 16 : i32
    %dma_wait3A_44 = arith.constant 0 : i32
    %dma_wait3A_45 = arith.constant 0 : i32
    %dma_wait3A_46 = tpu.memref_slice %arg3[%dma_wait3A_44, %dma_wait3A_45] : memref<100000x64xf32, #tpu.memory_space<hbm>> -> memref<256x64xf32, #tpu.memory_space<hbm>>
    %dma_wait3A_47 = arith.constant 0 : i32
    %dma_wait3A_48 = arith.constant 0 : i32
    %dma_wait3A_49 = tpu.memref_slice %arg3[%dma_wait3A_47, %dma_wait3A_48] : memref<100000x64xf32, #tpu.memory_space<hbm>> -> memref<256x64xf32, #tpu.memory_space<hbm>>
    tpu.wait_dma2 semaphore(%arg10 : memref<!tpu.dma_semaphore, #tpu.memory_space<semaphore_mem>>) src(%dma_wait3A_49 : memref<256x64xf32, #tpu.memory_space<hbm>>) dst(%arg8 : memref<256x64xf32, #tpu.memory_space<vmem>>)
    %add3A_50 = arith.constant 256 : i32
    %add3A_51 = arith.addi %mul3A_2, %add3A_50 : i32
    "tpu.region"() ({
      %run_scoped3A = tpu.sem_alloc : memref<!tpu.dma_semaphore, #tpu.memory_space<semaphore_mem>>
      %dma_start3A_56 = arith.constant 0 : i32
      %dma_start3A_57 = tpu.memref_slice %arg5[%add3A_51, %dma_start3A_56] : memref<16384x64xf32, #tpu.memory_space<hbm>> -> memref<256x64xf32, #tpu.memory_space<hbm>>
      %dma_start3A_58 = arith.constant 0 : i32
      %dma_start3A_59 = tpu.memref_slice %arg5[%add3A_51, %dma_start3A_58] : memref<16384x64xf32, #tpu.memory_space<hbm>> -> memref<256x64xf32, #tpu.memory_space<hbm>>
      tpu.enqueue_dma source(%arg8 : memref<256x64xf32, #tpu.memory_space<vmem>>) target(%dma_start3A_59 : memref<256x64xf32, #tpu.memory_space<hbm>>) target_semaphore(%run_scoped3A : memref<!tpu.dma_semaphore, #tpu.memory_space<semaphore_mem>>)
      %dma_wait3A_60 = arith.constant 0 : i32
      %dma_wait3A_61 = tpu.memref_slice %arg5[%add3A_51, %dma_wait3A_60] : memref<16384x64xf32, #tpu.memory_space<hbm>> -> memref<256x64xf32, #tpu.memory_space<hbm>>
      %dma_wait3A_62 = arith.constant 0 : i32
      %dma_wait3A_63 = tpu.memref_slice %arg5[%add3A_51, %dma_wait3A_62] : memref<16384x64xf32, #tpu.memory_space<hbm>> -> memref<256x64xf32, #tpu.memory_space<hbm>>
      tpu.wait_dma2 semaphore(%run_scoped3A : memref<!tpu.dma_semaphore, #tpu.memory_space<semaphore_mem>>) src(%arg8 : memref<256x64xf32, #tpu.memory_space<vmem>>) dst(%dma_wait3A_63 : memref<256x64xf32, #tpu.memory_space<hbm>>)
      tpu.yield
    }) : () -> ()
    %dma_wait3A_52 = arith.constant 0 : i32
    %dma_wait3A_53 = tpu.memref_slice %arg4[%dma_wait3A_52] : memref<100000xf32, #tpu.memory_space<hbm>> -> memref<512xf32, #tpu.memory_space<hbm>>
    %dma_wait3A_54 = arith.constant 0 : i32
    %dma_wait3A_55 = tpu.memref_slice %arg4[%dma_wait3A_54] : memref<100000xf32, #tpu.memory_space<hbm>> -> memref<512xf32, #tpu.memory_space<hbm>>
    tpu.wait_dma2 semaphore(%arg11 : memref<!tpu.dma_semaphore, #tpu.memory_space<semaphore_mem>>) src(%dma_wait3A_55 : memref<512xf32, #tpu.memory_space<hbm>>) dst(%arg9 : memref<512xf32, #tpu.memory_space<vmem>>)
    "tpu.region"() ({
      %run_scoped3A = tpu.sem_alloc : memref<!tpu.dma_semaphore, #tpu.memory_space<semaphore_mem>>
      %dma_start3A_56 = tpu.memref_slice %arg6[%mul3A_2] : memref<16384xf32, #tpu.memory_space<hbm>> -> memref<512xf32, #tpu.memory_space<hbm>>
      %dma_start3A_57 = tpu.memref_slice %arg6[%mul3A_2] : memref<16384xf32, #tpu.memory_space<hbm>> -> memref<512xf32, #tpu.memory_space<hbm>>
      tpu.enqueue_dma source(%arg9 : memref<512xf32, #tpu.memory_space<vmem>>) target(%dma_start3A_57 : memref<512xf32, #tpu.memory_space<hbm>>) target_semaphore(%run_scoped3A : memref<!tpu.dma_semaphore, #tpu.memory_space<semaphore_mem>>)
      %dma_wait3A_58 = tpu.memref_slice %arg6[%mul3A_2] : memref<16384xf32, #tpu.memory_space<hbm>> -> memref<512xf32, #tpu.memory_space<hbm>>
      %dma_wait3A_59 = tpu.memref_slice %arg6[%mul3A_2] : memref<16384xf32, #tpu.memory_space<hbm>> -> memref<512xf32, #tpu.memory_space<hbm>>
      tpu.wait_dma2 semaphore(%run_scoped3A : memref<!tpu.dma_semaphore, #tpu.memory_space<semaphore_mem>>) src(%arg9 : memref<512xf32, #tpu.memory_space<vmem>>) dst(%dma_wait3A_59 : memref<512xf32, #tpu.memory_space<hbm>>)
      tpu.yield
    }) : () -> ()
    return
  }
}

#map = affine_map<(d0, d1) -> (0)>
#map1 = affine_map<(d0, d1) -> (0, 0)>
module attributes {stable_mosaic.version = 14 : i64} {
  func.func @k2(%arg0: i32, %arg1: i32, %arg2: memref<16384xi32, #tpu.memory_space<hbm>>, %arg3: memref<100000x64xf32, #tpu.memory_space<hbm>>, %arg4: memref<100000xf32, #tpu.memory_space<hbm>>, %arg5: memref<16384x64xf32, #tpu.memory_space<hbm>>, %arg6: memref<16384xf32, #tpu.memory_space<hbm>>, %arg7: memref<16384xf32, #tpu.memory_space<hbm>>, %arg8: memref<512xi32, #tpu.memory_space<vmem>>, %arg9: memref<256x64xf32, #tpu.memory_space<vmem>>, %arg10: memref<256x64xf32, #tpu.memory_space<vmem>>, %arg11: memref<512xf32, #tpu.memory_space<vmem>>, %arg12: memref<512xf32, #tpu.memory_space<vmem>>, %arg13: memref<512xf32, #tpu.memory_space<vmem>>, %arg14: memref<!tpu.dma_semaphore, #tpu.memory_space<semaphore_mem>>, %arg15: memref<!tpu.dma_semaphore, #tpu.memory_space<semaphore_mem>>, %arg16: memref<!tpu.dma_semaphore, #tpu.memory_space<semaphore_mem>>) attributes {dimension_semantics = [#tpu.dimension_semantics<core_parallel>, #tpu.dimension_semantics<subcore_parallel>], iteration_bounds = array<i64: 2, 16>, scalar_prefetch = 0 : i64, scratch_operands = 9 : i64, tpu.core_type = #tpu.core_type<sc_vector_subcore>, window_params = [{transform_indices = #map}, {transform_indices = #map1}, {transform_indices = #map}, {transform_indices = #map1}, {transform_indices = #map}, {transform_indices = #map}]} {
    %mul3A = arith.constant 2 : i32
    %mul3A_0 = arith.muli %arg1, %mul3A : i32
    %add3A = arith.addi %mul3A_0, %arg0 : i32
    %mul3A_1 = arith.constant 512 : i32
    %mul3A_2 = arith.muli %add3A, %mul3A_1 : i32
    "tpu.region"() ({
      %run_scoped3A = tpu.sem_alloc : memref<!tpu.dma_semaphore, #tpu.memory_space<semaphore_mem>>
      %dma_start3A_88 = tpu.memref_slice %arg2[%mul3A_2] : memref<16384xi32, #tpu.memory_space<hbm>> -> memref<512xi32, #tpu.memory_space<hbm>>
      %dma_start3A_89 = tpu.memref_slice %arg2[%mul3A_2] : memref<16384xi32, #tpu.memory_space<hbm>> -> memref<512xi32, #tpu.memory_space<hbm>>
      tpu.enqueue_dma source(%dma_start3A_89 : memref<512xi32, #tpu.memory_space<hbm>>) target(%arg8 : memref<512xi32, #tpu.memory_space<vmem>>) target_semaphore(%run_scoped3A : memref<!tpu.dma_semaphore, #tpu.memory_space<semaphore_mem>>)
      %dma_wait3A_90 = tpu.memref_slice %arg2[%mul3A_2] : memref<16384xi32, #tpu.memory_space<hbm>> -> memref<512xi32, #tpu.memory_space<hbm>>
      %dma_wait3A_91 = tpu.memref_slice %arg2[%mul3A_2] : memref<16384xi32, #tpu.memory_space<hbm>> -> memref<512xi32, #tpu.memory_space<hbm>>
      tpu.wait_dma2 semaphore(%run_scoped3A : memref<!tpu.dma_semaphore, #tpu.memory_space<semaphore_mem>>) src(%dma_wait3A_91 : memref<512xi32, #tpu.memory_space<hbm>>) dst(%arg8 : memref<512xi32, #tpu.memory_space<vmem>>)
      tpu.yield
    }) : () -> ()
    %dma_start3A = arith.constant 0 : i32
    %dma_start3A_3 = tpu.memref_slice %arg12[%dma_start3A] : memref<512xf32, #tpu.memory_space<vmem>> -> memref<128xf32, #tpu.memory_space<vmem>>
    %dma_start3A_4 = arith.constant 0 : i32
    %dma_start3A_5 = tpu.memref_slice %arg8[%dma_start3A_4] : memref<512xi32, #tpu.memory_space<vmem>> -> memref<128xi32, #tpu.memory_space<vmem>>
    %dma_start3A_6 = arith.constant 0 : i32
    %dma_start3A_7 = tpu.memref_slice %arg4[%dma_start3A_6] : memref<100000xf32, #tpu.memory_space<hbm>> -> memref<100000xf32, #tpu.memory_space<hbm>>
    tpu.enqueue_indirect_dma source(%dma_start3A_7 : memref<100000xf32, #tpu.memory_space<hbm>>) target(%dma_start3A_3 : memref<128xf32, #tpu.memory_space<vmem>>) offsets(%dma_start3A_5 : memref<128xi32, #tpu.memory_space<vmem>>) semaphore(%arg15 : memref<!tpu.dma_semaphore, #tpu.memory_space<semaphore_mem>>)
    %dma_start3A_8 = arith.constant 128 : i32
    %dma_start3A_9 = tpu.memref_slice %arg12[%dma_start3A_8] : memref<512xf32, #tpu.memory_space<vmem>> -> memref<128xf32, #tpu.memory_space<vmem>>
    %dma_start3A_10 = arith.constant 128 : i32
    %dma_start3A_11 = tpu.memref_slice %arg8[%dma_start3A_10] : memref<512xi32, #tpu.memory_space<vmem>> -> memref<128xi32, #tpu.memory_space<vmem>>
    %dma_start3A_12 = arith.constant 0 : i32
    %dma_start3A_13 = tpu.memref_slice %arg4[%dma_start3A_12] : memref<100000xf32, #tpu.memory_space<hbm>> -> memref<100000xf32, #tpu.memory_space<hbm>>
    tpu.enqueue_indirect_dma source(%dma_start3A_13 : memref<100000xf32, #tpu.memory_space<hbm>>) target(%dma_start3A_9 : memref<128xf32, #tpu.memory_space<vmem>>) offsets(%dma_start3A_11 : memref<128xi32, #tpu.memory_space<vmem>>) semaphore(%arg15 : memref<!tpu.dma_semaphore, #tpu.memory_space<semaphore_mem>>)
    %dma_start3A_14 = arith.constant 256 : i32
    %dma_start3A_15 = tpu.memref_slice %arg12[%dma_start3A_14] : memref<512xf32, #tpu.memory_space<vmem>> -> memref<128xf32, #tpu.memory_space<vmem>>
    %dma_start3A_16 = arith.constant 256 : i32
    %dma_start3A_17 = tpu.memref_slice %arg8[%dma_start3A_16] : memref<512xi32, #tpu.memory_space<vmem>> -> memref<128xi32, #tpu.memory_space<vmem>>
    %dma_start3A_18 = arith.constant 0 : i32
    %dma_start3A_19 = tpu.memref_slice %arg4[%dma_start3A_18] : memref<100000xf32, #tpu.memory_space<hbm>> -> memref<100000xf32, #tpu.memory_space<hbm>>
    tpu.enqueue_indirect_dma source(%dma_start3A_19 : memref<100000xf32, #tpu.memory_space<hbm>>) target(%dma_start3A_15 : memref<128xf32, #tpu.memory_space<vmem>>) offsets(%dma_start3A_17 : memref<128xi32, #tpu.memory_space<vmem>>) semaphore(%arg15 : memref<!tpu.dma_semaphore, #tpu.memory_space<semaphore_mem>>)
    %dma_start3A_20 = arith.constant 384 : i32
    %dma_start3A_21 = tpu.memref_slice %arg12[%dma_start3A_20] : memref<512xf32, #tpu.memory_space<vmem>> -> memref<128xf32, #tpu.memory_space<vmem>>
    %dma_start3A_22 = arith.constant 384 : i32
    %dma_start3A_23 = tpu.memref_slice %arg8[%dma_start3A_22] : memref<512xi32, #tpu.memory_space<vmem>> -> memref<128xi32, #tpu.memory_space<vmem>>
    %dma_start3A_24 = arith.constant 0 : i32
    %dma_start3A_25 = tpu.memref_slice %arg4[%dma_start3A_24] : memref<100000xf32, #tpu.memory_space<hbm>> -> memref<100000xf32, #tpu.memory_space<hbm>>
    tpu.enqueue_indirect_dma source(%dma_start3A_25 : memref<100000xf32, #tpu.memory_space<hbm>>) target(%dma_start3A_21 : memref<128xf32, #tpu.memory_space<vmem>>) offsets(%dma_start3A_23 : memref<128xi32, #tpu.memory_space<vmem>>) semaphore(%arg15 : memref<!tpu.dma_semaphore, #tpu.memory_space<semaphore_mem>>)
    "tpu.region"() ({
      %run_scoped3A = tpu.sem_alloc : memref<!tpu.dma_semaphore, #tpu.memory_space<semaphore_mem>>
      %dma_start3A_88 = tpu.memref_slice %arg6[%mul3A_2] : memref<16384xf32, #tpu.memory_space<hbm>> -> memref<512xf32, #tpu.memory_space<hbm>>
      %dma_start3A_89 = tpu.memref_slice %arg6[%mul3A_2] : memref<16384xf32, #tpu.memory_space<hbm>> -> memref<512xf32, #tpu.memory_space<hbm>>
      tpu.enqueue_dma source(%dma_start3A_89 : memref<512xf32, #tpu.memory_space<hbm>>) target(%arg11 : memref<512xf32, #tpu.memory_space<vmem>>) target_semaphore(%run_scoped3A : memref<!tpu.dma_semaphore, #tpu.memory_space<semaphore_mem>>)
      %dma_wait3A_90 = tpu.memref_slice %arg6[%mul3A_2] : memref<16384xf32, #tpu.memory_space<hbm>> -> memref<512xf32, #tpu.memory_space<hbm>>
      %dma_wait3A_91 = tpu.memref_slice %arg6[%mul3A_2] : memref<16384xf32, #tpu.memory_space<hbm>> -> memref<512xf32, #tpu.memory_space<hbm>>
      tpu.wait_dma2 semaphore(%run_scoped3A : memref<!tpu.dma_semaphore, #tpu.memory_space<semaphore_mem>>) src(%dma_wait3A_91 : memref<512xf32, #tpu.memory_space<hbm>>) dst(%arg11 : memref<512xf32, #tpu.memory_space<vmem>>)
      tpu.yield
    }) : () -> ()
    %iota3A = tpu.iota {dimensions = array<i32: 0>} : vector<16xi32>
    %dma_wait3A = arith.constant 0 : i32
    %dma_wait3A_26 = tpu.memref_slice %arg4[%dma_wait3A] : memref<100000xf32, #tpu.memory_space<hbm>> -> memref<512xf32, #tpu.memory_space<hbm>>
    %dma_wait3A_27 = arith.constant 0 : i32
    %dma_wait3A_28 = tpu.memref_slice %arg4[%dma_wait3A_27] : memref<100000xf32, #tpu.memory_space<hbm>> -> memref<512xf32, #tpu.memory_space<hbm>>
    tpu.wait_dma2 semaphore(%arg15 : memref<!tpu.dma_semaphore, #tpu.memory_space<semaphore_mem>>) src(%dma_wait3A_28 : memref<512xf32, #tpu.memory_space<hbm>>) dst(%arg12 : memref<512xf32, #tpu.memory_space<vmem>>)
    %scan3A = arith.constant 0 : i32
    %scan3A_29 = arith.constant 0 : i32
    %scan3A_30 = arith.constant 16 : i32
    %scan3A_31 = arith.addi %scan3A_29, %scan3A_30 : i32
    %scan3A_32 = arith.constant 1 : i32
    scf.for %scan3A_88 = %scan3A_29 to %scan3A_31 step %scan3A_32  : i32 {
      %mul3A_89 = arith.constant 16 : i32
      %mul3A_90 = arith.muli %scan3A_88, %mul3A_89 : i32
      %get3A = arith.index_cast %mul3A_90 : i32 to index
      %get3A_91 = tpu.vector_load %arg8[%get3A] {strides = array<i32>} : memref<512xi32, #tpu.memory_space<vmem>>, vector<16xi32>,
      %jit3A = arith.constant 16 : i32
      %eq3A = arith.constant 0 : i32
      %eq3A_92 = arith.cmpi eq, %jit3A, %eq3A : i32
      %jit3A_93 = arith.constant 1 : i32
      %select_n3A = arith.select %eq3A_92, %jit3A_93, %jit3A : i32
      %rem3A = arith.remsi %scan3A_88, %select_n3A : i32
      %ne3A = arith.constant 0 : i32
      %ne3A_94 = arith.cmpi ne, %rem3A, %ne3A : i32
      %lt3A = arith.constant 0 : i32
      %lt3A_95 = arith.cmpi slt, %rem3A, %lt3A : i32
      %lt3A_96 = arith.constant 0 : i32
      %lt3A_97 = arith.cmpi slt, %select_n3A, %lt3A_96 : i32
      %ne3A_98 = arith.xori %lt3A_95, %lt3A_97 : i1
      %and3A = arith.andi %ne3A_98, %ne3A_94 : i1
      %add3A_99 = arith.addi %rem3A, %select_n3A : i32
      %select_n3A_100 = arith.select %and3A, %add3A_99, %rem3A : i32
      %mul3A_101 = arith.constant 16 : i32
      %mul3A_102 = arith.muli %select_n3A_100, %mul3A_101 : i32
      %slice3A = vector.extract_strided_slice %get3A_91 {offsets = [0], sizes = [1], strides = [1]} : vector<16xi32> to vector<1xi32>
      %squeeze3A = vector.extract %slice3A[0] : i32 from vector<1xi32>
      %add3A_103 = arith.constant 0 : i32
      %add3A_104 = arith.addi %mul3A_102, %add3A_103 : i32
      %dma_start3A_105 = arith.constant 0 : i32
      %dma_start3A_106 = tpu.memref_slice %arg10[%add3A_104, %dma_start3A_105] : memref<256x64xf32, #tpu.memory_space<vmem>> -> memref<1x64xf32, #tpu.memory_space<vmem>>
      %dma_start3A_107 = arith.constant 0 : i32
      %dma_start3A_108 = tpu.memref_slice %arg3[%squeeze3A, %dma_start3A_107] : memref<100000x64xf32, #tpu.memory_space<hbm>> -> memref<1x64xf32, #tpu.memory_space<hbm>>
      %dma_start3A_109 = arith.constant 0 : i32
      %dma_start3A_110 = tpu.memref_slice %arg10[%add3A_104, %dma_start3A_109] : memref<256x64xf32, #tpu.memory_space<vmem>> -> memref<1x64xf32, #tpu.memory_space<vmem>>
      %dma_start3A_111 = arith.constant 0 : i32
      %dma_start3A_112 = tpu.memref_slice %arg3[%squeeze3A, %dma_start3A_111] : memref<100000x64xf32, #tpu.memory_space<hbm>> -> memref<1x64xf32, #tpu.memory_space<hbm>>
      tpu.enqueue_dma source(%dma_start3A_112 : memref<1x64xf32, #tpu.memory_space<hbm>>) target(%dma_start3A_110 : memref<1x64xf32, #tpu.memory_space<vmem>>) target_semaphore(%arg14 : memref<!tpu.dma_semaphore, #tpu.memory_space<semaphore_mem>>)
      %slice3A_113 = vector.extract_strided_slice %get3A_91 {offsets = [1], sizes = [1], strides = [1]} : vector<16xi32> to vector<1xi32>
      %squeeze3A_114 = vector.extract %slice3A_113[0] : i32 from vector<1xi32>
      %add3A_115 = arith.constant 1 : i32
      %add3A_116 = arith.addi %mul3A_102, %add3A_115 : i32
      %dma_start3A_117 = arith.constant 0 : i32
      %dma_start3A_118 = tpu.memref_slice %arg10[%add3A_116, %dma_start3A_117] : memref<256x64xf32, #tpu.memory_space<vmem>> -> memref<1x64xf32, #tpu.memory_space<vmem>>
      %dma_start3A_119 = arith.constant 0 : i32
      %dma_start3A_120 = tpu.memref_slice %arg3[%squeeze3A_114, %dma_start3A_119] : memref<100000x64xf32, #tpu.memory_space<hbm>> -> memref<1x64xf32, #tpu.memory_space<hbm>>
      %dma_start3A_121 = arith.constant 0 : i32
      %dma_start3A_122 = tpu.memref_slice %arg10[%add3A_116, %dma_start3A_121] : memref<256x64xf32, #tpu.memory_space<vmem>> -> memref<1x64xf32, #tpu.memory_space<vmem>>
      %dma_start3A_123 = arith.constant 0 : i32
      %dma_start3A_124 = tpu.memref_slice %arg3[%squeeze3A_114, %dma_start3A_123] : memref<100000x64xf32, #tpu.memory_space<hbm>> -> memref<1x64xf32, #tpu.memory_space<hbm>>
      tpu.enqueue_dma source(%dma_start3A_124 : memref<1x64xf32, #tpu.memory_space<hbm>>) target(%dma_start3A_122 : memref<1x64xf32, #tpu.memory_space<vmem>>) target_semaphore(%arg14 : memref<!tpu.dma_semaphore, #tpu.memory_space<semaphore_mem>>)
      %slice3A_125 = vector.extract_strided_slice %get3A_91 {offsets = [2], sizes = [1], strides = [1]} : vector<16xi32> to vector<1xi32>
      %squeeze3A_126 = vector.extract %slice3A_125[0] : i32 from vector<1xi32>
      %add3A_127 = arith.constant 2 : i32
      %add3A_128 = arith.addi %mul3A_102, %add3A_127 : i32
      %dma_start3A_129 = arith.constant 0 : i32
      %dma_start3A_130 = tpu.memref_slice %arg10[%add3A_128, %dma_start3A_129] : memref<256x64xf32, #tpu.memory_space<vmem>> -> memref<1x64xf32, #tpu.memory_space<vmem>>
      %dma_start3A_131 = arith.constant 0 : i32
      %dma_start3A_132 = tpu.memref_slice %arg3[%squeeze3A_126, %dma_start3A_131] : memref<100000x64xf32, #tpu.memory_space<hbm>> -> memref<1x64xf32, #tpu.memory_space<hbm>>
      %dma_start3A_133 = arith.constant 0 : i32
      %dma_start3A_134 = tpu.memref_slice %arg10[%add3A_128, %dma_start3A_133] : memref<256x64xf32, #tpu.memory_space<vmem>> -> memref<1x64xf32, #tpu.memory_space<vmem>>
      %dma_start3A_135 = arith.constant 0 : i32
      %dma_start3A_136 = tpu.memref_slice %arg3[%squeeze3A_126, %dma_start3A_135] : memref<100000x64xf32, #tpu.memory_space<hbm>> -> memref<1x64xf32, #tpu.memory_space<hbm>>
      tpu.enqueue_dma source(%dma_start3A_136 : memref<1x64xf32, #tpu.memory_space<hbm>>) target(%dma_start3A_134 : memref<1x64xf32, #tpu.memory_space<vmem>>) target_semaphore(%arg14 : memref<!tpu.dma_semaphore, #tpu.memory_space<semaphore_mem>>)
      %slice3A_137 = vector.extract_strided_slice %get3A_91 {offsets = [3], sizes = [1], strides = [1]} : vector<16xi32> to vector<1xi32>
      %squeeze3A_138 = vector.extract %slice3A_137[0] : i32 from vector<1xi32>
      %add3A_139 = arith.constant 3 : i32
      %add3A_140 = arith.addi %mul3A_102, %add3A_139 : i32
      %dma_start3A_141 = arith.constant 0 : i32
      %dma_start3A_142 = tpu.memref_slice %arg10[%add3A_140, %dma_start3A_141] : memref<256x64xf32, #tpu.memory_space<vmem>> -> memref<1x64xf32, #tpu.memory_space<vmem>>
      %dma_start3A_143 = arith.constant 0 : i32
      %dma_start3A_144 = tpu.memref_slice %arg3[%squeeze3A_138, %dma_start3A_143] : memref<100000x64xf32, #tpu.memory_space<hbm>> -> memref<1x64xf32, #tpu.memory_space<hbm>>
      %dma_start3A_145 = arith.constant 0 : i32
      %dma_start3A_146 = tpu.memref_slice %arg10[%add3A_140, %dma_start3A_145] : memref<256x64xf32, #tpu.memory_space<vmem>> -> memref<1x64xf32, #tpu.memory_space<vmem>>
      %dma_start3A_147 = arith.constant 0 : i32
      %dma_start3A_148 = tpu.memref_slice %arg3[%squeeze3A_138, %dma_start3A_147] : memref<100000x64xf32, #tpu.memory_space<hbm>> -> memref<1x64xf32, #tpu.memory_space<hbm>>
      tpu.enqueue_dma source(%dma_start3A_148 : memref<1x64xf32, #tpu.memory_space<hbm>>) target(%dma_start3A_146 : memref<1x64xf32, #tpu.memory_space<vmem>>) target_semaphore(%arg14 : memref<!tpu.dma_semaphore, #tpu.memory_space<semaphore_mem>>)
      %slice3A_149 = vector.extract_strided_slice %get3A_91 {offsets = [4], sizes = [1], strides = [1]} : vector<16xi32> to vector<1xi32>
      %squeeze3A_150 = vector.extract %slice3A_149[0] : i32 from vector<1xi32>
      %add3A_151 = arith.constant 4 : i32
      %add3A_152 = arith.addi %mul3A_102, %add3A_151 : i32
      %dma_start3A_153 = arith.constant 0 : i32
      %dma_start3A_154 = tpu.memref_slice %arg10[%add3A_152, %dma_start3A_153] : memref<256x64xf32, #tpu.memory_space<vmem>> -> memref<1x64xf32, #tpu.memory_space<vmem>>
      %dma_start3A_155 = arith.constant 0 : i32
      %dma_start3A_156 = tpu.memref_slice %arg3[%squeeze3A_150, %dma_start3A_155] : memref<100000x64xf32, #tpu.memory_space<hbm>> -> memref<1x64xf32, #tpu.memory_space<hbm>>
      %dma_start3A_157 = arith.constant 0 : i32
      %dma_start3A_158 = tpu.memref_slice %arg10[%add3A_152, %dma_start3A_157] : memref<256x64xf32, #tpu.memory_space<vmem>> -> memref<1x64xf32, #tpu.memory_space<vmem>>
      %dma_start3A_159 = arith.constant 0 : i32
      %dma_start3A_160 = tpu.memref_slice %arg3[%squeeze3A_150, %dma_start3A_159] : memref<100000x64xf32, #tpu.memory_space<hbm>> -> memref<1x64xf32, #tpu.memory_space<hbm>>
      tpu.enqueue_dma source(%dma_start3A_160 : memref<1x64xf32, #tpu.memory_space<hbm>>) target(%dma_start3A_158 : memref<1x64xf32, #tpu.memory_space<vmem>>) target_semaphore(%arg14 : memref<!tpu.dma_semaphore, #tpu.memory_space<semaphore_mem>>)
      %slice3A_161 = vector.extract_strided_slice %get3A_91 {offsets = [5], sizes = [1], strides = [1]} : vector<16xi32> to vector<1xi32>
      %squeeze3A_162 = vector.extract %slice3A_161[0] : i32 from vector<1xi32>
      %add3A_163 = arith.constant 5 : i32
      %add3A_164 = arith.addi %mul3A_102, %add3A_163 : i32
      %dma_start3A_165 = arith.constant 0 : i32
      %dma_start3A_166 = tpu.memref_slice %arg10[%add3A_164, %dma_start3A_165] : memref<256x64xf32, #tpu.memory_space<vmem>> -> memref<1x64xf32, #tpu.memory_space<vmem>>
      %dma_start3A_167 = arith.constant 0 : i32
      %dma_start3A_168 = tpu.memref_slice %arg3[%squeeze3A_162, %dma_start3A_167] : memref<100000x64xf32, #tpu.memory_space<hbm>> -> memref<1x64xf32, #tpu.memory_space<hbm>>
      %dma_start3A_169 = arith.constant 0 : i32
      %dma_start3A_170 = tpu.memref_slice %arg10[%add3A_164, %dma_start3A_169] : memref<256x64xf32, #tpu.memory_space<vmem>> -> memref<1x64xf32, #tpu.memory_space<vmem>>
      %dma_start3A_171 = arith.constant 0 : i32
      %dma_start3A_172 = tpu.memref_slice %arg3[%squeeze3A_162, %dma_start3A_171] : memref<100000x64xf32, #tpu.memory_space<hbm>> -> memref<1x64xf32, #tpu.memory_space<hbm>>
      tpu.enqueue_dma source(%dma_start3A_172 : memref<1x64xf32, #tpu.memory_space<hbm>>) target(%dma_start3A_170 : memref<1x64xf32, #tpu.memory_space<vmem>>) target_semaphore(%arg14 : memref<!tpu.dma_semaphore, #tpu.memory_space<semaphore_mem>>)
      %slice3A_173 = vector.extract_strided_slice %get3A_91 {offsets = [6], sizes = [1], strides = [1]} : vector<16xi32> to vector<1xi32>
      %squeeze3A_174 = vector.extract %slice3A_173[0] : i32 from vector<1xi32>
      %add3A_175 = arith.constant 6 : i32
      %add3A_176 = arith.addi %mul3A_102, %add3A_175 : i32
      %dma_start3A_177 = arith.constant 0 : i32
      %dma_start3A_178 = tpu.memref_slice %arg10[%add3A_176, %dma_start3A_177] : memref<256x64xf32, #tpu.memory_space<vmem>> -> memref<1x64xf32, #tpu.memory_space<vmem>>
      %dma_start3A_179 = arith.constant 0 : i32
      %dma_start3A_180 = tpu.memref_slice %arg3[%squeeze3A_174, %dma_start3A_179] : memref<100000x64xf32, #tpu.memory_space<hbm>> -> memref<1x64xf32, #tpu.memory_space<hbm>>
      %dma_start3A_181 = arith.constant 0 : i32
      %dma_start3A_182 = tpu.memref_slice %arg10[%add3A_176, %dma_start3A_181] : memref<256x64xf32, #tpu.memory_space<vmem>> -> memref<1x64xf32, #tpu.memory_space<vmem>>
      %dma_start3A_183 = arith.constant 0 : i32
      %dma_start3A_184 = tpu.memref_slice %arg3[%squeeze3A_174, %dma_start3A_183] : memref<100000x64xf32, #tpu.memory_space<hbm>> -> memref<1x64xf32, #tpu.memory_space<hbm>>
      tpu.enqueue_dma source(%dma_start3A_184 : memref<1x64xf32, #tpu.memory_space<hbm>>) target(%dma_start3A_182 : memref<1x64xf32, #tpu.memory_space<vmem>>) target_semaphore(%arg14 : memref<!tpu.dma_semaphore, #tpu.memory_space<semaphore_mem>>)
      %slice3A_185 = vector.extract_strided_slice %get3A_91 {offsets = [7], sizes = [1], strides = [1]} : vector<16xi32> to vector<1xi32>
      %squeeze3A_186 = vector.extract %slice3A_185[0] : i32 from vector<1xi32>
      %add3A_187 = arith.constant 7 : i32
      %add3A_188 = arith.addi %mul3A_102, %add3A_187 : i32
      %dma_start3A_189 = arith.constant 0 : i32
      %dma_start3A_190 = tpu.memref_slice %arg10[%add3A_188, %dma_start3A_189] : memref<256x64xf32, #tpu.memory_space<vmem>> -> memref<1x64xf32, #tpu.memory_space<vmem>>
      %dma_start3A_191 = arith.constant 0 : i32
      %dma_start3A_192 = tpu.memref_slice %arg3[%squeeze3A_186, %dma_start3A_191] : memref<100000x64xf32, #tpu.memory_space<hbm>> -> memref<1x64xf32, #tpu.memory_space<hbm>>
      %dma_start3A_193 = arith.constant 0 : i32
      %dma_start3A_194 = tpu.memref_slice %arg10[%add3A_188, %dma_start3A_193] : memref<256x64xf32, #tpu.memory_space<vmem>> -> memref<1x64xf32, #tpu.memory_space<vmem>>
      %dma_start3A_195 = arith.constant 0 : i32
      %dma_start3A_196 = tpu.memref_slice %arg3[%squeeze3A_186, %dma_start3A_195] : memref<100000x64xf32, #tpu.memory_space<hbm>> -> memref<1x64xf32, #tpu.memory_space<hbm>>
      tpu.enqueue_dma source(%dma_start3A_196 : memref<1x64xf32, #tpu.memory_space<hbm>>) target(%dma_start3A_194 : memref<1x64xf32, #tpu.memory_space<vmem>>) target_semaphore(%arg14 : memref<!tpu.dma_semaphore, #tpu.memory_space<semaphore_mem>>)
      %slice3A_197 = vector.extract_strided_slice %get3A_91 {offsets = [8], sizes = [1], strides = [1]} : vector<16xi32> to vector<1xi32>
      %squeeze3A_198 = vector.extract %slice3A_197[0] : i32 from vector<1xi32>
      %add3A_199 = arith.constant 8 : i32
      %add3A_200 = arith.addi %mul3A_102, %add3A_199 : i32
      %dma_start3A_201 = arith.constant 0 : i32
      %dma_start3A_202 = tpu.memref_slice %arg10[%add3A_200, %dma_start3A_201] : memref<256x64xf32, #tpu.memory_space<vmem>> -> memref<1x64xf32, #tpu.memory_space<vmem>>
      %dma_start3A_203 = arith.constant 0 : i32
      %dma_start3A_204 = tpu.memref_slice %arg3[%squeeze3A_198, %dma_start3A_203] : memref<100000x64xf32, #tpu.memory_space<hbm>> -> memref<1x64xf32, #tpu.memory_space<hbm>>
      %dma_start3A_205 = arith.constant 0 : i32
      %dma_start3A_206 = tpu.memref_slice %arg10[%add3A_200, %dma_start3A_205] : memref<256x64xf32, #tpu.memory_space<vmem>> -> memref<1x64xf32, #tpu.memory_space<vmem>>
      %dma_start3A_207 = arith.constant 0 : i32
      %dma_start3A_208 = tpu.memref_slice %arg3[%squeeze3A_198, %dma_start3A_207] : memref<100000x64xf32, #tpu.memory_space<hbm>> -> memref<1x64xf32, #tpu.memory_space<hbm>>
      tpu.enqueue_dma source(%dma_start3A_208 : memref<1x64xf32, #tpu.memory_space<hbm>>) target(%dma_start3A_206 : memref<1x64xf32, #tpu.memory_space<vmem>>) target_semaphore(%arg14 : memref<!tpu.dma_semaphore, #tpu.memory_space<semaphore_mem>>)
      %slice3A_209 = vector.extract_strided_slice %get3A_91 {offsets = [9], sizes = [1], strides = [1]} : vector<16xi32> to vector<1xi32>
      %squeeze3A_210 = vector.extract %slice3A_209[0] : i32 from vector<1xi32>
      %add3A_211 = arith.constant 9 : i32
      %add3A_212 = arith.addi %mul3A_102, %add3A_211 : i32
      %dma_start3A_213 = arith.constant 0 : i32
      %dma_start3A_214 = tpu.memref_slice %arg10[%add3A_212, %dma_start3A_213] : memref<256x64xf32, #tpu.memory_space<vmem>> -> memref<1x64xf32, #tpu.memory_space<vmem>>
      %dma_start3A_215 = arith.constant 0 : i32
      %dma_start3A_216 = tpu.memref_slice %arg3[%squeeze3A_210, %dma_start3A_215] : memref<100000x64xf32, #tpu.memory_space<hbm>> -> memref<1x64xf32, #tpu.memory_space<hbm>>
      %dma_start3A_217 = arith.constant 0 : i32
      %dma_start3A_218 = tpu.memref_slice %arg10[%add3A_212, %dma_start3A_217] : memref<256x64xf32, #tpu.memory_space<vmem>> -> memref<1x64xf32, #tpu.memory_space<vmem>>
      %dma_start3A_219 = arith.constant 0 : i32
      %dma_start3A_220 = tpu.memref_slice %arg3[%squeeze3A_210, %dma_start3A_219] : memref<100000x64xf32, #tpu.memory_space<hbm>> -> memref<1x64xf32, #tpu.memory_space<hbm>>
      tpu.enqueue_dma source(%dma_start3A_220 : memref<1x64xf32, #tpu.memory_space<hbm>>) target(%dma_start3A_218 : memref<1x64xf32, #tpu.memory_space<vmem>>) target_semaphore(%arg14 : memref<!tpu.dma_semaphore, #tpu.memory_space<semaphore_mem>>)
      %slice3A_221 = vector.extract_strided_slice %get3A_91 {offsets = [10], sizes = [1], strides = [1]} : vector<16xi32> to vector<1xi32>
      %squeeze3A_222 = vector.extract %slice3A_221[0] : i32 from vector<1xi32>
      %add3A_223 = arith.constant 10 : i32
      %add3A_224 = arith.addi %mul3A_102, %add3A_223 : i32
      %dma_start3A_225 = arith.constant 0 : i32
      %dma_start3A_226 = tpu.memref_slice %arg10[%add3A_224, %dma_start3A_225] : memref<256x64xf32, #tpu.memory_space<vmem>> -> memref<1x64xf32, #tpu.memory_space<vmem>>
      %dma_start3A_227 = arith.constant 0 : i32
      %dma_start3A_228 = tpu.memref_slice %arg3[%squeeze3A_222, %dma_start3A_227] : memref<100000x64xf32, #tpu.memory_space<hbm>> -> memref<1x64xf32, #tpu.memory_space<hbm>>
      %dma_start3A_229 = arith.constant 0 : i32
      %dma_start3A_230 = tpu.memref_slice %arg10[%add3A_224, %dma_start3A_229] : memref<256x64xf32, #tpu.memory_space<vmem>> -> memref<1x64xf32, #tpu.memory_space<vmem>>
      %dma_start3A_231 = arith.constant 0 : i32
      %dma_start3A_232 = tpu.memref_slice %arg3[%squeeze3A_222, %dma_start3A_231] : memref<100000x64xf32, #tpu.memory_space<hbm>> -> memref<1x64xf32, #tpu.memory_space<hbm>>
      tpu.enqueue_dma source(%dma_start3A_232 : memref<1x64xf32, #tpu.memory_space<hbm>>) target(%dma_start3A_230 : memref<1x64xf32, #tpu.memory_space<vmem>>) target_semaphore(%arg14 : memref<!tpu.dma_semaphore, #tpu.memory_space<semaphore_mem>>)
      %slice3A_233 = vector.extract_strided_slice %get3A_91 {offsets = [11], sizes = [1], strides = [1]} : vector<16xi32> to vector<1xi32>
      %squeeze3A_234 = vector.extract %slice3A_233[0] : i32 from vector<1xi32>
      %add3A_235 = arith.constant 11 : i32
      %add3A_236 = arith.addi %mul3A_102, %add3A_235 : i32
      %dma_start3A_237 = arith.constant 0 : i32
      %dma_start3A_238 = tpu.memref_slice %arg10[%add3A_236, %dma_start3A_237] : memref<256x64xf32, #tpu.memory_space<vmem>> -> memref<1x64xf32, #tpu.memory_space<vmem>>
      %dma_start3A_239 = arith.constant 0 : i32
      %dma_start3A_240 = tpu.memref_slice %arg3[%squeeze3A_234, %dma_start3A_239] : memref<100000x64xf32, #tpu.memory_space<hbm>> -> memref<1x64xf32, #tpu.memory_space<hbm>>
      %dma_start3A_241 = arith.constant 0 : i32
      %dma_start3A_242 = tpu.memref_slice %arg10[%add3A_236, %dma_start3A_241] : memref<256x64xf32, #tpu.memory_space<vmem>> -> memref<1x64xf32, #tpu.memory_space<vmem>>
      %dma_start3A_243 = arith.constant 0 : i32
      %dma_start3A_244 = tpu.memref_slice %arg3[%squeeze3A_234, %dma_start3A_243] : memref<100000x64xf32, #tpu.memory_space<hbm>> -> memref<1x64xf32, #tpu.memory_space<hbm>>
      tpu.enqueue_dma source(%dma_start3A_244 : memref<1x64xf32, #tpu.memory_space<hbm>>) target(%dma_start3A_242 : memref<1x64xf32, #tpu.memory_space<vmem>>) target_semaphore(%arg14 : memref<!tpu.dma_semaphore, #tpu.memory_space<semaphore_mem>>)
      %slice3A_245 = vector.extract_strided_slice %get3A_91 {offsets = [12], sizes = [1], strides = [1]} : vector<16xi32> to vector<1xi32>
      %squeeze3A_246 = vector.extract %slice3A_245[0] : i32 from vector<1xi32>
      %add3A_247 = arith.constant 12 : i32
      %add3A_248 = arith.addi %mul3A_102, %add3A_247 : i32
      %dma_start3A_249 = arith.constant 0 : i32
      %dma_start3A_250 = tpu.memref_slice %arg10[%add3A_248, %dma_start3A_249] : memref<256x64xf32, #tpu.memory_space<vmem>> -> memref<1x64xf32, #tpu.memory_space<vmem>>
      %dma_start3A_251 = arith.constant 0 : i32
      %dma_start3A_252 = tpu.memref_slice %arg3[%squeeze3A_246, %dma_start3A_251] : memref<100000x64xf32, #tpu.memory_space<hbm>> -> memref<1x64xf32, #tpu.memory_space<hbm>>
      %dma_start3A_253 = arith.constant 0 : i32
      %dma_start3A_254 = tpu.memref_slice %arg10[%add3A_248, %dma_start3A_253] : memref<256x64xf32, #tpu.memory_space<vmem>> -> memref<1x64xf32, #tpu.memory_space<vmem>>
      %dma_start3A_255 = arith.constant 0 : i32
      %dma_start3A_256 = tpu.memref_slice %arg3[%squeeze3A_246, %dma_start3A_255] : memref<100000x64xf32, #tpu.memory_space<hbm>> -> memref<1x64xf32, #tpu.memory_space<hbm>>
      tpu.enqueue_dma source(%dma_start3A_256 : memref<1x64xf32, #tpu.memory_space<hbm>>) target(%dma_start3A_254 : memref<1x64xf32, #tpu.memory_space<vmem>>) target_semaphore(%arg14 : memref<!tpu.dma_semaphore, #tpu.memory_space<semaphore_mem>>)
      %slice3A_257 = vector.extract_strided_slice %get3A_91 {offsets = [13], sizes = [1], strides = [1]} : vector<16xi32> to vector<1xi32>
      %squeeze3A_258 = vector.extract %slice3A_257[0] : i32 from vector<1xi32>
      %add3A_259 = arith.constant 13 : i32
      %add3A_260 = arith.addi %mul3A_102, %add3A_259 : i32
      %dma_start3A_261 = arith.constant 0 : i32
      %dma_start3A_262 = tpu.memref_slice %arg10[%add3A_260, %dma_start3A_261] : memref<256x64xf32, #tpu.memory_space<vmem>> -> memref<1x64xf32, #tpu.memory_space<vmem>>
      %dma_start3A_263 = arith.constant 0 : i32
      %dma_start3A_264 = tpu.memref_slice %arg3[%squeeze3A_258, %dma_start3A_263] : memref<100000x64xf32, #tpu.memory_space<hbm>> -> memref<1x64xf32, #tpu.memory_space<hbm>>
      %dma_start3A_265 = arith.constant 0 : i32
      %dma_start3A_266 = tpu.memref_slice %arg10[%add3A_260, %dma_start3A_265] : memref<256x64xf32, #tpu.memory_space<vmem>> -> memref<1x64xf32, #tpu.memory_space<vmem>>
      %dma_start3A_267 = arith.constant 0 : i32
      %dma_start3A_268 = tpu.memref_slice %arg3[%squeeze3A_258, %dma_start3A_267] : memref<100000x64xf32, #tpu.memory_space<hbm>> -> memref<1x64xf32, #tpu.memory_space<hbm>>
      tpu.enqueue_dma source(%dma_start3A_268 : memref<1x64xf32, #tpu.memory_space<hbm>>) target(%dma_start3A_266 : memref<1x64xf32, #tpu.memory_space<vmem>>) target_semaphore(%arg14 : memref<!tpu.dma_semaphore, #tpu.memory_space<semaphore_mem>>)
      %slice3A_269 = vector.extract_strided_slice %get3A_91 {offsets = [14], sizes = [1], strides = [1]} : vector<16xi32> to vector<1xi32>
      %squeeze3A_270 = vector.extract %slice3A_269[0] : i32 from vector<1xi32>
      %add3A_271 = arith.constant 14 : i32
      %add3A_272 = arith.addi %mul3A_102, %add3A_271 : i32
      %dma_start3A_273 = arith.constant 0 : i32
      %dma_start3A_274 = tpu.memref_slice %arg10[%add3A_272, %dma_start3A_273] : memref<256x64xf32, #tpu.memory_space<vmem>> -> memref<1x64xf32, #tpu.memory_space<vmem>>
      %dma_start3A_275 = arith.constant 0 : i32
      %dma_start3A_276 = tpu.memref_slice %arg3[%squeeze3A_270, %dma_start3A_275] : memref<100000x64xf32, #tpu.memory_space<hbm>> -> memref<1x64xf32, #tpu.memory_space<hbm>>
      %dma_start3A_277 = arith.constant 0 : i32
      %dma_start3A_278 = tpu.memref_slice %arg10[%add3A_272, %dma_start3A_277] : memref<256x64xf32, #tpu.memory_space<vmem>> -> memref<1x64xf32, #tpu.memory_space<vmem>>
      %dma_start3A_279 = arith.constant 0 : i32
      %dma_start3A_280 = tpu.memref_slice %arg3[%squeeze3A_270, %dma_start3A_279] : memref<100000x64xf32, #tpu.memory_space<hbm>> -> memref<1x64xf32, #tpu.memory_space<hbm>>
      tpu.enqueue_dma source(%dma_start3A_280 : memref<1x64xf32, #tpu.memory_space<hbm>>) target(%dma_start3A_278 : memref<1x64xf32, #tpu.memory_space<vmem>>) target_semaphore(%arg14 : memref<!tpu.dma_semaphore, #tpu.memory_space<semaphore_mem>>)
      %slice3A_281 = vector.extract_strided_slice %get3A_91 {offsets = [15], sizes = [1], strides = [1]} : vector<16xi32> to vector<1xi32>
      %squeeze3A_282 = vector.extract %slice3A_281[0] : i32 from vector<1xi32>
      %add3A_283 = arith.constant 15 : i32
      %add3A_284 = arith.addi %mul3A_102, %add3A_283 : i32
      %dma_start3A_285 = arith.constant 0 : i32
      %dma_start3A_286 = tpu.memref_slice %arg10[%add3A_284, %dma_start3A_285] : memref<256x64xf32, #tpu.memory_space<vmem>> -> memref<1x64xf32, #tpu.memory_space<vmem>>
      %dma_start3A_287 = arith.constant 0 : i32
      %dma_start3A_288 = tpu.memref_slice %arg3[%squeeze3A_282, %dma_start3A_287] : memref<100000x64xf32, #tpu.memory_space<hbm>> -> memref<1x64xf32, #tpu.memory_space<hbm>>
      %dma_start3A_289 = arith.constant 0 : i32
      %dma_start3A_290 = tpu.memref_slice %arg10[%add3A_284, %dma_start3A_289] : memref<256x64xf32, #tpu.memory_space<vmem>> -> memref<1x64xf32, #tpu.memory_space<vmem>>
      %dma_start3A_291 = arith.constant 0 : i32
      %dma_start3A_292 = tpu.memref_slice %arg3[%squeeze3A_282, %dma_start3A_291] : memref<100000x64xf32, #tpu.memory_space<hbm>> -> memref<1x64xf32, #tpu.memory_space<hbm>>
      tpu.enqueue_dma source(%dma_start3A_292 : memref<1x64xf32, #tpu.memory_space<hbm>>) target(%dma_start3A_290 : memref<1x64xf32, #tpu.memory_space<vmem>>) target_semaphore(%arg14 : memref<!tpu.dma_semaphore, #tpu.memory_space<semaphore_mem>>)
    }
    %scan3A_33 = arith.constant 16 : i32
    %add3A_34 = arith.constant 0 : i32
    %add3A_35 = arith.addi %mul3A_2, %add3A_34 : i32
    %dma_start3A_36 = arith.constant 0 : i32
    %dma_start3A_37 = tpu.memref_slice %arg5[%add3A_35, %dma_start3A_36] : memref<16384x64xf32, #tpu.memory_space<hbm>> -> memref<256x64xf32, #tpu.memory_space<hbm>>
    %dma_start3A_38 = arith.constant 0 : i32
    %dma_start3A_39 = tpu.memref_slice %arg5[%add3A_35, %dma_start3A_38] : memref<16384x64xf32, #tpu.memory_space<hbm>> -> memref<256x64xf32, #tpu.memory_space<hbm>>
    tpu.enqueue_dma source(%dma_start3A_39 : memref<256x64xf32, #tpu.memory_space<hbm>>) target(%arg9 : memref<256x64xf32, #tpu.memory_space<vmem>>) target_semaphore(%arg16 : memref<!tpu.dma_semaphore, #tpu.memory_space<semaphore_mem>>)
    %dma_wait3A_40 = arith.constant 0 : i32
    %dma_wait3A_41 = arith.constant 0 : i32
    %dma_wait3A_42 = tpu.memref_slice %arg5[%dma_wait3A_40, %dma_wait3A_41] : memref<16384x64xf32, #tpu.memory_space<hbm>> -> memref<256x64xf32, #tpu.memory_space<hbm>>
    %dma_wait3A_43 = arith.constant 0 : i32
    %dma_wait3A_44 = arith.constant 0 : i32
    %dma_wait3A_45 = tpu.memref_slice %arg5[%dma_wait3A_43, %dma_wait3A_44] : memref<16384x64xf32, #tpu.memory_space<hbm>> -> memref<256x64xf32, #tpu.memory_space<hbm>>
    tpu.wait_dma2 semaphore(%arg16 : memref<!tpu.dma_semaphore, #tpu.memory_space<semaphore_mem>>) src(%dma_wait3A_45 : memref<256x64xf32, #tpu.memory_space<hbm>>) dst(%arg9 : memref<256x64xf32, #tpu.memory_space<vmem>>)
    %dma_wait3A_46 = arith.constant 0 : i32
    %dma_wait3A_47 = arith.constant 0 : i32
    %dma_wait3A_48 = tpu.memref_slice %arg3[%dma_wait3A_46, %dma_wait3A_47] : memref<100000x64xf32, #tpu.memory_space<hbm>> -> memref<256x64xf32, #tpu.memory_space<hbm>>
    %dma_wait3A_49 = arith.constant 0 : i32
    %dma_wait3A_50 = arith.constant 0 : i32
    %dma_wait3A_51 = tpu.memref_slice %arg3[%dma_wait3A_49, %dma_wait3A_50] : memref<100000x64xf32, #tpu.memory_space<hbm>> -> memref<256x64xf32, #tpu.memory_space<hbm>>
    tpu.wait_dma2 semaphore(%arg14 : memref<!tpu.dma_semaphore, #tpu.memory_space<semaphore_mem>>) src(%dma_wait3A_51 : memref<256x64xf32, #tpu.memory_space<hbm>>) dst(%arg10 : memref<256x64xf32, #tpu.memory_space<vmem>>)
    %scan3A_52 = arith.constant 0 : i32
    %scan3A_53 = arith.constant 0 : i32
    %scan3A_54 = arith.constant 16 : i32
    %scan3A_55 = arith.addi %scan3A_53, %scan3A_54 : i32
    %scan3A_56 = arith.constant 1 : i32
    scf.for %scan3A_88 = %scan3A_53 to %scan3A_55 step %scan3A_56  : i32 {
      %mul3A_89 = arith.constant 16 : i32
      %mul3A_90 = arith.muli %scan3A_88, %mul3A_89 : i32
      %jit3A = arith.constant 16 : i32
      %eq3A = arith.constant 0 : i32
      %eq3A_91 = arith.cmpi eq, %jit3A, %eq3A : i32
      %jit3A_92 = arith.constant 1 : i32
      %select_n3A = arith.select %eq3A_91, %jit3A_92, %jit3A : i32
      %rem3A = arith.remsi %scan3A_88, %select_n3A : i32
      %ne3A = arith.constant 0 : i32
      %ne3A_93 = arith.cmpi ne, %rem3A, %ne3A : i32
      %lt3A = arith.constant 0 : i32
      %lt3A_94 = arith.cmpi slt, %rem3A, %lt3A : i32
      %lt3A_95 = arith.constant 0 : i32
      %lt3A_96 = arith.cmpi slt, %select_n3A, %lt3A_95 : i32
      %ne3A_97 = arith.xori %lt3A_94, %lt3A_96 : i1
      %and3A = arith.andi %ne3A_97, %ne3A_93 : i1
      %add3A_98 = arith.addi %rem3A, %select_n3A : i32
      %select_n3A_99 = arith.select %and3A, %add3A_98, %rem3A : i32
      %mul3A_100 = arith.constant 16 : i32
      %mul3A_101 = arith.muli %select_n3A_99, %mul3A_100 : i32
      %broadcast_in_dim3A = arith.constant 0.000000e+00 : f32
      %broadcast_in_dim3A_102 = vector.broadcast %broadcast_in_dim3A : f32 to vector<16xf32>
      %add3A_103 = arith.constant 0 : i32
      %add3A_104 = arith.addi %mul3A_101, %add3A_103 : i32
      %get3A = arith.index_cast %add3A_104 : i32 to index
      %get3A_105 = arith.constant 0 : index
      %get3A_106 = tpu.vector_load %arg9[%get3A, %get3A_105] {strides = array<i32>} : memref<256x64xf32, #tpu.memory_space<vmem>>, vector<16xf32>,
      %get3A_107 = arith.index_cast %add3A_104 : i32 to index
      %get3A_108 = arith.constant 0 : index
      %get3A_109 = tpu.vector_load %arg10[%get3A_107, %get3A_108] {strides = array<i32>} : memref<256x64xf32, #tpu.memory_space<vmem>>, vector<16xf32>,
      %mul3A_110 = arith.mulf %get3A_106, %get3A_109 : vector<16xf32>
      %get3A_111 = arith.index_cast %add3A_104 : i32 to index
      %get3A_112 = arith.constant 16 : index
      %get3A_113 = tpu.vector_load %arg9[%get3A_111, %get3A_112] {strides = array<i32>} : memref<256x64xf32, #tpu.memory_space<vmem>>, vector<16xf32>,
      %get3A_114 = arith.index_cast %add3A_104 : i32 to index
      %get3A_115 = arith.constant 16 : index
      %get3A_116 = tpu.vector_load %arg10[%get3A_114, %get3A_115] {strides = array<i32>} : memref<256x64xf32, #tpu.memory_space<vmem>>, vector<16xf32>,
      %mul3A_117 = arith.mulf %get3A_113, %get3A_116 : vector<16xf32>
      %add3A_118 = arith.addf %mul3A_110, %mul3A_117 : vector<16xf32>
      %get3A_119 = arith.index_cast %add3A_104 : i32 to index
      %get3A_120 = arith.constant 32 : index
      %get3A_121 = tpu.vector_load %arg9[%get3A_119, %get3A_120] {strides = array<i32>} : memref<256x64xf32, #tpu.memory_space<vmem>>, vector<16xf32>,
      %get3A_122 = arith.index_cast %add3A_104 : i32 to index
      %get3A_123 = arith.constant 32 : index
      %get3A_124 = tpu.vector_load %arg10[%get3A_122, %get3A_123] {strides = array<i32>} : memref<256x64xf32, #tpu.memory_space<vmem>>, vector<16xf32>,
      %mul3A_125 = arith.mulf %get3A_121, %get3A_124 : vector<16xf32>
      %add3A_126 = arith.addf %add3A_118, %mul3A_125 : vector<16xf32>
      %get3A_127 = arith.index_cast %add3A_104 : i32 to index
      %get3A_128 = arith.constant 48 : index
      %get3A_129 = tpu.vector_load %arg9[%get3A_127, %get3A_128] {strides = array<i32>} : memref<256x64xf32, #tpu.memory_space<vmem>>, vector<16xf32>,
      %get3A_130 = arith.index_cast %add3A_104 : i32 to index
      %get3A_131 = arith.constant 48 : index
      %get3A_132 = tpu.vector_load %arg10[%get3A_130, %get3A_131] {strides = array<i32>} : memref<256x64xf32, #tpu.memory_space<vmem>>, vector<16xf32>,
      %mul3A_133 = arith.mulf %get3A_129, %get3A_132 : vector<16xf32>
      %add3A_134 = arith.addf %add3A_126, %mul3A_133 : vector<16xf32>
      %eq3A_135 = arith.constant 0 : i32
      %eq3A_136 = vector.broadcast %eq3A_135 : i32 to vector<16xi32>
      %eq3A_137 = arith.cmpi eq, %iota3A, %eq3A_136 : vector<16xi32>
      %reduce_sum3A = arith.constant true
      %reduce_sum3A_138 = vector.broadcast %reduce_sum3A : i1 to vector<16xi1>
      %reduce_sum3A_139 = tpu.scan <sum>, %add3A_134 masked %reduce_sum3A_138 : vector<16xf32>, vector<16xi1> -> vector<16xf32>
      %reduce_sum3A_140 = vector.extract %reduce_sum3A_139[15] : f32 from vector<16xf32>
      %broadcast_in_dim3A_141 = vector.broadcast %reduce_sum3A_140 : f32 to vector<16xf32>
      %select_n3A_142 = arith.select %eq3A_137, %broadcast_in_dim3A_141, %broadcast_in_dim3A_102 : vector<16xi1>, vector<16xf32>
      %add3A_143 = arith.constant 1 : i32
      %add3A_144 = arith.addi %mul3A_101, %add3A_143 : i32
      %get3A_145 = arith.index_cast %add3A_144 : i32 to index
      %get3A_146 = arith.constant 0 : index
      %get3A_147 = tpu.vector_load %arg9[%get3A_145, %get3A_146] {strides = array<i32>} : memref<256x64xf32, #tpu.memory_space<vmem>>, vector<16xf32>,
      %get3A_148 = arith.index_cast %add3A_144 : i32 to index
      %get3A_149 = arith.constant 0 : index
      %get3A_150 = tpu.vector_load %arg10[%get3A_148, %get3A_149] {strides = array<i32>} : memref<256x64xf32, #tpu.memory_space<vmem>>, vector<16xf32>,
      %mul3A_151 = arith.mulf %get3A_147, %get3A_150 : vector<16xf32>
      %get3A_152 = arith.index_cast %add3A_144 : i32 to index
      %get3A_153 = arith.constant 16 : index
      %get3A_154 = tpu.vector_load %arg9[%get3A_152, %get3A_153] {strides = array<i32>} : memref<256x64xf32, #tpu.memory_space<vmem>>, vector<16xf32>,
      %get3A_155 = arith.index_cast %add3A_144 : i32 to index
      %get3A_156 = arith.constant 16 : index
      %get3A_157 = tpu.vector_load %arg10[%get3A_155, %get3A_156] {strides = array<i32>} : memref<256x64xf32, #tpu.memory_space<vmem>>, vector<16xf32>,
      %mul3A_158 = arith.mulf %get3A_154, %get3A_157 : vector<16xf32>
      %add3A_159 = arith.addf %mul3A_151, %mul3A_158 : vector<16xf32>
      %get3A_160 = arith.index_cast %add3A_144 : i32 to index
      %get3A_161 = arith.constant 32 : index
      %get3A_162 = tpu.vector_load %arg9[%get3A_160, %get3A_161] {strides = array<i32>} : memref<256x64xf32, #tpu.memory_space<vmem>>, vector<16xf32>,
      %get3A_163 = arith.index_cast %add3A_144 : i32 to index
      %get3A_164 = arith.constant 32 : index
      %get3A_165 = tpu.vector_load %arg10[%get3A_163, %get3A_164] {strides = array<i32>} : memref<256x64xf32, #tpu.memory_space<vmem>>, vector<16xf32>,
      %mul3A_166 = arith.mulf %get3A_162, %get3A_165 : vector<16xf32>
      %add3A_167 = arith.addf %add3A_159, %mul3A_166 : vector<16xf32>
      %get3A_168 = arith.index_cast %add3A_144 : i32 to index
      %get3A_169 = arith.constant 48 : index
      %get3A_170 = tpu.vector_load %arg9[%get3A_168, %get3A_169] {strides = array<i32>} : memref<256x64xf32, #tpu.memory_space<vmem>>, vector<16xf32>,
      %get3A_171 = arith.index_cast %add3A_144 : i32 to index
      %get3A_172 = arith.constant 48 : index
      %get3A_173 = tpu.vector_load %arg10[%get3A_171, %get3A_172] {strides = array<i32>} : memref<256x64xf32, #tpu.memory_space<vmem>>, vector<16xf32>,
      %mul3A_174 = arith.mulf %get3A_170, %get3A_173 : vector<16xf32>
      %add3A_175 = arith.addf %add3A_167, %mul3A_174 : vector<16xf32>
      %eq3A_176 = arith.constant 1 : i32
      %eq3A_177 = vector.broadcast %eq3A_176 : i32 to vector<16xi32>
      %eq3A_178 = arith.cmpi eq, %iota3A, %eq3A_177 : vector<16xi32>
      %reduce_sum3A_179 = arith.constant true
      %reduce_sum3A_180 = vector.broadcast %reduce_sum3A_179 : i1 to vector<16xi1>
      %reduce_sum3A_181 = tpu.scan <sum>, %add3A_175 masked %reduce_sum3A_180 : vector<16xf32>, vector<16xi1> -> vector<16xf32>
      %reduce_sum3A_182 = vector.extract %reduce_sum3A_181[15] : f32 from vector<16xf32>
      %broadcast_in_dim3A_183 = vector.broadcast %reduce_sum3A_182 : f32 to vector<16xf32>
      %select_n3A_184 = arith.select %eq3A_178, %broadcast_in_dim3A_183, %select_n3A_142 : vector<16xi1>, vector<16xf32>
      %add3A_185 = arith.constant 2 : i32
      %add3A_186 = arith.addi %mul3A_101, %add3A_185 : i32
      %get3A_187 = arith.index_cast %add3A_186 : i32 to index
      %get3A_188 = arith.constant 0 : index
      %get3A_189 = tpu.vector_load %arg9[%get3A_187, %get3A_188] {strides = array<i32>} : memref<256x64xf32, #tpu.memory_space<vmem>>, vector<16xf32>,
      %get3A_190 = arith.index_cast %add3A_186 : i32 to index
      %get3A_191 = arith.constant 0 : index
      %get3A_192 = tpu.vector_load %arg10[%get3A_190, %get3A_191] {strides = array<i32>} : memref<256x64xf32, #tpu.memory_space<vmem>>, vector<16xf32>,
      %mul3A_193 = arith.mulf %get3A_189, %get3A_192 : vector<16xf32>
      %get3A_194 = arith.index_cast %add3A_186 : i32 to index
      %get3A_195 = arith.constant 16 : index
      %get3A_196 = tpu.vector_load %arg9[%get3A_194, %get3A_195] {strides = array<i32>} : memref<256x64xf32, #tpu.memory_space<vmem>>, vector<16xf32>,
      %get3A_197 = arith.index_cast %add3A_186 : i32 to index
      %get3A_198 = arith.constant 16 : index
      %get3A_199 = tpu.vector_load %arg10[%get3A_197, %get3A_198] {strides = array<i32>} : memref<256x64xf32, #tpu.memory_space<vmem>>, vector<16xf32>,
      %mul3A_200 = arith.mulf %get3A_196, %get3A_199 : vector<16xf32>
      %add3A_201 = arith.addf %mul3A_193, %mul3A_200 : vector<16xf32>
      %get3A_202 = arith.index_cast %add3A_186 : i32 to index
      %get3A_203 = arith.constant 32 : index
      %get3A_204 = tpu.vector_load %arg9[%get3A_202, %get3A_203] {strides = array<i32>} : memref<256x64xf32, #tpu.memory_space<vmem>>, vector<16xf32>,
      %get3A_205 = arith.index_cast %add3A_186 : i32 to index
      %get3A_206 = arith.constant 32 : index
      %get3A_207 = tpu.vector_load %arg10[%get3A_205, %get3A_206] {strides = array<i32>} : memref<256x64xf32, #tpu.memory_space<vmem>>, vector<16xf32>,
      %mul3A_208 = arith.mulf %get3A_204, %get3A_207 : vector<16xf32>
      %add3A_209 = arith.addf %add3A_201, %mul3A_208 : vector<16xf32>
      %get3A_210 = arith.index_cast %add3A_186 : i32 to index
      %get3A_211 = arith.constant 48 : index
      %get3A_212 = tpu.vector_load %arg9[%get3A_210, %get3A_211] {strides = array<i32>} : memref<256x64xf32, #tpu.memory_space<vmem>>, vector<16xf32>,
      %get3A_213 = arith.index_cast %add3A_186 : i32 to index
      %get3A_214 = arith.constant 48 : index
      %get3A_215 = tpu.vector_load %arg10[%get3A_213, %get3A_214] {strides = array<i32>} : memref<256x64xf32, #tpu.memory_space<vmem>>, vector<16xf32>,
      %mul3A_216 = arith.mulf %get3A_212, %get3A_215 : vector<16xf32>
      %add3A_217 = arith.addf %add3A_209, %mul3A_216 : vector<16xf32>
      %eq3A_218 = arith.constant 2 : i32
      %eq3A_219 = vector.broadcast %eq3A_218 : i32 to vector<16xi32>
      %eq3A_220 = arith.cmpi eq, %iota3A, %eq3A_219 : vector<16xi32>
      %reduce_sum3A_221 = arith.constant true
      %reduce_sum3A_222 = vector.broadcast %reduce_sum3A_221 : i1 to vector<16xi1>
      %reduce_sum3A_223 = tpu.scan <sum>, %add3A_217 masked %reduce_sum3A_222 : vector<16xf32>, vector<16xi1> -> vector<16xf32>
      %reduce_sum3A_224 = vector.extract %reduce_sum3A_223[15] : f32 from vector<16xf32>
      %broadcast_in_dim3A_225 = vector.broadcast %reduce_sum3A_224 : f32 to vector<16xf32>
      %select_n3A_226 = arith.select %eq3A_220, %broadcast_in_dim3A_225, %select_n3A_184 : vector<16xi1>, vector<16xf32>
      %add3A_227 = arith.constant 3 : i32
      %add3A_228 = arith.addi %mul3A_101, %add3A_227 : i32
      %get3A_229 = arith.index_cast %add3A_228 : i32 to index
      %get3A_230 = arith.constant 0 : index
      %get3A_231 = tpu.vector_load %arg9[%get3A_229, %get3A_230] {strides = array<i32>} : memref<256x64xf32, #tpu.memory_space<vmem>>, vector<16xf32>,
      %get3A_232 = arith.index_cast %add3A_228 : i32 to index
      %get3A_233 = arith.constant 0 : index
      %get3A_234 = tpu.vector_load %arg10[%get3A_232, %get3A_233] {strides = array<i32>} : memref<256x64xf32, #tpu.memory_space<vmem>>, vector<16xf32>,
      %mul3A_235 = arith.mulf %get3A_231, %get3A_234 : vector<16xf32>
      %get3A_236 = arith.index_cast %add3A_228 : i32 to index
      %get3A_237 = arith.constant 16 : index
      %get3A_238 = tpu.vector_load %arg9[%get3A_236, %get3A_237] {strides = array<i32>} : memref<256x64xf32, #tpu.memory_space<vmem>>, vector<16xf32>,
      %get3A_239 = arith.index_cast %add3A_228 : i32 to index
      %get3A_240 = arith.constant 16 : index
      %get3A_241 = tpu.vector_load %arg10[%get3A_239, %get3A_240] {strides = array<i32>} : memref<256x64xf32, #tpu.memory_space<vmem>>, vector<16xf32>,
      %mul3A_242 = arith.mulf %get3A_238, %get3A_241 : vector<16xf32>
      %add3A_243 = arith.addf %mul3A_235, %mul3A_242 : vector<16xf32>
      %get3A_244 = arith.index_cast %add3A_228 : i32 to index
      %get3A_245 = arith.constant 32 : index
      %get3A_246 = tpu.vector_load %arg9[%get3A_244, %get3A_245] {strides = array<i32>} : memref<256x64xf32, #tpu.memory_space<vmem>>, vector<16xf32>,
      %get3A_247 = arith.index_cast %add3A_228 : i32 to index
      %get3A_248 = arith.constant 32 : index
      %get3A_249 = tpu.vector_load %arg10[%get3A_247, %get3A_248] {strides = array<i32>} : memref<256x64xf32, #tpu.memory_space<vmem>>, vector<16xf32>,
      %mul3A_250 = arith.mulf %get3A_246, %get3A_249 : vector<16xf32>
      %add3A_251 = arith.addf %add3A_243, %mul3A_250 : vector<16xf32>
      %get3A_252 = arith.index_cast %add3A_228 : i32 to index
      %get3A_253 = arith.constant 48 : index
      %get3A_254 = tpu.vector_load %arg9[%get3A_252, %get3A_253] {strides = array<i32>} : memref<256x64xf32, #tpu.memory_space<vmem>>, vector<16xf32>,
      %get3A_255 = arith.index_cast %add3A_228 : i32 to index
      %get3A_256 = arith.constant 48 : index
      %get3A_257 = tpu.vector_load %arg10[%get3A_255, %get3A_256] {strides = array<i32>} : memref<256x64xf32, #tpu.memory_space<vmem>>, vector<16xf32>,
      %mul3A_258 = arith.mulf %get3A_254, %get3A_257 : vector<16xf32>
      %add3A_259 = arith.addf %add3A_251, %mul3A_258 : vector<16xf32>
      %eq3A_260 = arith.constant 3 : i32
      %eq3A_261 = vector.broadcast %eq3A_260 : i32 to vector<16xi32>
      %eq3A_262 = arith.cmpi eq, %iota3A, %eq3A_261 : vector<16xi32>
      %reduce_sum3A_263 = arith.constant true
      %reduce_sum3A_264 = vector.broadcast %reduce_sum3A_263 : i1 to vector<16xi1>
      %reduce_sum3A_265 = tpu.scan <sum>, %add3A_259 masked %reduce_sum3A_264 : vector<16xf32>, vector<16xi1> -> vector<16xf32>
      %reduce_sum3A_266 = vector.extract %reduce_sum3A_265[15] : f32 from vector<16xf32>
      %broadcast_in_dim3A_267 = vector.broadcast %reduce_sum3A_266 : f32 to vector<16xf32>
      %select_n3A_268 = arith.select %eq3A_262, %broadcast_in_dim3A_267, %select_n3A_226 : vector<16xi1>, vector<16xf32>
      %add3A_269 = arith.constant 4 : i32
      %add3A_270 = arith.addi %mul3A_101, %add3A_269 : i32
      %get3A_271 = arith.index_cast %add3A_270 : i32 to index
      %get3A_272 = arith.constant 0 : index
      %get3A_273 = tpu.vector_load %arg9[%get3A_271, %get3A_272] {strides = array<i32>} : memref<256x64xf32, #tpu.memory_space<vmem>>, vector<16xf32>,
      %get3A_274 = arith.index_cast %add3A_270 : i32 to index
      %get3A_275 = arith.constant 0 : index
      %get3A_276 = tpu.vector_load %arg10[%get3A_274, %get3A_275] {strides = array<i32>} : memref<256x64xf32, #tpu.memory_space<vmem>>, vector<16xf32>,
      %mul3A_277 = arith.mulf %get3A_273, %get3A_276 : vector<16xf32>
      %get3A_278 = arith.index_cast %add3A_270 : i32 to index
      %get3A_279 = arith.constant 16 : index
      %get3A_280 = tpu.vector_load %arg9[%get3A_278, %get3A_279] {strides = array<i32>} : memref<256x64xf32, #tpu.memory_space<vmem>>, vector<16xf32>,
      %get3A_281 = arith.index_cast %add3A_270 : i32 to index
      %get3A_282 = arith.constant 16 : index
      %get3A_283 = tpu.vector_load %arg10[%get3A_281, %get3A_282] {strides = array<i32>} : memref<256x64xf32, #tpu.memory_space<vmem>>, vector<16xf32>,
      %mul3A_284 = arith.mulf %get3A_280, %get3A_283 : vector<16xf32>
      %add3A_285 = arith.addf %mul3A_277, %mul3A_284 : vector<16xf32>
      %get3A_286 = arith.index_cast %add3A_270 : i32 to index
      %get3A_287 = arith.constant 32 : index
      %get3A_288 = tpu.vector_load %arg9[%get3A_286, %get3A_287] {strides = array<i32>} : memref<256x64xf32, #tpu.memory_space<vmem>>, vector<16xf32>,
      %get3A_289 = arith.index_cast %add3A_270 : i32 to index
      %get3A_290 = arith.constant 32 : index
      %get3A_291 = tpu.vector_load %arg10[%get3A_289, %get3A_290] {strides = array<i32>} : memref<256x64xf32, #tpu.memory_space<vmem>>, vector<16xf32>,
      %mul3A_292 = arith.mulf %get3A_288, %get3A_291 : vector<16xf32>
      %add3A_293 = arith.addf %add3A_285, %mul3A_292 : vector<16xf32>
      %get3A_294 = arith.index_cast %add3A_270 : i32 to index
      %get3A_295 = arith.constant 48 : index
      %get3A_296 = tpu.vector_load %arg9[%get3A_294, %get3A_295] {strides = array<i32>} : memref<256x64xf32, #tpu.memory_space<vmem>>, vector<16xf32>,
      %get3A_297 = arith.index_cast %add3A_270 : i32 to index
      %get3A_298 = arith.constant 48 : index
      %get3A_299 = tpu.vector_load %arg10[%get3A_297, %get3A_298] {strides = array<i32>} : memref<256x64xf32, #tpu.memory_space<vmem>>, vector<16xf32>,
      %mul3A_300 = arith.mulf %get3A_296, %get3A_299 : vector<16xf32>
      %add3A_301 = arith.addf %add3A_293, %mul3A_300 : vector<16xf32>
      %eq3A_302 = arith.constant 4 : i32
      %eq3A_303 = vector.broadcast %eq3A_302 : i32 to vector<16xi32>
      %eq3A_304 = arith.cmpi eq, %iota3A, %eq3A_303 : vector<16xi32>
      %reduce_sum3A_305 = arith.constant true
      %reduce_sum3A_306 = vector.broadcast %reduce_sum3A_305 : i1 to vector<16xi1>
      %reduce_sum3A_307 = tpu.scan <sum>, %add3A_301 masked %reduce_sum3A_306 : vector<16xf32>, vector<16xi1> -> vector<16xf32>
      %reduce_sum3A_308 = vector.extract %reduce_sum3A_307[15] : f32 from vector<16xf32>
      %broadcast_in_dim3A_309 = vector.broadcast %reduce_sum3A_308 : f32 to vector<16xf32>
      %select_n3A_310 = arith.select %eq3A_304, %broadcast_in_dim3A_309, %select_n3A_268 : vector<16xi1>, vector<16xf32>
      %add3A_311 = arith.constant 5 : i32
      %add3A_312 = arith.addi %mul3A_101, %add3A_311 : i32
      %get3A_313 = arith.index_cast %add3A_312 : i32 to index
      %get3A_314 = arith.constant 0 : index
      %get3A_315 = tpu.vector_load %arg9[%get3A_313, %get3A_314] {strides = array<i32>} : memref<256x64xf32, #tpu.memory_space<vmem>>, vector<16xf32>,
      %get3A_316 = arith.index_cast %add3A_312 : i32 to index
      %get3A_317 = arith.constant 0 : index
      %get3A_318 = tpu.vector_load %arg10[%get3A_316, %get3A_317] {strides = array<i32>} : memref<256x64xf32, #tpu.memory_space<vmem>>, vector<16xf32>,
      %mul3A_319 = arith.mulf %get3A_315, %get3A_318 : vector<16xf32>
      %get3A_320 = arith.index_cast %add3A_312 : i32 to index
      %get3A_321 = arith.constant 16 : index
      %get3A_322 = tpu.vector_load %arg9[%get3A_320, %get3A_321] {strides = array<i32>} : memref<256x64xf32, #tpu.memory_space<vmem>>, vector<16xf32>,
      %get3A_323 = arith.index_cast %add3A_312 : i32 to index
      %get3A_324 = arith.constant 16 : index
      %get3A_325 = tpu.vector_load %arg10[%get3A_323, %get3A_324] {strides = array<i32>} : memref<256x64xf32, #tpu.memory_space<vmem>>, vector<16xf32>,
      %mul3A_326 = arith.mulf %get3A_322, %get3A_325 : vector<16xf32>
      %add3A_327 = arith.addf %mul3A_319, %mul3A_326 : vector<16xf32>
      %get3A_328 = arith.index_cast %add3A_312 : i32 to index
      %get3A_329 = arith.constant 32 : index
      %get3A_330 = tpu.vector_load %arg9[%get3A_328, %get3A_329] {strides = array<i32>} : memref<256x64xf32, #tpu.memory_space<vmem>>, vector<16xf32>,
      %get3A_331 = arith.index_cast %add3A_312 : i32 to index
      %get3A_332 = arith.constant 32 : index
      %get3A_333 = tpu.vector_load %arg10[%get3A_331, %get3A_332] {strides = array<i32>} : memref<256x64xf32, #tpu.memory_space<vmem>>, vector<16xf32>,
      %mul3A_334 = arith.mulf %get3A_330, %get3A_333 : vector<16xf32>
      %add3A_335 = arith.addf %add3A_327, %mul3A_334 : vector<16xf32>
      %get3A_336 = arith.index_cast %add3A_312 : i32 to index
      %get3A_337 = arith.constant 48 : index
      %get3A_338 = tpu.vector_load %arg9[%get3A_336, %get3A_337] {strides = array<i32>} : memref<256x64xf32, #tpu.memory_space<vmem>>, vector<16xf32>,
      %get3A_339 = arith.index_cast %add3A_312 : i32 to index
      %get3A_340 = arith.constant 48 : index
      %get3A_341 = tpu.vector_load %arg10[%get3A_339, %get3A_340] {strides = array<i32>} : memref<256x64xf32, #tpu.memory_space<vmem>>, vector<16xf32>,
      %mul3A_342 = arith.mulf %get3A_338, %get3A_341 : vector<16xf32>
      %add3A_343 = arith.addf %add3A_335, %mul3A_342 : vector<16xf32>
      %eq3A_344 = arith.constant 5 : i32
      %eq3A_345 = vector.broadcast %eq3A_344 : i32 to vector<16xi32>
      %eq3A_346 = arith.cmpi eq, %iota3A, %eq3A_345 : vector<16xi32>
      %reduce_sum3A_347 = arith.constant true
      %reduce_sum3A_348 = vector.broadcast %reduce_sum3A_347 : i1 to vector<16xi1>
      %reduce_sum3A_349 = tpu.scan <sum>, %add3A_343 masked %reduce_sum3A_348 : vector<16xf32>, vector<16xi1> -> vector<16xf32>
      %reduce_sum3A_350 = vector.extract %reduce_sum3A_349[15] : f32 from vector<16xf32>
      %broadcast_in_dim3A_351 = vector.broadcast %reduce_sum3A_350 : f32 to vector<16xf32>
      %select_n3A_352 = arith.select %eq3A_346, %broadcast_in_dim3A_351, %select_n3A_310 : vector<16xi1>, vector<16xf32>
      %add3A_353 = arith.constant 6 : i32
      %add3A_354 = arith.addi %mul3A_101, %add3A_353 : i32
      %get3A_355 = arith.index_cast %add3A_354 : i32 to index
      %get3A_356 = arith.constant 0 : index
      %get3A_357 = tpu.vector_load %arg9[%get3A_355, %get3A_356] {strides = array<i32>} : memref<256x64xf32, #tpu.memory_space<vmem>>, vector<16xf32>,
      %get3A_358 = arith.index_cast %add3A_354 : i32 to index
      %get3A_359 = arith.constant 0 : index
      %get3A_360 = tpu.vector_load %arg10[%get3A_358, %get3A_359] {strides = array<i32>} : memref<256x64xf32, #tpu.memory_space<vmem>>, vector<16xf32>,
      %mul3A_361 = arith.mulf %get3A_357, %get3A_360 : vector<16xf32>
      %get3A_362 = arith.index_cast %add3A_354 : i32 to index
      %get3A_363 = arith.constant 16 : index
      %get3A_364 = tpu.vector_load %arg9[%get3A_362, %get3A_363] {strides = array<i32>} : memref<256x64xf32, #tpu.memory_space<vmem>>, vector<16xf32>,
      %get3A_365 = arith.index_cast %add3A_354 : i32 to index
      %get3A_366 = arith.constant 16 : index
      %get3A_367 = tpu.vector_load %arg10[%get3A_365, %get3A_366] {strides = array<i32>} : memref<256x64xf32, #tpu.memory_space<vmem>>, vector<16xf32>,
      %mul3A_368 = arith.mulf %get3A_364, %get3A_367 : vector<16xf32>
      %add3A_369 = arith.addf %mul3A_361, %mul3A_368 : vector<16xf32>
      %get3A_370 = arith.index_cast %add3A_354 : i32 to index
      %get3A_371 = arith.constant 32 : index
      %get3A_372 = tpu.vector_load %arg9[%get3A_370, %get3A_371] {strides = array<i32>} : memref<256x64xf32, #tpu.memory_space<vmem>>, vector<16xf32>,
      %get3A_373 = arith.index_cast %add3A_354 : i32 to index
      %get3A_374 = arith.constant 32 : index
      %get3A_375 = tpu.vector_load %arg10[%get3A_373, %get3A_374] {strides = array<i32>} : memref<256x64xf32, #tpu.memory_space<vmem>>, vector<16xf32>,
      %mul3A_376 = arith.mulf %get3A_372, %get3A_375 : vector<16xf32>
      %add3A_377 = arith.addf %add3A_369, %mul3A_376 : vector<16xf32>
      %get3A_378 = arith.index_cast %add3A_354 : i32 to index
      %get3A_379 = arith.constant 48 : index
      %get3A_380 = tpu.vector_load %arg9[%get3A_378, %get3A_379] {strides = array<i32>} : memref<256x64xf32, #tpu.memory_space<vmem>>, vector<16xf32>,
      %get3A_381 = arith.index_cast %add3A_354 : i32 to index
      %get3A_382 = arith.constant 48 : index
      %get3A_383 = tpu.vector_load %arg10[%get3A_381, %get3A_382] {strides = array<i32>} : memref<256x64xf32, #tpu.memory_space<vmem>>, vector<16xf32>,
      %mul3A_384 = arith.mulf %get3A_380, %get3A_383 : vector<16xf32>
      %add3A_385 = arith.addf %add3A_377, %mul3A_384 : vector<16xf32>
      %eq3A_386 = arith.constant 6 : i32
      %eq3A_387 = vector.broadcast %eq3A_386 : i32 to vector<16xi32>
      %eq3A_388 = arith.cmpi eq, %iota3A, %eq3A_387 : vector<16xi32>
      %reduce_sum3A_389 = arith.constant true
      %reduce_sum3A_390 = vector.broadcast %reduce_sum3A_389 : i1 to vector<16xi1>
      %reduce_sum3A_391 = tpu.scan <sum>, %add3A_385 masked %reduce_sum3A_390 : vector<16xf32>, vector<16xi1> -> vector<16xf32>
      %reduce_sum3A_392 = vector.extract %reduce_sum3A_391[15] : f32 from vector<16xf32>
      %broadcast_in_dim3A_393 = vector.broadcast %reduce_sum3A_392 : f32 to vector<16xf32>
      %select_n3A_394 = arith.select %eq3A_388, %broadcast_in_dim3A_393, %select_n3A_352 : vector<16xi1>, vector<16xf32>
      %add3A_395 = arith.constant 7 : i32
      %add3A_396 = arith.addi %mul3A_101, %add3A_395 : i32
      %get3A_397 = arith.index_cast %add3A_396 : i32 to index
      %get3A_398 = arith.constant 0 : index
      %get3A_399 = tpu.vector_load %arg9[%get3A_397, %get3A_398] {strides = array<i32>} : memref<256x64xf32, #tpu.memory_space<vmem>>, vector<16xf32>,
      %get3A_400 = arith.index_cast %add3A_396 : i32 to index
      %get3A_401 = arith.constant 0 : index
      %get3A_402 = tpu.vector_load %arg10[%get3A_400, %get3A_401] {strides = array<i32>} : memref<256x64xf32, #tpu.memory_space<vmem>>, vector<16xf32>,
      %mul3A_403 = arith.mulf %get3A_399, %get3A_402 : vector<16xf32>
      %get3A_404 = arith.index_cast %add3A_396 : i32 to index
      %get3A_405 = arith.constant 16 : index
      %get3A_406 = tpu.vector_load %arg9[%get3A_404, %get3A_405] {strides = array<i32>} : memref<256x64xf32, #tpu.memory_space<vmem>>, vector<16xf32>,
      %get3A_407 = arith.index_cast %add3A_396 : i32 to index
      %get3A_408 = arith.constant 16 : index
      %get3A_409 = tpu.vector_load %arg10[%get3A_407, %get3A_408] {strides = array<i32>} : memref<256x64xf32, #tpu.memory_space<vmem>>, vector<16xf32>,
      %mul3A_410 = arith.mulf %get3A_406, %get3A_409 : vector<16xf32>
      %add3A_411 = arith.addf %mul3A_403, %mul3A_410 : vector<16xf32>
      %get3A_412 = arith.index_cast %add3A_396 : i32 to index
      %get3A_413 = arith.constant 32 : index
      %get3A_414 = tpu.vector_load %arg9[%get3A_412, %get3A_413] {strides = array<i32>} : memref<256x64xf32, #tpu.memory_space<vmem>>, vector<16xf32>,
      %get3A_415 = arith.index_cast %add3A_396 : i32 to index
      %get3A_416 = arith.constant 32 : index
      %get3A_417 = tpu.vector_load %arg10[%get3A_415, %get3A_416] {strides = array<i32>} : memref<256x64xf32, #tpu.memory_space<vmem>>, vector<16xf32>,
      %mul3A_418 = arith.mulf %get3A_414, %get3A_417 : vector<16xf32>
      %add3A_419 = arith.addf %add3A_411, %mul3A_418 : vector<16xf32>
      %get3A_420 = arith.index_cast %add3A_396 : i32 to index
      %get3A_421 = arith.constant 48 : index
      %get3A_422 = tpu.vector_load %arg9[%get3A_420, %get3A_421] {strides = array<i32>} : memref<256x64xf32, #tpu.memory_space<vmem>>, vector<16xf32>,
      %get3A_423 = arith.index_cast %add3A_396 : i32 to index
      %get3A_424 = arith.constant 48 : index
      %get3A_425 = tpu.vector_load %arg10[%get3A_423, %get3A_424] {strides = array<i32>} : memref<256x64xf32, #tpu.memory_space<vmem>>, vector<16xf32>,
      %mul3A_426 = arith.mulf %get3A_422, %get3A_425 : vector<16xf32>
      %add3A_427 = arith.addf %add3A_419, %mul3A_426 : vector<16xf32>
      %eq3A_428 = arith.constant 7 : i32
      %eq3A_429 = vector.broadcast %eq3A_428 : i32 to vector<16xi32>
      %eq3A_430 = arith.cmpi eq, %iota3A, %eq3A_429 : vector<16xi32>
      %reduce_sum3A_431 = arith.constant true
      %reduce_sum3A_432 = vector.broadcast %reduce_sum3A_431 : i1 to vector<16xi1>
      %reduce_sum3A_433 = tpu.scan <sum>, %add3A_427 masked %reduce_sum3A_432 : vector<16xf32>, vector<16xi1> -> vector<16xf32>
      %reduce_sum3A_434 = vector.extract %reduce_sum3A_433[15] : f32 from vector<16xf32>
      %broadcast_in_dim3A_435 = vector.broadcast %reduce_sum3A_434 : f32 to vector<16xf32>
      %select_n3A_436 = arith.select %eq3A_430, %broadcast_in_dim3A_435, %select_n3A_394 : vector<16xi1>, vector<16xf32>
      %add3A_437 = arith.constant 8 : i32
      %add3A_438 = arith.addi %mul3A_101, %add3A_437 : i32
      %get3A_439 = arith.index_cast %add3A_438 : i32 to index
      %get3A_440 = arith.constant 0 : index
      %get3A_441 = tpu.vector_load %arg9[%get3A_439, %get3A_440] {strides = array<i32>} : memref<256x64xf32, #tpu.memory_space<vmem>>, vector<16xf32>,
      %get3A_442 = arith.index_cast %add3A_438 : i32 to index
      %get3A_443 = arith.constant 0 : index
      %get3A_444 = tpu.vector_load %arg10[%get3A_442, %get3A_443] {strides = array<i32>} : memref<256x64xf32, #tpu.memory_space<vmem>>, vector<16xf32>,
      %mul3A_445 = arith.mulf %get3A_441, %get3A_444 : vector<16xf32>
      %get3A_446 = arith.index_cast %add3A_438 : i32 to index
      %get3A_447 = arith.constant 16 : index
      %get3A_448 = tpu.vector_load %arg9[%get3A_446, %get3A_447] {strides = array<i32>} : memref<256x64xf32, #tpu.memory_space<vmem>>, vector<16xf32>,
      %get3A_449 = arith.index_cast %add3A_438 : i32 to index
      %get3A_450 = arith.constant 16 : index
      %get3A_451 = tpu.vector_load %arg10[%get3A_449, %get3A_450] {strides = array<i32>} : memref<256x64xf32, #tpu.memory_space<vmem>>, vector<16xf32>,
      %mul3A_452 = arith.mulf %get3A_448, %get3A_451 : vector<16xf32>
      %add3A_453 = arith.addf %mul3A_445, %mul3A_452 : vector<16xf32>
      %get3A_454 = arith.index_cast %add3A_438 : i32 to index
      %get3A_455 = arith.constant 32 : index
      %get3A_456 = tpu.vector_load %arg9[%get3A_454, %get3A_455] {strides = array<i32>} : memref<256x64xf32, #tpu.memory_space<vmem>>, vector<16xf32>,
      %get3A_457 = arith.index_cast %add3A_438 : i32 to index
      %get3A_458 = arith.constant 32 : index
      %get3A_459 = tpu.vector_load %arg10[%get3A_457, %get3A_458] {strides = array<i32>} : memref<256x64xf32, #tpu.memory_space<vmem>>, vector<16xf32>,
      %mul3A_460 = arith.mulf %get3A_456, %get3A_459 : vector<16xf32>
      %add3A_461 = arith.addf %add3A_453, %mul3A_460 : vector<16xf32>
      %get3A_462 = arith.index_cast %add3A_438 : i32 to index
      %get3A_463 = arith.constant 48 : index
      %get3A_464 = tpu.vector_load %arg9[%get3A_462, %get3A_463] {strides = array<i32>} : memref<256x64xf32, #tpu.memory_space<vmem>>, vector<16xf32>,
      %get3A_465 = arith.index_cast %add3A_438 : i32 to index
      %get3A_466 = arith.constant 48 : index
      %get3A_467 = tpu.vector_load %arg10[%get3A_465, %get3A_466] {strides = array<i32>} : memref<256x64xf32, #tpu.memory_space<vmem>>, vector<16xf32>,
      %mul3A_468 = arith.mulf %get3A_464, %get3A_467 : vector<16xf32>
      %add3A_469 = arith.addf %add3A_461, %mul3A_468 : vector<16xf32>
      %eq3A_470 = arith.constant 8 : i32
      %eq3A_471 = vector.broadcast %eq3A_470 : i32 to vector<16xi32>
      %eq3A_472 = arith.cmpi eq, %iota3A, %eq3A_471 : vector<16xi32>
      %reduce_sum3A_473 = arith.constant true
      %reduce_sum3A_474 = vector.broadcast %reduce_sum3A_473 : i1 to vector<16xi1>
      %reduce_sum3A_475 = tpu.scan <sum>, %add3A_469 masked %reduce_sum3A_474 : vector<16xf32>, vector<16xi1> -> vector<16xf32>
      %reduce_sum3A_476 = vector.extract %reduce_sum3A_475[15] : f32 from vector<16xf32>
      %broadcast_in_dim3A_477 = vector.broadcast %reduce_sum3A_476 : f32 to vector<16xf32>
      %select_n3A_478 = arith.select %eq3A_472, %broadcast_in_dim3A_477, %select_n3A_436 : vector<16xi1>, vector<16xf32>
      %add3A_479 = arith.constant 9 : i32
      %add3A_480 = arith.addi %mul3A_101, %add3A_479 : i32
      %get3A_481 = arith.index_cast %add3A_480 : i32 to index
      %get3A_482 = arith.constant 0 : index
      %get3A_483 = tpu.vector_load %arg9[%get3A_481, %get3A_482] {strides = array<i32>} : memref<256x64xf32, #tpu.memory_space<vmem>>, vector<16xf32>,
      %get3A_484 = arith.index_cast %add3A_480 : i32 to index
      %get3A_485 = arith.constant 0 : index
      %get3A_486 = tpu.vector_load %arg10[%get3A_484, %get3A_485] {strides = array<i32>} : memref<256x64xf32, #tpu.memory_space<vmem>>, vector<16xf32>,
      %mul3A_487 = arith.mulf %get3A_483, %get3A_486 : vector<16xf32>
      %get3A_488 = arith.index_cast %add3A_480 : i32 to index
      %get3A_489 = arith.constant 16 : index
      %get3A_490 = tpu.vector_load %arg9[%get3A_488, %get3A_489] {strides = array<i32>} : memref<256x64xf32, #tpu.memory_space<vmem>>, vector<16xf32>,
      %get3A_491 = arith.index_cast %add3A_480 : i32 to index
      %get3A_492 = arith.constant 16 : index
      %get3A_493 = tpu.vector_load %arg10[%get3A_491, %get3A_492] {strides = array<i32>} : memref<256x64xf32, #tpu.memory_space<vmem>>, vector<16xf32>,
      %mul3A_494 = arith.mulf %get3A_490, %get3A_493 : vector<16xf32>
      %add3A_495 = arith.addf %mul3A_487, %mul3A_494 : vector<16xf32>
      %get3A_496 = arith.index_cast %add3A_480 : i32 to index
      %get3A_497 = arith.constant 32 : index
      %get3A_498 = tpu.vector_load %arg9[%get3A_496, %get3A_497] {strides = array<i32>} : memref<256x64xf32, #tpu.memory_space<vmem>>, vector<16xf32>,
      %get3A_499 = arith.index_cast %add3A_480 : i32 to index
      %get3A_500 = arith.constant 32 : index
      %get3A_501 = tpu.vector_load %arg10[%get3A_499, %get3A_500] {strides = array<i32>} : memref<256x64xf32, #tpu.memory_space<vmem>>, vector<16xf32>,
      %mul3A_502 = arith.mulf %get3A_498, %get3A_501 : vector<16xf32>
      %add3A_503 = arith.addf %add3A_495, %mul3A_502 : vector<16xf32>
      %get3A_504 = arith.index_cast %add3A_480 : i32 to index
      %get3A_505 = arith.constant 48 : index
      %get3A_506 = tpu.vector_load %arg9[%get3A_504, %get3A_505] {strides = array<i32>} : memref<256x64xf32, #tpu.memory_space<vmem>>, vector<16xf32>,
      %get3A_507 = arith.index_cast %add3A_480 : i32 to index
      %get3A_508 = arith.constant 48 : index
      %get3A_509 = tpu.vector_load %arg10[%get3A_507, %get3A_508] {strides = array<i32>} : memref<256x64xf32, #tpu.memory_space<vmem>>, vector<16xf32>,
      %mul3A_510 = arith.mulf %get3A_506, %get3A_509 : vector<16xf32>
      %add3A_511 = arith.addf %add3A_503, %mul3A_510 : vector<16xf32>
      %eq3A_512 = arith.constant 9 : i32
      %eq3A_513 = vector.broadcast %eq3A_512 : i32 to vector<16xi32>
      %eq3A_514 = arith.cmpi eq, %iota3A, %eq3A_513 : vector<16xi32>
      %reduce_sum3A_515 = arith.constant true
      %reduce_sum3A_516 = vector.broadcast %reduce_sum3A_515 : i1 to vector<16xi1>
      %reduce_sum3A_517 = tpu.scan <sum>, %add3A_511 masked %reduce_sum3A_516 : vector<16xf32>, vector<16xi1> -> vector<16xf32>
      %reduce_sum3A_518 = vector.extract %reduce_sum3A_517[15] : f32 from vector<16xf32>
      %broadcast_in_dim3A_519 = vector.broadcast %reduce_sum3A_518 : f32 to vector<16xf32>
      %select_n3A_520 = arith.select %eq3A_514, %broadcast_in_dim3A_519, %select_n3A_478 : vector<16xi1>, vector<16xf32>
      %add3A_521 = arith.constant 10 : i32
      %add3A_522 = arith.addi %mul3A_101, %add3A_521 : i32
      %get3A_523 = arith.index_cast %add3A_522 : i32 to index
      %get3A_524 = arith.constant 0 : index
      %get3A_525 = tpu.vector_load %arg9[%get3A_523, %get3A_524] {strides = array<i32>} : memref<256x64xf32, #tpu.memory_space<vmem>>, vector<16xf32>,
      %get3A_526 = arith.index_cast %add3A_522 : i32 to index
      %get3A_527 = arith.constant 0 : index
      %get3A_528 = tpu.vector_load %arg10[%get3A_526, %get3A_527] {strides = array<i32>} : memref<256x64xf32, #tpu.memory_space<vmem>>, vector<16xf32>,
      %mul3A_529 = arith.mulf %get3A_525, %get3A_528 : vector<16xf32>
      %get3A_530 = arith.index_cast %add3A_522 : i32 to index
      %get3A_531 = arith.constant 16 : index
      %get3A_532 = tpu.vector_load %arg9[%get3A_530, %get3A_531] {strides = array<i32>} : memref<256x64xf32, #tpu.memory_space<vmem>>, vector<16xf32>,
      %get3A_533 = arith.index_cast %add3A_522 : i32 to index
      %get3A_534 = arith.constant 16 : index
      %get3A_535 = tpu.vector_load %arg10[%get3A_533, %get3A_534] {strides = array<i32>} : memref<256x64xf32, #tpu.memory_space<vmem>>, vector<16xf32>,
      %mul3A_536 = arith.mulf %get3A_532, %get3A_535 : vector<16xf32>
      %add3A_537 = arith.addf %mul3A_529, %mul3A_536 : vector<16xf32>
      %get3A_538 = arith.index_cast %add3A_522 : i32 to index
      %get3A_539 = arith.constant 32 : index
      %get3A_540 = tpu.vector_load %arg9[%get3A_538, %get3A_539] {strides = array<i32>} : memref<256x64xf32, #tpu.memory_space<vmem>>, vector<16xf32>,
      %get3A_541 = arith.index_cast %add3A_522 : i32 to index
      %get3A_542 = arith.constant 32 : index
      %get3A_543 = tpu.vector_load %arg10[%get3A_541, %get3A_542] {strides = array<i32>} : memref<256x64xf32, #tpu.memory_space<vmem>>, vector<16xf32>,
      %mul3A_544 = arith.mulf %get3A_540, %get3A_543 : vector<16xf32>
      %add3A_545 = arith.addf %add3A_537, %mul3A_544 : vector<16xf32>
      %get3A_546 = arith.index_cast %add3A_522 : i32 to index
      %get3A_547 = arith.constant 48 : index
      %get3A_548 = tpu.vector_load %arg9[%get3A_546, %get3A_547] {strides = array<i32>} : memref<256x64xf32, #tpu.memory_space<vmem>>, vector<16xf32>,
      %get3A_549 = arith.index_cast %add3A_522 : i32 to index
      %get3A_550 = arith.constant 48 : index
      %get3A_551 = tpu.vector_load %arg10[%get3A_549, %get3A_550] {strides = array<i32>} : memref<256x64xf32, #tpu.memory_space<vmem>>, vector<16xf32>,
      %mul3A_552 = arith.mulf %get3A_548, %get3A_551 : vector<16xf32>
      %add3A_553 = arith.addf %add3A_545, %mul3A_552 : vector<16xf32>
      %eq3A_554 = arith.constant 10 : i32
      %eq3A_555 = vector.broadcast %eq3A_554 : i32 to vector<16xi32>
      %eq3A_556 = arith.cmpi eq, %iota3A, %eq3A_555 : vector<16xi32>
      %reduce_sum3A_557 = arith.constant true
      %reduce_sum3A_558 = vector.broadcast %reduce_sum3A_557 : i1 to vector<16xi1>
      %reduce_sum3A_559 = tpu.scan <sum>, %add3A_553 masked %reduce_sum3A_558 : vector<16xf32>, vector<16xi1> -> vector<16xf32>
      %reduce_sum3A_560 = vector.extract %reduce_sum3A_559[15] : f32 from vector<16xf32>
      %broadcast_in_dim3A_561 = vector.broadcast %reduce_sum3A_560 : f32 to vector<16xf32>
      %select_n3A_562 = arith.select %eq3A_556, %broadcast_in_dim3A_561, %select_n3A_520 : vector<16xi1>, vector<16xf32>
      %add3A_563 = arith.constant 11 : i32
      %add3A_564 = arith.addi %mul3A_101, %add3A_563 : i32
      %get3A_565 = arith.index_cast %add3A_564 : i32 to index
      %get3A_566 = arith.constant 0 : index
      %get3A_567 = tpu.vector_load %arg9[%get3A_565, %get3A_566] {strides = array<i32>} : memref<256x64xf32, #tpu.memory_space<vmem>>, vector<16xf32>,
      %get3A_568 = arith.index_cast %add3A_564 : i32 to index
      %get3A_569 = arith.constant 0 : index
      %get3A_570 = tpu.vector_load %arg10[%get3A_568, %get3A_569] {strides = array<i32>} : memref<256x64xf32, #tpu.memory_space<vmem>>, vector<16xf32>,
      %mul3A_571 = arith.mulf %get3A_567, %get3A_570 : vector<16xf32>
      %get3A_572 = arith.index_cast %add3A_564 : i32 to index
      %get3A_573 = arith.constant 16 : index
      %get3A_574 = tpu.vector_load %arg9[%get3A_572, %get3A_573] {strides = array<i32>} : memref<256x64xf32, #tpu.memory_space<vmem>>, vector<16xf32>,
      %get3A_575 = arith.index_cast %add3A_564 : i32 to index
      %get3A_576 = arith.constant 16 : index
      %get3A_577 = tpu.vector_load %arg10[%get3A_575, %get3A_576] {strides = array<i32>} : memref<256x64xf32, #tpu.memory_space<vmem>>, vector<16xf32>,
      %mul3A_578 = arith.mulf %get3A_574, %get3A_577 : vector<16xf32>
      %add3A_579 = arith.addf %mul3A_571, %mul3A_578 : vector<16xf32>
      %get3A_580 = arith.index_cast %add3A_564 : i32 to index
      %get3A_581 = arith.constant 32 : index
      %get3A_582 = tpu.vector_load %arg9[%get3A_580, %get3A_581] {strides = array<i32>} : memref<256x64xf32, #tpu.memory_space<vmem>>, vector<16xf32>,
      %get3A_583 = arith.index_cast %add3A_564 : i32 to index
      %get3A_584 = arith.constant 32 : index
      %get3A_585 = tpu.vector_load %arg10[%get3A_583, %get3A_584] {strides = array<i32>} : memref<256x64xf32, #tpu.memory_space<vmem>>, vector<16xf32>,
      %mul3A_586 = arith.mulf %get3A_582, %get3A_585 : vector<16xf32>
      %add3A_587 = arith.addf %add3A_579, %mul3A_586 : vector<16xf32>
      %get3A_588 = arith.index_cast %add3A_564 : i32 to index
      %get3A_589 = arith.constant 48 : index
      %get3A_590 = tpu.vector_load %arg9[%get3A_588, %get3A_589] {strides = array<i32>} : memref<256x64xf32, #tpu.memory_space<vmem>>, vector<16xf32>,
      %get3A_591 = arith.index_cast %add3A_564 : i32 to index
      %get3A_592 = arith.constant 48 : index
      %get3A_593 = tpu.vector_load %arg10[%get3A_591, %get3A_592] {strides = array<i32>} : memref<256x64xf32, #tpu.memory_space<vmem>>, vector<16xf32>,
      %mul3A_594 = arith.mulf %get3A_590, %get3A_593 : vector<16xf32>
      %add3A_595 = arith.addf %add3A_587, %mul3A_594 : vector<16xf32>
      %eq3A_596 = arith.constant 11 : i32
      %eq3A_597 = vector.broadcast %eq3A_596 : i32 to vector<16xi32>
      %eq3A_598 = arith.cmpi eq, %iota3A, %eq3A_597 : vector<16xi32>
      %reduce_sum3A_599 = arith.constant true
      %reduce_sum3A_600 = vector.broadcast %reduce_sum3A_599 : i1 to vector<16xi1>
      %reduce_sum3A_601 = tpu.scan <sum>, %add3A_595 masked %reduce_sum3A_600 : vector<16xf32>, vector<16xi1> -> vector<16xf32>
      %reduce_sum3A_602 = vector.extract %reduce_sum3A_601[15] : f32 from vector<16xf32>
      %broadcast_in_dim3A_603 = vector.broadcast %reduce_sum3A_602 : f32 to vector<16xf32>
      %select_n3A_604 = arith.select %eq3A_598, %broadcast_in_dim3A_603, %select_n3A_562 : vector<16xi1>, vector<16xf32>
      %add3A_605 = arith.constant 12 : i32
      %add3A_606 = arith.addi %mul3A_101, %add3A_605 : i32
      %get3A_607 = arith.index_cast %add3A_606 : i32 to index
      %get3A_608 = arith.constant 0 : index
      %get3A_609 = tpu.vector_load %arg9[%get3A_607, %get3A_608] {strides = array<i32>} : memref<256x64xf32, #tpu.memory_space<vmem>>, vector<16xf32>,
      %get3A_610 = arith.index_cast %add3A_606 : i32 to index
      %get3A_611 = arith.constant 0 : index
      %get3A_612 = tpu.vector_load %arg10[%get3A_610, %get3A_611] {strides = array<i32>} : memref<256x64xf32, #tpu.memory_space<vmem>>, vector<16xf32>,
      %mul3A_613 = arith.mulf %get3A_609, %get3A_612 : vector<16xf32>
      %get3A_614 = arith.index_cast %add3A_606 : i32 to index
      %get3A_615 = arith.constant 16 : index
      %get3A_616 = tpu.vector_load %arg9[%get3A_614, %get3A_615] {strides = array<i32>} : memref<256x64xf32, #tpu.memory_space<vmem>>, vector<16xf32>,
      %get3A_617 = arith.index_cast %add3A_606 : i32 to index
      %get3A_618 = arith.constant 16 : index
      %get3A_619 = tpu.vector_load %arg10[%get3A_617, %get3A_618] {strides = array<i32>} : memref<256x64xf32, #tpu.memory_space<vmem>>, vector<16xf32>,
      %mul3A_620 = arith.mulf %get3A_616, %get3A_619 : vector<16xf32>
      %add3A_621 = arith.addf %mul3A_613, %mul3A_620 : vector<16xf32>
      %get3A_622 = arith.index_cast %add3A_606 : i32 to index
      %get3A_623 = arith.constant 32 : index
      %get3A_624 = tpu.vector_load %arg9[%get3A_622, %get3A_623] {strides = array<i32>} : memref<256x64xf32, #tpu.memory_space<vmem>>, vector<16xf32>,
      %get3A_625 = arith.index_cast %add3A_606 : i32 to index
      %get3A_626 = arith.constant 32 : index
      %get3A_627 = tpu.vector_load %arg10[%get3A_625, %get3A_626] {strides = array<i32>} : memref<256x64xf32, #tpu.memory_space<vmem>>, vector<16xf32>,
      %mul3A_628 = arith.mulf %get3A_624, %get3A_627 : vector<16xf32>
      %add3A_629 = arith.addf %add3A_621, %mul3A_628 : vector<16xf32>
      %get3A_630 = arith.index_cast %add3A_606 : i32 to index
      %get3A_631 = arith.constant 48 : index
      %get3A_632 = tpu.vector_load %arg9[%get3A_630, %get3A_631] {strides = array<i32>} : memref<256x64xf32, #tpu.memory_space<vmem>>, vector<16xf32>,
      %get3A_633 = arith.index_cast %add3A_606 : i32 to index
      %get3A_634 = arith.constant 48 : index
      %get3A_635 = tpu.vector_load %arg10[%get3A_633, %get3A_634] {strides = array<i32>} : memref<256x64xf32, #tpu.memory_space<vmem>>, vector<16xf32>,
      %mul3A_636 = arith.mulf %get3A_632, %get3A_635 : vector<16xf32>
      %add3A_637 = arith.addf %add3A_629, %mul3A_636 : vector<16xf32>
      %eq3A_638 = arith.constant 12 : i32
      %eq3A_639 = vector.broadcast %eq3A_638 : i32 to vector<16xi32>
      %eq3A_640 = arith.cmpi eq, %iota3A, %eq3A_639 : vector<16xi32>
      %reduce_sum3A_641 = arith.constant true
      %reduce_sum3A_642 = vector.broadcast %reduce_sum3A_641 : i1 to vector<16xi1>
      %reduce_sum3A_643 = tpu.scan <sum>, %add3A_637 masked %reduce_sum3A_642 : vector<16xf32>, vector<16xi1> -> vector<16xf32>
      %reduce_sum3A_644 = vector.extract %reduce_sum3A_643[15] : f32 from vector<16xf32>
      %broadcast_in_dim3A_645 = vector.broadcast %reduce_sum3A_644 : f32 to vector<16xf32>
      %select_n3A_646 = arith.select %eq3A_640, %broadcast_in_dim3A_645, %select_n3A_604 : vector<16xi1>, vector<16xf32>
      %add3A_647 = arith.constant 13 : i32
      %add3A_648 = arith.addi %mul3A_101, %add3A_647 : i32
      %get3A_649 = arith.index_cast %add3A_648 : i32 to index
      %get3A_650 = arith.constant 0 : index
      %get3A_651 = tpu.vector_load %arg9[%get3A_649, %get3A_650] {strides = array<i32>} : memref<256x64xf32, #tpu.memory_space<vmem>>, vector<16xf32>,
      %get3A_652 = arith.index_cast %add3A_648 : i32 to index
      %get3A_653 = arith.constant 0 : index
      %get3A_654 = tpu.vector_load %arg10[%get3A_652, %get3A_653] {strides = array<i32>} : memref<256x64xf32, #tpu.memory_space<vmem>>, vector<16xf32>,
      %mul3A_655 = arith.mulf %get3A_651, %get3A_654 : vector<16xf32>
      %get3A_656 = arith.index_cast %add3A_648 : i32 to index
      %get3A_657 = arith.constant 16 : index
      %get3A_658 = tpu.vector_load %arg9[%get3A_656, %get3A_657] {strides = array<i32>} : memref<256x64xf32, #tpu.memory_space<vmem>>, vector<16xf32>,
      %get3A_659 = arith.index_cast %add3A_648 : i32 to index
      %get3A_660 = arith.constant 16 : index
      %get3A_661 = tpu.vector_load %arg10[%get3A_659, %get3A_660] {strides = array<i32>} : memref<256x64xf32, #tpu.memory_space<vmem>>, vector<16xf32>,
      %mul3A_662 = arith.mulf %get3A_658, %get3A_661 : vector<16xf32>
      %add3A_663 = arith.addf %mul3A_655, %mul3A_662 : vector<16xf32>
      %get3A_664 = arith.index_cast %add3A_648 : i32 to index
      %get3A_665 = arith.constant 32 : index
      %get3A_666 = tpu.vector_load %arg9[%get3A_664, %get3A_665] {strides = array<i32>} : memref<256x64xf32, #tpu.memory_space<vmem>>, vector<16xf32>,
      %get3A_667 = arith.index_cast %add3A_648 : i32 to index
      %get3A_668 = arith.constant 32 : index
      %get3A_669 = tpu.vector_load %arg10[%get3A_667, %get3A_668] {strides = array<i32>} : memref<256x64xf32, #tpu.memory_space<vmem>>, vector<16xf32>,
      %mul3A_670 = arith.mulf %get3A_666, %get3A_669 : vector<16xf32>
      %add3A_671 = arith.addf %add3A_663, %mul3A_670 : vector<16xf32>
      %get3A_672 = arith.index_cast %add3A_648 : i32 to index
      %get3A_673 = arith.constant 48 : index
      %get3A_674 = tpu.vector_load %arg9[%get3A_672, %get3A_673] {strides = array<i32>} : memref<256x64xf32, #tpu.memory_space<vmem>>, vector<16xf32>,
      %get3A_675 = arith.index_cast %add3A_648 : i32 to index
      %get3A_676 = arith.constant 48 : index
      %get3A_677 = tpu.vector_load %arg10[%get3A_675, %get3A_676] {strides = array<i32>} : memref<256x64xf32, #tpu.memory_space<vmem>>, vector<16xf32>,
      %mul3A_678 = arith.mulf %get3A_674, %get3A_677 : vector<16xf32>
      %add3A_679 = arith.addf %add3A_671, %mul3A_678 : vector<16xf32>
      %eq3A_680 = arith.constant 13 : i32
      %eq3A_681 = vector.broadcast %eq3A_680 : i32 to vector<16xi32>
      %eq3A_682 = arith.cmpi eq, %iota3A, %eq3A_681 : vector<16xi32>
      %reduce_sum3A_683 = arith.constant true
      %reduce_sum3A_684 = vector.broadcast %reduce_sum3A_683 : i1 to vector<16xi1>
      %reduce_sum3A_685 = tpu.scan <sum>, %add3A_679 masked %reduce_sum3A_684 : vector<16xf32>, vector<16xi1> -> vector<16xf32>
      %reduce_sum3A_686 = vector.extract %reduce_sum3A_685[15] : f32 from vector<16xf32>
      %broadcast_in_dim3A_687 = vector.broadcast %reduce_sum3A_686 : f32 to vector<16xf32>
      %select_n3A_688 = arith.select %eq3A_682, %broadcast_in_dim3A_687, %select_n3A_646 : vector<16xi1>, vector<16xf32>
      %add3A_689 = arith.constant 14 : i32
      %add3A_690 = arith.addi %mul3A_101, %add3A_689 : i32
      %get3A_691 = arith.index_cast %add3A_690 : i32 to index
      %get3A_692 = arith.constant 0 : index
      %get3A_693 = tpu.vector_load %arg9[%get3A_691, %get3A_692] {strides = array<i32>} : memref<256x64xf32, #tpu.memory_space<vmem>>, vector<16xf32>,
      %get3A_694 = arith.index_cast %add3A_690 : i32 to index
      %get3A_695 = arith.constant 0 : index
      %get3A_696 = tpu.vector_load %arg10[%get3A_694, %get3A_695] {strides = array<i32>} : memref<256x64xf32, #tpu.memory_space<vmem>>, vector<16xf32>,
      %mul3A_697 = arith.mulf %get3A_693, %get3A_696 : vector<16xf32>
      %get3A_698 = arith.index_cast %add3A_690 : i32 to index
      %get3A_699 = arith.constant 16 : index
      %get3A_700 = tpu.vector_load %arg9[%get3A_698, %get3A_699] {strides = array<i32>} : memref<256x64xf32, #tpu.memory_space<vmem>>, vector<16xf32>,
      %get3A_701 = arith.index_cast %add3A_690 : i32 to index
      %get3A_702 = arith.constant 16 : index
      %get3A_703 = tpu.vector_load %arg10[%get3A_701, %get3A_702] {strides = array<i32>} : memref<256x64xf32, #tpu.memory_space<vmem>>, vector<16xf32>,
      %mul3A_704 = arith.mulf %get3A_700, %get3A_703 : vector<16xf32>
      %add3A_705 = arith.addf %mul3A_697, %mul3A_704 : vector<16xf32>
      %get3A_706 = arith.index_cast %add3A_690 : i32 to index
      %get3A_707 = arith.constant 32 : index
      %get3A_708 = tpu.vector_load %arg9[%get3A_706, %get3A_707] {strides = array<i32>} : memref<256x64xf32, #tpu.memory_space<vmem>>, vector<16xf32>,
      %get3A_709 = arith.index_cast %add3A_690 : i32 to index
      %get3A_710 = arith.constant 32 : index
      %get3A_711 = tpu.vector_load %arg10[%get3A_709, %get3A_710] {strides = array<i32>} : memref<256x64xf32, #tpu.memory_space<vmem>>, vector<16xf32>,
      %mul3A_712 = arith.mulf %get3A_708, %get3A_711 : vector<16xf32>
      %add3A_713 = arith.addf %add3A_705, %mul3A_712 : vector<16xf32>
      %get3A_714 = arith.index_cast %add3A_690 : i32 to index
      %get3A_715 = arith.constant 48 : index
      %get3A_716 = tpu.vector_load %arg9[%get3A_714, %get3A_715] {strides = array<i32>} : memref<256x64xf32, #tpu.memory_space<vmem>>, vector<16xf32>,
      %get3A_717 = arith.index_cast %add3A_690 : i32 to index
      %get3A_718 = arith.constant 48 : index
      %get3A_719 = tpu.vector_load %arg10[%get3A_717, %get3A_718] {strides = array<i32>} : memref<256x64xf32, #tpu.memory_space<vmem>>, vector<16xf32>,
      %mul3A_720 = arith.mulf %get3A_716, %get3A_719 : vector<16xf32>
      %add3A_721 = arith.addf %add3A_713, %mul3A_720 : vector<16xf32>
      %eq3A_722 = arith.constant 14 : i32
      %eq3A_723 = vector.broadcast %eq3A_722 : i32 to vector<16xi32>
      %eq3A_724 = arith.cmpi eq, %iota3A, %eq3A_723 : vector<16xi32>
      %reduce_sum3A_725 = arith.constant true
      %reduce_sum3A_726 = vector.broadcast %reduce_sum3A_725 : i1 to vector<16xi1>
      %reduce_sum3A_727 = tpu.scan <sum>, %add3A_721 masked %reduce_sum3A_726 : vector<16xf32>, vector<16xi1> -> vector<16xf32>
      %reduce_sum3A_728 = vector.extract %reduce_sum3A_727[15] : f32 from vector<16xf32>
      %broadcast_in_dim3A_729 = vector.broadcast %reduce_sum3A_728 : f32 to vector<16xf32>
      %select_n3A_730 = arith.select %eq3A_724, %broadcast_in_dim3A_729, %select_n3A_688 : vector<16xi1>, vector<16xf32>
      %add3A_731 = arith.constant 15 : i32
      %add3A_732 = arith.addi %mul3A_101, %add3A_731 : i32
      %get3A_733 = arith.index_cast %add3A_732 : i32 to index
      %get3A_734 = arith.constant 0 : index
      %get3A_735 = tpu.vector_load %arg9[%get3A_733, %get3A_734] {strides = array<i32>} : memref<256x64xf32, #tpu.memory_space<vmem>>, vector<16xf32>,
      %get3A_736 = arith.index_cast %add3A_732 : i32 to index
      %get3A_737 = arith.constant 0 : index
      %get3A_738 = tpu.vector_load %arg10[%get3A_736, %get3A_737] {strides = array<i32>} : memref<256x64xf32, #tpu.memory_space<vmem>>, vector<16xf32>,
      %mul3A_739 = arith.mulf %get3A_735, %get3A_738 : vector<16xf32>
      %get3A_740 = arith.index_cast %add3A_732 : i32 to index
      %get3A_741 = arith.constant 16 : index
      %get3A_742 = tpu.vector_load %arg9[%get3A_740, %get3A_741] {strides = array<i32>} : memref<256x64xf32, #tpu.memory_space<vmem>>, vector<16xf32>,
      %get3A_743 = arith.index_cast %add3A_732 : i32 to index
      %get3A_744 = arith.constant 16 : index
      %get3A_745 = tpu.vector_load %arg10[%get3A_743, %get3A_744] {strides = array<i32>} : memref<256x64xf32, #tpu.memory_space<vmem>>, vector<16xf32>,
      %mul3A_746 = arith.mulf %get3A_742, %get3A_745 : vector<16xf32>
      %add3A_747 = arith.addf %mul3A_739, %mul3A_746 : vector<16xf32>
      %get3A_748 = arith.index_cast %add3A_732 : i32 to index
      %get3A_749 = arith.constant 32 : index
      %get3A_750 = tpu.vector_load %arg9[%get3A_748, %get3A_749] {strides = array<i32>} : memref<256x64xf32, #tpu.memory_space<vmem>>, vector<16xf32>,
      %get3A_751 = arith.index_cast %add3A_732 : i32 to index
      %get3A_752 = arith.constant 32 : index
      %get3A_753 = tpu.vector_load %arg10[%get3A_751, %get3A_752] {strides = array<i32>} : memref<256x64xf32, #tpu.memory_space<vmem>>, vector<16xf32>,
      %mul3A_754 = arith.mulf %get3A_750, %get3A_753 : vector<16xf32>
      %add3A_755 = arith.addf %add3A_747, %mul3A_754 : vector<16xf32>
      %get3A_756 = arith.index_cast %add3A_732 : i32 to index
      %get3A_757 = arith.constant 48 : index
      %get3A_758 = tpu.vector_load %arg9[%get3A_756, %get3A_757] {strides = array<i32>} : memref<256x64xf32, #tpu.memory_space<vmem>>, vector<16xf32>,
      %get3A_759 = arith.index_cast %add3A_732 : i32 to index
      %get3A_760 = arith.constant 48 : index
      %get3A_761 = tpu.vector_load %arg10[%get3A_759, %get3A_760] {strides = array<i32>} : memref<256x64xf32, #tpu.memory_space<vmem>>, vector<16xf32>,
      %mul3A_762 = arith.mulf %get3A_758, %get3A_761 : vector<16xf32>
      %add3A_763 = arith.addf %add3A_755, %mul3A_762 : vector<16xf32>
      %eq3A_764 = arith.constant 15 : i32
      %eq3A_765 = vector.broadcast %eq3A_764 : i32 to vector<16xi32>
      %eq3A_766 = arith.cmpi eq, %iota3A, %eq3A_765 : vector<16xi32>
      %reduce_sum3A_767 = arith.constant true
      %reduce_sum3A_768 = vector.broadcast %reduce_sum3A_767 : i1 to vector<16xi1>
      %reduce_sum3A_769 = tpu.scan <sum>, %add3A_763 masked %reduce_sum3A_768 : vector<16xf32>, vector<16xi1> -> vector<16xf32>
      %reduce_sum3A_770 = vector.extract %reduce_sum3A_769[15] : f32 from vector<16xf32>
      %broadcast_in_dim3A_771 = vector.broadcast %reduce_sum3A_770 : f32 to vector<16xf32>
      %select_n3A_772 = arith.select %eq3A_766, %broadcast_in_dim3A_771, %select_n3A_730 : vector<16xi1>, vector<16xf32>
      %get3A_773 = arith.index_cast %mul3A_90 : i32 to index
      %get3A_774 = tpu.vector_load %arg11[%get3A_773] {strides = array<i32>} : memref<512xf32, #tpu.memory_space<vmem>>, vector<16xf32>,
      %add3A_775 = arith.addf %select_n3A_772, %get3A_774 : vector<16xf32>
      %get3A_776 = arith.index_cast %mul3A_90 : i32 to index
      %get3A_777 = tpu.vector_load %arg12[%get3A_776] {strides = array<i32>} : memref<512xf32, #tpu.memory_space<vmem>>, vector<16xf32>,
      %add3A_778 = arith.addf %add3A_775, %get3A_777 : vector<16xf32>
      %swap3A = arith.index_cast %mul3A_90 : i32 to index
      %swap3A_779 = tpu.vector_load %arg13[%swap3A] {strides = array<i32>} : memref<512xf32, #tpu.memory_space<vmem>>, vector<16xf32>,
      tpu.vector_store %arg13[%swap3A], %add3A_778 {strides = array<i32>} : memref<512xf32, #tpu.memory_space<vmem>>, vector<16xf32>,
    }
    %scan3A_57 = arith.constant 16 : i32
    %scan3A_58 = arith.constant 0 : i32
    %scan3A_59 = arith.constant 16 : i32
    %scan3A_60 = arith.constant 16 : i32
    %scan3A_61 = arith.addi %scan3A_59, %scan3A_60 : i32
    %scan3A_62 = arith.constant 1 : i32
    scf.for %scan3A_88 = %scan3A_59 to %scan3A_61 step %scan3A_62  : i32 {
      %mul3A_89 = arith.constant 16 : i32
      %mul3A_90 = arith.muli %scan3A_88, %mul3A_89 : i32
      %get3A = arith.index_cast %mul3A_90 : i32 to index
      %get3A_91 = tpu.vector_load %arg8[%get3A] {strides = array<i32>} : memref<512xi32, #tpu.memory_space<vmem>>, vector<16xi32>,
      %jit3A = arith.constant 16 : i32
      %eq3A = arith.constant 0 : i32
      %eq3A_92 = arith.cmpi eq, %jit3A, %eq3A : i32
      %jit3A_93 = arith.constant 1 : i32
      %select_n3A = arith.select %eq3A_92, %jit3A_93, %jit3A : i32
      %rem3A = arith.remsi %scan3A_88, %select_n3A : i32
      %ne3A = arith.constant 0 : i32
      %ne3A_94 = arith.cmpi ne, %rem3A, %ne3A : i32
      %lt3A = arith.constant 0 : i32
      %lt3A_95 = arith.cmpi slt, %rem3A, %lt3A : i32
      %lt3A_96 = arith.constant 0 : i32
      %lt3A_97 = arith.cmpi slt, %select_n3A, %lt3A_96 : i32
      %ne3A_98 = arith.xori %lt3A_95, %lt3A_97 : i1
      %and3A = arith.andi %ne3A_98, %ne3A_94 : i1
      %add3A_99 = arith.addi %rem3A, %select_n3A : i32
      %select_n3A_100 = arith.select %and3A, %add3A_99, %rem3A : i32
      %mul3A_101 = arith.constant 16 : i32
      %mul3A_102 = arith.muli %select_n3A_100, %mul3A_101 : i32
      %slice3A = vector.extract_strided_slice %get3A_91 {offsets = [0], sizes = [1], strides = [1]} : vector<16xi32> to vector<1xi32>
      %squeeze3A = vector.extract %slice3A[0] : i32 from vector<1xi32>
      %add3A_103 = arith.constant 0 : i32
      %add3A_104 = arith.addi %mul3A_102, %add3A_103 : i32
      %dma_start3A_105 = arith.constant 0 : i32
      %dma_start3A_106 = tpu.memref_slice %arg10[%add3A_104, %dma_start3A_105] : memref<256x64xf32, #tpu.memory_space<vmem>> -> memref<1x64xf32, #tpu.memory_space<vmem>>
      %dma_start3A_107 = arith.constant 0 : i32
      %dma_start3A_108 = tpu.memref_slice %arg3[%squeeze3A, %dma_start3A_107] : memref<100000x64xf32, #tpu.memory_space<hbm>> -> memref<1x64xf32, #tpu.memory_space<hbm>>
      %dma_start3A_109 = arith.constant 0 : i32
      %dma_start3A_110 = tpu.memref_slice %arg10[%add3A_104, %dma_start3A_109] : memref<256x64xf32, #tpu.memory_space<vmem>> -> memref<1x64xf32, #tpu.memory_space<vmem>>
      %dma_start3A_111 = arith.constant 0 : i32
      %dma_start3A_112 = tpu.memref_slice %arg3[%squeeze3A, %dma_start3A_111] : memref<100000x64xf32, #tpu.memory_space<hbm>> -> memref<1x64xf32, #tpu.memory_space<hbm>>
      tpu.enqueue_dma source(%dma_start3A_112 : memref<1x64xf32, #tpu.memory_space<hbm>>) target(%dma_start3A_110 : memref<1x64xf32, #tpu.memory_space<vmem>>) target_semaphore(%arg14 : memref<!tpu.dma_semaphore, #tpu.memory_space<semaphore_mem>>)
      %slice3A_113 = vector.extract_strided_slice %get3A_91 {offsets = [1], sizes = [1], strides = [1]} : vector<16xi32> to vector<1xi32>
      %squeeze3A_114 = vector.extract %slice3A_113[0] : i32 from vector<1xi32>
      %add3A_115 = arith.constant 1 : i32
      %add3A_116 = arith.addi %mul3A_102, %add3A_115 : i32
      %dma_start3A_117 = arith.constant 0 : i32
      %dma_start3A_118 = tpu.memref_slice %arg10[%add3A_116, %dma_start3A_117] : memref<256x64xf32, #tpu.memory_space<vmem>> -> memref<1x64xf32, #tpu.memory_space<vmem>>
      %dma_start3A_119 = arith.constant 0 : i32
      %dma_start3A_120 = tpu.memref_slice %arg3[%squeeze3A_114, %dma_start3A_119] : memref<100000x64xf32, #tpu.memory_space<hbm>> -> memref<1x64xf32, #tpu.memory_space<hbm>>
      %dma_start3A_121 = arith.constant 0 : i32
      %dma_start3A_122 = tpu.memref_slice %arg10[%add3A_116, %dma_start3A_121] : memref<256x64xf32, #tpu.memory_space<vmem>> -> memref<1x64xf32, #tpu.memory_space<vmem>>
      %dma_start3A_123 = arith.constant 0 : i32
      %dma_start3A_124 = tpu.memref_slice %arg3[%squeeze3A_114, %dma_start3A_123] : memref<100000x64xf32, #tpu.memory_space<hbm>> -> memref<1x64xf32, #tpu.memory_space<hbm>>
      tpu.enqueue_dma source(%dma_start3A_124 : memref<1x64xf32, #tpu.memory_space<hbm>>) target(%dma_start3A_122 : memref<1x64xf32, #tpu.memory_space<vmem>>) target_semaphore(%arg14 : memref<!tpu.dma_semaphore, #tpu.memory_space<semaphore_mem>>)
      %slice3A_125 = vector.extract_strided_slice %get3A_91 {offsets = [2], sizes = [1], strides = [1]} : vector<16xi32> to vector<1xi32>
      %squeeze3A_126 = vector.extract %slice3A_125[0] : i32 from vector<1xi32>
      %add3A_127 = arith.constant 2 : i32
      %add3A_128 = arith.addi %mul3A_102, %add3A_127 : i32
      %dma_start3A_129 = arith.constant 0 : i32
      %dma_start3A_130 = tpu.memref_slice %arg10[%add3A_128, %dma_start3A_129] : memref<256x64xf32, #tpu.memory_space<vmem>> -> memref<1x64xf32, #tpu.memory_space<vmem>>
      %dma_start3A_131 = arith.constant 0 : i32
      %dma_start3A_132 = tpu.memref_slice %arg3[%squeeze3A_126, %dma_start3A_131] : memref<100000x64xf32, #tpu.memory_space<hbm>> -> memref<1x64xf32, #tpu.memory_space<hbm>>
      %dma_start3A_133 = arith.constant 0 : i32
      %dma_start3A_134 = tpu.memref_slice %arg10[%add3A_128, %dma_start3A_133] : memref<256x64xf32, #tpu.memory_space<vmem>> -> memref<1x64xf32, #tpu.memory_space<vmem>>
      %dma_start3A_135 = arith.constant 0 : i32
      %dma_start3A_136 = tpu.memref_slice %arg3[%squeeze3A_126, %dma_start3A_135] : memref<100000x64xf32, #tpu.memory_space<hbm>> -> memref<1x64xf32, #tpu.memory_space<hbm>>
      tpu.enqueue_dma source(%dma_start3A_136 : memref<1x64xf32, #tpu.memory_space<hbm>>) target(%dma_start3A_134 : memref<1x64xf32, #tpu.memory_space<vmem>>) target_semaphore(%arg14 : memref<!tpu.dma_semaphore, #tpu.memory_space<semaphore_mem>>)
      %slice3A_137 = vector.extract_strided_slice %get3A_91 {offsets = [3], sizes = [1], strides = [1]} : vector<16xi32> to vector<1xi32>
      %squeeze3A_138 = vector.extract %slice3A_137[0] : i32 from vector<1xi32>
      %add3A_139 = arith.constant 3 : i32
      %add3A_140 = arith.addi %mul3A_102, %add3A_139 : i32
      %dma_start3A_141 = arith.constant 0 : i32
      %dma_start3A_142 = tpu.memref_slice %arg10[%add3A_140, %dma_start3A_141] : memref<256x64xf32, #tpu.memory_space<vmem>> -> memref<1x64xf32, #tpu.memory_space<vmem>>
      %dma_start3A_143 = arith.constant 0 : i32
      %dma_start3A_144 = tpu.memref_slice %arg3[%squeeze3A_138, %dma_start3A_143] : memref<100000x64xf32, #tpu.memory_space<hbm>> -> memref<1x64xf32, #tpu.memory_space<hbm>>
      %dma_start3A_145 = arith.constant 0 : i32
      %dma_start3A_146 = tpu.memref_slice %arg10[%add3A_140, %dma_start3A_145] : memref<256x64xf32, #tpu.memory_space<vmem>> -> memref<1x64xf32, #tpu.memory_space<vmem>>
      %dma_start3A_147 = arith.constant 0 : i32
      %dma_start3A_148 = tpu.memref_slice %arg3[%squeeze3A_138, %dma_start3A_147] : memref<100000x64xf32, #tpu.memory_space<hbm>> -> memref<1x64xf32, #tpu.memory_space<hbm>>
      tpu.enqueue_dma source(%dma_start3A_148 : memref<1x64xf32, #tpu.memory_space<hbm>>) target(%dma_start3A_146 : memref<1x64xf32, #tpu.memory_space<vmem>>) target_semaphore(%arg14 : memref<!tpu.dma_semaphore, #tpu.memory_space<semaphore_mem>>)
      %slice3A_149 = vector.extract_strided_slice %get3A_91 {offsets = [4], sizes = [1], strides = [1]} : vector<16xi32> to vector<1xi32>
      %squeeze3A_150 = vector.extract %slice3A_149[0] : i32 from vector<1xi32>
      %add3A_151 = arith.constant 4 : i32
      %add3A_152 = arith.addi %mul3A_102, %add3A_151 : i32
      %dma_start3A_153 = arith.constant 0 : i32
      %dma_start3A_154 = tpu.memref_slice %arg10[%add3A_152, %dma_start3A_153] : memref<256x64xf32, #tpu.memory_space<vmem>> -> memref<1x64xf32, #tpu.memory_space<vmem>>
      %dma_start3A_155 = arith.constant 0 : i32
      %dma_start3A_156 = tpu.memref_slice %arg3[%squeeze3A_150, %dma_start3A_155] : memref<100000x64xf32, #tpu.memory_space<hbm>> -> memref<1x64xf32, #tpu.memory_space<hbm>>
      %dma_start3A_157 = arith.constant 0 : i32
      %dma_start3A_158 = tpu.memref_slice %arg10[%add3A_152, %dma_start3A_157] : memref<256x64xf32, #tpu.memory_space<vmem>> -> memref<1x64xf32, #tpu.memory_space<vmem>>
      %dma_start3A_159 = arith.constant 0 : i32
      %dma_start3A_160 = tpu.memref_slice %arg3[%squeeze3A_150, %dma_start3A_159] : memref<100000x64xf32, #tpu.memory_space<hbm>> -> memref<1x64xf32, #tpu.memory_space<hbm>>
      tpu.enqueue_dma source(%dma_start3A_160 : memref<1x64xf32, #tpu.memory_space<hbm>>) target(%dma_start3A_158 : memref<1x64xf32, #tpu.memory_space<vmem>>) target_semaphore(%arg14 : memref<!tpu.dma_semaphore, #tpu.memory_space<semaphore_mem>>)
      %slice3A_161 = vector.extract_strided_slice %get3A_91 {offsets = [5], sizes = [1], strides = [1]} : vector<16xi32> to vector<1xi32>
      %squeeze3A_162 = vector.extract %slice3A_161[0] : i32 from vector<1xi32>
      %add3A_163 = arith.constant 5 : i32
      %add3A_164 = arith.addi %mul3A_102, %add3A_163 : i32
      %dma_start3A_165 = arith.constant 0 : i32
      %dma_start3A_166 = tpu.memref_slice %arg10[%add3A_164, %dma_start3A_165] : memref<256x64xf32, #tpu.memory_space<vmem>> -> memref<1x64xf32, #tpu.memory_space<vmem>>
      %dma_start3A_167 = arith.constant 0 : i32
      %dma_start3A_168 = tpu.memref_slice %arg3[%squeeze3A_162, %dma_start3A_167] : memref<100000x64xf32, #tpu.memory_space<hbm>> -> memref<1x64xf32, #tpu.memory_space<hbm>>
      %dma_start3A_169 = arith.constant 0 : i32
      %dma_start3A_170 = tpu.memref_slice %arg10[%add3A_164, %dma_start3A_169] : memref<256x64xf32, #tpu.memory_space<vmem>> -> memref<1x64xf32, #tpu.memory_space<vmem>>
      %dma_start3A_171 = arith.constant 0 : i32
      %dma_start3A_172 = tpu.memref_slice %arg3[%squeeze3A_162, %dma_start3A_171] : memref<100000x64xf32, #tpu.memory_space<hbm>> -> memref<1x64xf32, #tpu.memory_space<hbm>>
      tpu.enqueue_dma source(%dma_start3A_172 : memref<1x64xf32, #tpu.memory_space<hbm>>) target(%dma_start3A_170 : memref<1x64xf32, #tpu.memory_space<vmem>>) target_semaphore(%arg14 : memref<!tpu.dma_semaphore, #tpu.memory_space<semaphore_mem>>)
      %slice3A_173 = vector.extract_strided_slice %get3A_91 {offsets = [6], sizes = [1], strides = [1]} : vector<16xi32> to vector<1xi32>
      %squeeze3A_174 = vector.extract %slice3A_173[0] : i32 from vector<1xi32>
      %add3A_175 = arith.constant 6 : i32
      %add3A_176 = arith.addi %mul3A_102, %add3A_175 : i32
      %dma_start3A_177 = arith.constant 0 : i32
      %dma_start3A_178 = tpu.memref_slice %arg10[%add3A_176, %dma_start3A_177] : memref<256x64xf32, #tpu.memory_space<vmem>> -> memref<1x64xf32, #tpu.memory_space<vmem>>
      %dma_start3A_179 = arith.constant 0 : i32
      %dma_start3A_180 = tpu.memref_slice %arg3[%squeeze3A_174, %dma_start3A_179] : memref<100000x64xf32, #tpu.memory_space<hbm>> -> memref<1x64xf32, #tpu.memory_space<hbm>>
      %dma_start3A_181 = arith.constant 0 : i32
      %dma_start3A_182 = tpu.memref_slice %arg10[%add3A_176, %dma_start3A_181] : memref<256x64xf32, #tpu.memory_space<vmem>> -> memref<1x64xf32, #tpu.memory_space<vmem>>
      %dma_start3A_183 = arith.constant 0 : i32
      %dma_start3A_184 = tpu.memref_slice %arg3[%squeeze3A_174, %dma_start3A_183] : memref<100000x64xf32, #tpu.memory_space<hbm>> -> memref<1x64xf32, #tpu.memory_space<hbm>>
      tpu.enqueue_dma source(%dma_start3A_184 : memref<1x64xf32, #tpu.memory_space<hbm>>) target(%dma_start3A_182 : memref<1x64xf32, #tpu.memory_space<vmem>>) target_semaphore(%arg14 : memref<!tpu.dma_semaphore, #tpu.memory_space<semaphore_mem>>)
      %slice3A_185 = vector.extract_strided_slice %get3A_91 {offsets = [7], sizes = [1], strides = [1]} : vector<16xi32> to vector<1xi32>
      %squeeze3A_186 = vector.extract %slice3A_185[0] : i32 from vector<1xi32>
      %add3A_187 = arith.constant 7 : i32
      %add3A_188 = arith.addi %mul3A_102, %add3A_187 : i32
      %dma_start3A_189 = arith.constant 0 : i32
      %dma_start3A_190 = tpu.memref_slice %arg10[%add3A_188, %dma_start3A_189] : memref<256x64xf32, #tpu.memory_space<vmem>> -> memref<1x64xf32, #tpu.memory_space<vmem>>
      %dma_start3A_191 = arith.constant 0 : i32
      %dma_start3A_192 = tpu.memref_slice %arg3[%squeeze3A_186, %dma_start3A_191] : memref<100000x64xf32, #tpu.memory_space<hbm>> -> memref<1x64xf32, #tpu.memory_space<hbm>>
      %dma_start3A_193 = arith.constant 0 : i32
      %dma_start3A_194 = tpu.memref_slice %arg10[%add3A_188, %dma_start3A_193] : memref<256x64xf32, #tpu.memory_space<vmem>> -> memref<1x64xf32, #tpu.memory_space<vmem>>
      %dma_start3A_195 = arith.constant 0 : i32
      %dma_start3A_196 = tpu.memref_slice %arg3[%squeeze3A_186, %dma_start3A_195] : memref<100000x64xf32, #tpu.memory_space<hbm>> -> memref<1x64xf32, #tpu.memory_space<hbm>>
      tpu.enqueue_dma source(%dma_start3A_196 : memref<1x64xf32, #tpu.memory_space<hbm>>) target(%dma_start3A_194 : memref<1x64xf32, #tpu.memory_space<vmem>>) target_semaphore(%arg14 : memref<!tpu.dma_semaphore, #tpu.memory_space<semaphore_mem>>)
      %slice3A_197 = vector.extract_strided_slice %get3A_91 {offsets = [8], sizes = [1], strides = [1]} : vector<16xi32> to vector<1xi32>
      %squeeze3A_198 = vector.extract %slice3A_197[0] : i32 from vector<1xi32>
      %add3A_199 = arith.constant 8 : i32
      %add3A_200 = arith.addi %mul3A_102, %add3A_199 : i32
      %dma_start3A_201 = arith.constant 0 : i32
      %dma_start3A_202 = tpu.memref_slice %arg10[%add3A_200, %dma_start3A_201] : memref<256x64xf32, #tpu.memory_space<vmem>> -> memref<1x64xf32, #tpu.memory_space<vmem>>
      %dma_start3A_203 = arith.constant 0 : i32
      %dma_start3A_204 = tpu.memref_slice %arg3[%squeeze3A_198, %dma_start3A_203] : memref<100000x64xf32, #tpu.memory_space<hbm>> -> memref<1x64xf32, #tpu.memory_space<hbm>>
      %dma_start3A_205 = arith.constant 0 : i32
      %dma_start3A_206 = tpu.memref_slice %arg10[%add3A_200, %dma_start3A_205] : memref<256x64xf32, #tpu.memory_space<vmem>> -> memref<1x64xf32, #tpu.memory_space<vmem>>
      %dma_start3A_207 = arith.constant 0 : i32
      %dma_start3A_208 = tpu.memref_slice %arg3[%squeeze3A_198, %dma_start3A_207] : memref<100000x64xf32, #tpu.memory_space<hbm>> -> memref<1x64xf32, #tpu.memory_space<hbm>>
      tpu.enqueue_dma source(%dma_start3A_208 : memref<1x64xf32, #tpu.memory_space<hbm>>) target(%dma_start3A_206 : memref<1x64xf32, #tpu.memory_space<vmem>>) target_semaphore(%arg14 : memref<!tpu.dma_semaphore, #tpu.memory_space<semaphore_mem>>)
      %slice3A_209 = vector.extract_strided_slice %get3A_91 {offsets = [9], sizes = [1], strides = [1]} : vector<16xi32> to vector<1xi32>
      %squeeze3A_210 = vector.extract %slice3A_209[0] : i32 from vector<1xi32>
      %add3A_211 = arith.constant 9 : i32
      %add3A_212 = arith.addi %mul3A_102, %add3A_211 : i32
      %dma_start3A_213 = arith.constant 0 : i32
      %dma_start3A_214 = tpu.memref_slice %arg10[%add3A_212, %dma_start3A_213] : memref<256x64xf32, #tpu.memory_space<vmem>> -> memref<1x64xf32, #tpu.memory_space<vmem>>
      %dma_start3A_215 = arith.constant 0 : i32
      %dma_start3A_216 = tpu.memref_slice %arg3[%squeeze3A_210, %dma_start3A_215] : memref<100000x64xf32, #tpu.memory_space<hbm>> -> memref<1x64xf32, #tpu.memory_space<hbm>>
      %dma_start3A_217 = arith.constant 0 : i32
      %dma_start3A_218 = tpu.memref_slice %arg10[%add3A_212, %dma_start3A_217] : memref<256x64xf32, #tpu.memory_space<vmem>> -> memref<1x64xf32, #tpu.memory_space<vmem>>
      %dma_start3A_219 = arith.constant 0 : i32
      %dma_start3A_220 = tpu.memref_slice %arg3[%squeeze3A_210, %dma_start3A_219] : memref<100000x64xf32, #tpu.memory_space<hbm>> -> memref<1x64xf32, #tpu.memory_space<hbm>>
      tpu.enqueue_dma source(%dma_start3A_220 : memref<1x64xf32, #tpu.memory_space<hbm>>) target(%dma_start3A_218 : memref<1x64xf32, #tpu.memory_space<vmem>>) target_semaphore(%arg14 : memref<!tpu.dma_semaphore, #tpu.memory_space<semaphore_mem>>)
      %slice3A_221 = vector.extract_strided_slice %get3A_91 {offsets = [10], sizes = [1], strides = [1]} : vector<16xi32> to vector<1xi32>
      %squeeze3A_222 = vector.extract %slice3A_221[0] : i32 from vector<1xi32>
      %add3A_223 = arith.constant 10 : i32
      %add3A_224 = arith.addi %mul3A_102, %add3A_223 : i32
      %dma_start3A_225 = arith.constant 0 : i32
      %dma_start3A_226 = tpu.memref_slice %arg10[%add3A_224, %dma_start3A_225] : memref<256x64xf32, #tpu.memory_space<vmem>> -> memref<1x64xf32, #tpu.memory_space<vmem>>
      %dma_start3A_227 = arith.constant 0 : i32
      %dma_start3A_228 = tpu.memref_slice %arg3[%squeeze3A_222, %dma_start3A_227] : memref<100000x64xf32, #tpu.memory_space<hbm>> -> memref<1x64xf32, #tpu.memory_space<hbm>>
      %dma_start3A_229 = arith.constant 0 : i32
      %dma_start3A_230 = tpu.memref_slice %arg10[%add3A_224, %dma_start3A_229] : memref<256x64xf32, #tpu.memory_space<vmem>> -> memref<1x64xf32, #tpu.memory_space<vmem>>
      %dma_start3A_231 = arith.constant 0 : i32
      %dma_start3A_232 = tpu.memref_slice %arg3[%squeeze3A_222, %dma_start3A_231] : memref<100000x64xf32, #tpu.memory_space<hbm>> -> memref<1x64xf32, #tpu.memory_space<hbm>>
      tpu.enqueue_dma source(%dma_start3A_232 : memref<1x64xf32, #tpu.memory_space<hbm>>) target(%dma_start3A_230 : memref<1x64xf32, #tpu.memory_space<vmem>>) target_semaphore(%arg14 : memref<!tpu.dma_semaphore, #tpu.memory_space<semaphore_mem>>)
      %slice3A_233 = vector.extract_strided_slice %get3A_91 {offsets = [11], sizes = [1], strides = [1]} : vector<16xi32> to vector<1xi32>
      %squeeze3A_234 = vector.extract %slice3A_233[0] : i32 from vector<1xi32>
      %add3A_235 = arith.constant 11 : i32
      %add3A_236 = arith.addi %mul3A_102, %add3A_235 : i32
      %dma_start3A_237 = arith.constant 0 : i32
      %dma_start3A_238 = tpu.memref_slice %arg10[%add3A_236, %dma_start3A_237] : memref<256x64xf32, #tpu.memory_space<vmem>> -> memref<1x64xf32, #tpu.memory_space<vmem>>
      %dma_start3A_239 = arith.constant 0 : i32
      %dma_start3A_240 = tpu.memref_slice %arg3[%squeeze3A_234, %dma_start3A_239] : memref<100000x64xf32, #tpu.memory_space<hbm>> -> memref<1x64xf32, #tpu.memory_space<hbm>>
      %dma_start3A_241 = arith.constant 0 : i32
      %dma_start3A_242 = tpu.memref_slice %arg10[%add3A_236, %dma_start3A_241] : memref<256x64xf32, #tpu.memory_space<vmem>> -> memref<1x64xf32, #tpu.memory_space<vmem>>
      %dma_start3A_243 = arith.constant 0 : i32
      %dma_start3A_244 = tpu.memref_slice %arg3[%squeeze3A_234, %dma_start3A_243] : memref<100000x64xf32, #tpu.memory_space<hbm>> -> memref<1x64xf32, #tpu.memory_space<hbm>>
      tpu.enqueue_dma source(%dma_start3A_244 : memref<1x64xf32, #tpu.memory_space<hbm>>) target(%dma_start3A_242 : memref<1x64xf32, #tpu.memory_space<vmem>>) target_semaphore(%arg14 : memref<!tpu.dma_semaphore, #tpu.memory_space<semaphore_mem>>)
      %slice3A_245 = vector.extract_strided_slice %get3A_91 {offsets = [12], sizes = [1], strides = [1]} : vector<16xi32> to vector<1xi32>
      %squeeze3A_246 = vector.extract %slice3A_245[0] : i32 from vector<1xi32>
      %add3A_247 = arith.constant 12 : i32
      %add3A_248 = arith.addi %mul3A_102, %add3A_247 : i32
      %dma_start3A_249 = arith.constant 0 : i32
      %dma_start3A_250 = tpu.memref_slice %arg10[%add3A_248, %dma_start3A_249] : memref<256x64xf32, #tpu.memory_space<vmem>> -> memref<1x64xf32, #tpu.memory_space<vmem>>
      %dma_start3A_251 = arith.constant 0 : i32
      %dma_start3A_252 = tpu.memref_slice %arg3[%squeeze3A_246, %dma_start3A_251] : memref<100000x64xf32, #tpu.memory_space<hbm>> -> memref<1x64xf32, #tpu.memory_space<hbm>>
      %dma_start3A_253 = arith.constant 0 : i32
      %dma_start3A_254 = tpu.memref_slice %arg10[%add3A_248, %dma_start3A_253] : memref<256x64xf32, #tpu.memory_space<vmem>> -> memref<1x64xf32, #tpu.memory_space<vmem>>
      %dma_start3A_255 = arith.constant 0 : i32
      %dma_start3A_256 = tpu.memref_slice %arg3[%squeeze3A_246, %dma_start3A_255] : memref<100000x64xf32, #tpu.memory_space<hbm>> -> memref<1x64xf32, #tpu.memory_space<hbm>>
      tpu.enqueue_dma source(%dma_start3A_256 : memref<1x64xf32, #tpu.memory_space<hbm>>) target(%dma_start3A_254 : memref<1x64xf32, #tpu.memory_space<vmem>>) target_semaphore(%arg14 : memref<!tpu.dma_semaphore, #tpu.memory_space<semaphore_mem>>)
      %slice3A_257 = vector.extract_strided_slice %get3A_91 {offsets = [13], sizes = [1], strides = [1]} : vector<16xi32> to vector<1xi32>
      %squeeze3A_258 = vector.extract %slice3A_257[0] : i32 from vector<1xi32>
      %add3A_259 = arith.constant 13 : i32
      %add3A_260 = arith.addi %mul3A_102, %add3A_259 : i32
      %dma_start3A_261 = arith.constant 0 : i32
      %dma_start3A_262 = tpu.memref_slice %arg10[%add3A_260, %dma_start3A_261] : memref<256x64xf32, #tpu.memory_space<vmem>> -> memref<1x64xf32, #tpu.memory_space<vmem>>
      %dma_start3A_263 = arith.constant 0 : i32
      %dma_start3A_264 = tpu.memref_slice %arg3[%squeeze3A_258, %dma_start3A_263] : memref<100000x64xf32, #tpu.memory_space<hbm>> -> memref<1x64xf32, #tpu.memory_space<hbm>>
      %dma_start3A_265 = arith.constant 0 : i32
      %dma_start3A_266 = tpu.memref_slice %arg10[%add3A_260, %dma_start3A_265] : memref<256x64xf32, #tpu.memory_space<vmem>> -> memref<1x64xf32, #tpu.memory_space<vmem>>
      %dma_start3A_267 = arith.constant 0 : i32
      %dma_start3A_268 = tpu.memref_slice %arg3[%squeeze3A_258, %dma_start3A_267] : memref<100000x64xf32, #tpu.memory_space<hbm>> -> memref<1x64xf32, #tpu.memory_space<hbm>>
      tpu.enqueue_dma source(%dma_start3A_268 : memref<1x64xf32, #tpu.memory_space<hbm>>) target(%dma_start3A_266 : memref<1x64xf32, #tpu.memory_space<vmem>>) target_semaphore(%arg14 : memref<!tpu.dma_semaphore, #tpu.memory_space<semaphore_mem>>)
      %slice3A_269 = vector.extract_strided_slice %get3A_91 {offsets = [14], sizes = [1], strides = [1]} : vector<16xi32> to vector<1xi32>
      %squeeze3A_270 = vector.extract %slice3A_269[0] : i32 from vector<1xi32>
      %add3A_271 = arith.constant 14 : i32
      %add3A_272 = arith.addi %mul3A_102, %add3A_271 : i32
      %dma_start3A_273 = arith.constant 0 : i32
      %dma_start3A_274 = tpu.memref_slice %arg10[%add3A_272, %dma_start3A_273] : memref<256x64xf32, #tpu.memory_space<vmem>> -> memref<1x64xf32, #tpu.memory_space<vmem>>
      %dma_start3A_275 = arith.constant 0 : i32
      %dma_start3A_276 = tpu.memref_slice %arg3[%squeeze3A_270, %dma_start3A_275] : memref<100000x64xf32, #tpu.memory_space<hbm>> -> memref<1x64xf32, #tpu.memory_space<hbm>>
      %dma_start3A_277 = arith.constant 0 : i32
      %dma_start3A_278 = tpu.memref_slice %arg10[%add3A_272, %dma_start3A_277] : memref<256x64xf32, #tpu.memory_space<vmem>> -> memref<1x64xf32, #tpu.memory_space<vmem>>
      %dma_start3A_279 = arith.constant 0 : i32
      %dma_start3A_280 = tpu.memref_slice %arg3[%squeeze3A_270, %dma_start3A_279] : memref<100000x64xf32, #tpu.memory_space<hbm>> -> memref<1x64xf32, #tpu.memory_space<hbm>>
      tpu.enqueue_dma source(%dma_start3A_280 : memref<1x64xf32, #tpu.memory_space<hbm>>) target(%dma_start3A_278 : memref<1x64xf32, #tpu.memory_space<vmem>>) target_semaphore(%arg14 : memref<!tpu.dma_semaphore, #tpu.memory_space<semaphore_mem>>)
      %slice3A_281 = vector.extract_strided_slice %get3A_91 {offsets = [15], sizes = [1], strides = [1]} : vector<16xi32> to vector<1xi32>
      %squeeze3A_282 = vector.extract %slice3A_281[0] : i32 from vector<1xi32>
      %add3A_283 = arith.constant 15 : i32
      %add3A_284 = arith.addi %mul3A_102, %add3A_283 : i32
      %dma_start3A_285 = arith.constant 0 : i32
      %dma_start3A_286 = tpu.memref_slice %arg10[%add3A_284, %dma_start3A_285] : memref<256x64xf32, #tpu.memory_space<vmem>> -> memref<1x64xf32, #tpu.memory_space<vmem>>
      %dma_start3A_287 = arith.constant 0 : i32
      %dma_start3A_288 = tpu.memref_slice %arg3[%squeeze3A_282, %dma_start3A_287] : memref<100000x64xf32, #tpu.memory_space<hbm>> -> memref<1x64xf32, #tpu.memory_space<hbm>>
      %dma_start3A_289 = arith.constant 0 : i32
      %dma_start3A_290 = tpu.memref_slice %arg10[%add3A_284, %dma_start3A_289] : memref<256x64xf32, #tpu.memory_space<vmem>> -> memref<1x64xf32, #tpu.memory_space<vmem>>
      %dma_start3A_291 = arith.constant 0 : i32
      %dma_start3A_292 = tpu.memref_slice %arg3[%squeeze3A_282, %dma_start3A_291] : memref<100000x64xf32, #tpu.memory_space<hbm>> -> memref<1x64xf32, #tpu.memory_space<hbm>>
      tpu.enqueue_dma source(%dma_start3A_292 : memref<1x64xf32, #tpu.memory_space<hbm>>) target(%dma_start3A_290 : memref<1x64xf32, #tpu.memory_space<vmem>>) target_semaphore(%arg14 : memref<!tpu.dma_semaphore, #tpu.memory_space<semaphore_mem>>)
    }
    %scan3A_63 = arith.constant 16 : i32
    %add3A_64 = arith.constant 256 : i32
    %add3A_65 = arith.addi %mul3A_2, %add3A_64 : i32
    %dma_start3A_66 = arith.constant 0 : i32
    %dma_start3A_67 = tpu.memref_slice %arg5[%add3A_65, %dma_start3A_66] : memref<16384x64xf32, #tpu.memory_space<hbm>> -> memref<256x64xf32, #tpu.memory_space<hbm>>
    %dma_start3A_68 = arith.constant 0 : i32
    %dma_start3A_69 = tpu.memref_slice %arg5[%add3A_65, %dma_start3A_68] : memref<16384x64xf32, #tpu.memory_space<hbm>> -> memref<256x64xf32, #tpu.memory_space<hbm>>
    tpu.enqueue_dma source(%dma_start3A_69 : memref<256x64xf32, #tpu.memory_space<hbm>>) target(%arg9 : memref<256x64xf32, #tpu.memory_space<vmem>>) target_semaphore(%arg16 : memref<!tpu.dma_semaphore, #tpu.memory_space<semaphore_mem>>)
    %dma_wait3A_70 = arith.constant 0 : i32
    %dma_wait3A_71 = arith.constant 0 : i32
    %dma_wait3A_72 = tpu.memref_slice %arg5[%dma_wait3A_70, %dma_wait3A_71] : memref<16384x64xf32, #tpu.memory_space<hbm>> -> memref<256x64xf32, #tpu.memory_space<hbm>>
    %dma_wait3A_73 = arith.constant 0 : i32
    %dma_wait3A_74 = arith.constant 0 : i32
    %dma_wait3A_75 = tpu.memref_slice %arg5[%dma_wait3A_73, %dma_wait3A_74] : memref<16384x64xf32, #tpu.memory_space<hbm>> -> memref<256x64xf32, #tpu.memory_space<hbm>>
    tpu.wait_dma2 semaphore(%arg16 : memref<!tpu.dma_semaphore, #tpu.memory_space<semaphore_mem>>) src(%dma_wait3A_75 : memref<256x64xf32, #tpu.memory_space<hbm>>) dst(%arg9 : memref<256x64xf32, #tpu.memory_space<vmem>>)
    %dma_wait3A_76 = arith.constant 0 : i32
    %dma_wait3A_77 = arith.constant 0 : i32
    %dma_wait3A_78 = tpu.memref_slice %arg3[%dma_wait3A_76, %dma_wait3A_77] : memref<100000x64xf32, #tpu.memory_space<hbm>> -> memref<256x64xf32, #tpu.memory_space<hbm>>
    %dma_wait3A_79 = arith.constant 0 : i32
    %dma_wait3A_80 = arith.constant 0 : i32
    %dma_wait3A_81 = tpu.memref_slice %arg3[%dma_wait3A_79, %dma_wait3A_80] : memref<100000x64xf32, #tpu.memory_space<hbm>> -> memref<256x64xf32, #tpu.memory_space<hbm>>
    tpu.wait_dma2 semaphore(%arg14 : memref<!tpu.dma_semaphore, #tpu.memory_space<semaphore_mem>>) src(%dma_wait3A_81 : memref<256x64xf32, #tpu.memory_space<hbm>>) dst(%arg10 : memref<256x64xf32, #tpu.memory_space<vmem>>)
    %scan3A_82 = arith.constant 0 : i32
    %scan3A_83 = arith.constant 16 : i32
    %scan3A_84 = arith.constant 16 : i32
    %scan3A_85 = arith.addi %scan3A_83, %scan3A_84 : i32
    %scan3A_86 = arith.constant 1 : i32
    scf.for %scan3A_88 = %scan3A_83 to %scan3A_85 step %scan3A_86  : i32 {
      %mul3A_89 = arith.constant 16 : i32
      %mul3A_90 = arith.muli %scan3A_88, %mul3A_89 : i32
      %jit3A = arith.constant 16 : i32
      %eq3A = arith.constant 0 : i32
      %eq3A_91 = arith.cmpi eq, %jit3A, %eq3A : i32
      %jit3A_92 = arith.constant 1 : i32
      %select_n3A = arith.select %eq3A_91, %jit3A_92, %jit3A : i32
      %rem3A = arith.remsi %scan3A_88, %select_n3A : i32
      %ne3A = arith.constant 0 : i32
      %ne3A_93 = arith.cmpi ne, %rem3A, %ne3A : i32
      %lt3A = arith.constant 0 : i32
      %lt3A_94 = arith.cmpi slt, %rem3A, %lt3A : i32
      %lt3A_95 = arith.constant 0 : i32
      %lt3A_96 = arith.cmpi slt, %select_n3A, %lt3A_95 : i32
      %ne3A_97 = arith.xori %lt3A_94, %lt3A_96 : i1
      %and3A = arith.andi %ne3A_97, %ne3A_93 : i1
      %add3A_98 = arith.addi %rem3A, %select_n3A : i32
      %select_n3A_99 = arith.select %and3A, %add3A_98, %rem3A : i32
      %mul3A_100 = arith.constant 16 : i32
      %mul3A_101 = arith.muli %select_n3A_99, %mul3A_100 : i32
      %broadcast_in_dim3A = arith.constant 0.000000e+00 : f32
      %broadcast_in_dim3A_102 = vector.broadcast %broadcast_in_dim3A : f32 to vector<16xf32>
      %add3A_103 = arith.constant 0 : i32
      %add3A_104 = arith.addi %mul3A_101, %add3A_103 : i32
      %get3A = arith.index_cast %add3A_104 : i32 to index
      %get3A_105 = arith.constant 0 : index
      %get3A_106 = tpu.vector_load %arg9[%get3A, %get3A_105] {strides = array<i32>} : memref<256x64xf32, #tpu.memory_space<vmem>>, vector<16xf32>,
      %get3A_107 = arith.index_cast %add3A_104 : i32 to index
      %get3A_108 = arith.constant 0 : index
      %get3A_109 = tpu.vector_load %arg10[%get3A_107, %get3A_108] {strides = array<i32>} : memref<256x64xf32, #tpu.memory_space<vmem>>, vector<16xf32>,
      %mul3A_110 = arith.mulf %get3A_106, %get3A_109 : vector<16xf32>
      %get3A_111 = arith.index_cast %add3A_104 : i32 to index
      %get3A_112 = arith.constant 16 : index
      %get3A_113 = tpu.vector_load %arg9[%get3A_111, %get3A_112] {strides = array<i32>} : memref<256x64xf32, #tpu.memory_space<vmem>>, vector<16xf32>,
      %get3A_114 = arith.index_cast %add3A_104 : i32 to index
      %get3A_115 = arith.constant 16 : index
      %get3A_116 = tpu.vector_load %arg10[%get3A_114, %get3A_115] {strides = array<i32>} : memref<256x64xf32, #tpu.memory_space<vmem>>, vector<16xf32>,
      %mul3A_117 = arith.mulf %get3A_113, %get3A_116 : vector<16xf32>
      %add3A_118 = arith.addf %mul3A_110, %mul3A_117 : vector<16xf32>
      %get3A_119 = arith.index_cast %add3A_104 : i32 to index
      %get3A_120 = arith.constant 32 : index
      %get3A_121 = tpu.vector_load %arg9[%get3A_119, %get3A_120] {strides = array<i32>} : memref<256x64xf32, #tpu.memory_space<vmem>>, vector<16xf32>,
      %get3A_122 = arith.index_cast %add3A_104 : i32 to index
      %get3A_123 = arith.constant 32 : index
      %get3A_124 = tpu.vector_load %arg10[%get3A_122, %get3A_123] {strides = array<i32>} : memref<256x64xf32, #tpu.memory_space<vmem>>, vector<16xf32>,
      %mul3A_125 = arith.mulf %get3A_121, %get3A_124 : vector<16xf32>
      %add3A_126 = arith.addf %add3A_118, %mul3A_125 : vector<16xf32>
      %get3A_127 = arith.index_cast %add3A_104 : i32 to index
      %get3A_128 = arith.constant 48 : index
      %get3A_129 = tpu.vector_load %arg9[%get3A_127, %get3A_128] {strides = array<i32>} : memref<256x64xf32, #tpu.memory_space<vmem>>, vector<16xf32>,
      %get3A_130 = arith.index_cast %add3A_104 : i32 to index
      %get3A_131 = arith.constant 48 : index
      %get3A_132 = tpu.vector_load %arg10[%get3A_130, %get3A_131] {strides = array<i32>} : memref<256x64xf32, #tpu.memory_space<vmem>>, vector<16xf32>,
      %mul3A_133 = arith.mulf %get3A_129, %get3A_132 : vector<16xf32>
      %add3A_134 = arith.addf %add3A_126, %mul3A_133 : vector<16xf32>
      %eq3A_135 = arith.constant 0 : i32
      %eq3A_136 = vector.broadcast %eq3A_135 : i32 to vector<16xi32>
      %eq3A_137 = arith.cmpi eq, %iota3A, %eq3A_136 : vector<16xi32>
      %reduce_sum3A = arith.constant true
      %reduce_sum3A_138 = vector.broadcast %reduce_sum3A : i1 to vector<16xi1>
      %reduce_sum3A_139 = tpu.scan <sum>, %add3A_134 masked %reduce_sum3A_138 : vector<16xf32>, vector<16xi1> -> vector<16xf32>
      %reduce_sum3A_140 = vector.extract %reduce_sum3A_139[15] : f32 from vector<16xf32>
      %broadcast_in_dim3A_141 = vector.broadcast %reduce_sum3A_140 : f32 to vector<16xf32>
      %select_n3A_142 = arith.select %eq3A_137, %broadcast_in_dim3A_141, %broadcast_in_dim3A_102 : vector<16xi1>, vector<16xf32>
      %add3A_143 = arith.constant 1 : i32
      %add3A_144 = arith.addi %mul3A_101, %add3A_143 : i32
      %get3A_145 = arith.index_cast %add3A_144 : i32 to index
      %get3A_146 = arith.constant 0 : index
      %get3A_147 = tpu.vector_load %arg9[%get3A_145, %get3A_146] {strides = array<i32>} : memref<256x64xf32, #tpu.memory_space<vmem>>, vector<16xf32>,
      %get3A_148 = arith.index_cast %add3A_144 : i32 to index
      %get3A_149 = arith.constant 0 : index
      %get3A_150 = tpu.vector_load %arg10[%get3A_148, %get3A_149] {strides = array<i32>} : memref<256x64xf32, #tpu.memory_space<vmem>>, vector<16xf32>,
      %mul3A_151 = arith.mulf %get3A_147, %get3A_150 : vector<16xf32>
      %get3A_152 = arith.index_cast %add3A_144 : i32 to index
      %get3A_153 = arith.constant 16 : index
      %get3A_154 = tpu.vector_load %arg9[%get3A_152, %get3A_153] {strides = array<i32>} : memref<256x64xf32, #tpu.memory_space<vmem>>, vector<16xf32>,
      %get3A_155 = arith.index_cast %add3A_144 : i32 to index
      %get3A_156 = arith.constant 16 : index
      %get3A_157 = tpu.vector_load %arg10[%get3A_155, %get3A_156] {strides = array<i32>} : memref<256x64xf32, #tpu.memory_space<vmem>>, vector<16xf32>,
      %mul3A_158 = arith.mulf %get3A_154, %get3A_157 : vector<16xf32>
      %add3A_159 = arith.addf %mul3A_151, %mul3A_158 : vector<16xf32>
      %get3A_160 = arith.index_cast %add3A_144 : i32 to index
      %get3A_161 = arith.constant 32 : index
      %get3A_162 = tpu.vector_load %arg9[%get3A_160, %get3A_161] {strides = array<i32>} : memref<256x64xf32, #tpu.memory_space<vmem>>, vector<16xf32>,
      %get3A_163 = arith.index_cast %add3A_144 : i32 to index
      %get3A_164 = arith.constant 32 : index
      %get3A_165 = tpu.vector_load %arg10[%get3A_163, %get3A_164] {strides = array<i32>} : memref<256x64xf32, #tpu.memory_space<vmem>>, vector<16xf32>,
      %mul3A_166 = arith.mulf %get3A_162, %get3A_165 : vector<16xf32>
      %add3A_167 = arith.addf %add3A_159, %mul3A_166 : vector<16xf32>
      %get3A_168 = arith.index_cast %add3A_144 : i32 to index
      %get3A_169 = arith.constant 48 : index
      %get3A_170 = tpu.vector_load %arg9[%get3A_168, %get3A_169] {strides = array<i32>} : memref<256x64xf32, #tpu.memory_space<vmem>>, vector<16xf32>,
      %get3A_171 = arith.index_cast %add3A_144 : i32 to index
      %get3A_172 = arith.constant 48 : index
      %get3A_173 = tpu.vector_load %arg10[%get3A_171, %get3A_172] {strides = array<i32>} : memref<256x64xf32, #tpu.memory_space<vmem>>, vector<16xf32>,
      %mul3A_174 = arith.mulf %get3A_170, %get3A_173 : vector<16xf32>
      %add3A_175 = arith.addf %add3A_167, %mul3A_174 : vector<16xf32>
      %eq3A_176 = arith.constant 1 : i32
      %eq3A_177 = vector.broadcast %eq3A_176 : i32 to vector<16xi32>
      %eq3A_178 = arith.cmpi eq, %iota3A, %eq3A_177 : vector<16xi32>
      %reduce_sum3A_179 = arith.constant true
      %reduce_sum3A_180 = vector.broadcast %reduce_sum3A_179 : i1 to vector<16xi1>
      %reduce_sum3A_181 = tpu.scan <sum>, %add3A_175 masked %reduce_sum3A_180 : vector<16xf32>, vector<16xi1> -> vector<16xf32>
      %reduce_sum3A_182 = vector.extract %reduce_sum3A_181[15] : f32 from vector<16xf32>
      %broadcast_in_dim3A_183 = vector.broadcast %reduce_sum3A_182 : f32 to vector<16xf32>
      %select_n3A_184 = arith.select %eq3A_178, %broadcast_in_dim3A_183, %select_n3A_142 : vector<16xi1>, vector<16xf32>
      %add3A_185 = arith.constant 2 : i32
      %add3A_186 = arith.addi %mul3A_101, %add3A_185 : i32
      %get3A_187 = arith.index_cast %add3A_186 : i32 to index
      %get3A_188 = arith.constant 0 : index
      %get3A_189 = tpu.vector_load %arg9[%get3A_187, %get3A_188] {strides = array<i32>} : memref<256x64xf32, #tpu.memory_space<vmem>>, vector<16xf32>,
      %get3A_190 = arith.index_cast %add3A_186 : i32 to index
      %get3A_191 = arith.constant 0 : index
      %get3A_192 = tpu.vector_load %arg10[%get3A_190, %get3A_191] {strides = array<i32>} : memref<256x64xf32, #tpu.memory_space<vmem>>, vector<16xf32>,
      %mul3A_193 = arith.mulf %get3A_189, %get3A_192 : vector<16xf32>
      %get3A_194 = arith.index_cast %add3A_186 : i32 to index
      %get3A_195 = arith.constant 16 : index
      %get3A_196 = tpu.vector_load %arg9[%get3A_194, %get3A_195] {strides = array<i32>} : memref<256x64xf32, #tpu.memory_space<vmem>>, vector<16xf32>,
      %get3A_197 = arith.index_cast %add3A_186 : i32 to index
      %get3A_198 = arith.constant 16 : index
      %get3A_199 = tpu.vector_load %arg10[%get3A_197, %get3A_198] {strides = array<i32>} : memref<256x64xf32, #tpu.memory_space<vmem>>, vector<16xf32>,
      %mul3A_200 = arith.mulf %get3A_196, %get3A_199 : vector<16xf32>
      %add3A_201 = arith.addf %mul3A_193, %mul3A_200 : vector<16xf32>
      %get3A_202 = arith.index_cast %add3A_186 : i32 to index
      %get3A_203 = arith.constant 32 : index
      %get3A_204 = tpu.vector_load %arg9[%get3A_202, %get3A_203] {strides = array<i32>} : memref<256x64xf32, #tpu.memory_space<vmem>>, vector<16xf32>,
      %get3A_205 = arith.index_cast %add3A_186 : i32 to index
      %get3A_206 = arith.constant 32 : index
      %get3A_207 = tpu.vector_load %arg10[%get3A_205, %get3A_206] {strides = array<i32>} : memref<256x64xf32, #tpu.memory_space<vmem>>, vector<16xf32>,
      %mul3A_208 = arith.mulf %get3A_204, %get3A_207 : vector<16xf32>
      %add3A_209 = arith.addf %add3A_201, %mul3A_208 : vector<16xf32>
      %get3A_210 = arith.index_cast %add3A_186 : i32 to index
      %get3A_211 = arith.constant 48 : index
      %get3A_212 = tpu.vector_load %arg9[%get3A_210, %get3A_211] {strides = array<i32>} : memref<256x64xf32, #tpu.memory_space<vmem>>, vector<16xf32>,
      %get3A_213 = arith.index_cast %add3A_186 : i32 to index
      %get3A_214 = arith.constant 48 : index
      %get3A_215 = tpu.vector_load %arg10[%get3A_213, %get3A_214] {strides = array<i32>} : memref<256x64xf32, #tpu.memory_space<vmem>>, vector<16xf32>,
      %mul3A_216 = arith.mulf %get3A_212, %get3A_215 : vector<16xf32>
      %add3A_217 = arith.addf %add3A_209, %mul3A_216 : vector<16xf32>
      %eq3A_218 = arith.constant 2 : i32
      %eq3A_219 = vector.broadcast %eq3A_218 : i32 to vector<16xi32>
      %eq3A_220 = arith.cmpi eq, %iota3A, %eq3A_219 : vector<16xi32>
      %reduce_sum3A_221 = arith.constant true
      %reduce_sum3A_222 = vector.broadcast %reduce_sum3A_221 : i1 to vector<16xi1>
      %reduce_sum3A_223 = tpu.scan <sum>, %add3A_217 masked %reduce_sum3A_222 : vector<16xf32>, vector<16xi1> -> vector<16xf32>
      %reduce_sum3A_224 = vector.extract %reduce_sum3A_223[15] : f32 from vector<16xf32>
      %broadcast_in_dim3A_225 = vector.broadcast %reduce_sum3A_224 : f32 to vector<16xf32>
      %select_n3A_226 = arith.select %eq3A_220, %broadcast_in_dim3A_225, %select_n3A_184 : vector<16xi1>, vector<16xf32>
      %add3A_227 = arith.constant 3 : i32
      %add3A_228 = arith.addi %mul3A_101, %add3A_227 : i32
      %get3A_229 = arith.index_cast %add3A_228 : i32 to index
      %get3A_230 = arith.constant 0 : index
      %get3A_231 = tpu.vector_load %arg9[%get3A_229, %get3A_230] {strides = array<i32>} : memref<256x64xf32, #tpu.memory_space<vmem>>, vector<16xf32>,
      %get3A_232 = arith.index_cast %add3A_228 : i32 to index
      %get3A_233 = arith.constant 0 : index
      %get3A_234 = tpu.vector_load %arg10[%get3A_232, %get3A_233] {strides = array<i32>} : memref<256x64xf32, #tpu.memory_space<vmem>>, vector<16xf32>,
      %mul3A_235 = arith.mulf %get3A_231, %get3A_234 : vector<16xf32>
      %get3A_236 = arith.index_cast %add3A_228 : i32 to index
      %get3A_237 = arith.constant 16 : index
      %get3A_238 = tpu.vector_load %arg9[%get3A_236, %get3A_237] {strides = array<i32>} : memref<256x64xf32, #tpu.memory_space<vmem>>, vector<16xf32>,
      %get3A_239 = arith.index_cast %add3A_228 : i32 to index
      %get3A_240 = arith.constant 16 : index
      %get3A_241 = tpu.vector_load %arg10[%get3A_239, %get3A_240] {strides = array<i32>} : memref<256x64xf32, #tpu.memory_space<vmem>>, vector<16xf32>,
      %mul3A_242 = arith.mulf %get3A_238, %get3A_241 : vector<16xf32>
      %add3A_243 = arith.addf %mul3A_235, %mul3A_242 : vector<16xf32>
      %get3A_244 = arith.index_cast %add3A_228 : i32 to index
      %get3A_245 = arith.constant 32 : index
      %get3A_246 = tpu.vector_load %arg9[%get3A_244, %get3A_245] {strides = array<i32>} : memref<256x64xf32, #tpu.memory_space<vmem>>, vector<16xf32>,
      %get3A_247 = arith.index_cast %add3A_228 : i32 to index
      %get3A_248 = arith.constant 32 : index
      %get3A_249 = tpu.vector_load %arg10[%get3A_247, %get3A_248] {strides = array<i32>} : memref<256x64xf32, #tpu.memory_space<vmem>>, vector<16xf32>,
      %mul3A_250 = arith.mulf %get3A_246, %get3A_249 : vector<16xf32>
      %add3A_251 = arith.addf %add3A_243, %mul3A_250 : vector<16xf32>
      %get3A_252 = arith.index_cast %add3A_228 : i32 to index
      %get3A_253 = arith.constant 48 : index
      %get3A_254 = tpu.vector_load %arg9[%get3A_252, %get3A_253] {strides = array<i32>} : memref<256x64xf32, #tpu.memory_space<vmem>>, vector<16xf32>,
      %get3A_255 = arith.index_cast %add3A_228 : i32 to index
      %get3A_256 = arith.constant 48 : index
      %get3A_257 = tpu.vector_load %arg10[%get3A_255, %get3A_256] {strides = array<i32>} : memref<256x64xf32, #tpu.memory_space<vmem>>, vector<16xf32>,
      %mul3A_258 = arith.mulf %get3A_254, %get3A_257 : vector<16xf32>
      %add3A_259 = arith.addf %add3A_251, %mul3A_258 : vector<16xf32>
      %eq3A_260 = arith.constant 3 : i32
      %eq3A_261 = vector.broadcast %eq3A_260 : i32 to vector<16xi32>
      %eq3A_262 = arith.cmpi eq, %iota3A, %eq3A_261 : vector<16xi32>
      %reduce_sum3A_263 = arith.constant true
      %reduce_sum3A_264 = vector.broadcast %reduce_sum3A_263 : i1 to vector<16xi1>
      %reduce_sum3A_265 = tpu.scan <sum>, %add3A_259 masked %reduce_sum3A_264 : vector<16xf32>, vector<16xi1> -> vector<16xf32>
      %reduce_sum3A_266 = vector.extract %reduce_sum3A_265[15] : f32 from vector<16xf32>
      %broadcast_in_dim3A_267 = vector.broadcast %reduce_sum3A_266 : f32 to vector<16xf32>
      %select_n3A_268 = arith.select %eq3A_262, %broadcast_in_dim3A_267, %select_n3A_226 : vector<16xi1>, vector<16xf32>
      %add3A_269 = arith.constant 4 : i32
      %add3A_270 = arith.addi %mul3A_101, %add3A_269 : i32
      %get3A_271 = arith.index_cast %add3A_270 : i32 to index
      %get3A_272 = arith.constant 0 : index
      %get3A_273 = tpu.vector_load %arg9[%get3A_271, %get3A_272] {strides = array<i32>} : memref<256x64xf32, #tpu.memory_space<vmem>>, vector<16xf32>,
      %get3A_274 = arith.index_cast %add3A_270 : i32 to index
      %get3A_275 = arith.constant 0 : index
      %get3A_276 = tpu.vector_load %arg10[%get3A_274, %get3A_275] {strides = array<i32>} : memref<256x64xf32, #tpu.memory_space<vmem>>, vector<16xf32>,
      %mul3A_277 = arith.mulf %get3A_273, %get3A_276 : vector<16xf32>
      %get3A_278 = arith.index_cast %add3A_270 : i32 to index
      %get3A_279 = arith.constant 16 : index
      %get3A_280 = tpu.vector_load %arg9[%get3A_278, %get3A_279] {strides = array<i32>} : memref<256x64xf32, #tpu.memory_space<vmem>>, vector<16xf32>,
      %get3A_281 = arith.index_cast %add3A_270 : i32 to index
      %get3A_282 = arith.constant 16 : index
      %get3A_283 = tpu.vector_load %arg10[%get3A_281, %get3A_282] {strides = array<i32>} : memref<256x64xf32, #tpu.memory_space<vmem>>, vector<16xf32>,
      %mul3A_284 = arith.mulf %get3A_280, %get3A_283 : vector<16xf32>
      %add3A_285 = arith.addf %mul3A_277, %mul3A_284 : vector<16xf32>
      %get3A_286 = arith.index_cast %add3A_270 : i32 to index
      %get3A_287 = arith.constant 32 : index
      %get3A_288 = tpu.vector_load %arg9[%get3A_286, %get3A_287] {strides = array<i32>} : memref<256x64xf32, #tpu.memory_space<vmem>>, vector<16xf32>,
      %get3A_289 = arith.index_cast %add3A_270 : i32 to index
      %get3A_290 = arith.constant 32 : index
      %get3A_291 = tpu.vector_load %arg10[%get3A_289, %get3A_290] {strides = array<i32>} : memref<256x64xf32, #tpu.memory_space<vmem>>, vector<16xf32>,
      %mul3A_292 = arith.mulf %get3A_288, %get3A_291 : vector<16xf32>
      %add3A_293 = arith.addf %add3A_285, %mul3A_292 : vector<16xf32>
      %get3A_294 = arith.index_cast %add3A_270 : i32 to index
      %get3A_295 = arith.constant 48 : index
      %get3A_296 = tpu.vector_load %arg9[%get3A_294, %get3A_295] {strides = array<i32>} : memref<256x64xf32, #tpu.memory_space<vmem>>, vector<16xf32>,
      %get3A_297 = arith.index_cast %add3A_270 : i32 to index
      %get3A_298 = arith.constant 48 : index
      %get3A_299 = tpu.vector_load %arg10[%get3A_297, %get3A_298] {strides = array<i32>} : memref<256x64xf32, #tpu.memory_space<vmem>>, vector<16xf32>,
      %mul3A_300 = arith.mulf %get3A_296, %get3A_299 : vector<16xf32>
      %add3A_301 = arith.addf %add3A_293, %mul3A_300 : vector<16xf32>
      %eq3A_302 = arith.constant 4 : i32
      %eq3A_303 = vector.broadcast %eq3A_302 : i32 to vector<16xi32>
      %eq3A_304 = arith.cmpi eq, %iota3A, %eq3A_303 : vector<16xi32>
      %reduce_sum3A_305 = arith.constant true
      %reduce_sum3A_306 = vector.broadcast %reduce_sum3A_305 : i1 to vector<16xi1>
      %reduce_sum3A_307 = tpu.scan <sum>, %add3A_301 masked %reduce_sum3A_306 : vector<16xf32>, vector<16xi1> -> vector<16xf32>
      %reduce_sum3A_308 = vector.extract %reduce_sum3A_307[15] : f32 from vector<16xf32>
      %broadcast_in_dim3A_309 = vector.broadcast %reduce_sum3A_308 : f32 to vector<16xf32>
      %select_n3A_310 = arith.select %eq3A_304, %broadcast_in_dim3A_309, %select_n3A_268 : vector<16xi1>, vector<16xf32>
      %add3A_311 = arith.constant 5 : i32
      %add3A_312 = arith.addi %mul3A_101, %add3A_311 : i32
      %get3A_313 = arith.index_cast %add3A_312 : i32 to index
      %get3A_314 = arith.constant 0 : index
      %get3A_315 = tpu.vector_load %arg9[%get3A_313, %get3A_314] {strides = array<i32>} : memref<256x64xf32, #tpu.memory_space<vmem>>, vector<16xf32>,
      %get3A_316 = arith.index_cast %add3A_312 : i32 to index
      %get3A_317 = arith.constant 0 : index
      %get3A_318 = tpu.vector_load %arg10[%get3A_316, %get3A_317] {strides = array<i32>} : memref<256x64xf32, #tpu.memory_space<vmem>>, vector<16xf32>,
      %mul3A_319 = arith.mulf %get3A_315, %get3A_318 : vector<16xf32>
      %get3A_320 = arith.index_cast %add3A_312 : i32 to index
      %get3A_321 = arith.constant 16 : index
      %get3A_322 = tpu.vector_load %arg9[%get3A_320, %get3A_321] {strides = array<i32>} : memref<256x64xf32, #tpu.memory_space<vmem>>, vector<16xf32>,
      %get3A_323 = arith.index_cast %add3A_312 : i32 to index
      %get3A_324 = arith.constant 16 : index
      %get3A_325 = tpu.vector_load %arg10[%get3A_323, %get3A_324] {strides = array<i32>} : memref<256x64xf32, #tpu.memory_space<vmem>>, vector<16xf32>,
      %mul3A_326 = arith.mulf %get3A_322, %get3A_325 : vector<16xf32>
      %add3A_327 = arith.addf %mul3A_319, %mul3A_326 : vector<16xf32>
      %get3A_328 = arith.index_cast %add3A_312 : i32 to index
      %get3A_329 = arith.constant 32 : index
      %get3A_330 = tpu.vector_load %arg9[%get3A_328, %get3A_329] {strides = array<i32>} : memref<256x64xf32, #tpu.memory_space<vmem>>, vector<16xf32>,
      %get3A_331 = arith.index_cast %add3A_312 : i32 to index
      %get3A_332 = arith.constant 32 : index
      %get3A_333 = tpu.vector_load %arg10[%get3A_331, %get3A_332] {strides = array<i32>} : memref<256x64xf32, #tpu.memory_space<vmem>>, vector<16xf32>,
      %mul3A_334 = arith.mulf %get3A_330, %get3A_333 : vector<16xf32>
      %add3A_335 = arith.addf %add3A_327, %mul3A_334 : vector<16xf32>
      %get3A_336 = arith.index_cast %add3A_312 : i32 to index
      %get3A_337 = arith.constant 48 : index
      %get3A_338 = tpu.vector_load %arg9[%get3A_336, %get3A_337] {strides = array<i32>} : memref<256x64xf32, #tpu.memory_space<vmem>>, vector<16xf32>,
      %get3A_339 = arith.index_cast %add3A_312 : i32 to index
      %get3A_340 = arith.constant 48 : index
      %get3A_341 = tpu.vector_load %arg10[%get3A_339, %get3A_340] {strides = array<i32>} : memref<256x64xf32, #tpu.memory_space<vmem>>, vector<16xf32>,
      %mul3A_342 = arith.mulf %get3A_338, %get3A_341 : vector<16xf32>
      %add3A_343 = arith.addf %add3A_335, %mul3A_342 : vector<16xf32>
      %eq3A_344 = arith.constant 5 : i32
      %eq3A_345 = vector.broadcast %eq3A_344 : i32 to vector<16xi32>
      %eq3A_346 = arith.cmpi eq, %iota3A, %eq3A_345 : vector<16xi32>
      %reduce_sum3A_347 = arith.constant true
      %reduce_sum3A_348 = vector.broadcast %reduce_sum3A_347 : i1 to vector<16xi1>
      %reduce_sum3A_349 = tpu.scan <sum>, %add3A_343 masked %reduce_sum3A_348 : vector<16xf32>, vector<16xi1> -> vector<16xf32>
      %reduce_sum3A_350 = vector.extract %reduce_sum3A_349[15] : f32 from vector<16xf32>
      %broadcast_in_dim3A_351 = vector.broadcast %reduce_sum3A_350 : f32 to vector<16xf32>
      %select_n3A_352 = arith.select %eq3A_346, %broadcast_in_dim3A_351, %select_n3A_310 : vector<16xi1>, vector<16xf32>
      %add3A_353 = arith.constant 6 : i32
      %add3A_354 = arith.addi %mul3A_101, %add3A_353 : i32
      %get3A_355 = arith.index_cast %add3A_354 : i32 to index
      %get3A_356 = arith.constant 0 : index
      %get3A_357 = tpu.vector_load %arg9[%get3A_355, %get3A_356] {strides = array<i32>} : memref<256x64xf32, #tpu.memory_space<vmem>>, vector<16xf32>,
      %get3A_358 = arith.index_cast %add3A_354 : i32 to index
      %get3A_359 = arith.constant 0 : index
      %get3A_360 = tpu.vector_load %arg10[%get3A_358, %get3A_359] {strides = array<i32>} : memref<256x64xf32, #tpu.memory_space<vmem>>, vector<16xf32>,
      %mul3A_361 = arith.mulf %get3A_357, %get3A_360 : vector<16xf32>
      %get3A_362 = arith.index_cast %add3A_354 : i32 to index
      %get3A_363 = arith.constant 16 : index
      %get3A_364 = tpu.vector_load %arg9[%get3A_362, %get3A_363] {strides = array<i32>} : memref<256x64xf32, #tpu.memory_space<vmem>>, vector<16xf32>,
      %get3A_365 = arith.index_cast %add3A_354 : i32 to index
      %get3A_366 = arith.constant 16 : index
      %get3A_367 = tpu.vector_load %arg10[%get3A_365, %get3A_366] {strides = array<i32>} : memref<256x64xf32, #tpu.memory_space<vmem>>, vector<16xf32>,
      %mul3A_368 = arith.mulf %get3A_364, %get3A_367 : vector<16xf32>
      %add3A_369 = arith.addf %mul3A_361, %mul3A_368 : vector<16xf32>
      %get3A_370 = arith.index_cast %add3A_354 : i32 to index
      %get3A_371 = arith.constant 32 : index
      %get3A_372 = tpu.vector_load %arg9[%get3A_370, %get3A_371] {strides = array<i32>} : memref<256x64xf32, #tpu.memory_space<vmem>>, vector<16xf32>,
      %get3A_373 = arith.index_cast %add3A_354 : i32 to index
      %get3A_374 = arith.constant 32 : index
      %get3A_375 = tpu.vector_load %arg10[%get3A_373, %get3A_374] {strides = array<i32>} : memref<256x64xf32, #tpu.memory_space<vmem>>, vector<16xf32>,
      %mul3A_376 = arith.mulf %get3A_372, %get3A_375 : vector<16xf32>
      %add3A_377 = arith.addf %add3A_369, %mul3A_376 : vector<16xf32>
      %get3A_378 = arith.index_cast %add3A_354 : i32 to index
      %get3A_379 = arith.constant 48 : index
      %get3A_380 = tpu.vector_load %arg9[%get3A_378, %get3A_379] {strides = array<i32>} : memref<256x64xf32, #tpu.memory_space<vmem>>, vector<16xf32>,
      %get3A_381 = arith.index_cast %add3A_354 : i32 to index
      %get3A_382 = arith.constant 48 : index
      %get3A_383 = tpu.vector_load %arg10[%get3A_381, %get3A_382] {strides = array<i32>} : memref<256x64xf32, #tpu.memory_space<vmem>>, vector<16xf32>,
      %mul3A_384 = arith.mulf %get3A_380, %get3A_383 : vector<16xf32>
      %add3A_385 = arith.addf %add3A_377, %mul3A_384 : vector<16xf32>
      %eq3A_386 = arith.constant 6 : i32
      %eq3A_387 = vector.broadcast %eq3A_386 : i32 to vector<16xi32>
      %eq3A_388 = arith.cmpi eq, %iota3A, %eq3A_387 : vector<16xi32>
      %reduce_sum3A_389 = arith.constant true
      %reduce_sum3A_390 = vector.broadcast %reduce_sum3A_389 : i1 to vector<16xi1>
      %reduce_sum3A_391 = tpu.scan <sum>, %add3A_385 masked %reduce_sum3A_390 : vector<16xf32>, vector<16xi1> -> vector<16xf32>
      %reduce_sum3A_392 = vector.extract %reduce_sum3A_391[15] : f32 from vector<16xf32>
      %broadcast_in_dim3A_393 = vector.broadcast %reduce_sum3A_392 : f32 to vector<16xf32>
      %select_n3A_394 = arith.select %eq3A_388, %broadcast_in_dim3A_393, %select_n3A_352 : vector<16xi1>, vector<16xf32>
      %add3A_395 = arith.constant 7 : i32
      %add3A_396 = arith.addi %mul3A_101, %add3A_395 : i32
      %get3A_397 = arith.index_cast %add3A_396 : i32 to index
      %get3A_398 = arith.constant 0 : index
      %get3A_399 = tpu.vector_load %arg9[%get3A_397, %get3A_398] {strides = array<i32>} : memref<256x64xf32, #tpu.memory_space<vmem>>, vector<16xf32>,
      %get3A_400 = arith.index_cast %add3A_396 : i32 to index
      %get3A_401 = arith.constant 0 : index
      %get3A_402 = tpu.vector_load %arg10[%get3A_400, %get3A_401] {strides = array<i32>} : memref<256x64xf32, #tpu.memory_space<vmem>>, vector<16xf32>,
      %mul3A_403 = arith.mulf %get3A_399, %get3A_402 : vector<16xf32>
      %get3A_404 = arith.index_cast %add3A_396 : i32 to index
      %get3A_405 = arith.constant 16 : index
      %get3A_406 = tpu.vector_load %arg9[%get3A_404, %get3A_405] {strides = array<i32>} : memref<256x64xf32, #tpu.memory_space<vmem>>, vector<16xf32>,
      %get3A_407 = arith.index_cast %add3A_396 : i32 to index
      %get3A_408 = arith.constant 16 : index
      %get3A_409 = tpu.vector_load %arg10[%get3A_407, %get3A_408] {strides = array<i32>} : memref<256x64xf32, #tpu.memory_space<vmem>>, vector<16xf32>,
      %mul3A_410 = arith.mulf %get3A_406, %get3A_409 : vector<16xf32>
      %add3A_411 = arith.addf %mul3A_403, %mul3A_410 : vector<16xf32>
      %get3A_412 = arith.index_cast %add3A_396 : i32 to index
      %get3A_413 = arith.constant 32 : index
      %get3A_414 = tpu.vector_load %arg9[%get3A_412, %get3A_413] {strides = array<i32>} : memref<256x64xf32, #tpu.memory_space<vmem>>, vector<16xf32>,
      %get3A_415 = arith.index_cast %add3A_396 : i32 to index
      %get3A_416 = arith.constant 32 : index
      %get3A_417 = tpu.vector_load %arg10[%get3A_415, %get3A_416] {strides = array<i32>} : memref<256x64xf32, #tpu.memory_space<vmem>>, vector<16xf32>,
      %mul3A_418 = arith.mulf %get3A_414, %get3A_417 : vector<16xf32>
      %add3A_419 = arith.addf %add3A_411, %mul3A_418 : vector<16xf32>
      %get3A_420 = arith.index_cast %add3A_396 : i32 to index
      %get3A_421 = arith.constant 48 : index
      %get3A_422 = tpu.vector_load %arg9[%get3A_420, %get3A_421] {strides = array<i32>} : memref<256x64xf32, #tpu.memory_space<vmem>>, vector<16xf32>,
      %get3A_423 = arith.index_cast %add3A_396 : i32 to index
      %get3A_424 = arith.constant 48 : index
      %get3A_425 = tpu.vector_load %arg10[%get3A_423, %get3A_424] {strides = array<i32>} : memref<256x64xf32, #tpu.memory_space<vmem>>, vector<16xf32>,
      %mul3A_426 = arith.mulf %get3A_422, %get3A_425 : vector<16xf32>
      %add3A_427 = arith.addf %add3A_419, %mul3A_426 : vector<16xf32>
      %eq3A_428 = arith.constant 7 : i32
      %eq3A_429 = vector.broadcast %eq3A_428 : i32 to vector<16xi32>
      %eq3A_430 = arith.cmpi eq, %iota3A, %eq3A_429 : vector<16xi32>
      %reduce_sum3A_431 = arith.constant true
      %reduce_sum3A_432 = vector.broadcast %reduce_sum3A_431 : i1 to vector<16xi1>
      %reduce_sum3A_433 = tpu.scan <sum>, %add3A_427 masked %reduce_sum3A_432 : vector<16xf32>, vector<16xi1> -> vector<16xf32>
      %reduce_sum3A_434 = vector.extract %reduce_sum3A_433[15] : f32 from vector<16xf32>
      %broadcast_in_dim3A_435 = vector.broadcast %reduce_sum3A_434 : f32 to vector<16xf32>
      %select_n3A_436 = arith.select %eq3A_430, %broadcast_in_dim3A_435, %select_n3A_394 : vector<16xi1>, vector<16xf32>
      %add3A_437 = arith.constant 8 : i32
      %add3A_438 = arith.addi %mul3A_101, %add3A_437 : i32
      %get3A_439 = arith.index_cast %add3A_438 : i32 to index
      %get3A_440 = arith.constant 0 : index
      %get3A_441 = tpu.vector_load %arg9[%get3A_439, %get3A_440] {strides = array<i32>} : memref<256x64xf32, #tpu.memory_space<vmem>>, vector<16xf32>,
      %get3A_442 = arith.index_cast %add3A_438 : i32 to index
      %get3A_443 = arith.constant 0 : index
      %get3A_444 = tpu.vector_load %arg10[%get3A_442, %get3A_443] {strides = array<i32>} : memref<256x64xf32, #tpu.memory_space<vmem>>, vector<16xf32>,
      %mul3A_445 = arith.mulf %get3A_441, %get3A_444 : vector<16xf32>
      %get3A_446 = arith.index_cast %add3A_438 : i32 to index
      %get3A_447 = arith.constant 16 : index
      %get3A_448 = tpu.vector_load %arg9[%get3A_446, %get3A_447] {strides = array<i32>} : memref<256x64xf32, #tpu.memory_space<vmem>>, vector<16xf32>,
      %get3A_449 = arith.index_cast %add3A_438 : i32 to index
      %get3A_450 = arith.constant 16 : index
      %get3A_451 = tpu.vector_load %arg10[%get3A_449, %get3A_450] {strides = array<i32>} : memref<256x64xf32, #tpu.memory_space<vmem>>, vector<16xf32>,
      %mul3A_452 = arith.mulf %get3A_448, %get3A_451 : vector<16xf32>
      %add3A_453 = arith.addf %mul3A_445, %mul3A_452 : vector<16xf32>
      %get3A_454 = arith.index_cast %add3A_438 : i32 to index
      %get3A_455 = arith.constant 32 : index
      %get3A_456 = tpu.vector_load %arg9[%get3A_454, %get3A_455] {strides = array<i32>} : memref<256x64xf32, #tpu.memory_space<vmem>>, vector<16xf32>,
      %get3A_457 = arith.index_cast %add3A_438 : i32 to index
      %get3A_458 = arith.constant 32 : index
      %get3A_459 = tpu.vector_load %arg10[%get3A_457, %get3A_458] {strides = array<i32>} : memref<256x64xf32, #tpu.memory_space<vmem>>, vector<16xf32>,
      %mul3A_460 = arith.mulf %get3A_456, %get3A_459 : vector<16xf32>
      %add3A_461 = arith.addf %add3A_453, %mul3A_460 : vector<16xf32>
      %get3A_462 = arith.index_cast %add3A_438 : i32 to index
      %get3A_463 = arith.constant 48 : index
      %get3A_464 = tpu.vector_load %arg9[%get3A_462, %get3A_463] {strides = array<i32>} : memref<256x64xf32, #tpu.memory_space<vmem>>, vector<16xf32>,
      %get3A_465 = arith.index_cast %add3A_438 : i32 to index
      %get3A_466 = arith.constant 48 : index
      %get3A_467 = tpu.vector_load %arg10[%get3A_465, %get3A_466] {strides = array<i32>} : memref<256x64xf32, #tpu.memory_space<vmem>>, vector<16xf32>,
      %mul3A_468 = arith.mulf %get3A_464, %get3A_467 : vector<16xf32>
      %add3A_469 = arith.addf %add3A_461, %mul3A_468 : vector<16xf32>
      %eq3A_470 = arith.constant 8 : i32
      %eq3A_471 = vector.broadcast %eq3A_470 : i32 to vector<16xi32>
      %eq3A_472 = arith.cmpi eq, %iota3A, %eq3A_471 : vector<16xi32>
      %reduce_sum3A_473 = arith.constant true
      %reduce_sum3A_474 = vector.broadcast %reduce_sum3A_473 : i1 to vector<16xi1>
      %reduce_sum3A_475 = tpu.scan <sum>, %add3A_469 masked %reduce_sum3A_474 : vector<16xf32>, vector<16xi1> -> vector<16xf32>
      %reduce_sum3A_476 = vector.extract %reduce_sum3A_475[15] : f32 from vector<16xf32>
      %broadcast_in_dim3A_477 = vector.broadcast %reduce_sum3A_476 : f32 to vector<16xf32>
      %select_n3A_478 = arith.select %eq3A_472, %broadcast_in_dim3A_477, %select_n3A_436 : vector<16xi1>, vector<16xf32>
      %add3A_479 = arith.constant 9 : i32
      %add3A_480 = arith.addi %mul3A_101, %add3A_479 : i32
      %get3A_481 = arith.index_cast %add3A_480 : i32 to index
      %get3A_482 = arith.constant 0 : index
      %get3A_483 = tpu.vector_load %arg9[%get3A_481, %get3A_482] {strides = array<i32>} : memref<256x64xf32, #tpu.memory_space<vmem>>, vector<16xf32>,
      %get3A_484 = arith.index_cast %add3A_480 : i32 to index
      %get3A_485 = arith.constant 0 : index
      %get3A_486 = tpu.vector_load %arg10[%get3A_484, %get3A_485] {strides = array<i32>} : memref<256x64xf32, #tpu.memory_space<vmem>>, vector<16xf32>,
      %mul3A_487 = arith.mulf %get3A_483, %get3A_486 : vector<16xf32>
      %get3A_488 = arith.index_cast %add3A_480 : i32 to index
      %get3A_489 = arith.constant 16 : index
      %get3A_490 = tpu.vector_load %arg9[%get3A_488, %get3A_489] {strides = array<i32>} : memref<256x64xf32, #tpu.memory_space<vmem>>, vector<16xf32>,
      %get3A_491 = arith.index_cast %add3A_480 : i32 to index
      %get3A_492 = arith.constant 16 : index
      %get3A_493 = tpu.vector_load %arg10[%get3A_491, %get3A_492] {strides = array<i32>} : memref<256x64xf32, #tpu.memory_space<vmem>>, vector<16xf32>,
      %mul3A_494 = arith.mulf %get3A_490, %get3A_493 : vector<16xf32>
      %add3A_495 = arith.addf %mul3A_487, %mul3A_494 : vector<16xf32>
      %get3A_496 = arith.index_cast %add3A_480 : i32 to index
      %get3A_497 = arith.constant 32 : index
      %get3A_498 = tpu.vector_load %arg9[%get3A_496, %get3A_497] {strides = array<i32>} : memref<256x64xf32, #tpu.memory_space<vmem>>, vector<16xf32>,
      %get3A_499 = arith.index_cast %add3A_480 : i32 to index
      %get3A_500 = arith.constant 32 : index
      %get3A_501 = tpu.vector_load %arg10[%get3A_499, %get3A_500] {strides = array<i32>} : memref<256x64xf32, #tpu.memory_space<vmem>>, vector<16xf32>,
      %mul3A_502 = arith.mulf %get3A_498, %get3A_501 : vector<16xf32>
      %add3A_503 = arith.addf %add3A_495, %mul3A_502 : vector<16xf32>
      %get3A_504 = arith.index_cast %add3A_480 : i32 to index
      %get3A_505 = arith.constant 48 : index
      %get3A_506 = tpu.vector_load %arg9[%get3A_504, %get3A_505] {strides = array<i32>} : memref<256x64xf32, #tpu.memory_space<vmem>>, vector<16xf32>,
      %get3A_507 = arith.index_cast %add3A_480 : i32 to index
      %get3A_508 = arith.constant 48 : index
      %get3A_509 = tpu.vector_load %arg10[%get3A_507, %get3A_508] {strides = array<i32>} : memref<256x64xf32, #tpu.memory_space<vmem>>, vector<16xf32>,
      %mul3A_510 = arith.mulf %get3A_506, %get3A_509 : vector<16xf32>
      %add3A_511 = arith.addf %add3A_503, %mul3A_510 : vector<16xf32>
      %eq3A_512 = arith.constant 9 : i32
      %eq3A_513 = vector.broadcast %eq3A_512 : i32 to vector<16xi32>
      %eq3A_514 = arith.cmpi eq, %iota3A, %eq3A_513 : vector<16xi32>
      %reduce_sum3A_515 = arith.constant true
      %reduce_sum3A_516 = vector.broadcast %reduce_sum3A_515 : i1 to vector<16xi1>
      %reduce_sum3A_517 = tpu.scan <sum>, %add3A_511 masked %reduce_sum3A_516 : vector<16xf32>, vector<16xi1> -> vector<16xf32>
      %reduce_sum3A_518 = vector.extract %reduce_sum3A_517[15] : f32 from vector<16xf32>
      %broadcast_in_dim3A_519 = vector.broadcast %reduce_sum3A_518 : f32 to vector<16xf32>
      %select_n3A_520 = arith.select %eq3A_514, %broadcast_in_dim3A_519, %select_n3A_478 : vector<16xi1>, vector<16xf32>
      %add3A_521 = arith.constant 10 : i32
      %add3A_522 = arith.addi %mul3A_101, %add3A_521 : i32
      %get3A_523 = arith.index_cast %add3A_522 : i32 to index
      %get3A_524 = arith.constant 0 : index
      %get3A_525 = tpu.vector_load %arg9[%get3A_523, %get3A_524] {strides = array<i32>} : memref<256x64xf32, #tpu.memory_space<vmem>>, vector<16xf32>,
      %get3A_526 = arith.index_cast %add3A_522 : i32 to index
      %get3A_527 = arith.constant 0 : index
      %get3A_528 = tpu.vector_load %arg10[%get3A_526, %get3A_527] {strides = array<i32>} : memref<256x64xf32, #tpu.memory_space<vmem>>, vector<16xf32>,
      %mul3A_529 = arith.mulf %get3A_525, %get3A_528 : vector<16xf32>
      %get3A_530 = arith.index_cast %add3A_522 : i32 to index
      %get3A_531 = arith.constant 16 : index
      %get3A_532 = tpu.vector_load %arg9[%get3A_530, %get3A_531] {strides = array<i32>} : memref<256x64xf32, #tpu.memory_space<vmem>>, vector<16xf32>,
      %get3A_533 = arith.index_cast %add3A_522 : i32 to index
      %get3A_534 = arith.constant 16 : index
      %get3A_535 = tpu.vector_load %arg10[%get3A_533, %get3A_534] {strides = array<i32>} : memref<256x64xf32, #tpu.memory_space<vmem>>, vector<16xf32>,
      %mul3A_536 = arith.mulf %get3A_532, %get3A_535 : vector<16xf32>
      %add3A_537 = arith.addf %mul3A_529, %mul3A_536 : vector<16xf32>
      %get3A_538 = arith.index_cast %add3A_522 : i32 to index
      %get3A_539 = arith.constant 32 : index
      %get3A_540 = tpu.vector_load %arg9[%get3A_538, %get3A_539] {strides = array<i32>} : memref<256x64xf32, #tpu.memory_space<vmem>>, vector<16xf32>,
      %get3A_541 = arith.index_cast %add3A_522 : i32 to index
      %get3A_542 = arith.constant 32 : index
      %get3A_543 = tpu.vector_load %arg10[%get3A_541, %get3A_542] {strides = array<i32>} : memref<256x64xf32, #tpu.memory_space<vmem>>, vector<16xf32>,
      %mul3A_544 = arith.mulf %get3A_540, %get3A_543 : vector<16xf32>
      %add3A_545 = arith.addf %add3A_537, %mul3A_544 : vector<16xf32>
      %get3A_546 = arith.index_cast %add3A_522 : i32 to index
      %get3A_547 = arith.constant 48 : index
      %get3A_548 = tpu.vector_load %arg9[%get3A_546, %get3A_547] {strides = array<i32>} : memref<256x64xf32, #tpu.memory_space<vmem>>, vector<16xf32>,
      %get3A_549 = arith.index_cast %add3A_522 : i32 to index
      %get3A_550 = arith.constant 48 : index
      %get3A_551 = tpu.vector_load %arg10[%get3A_549, %get3A_550] {strides = array<i32>} : memref<256x64xf32, #tpu.memory_space<vmem>>, vector<16xf32>,
      %mul3A_552 = arith.mulf %get3A_548, %get3A_551 : vector<16xf32>
      %add3A_553 = arith.addf %add3A_545, %mul3A_552 : vector<16xf32>
      %eq3A_554 = arith.constant 10 : i32
      %eq3A_555 = vector.broadcast %eq3A_554 : i32 to vector<16xi32>
      %eq3A_556 = arith.cmpi eq, %iota3A, %eq3A_555 : vector<16xi32>
      %reduce_sum3A_557 = arith.constant true
      %reduce_sum3A_558 = vector.broadcast %reduce_sum3A_557 : i1 to vector<16xi1>
      %reduce_sum3A_559 = tpu.scan <sum>, %add3A_553 masked %reduce_sum3A_558 : vector<16xf32>, vector<16xi1> -> vector<16xf32>
      %reduce_sum3A_560 = vector.extract %reduce_sum3A_559[15] : f32 from vector<16xf32>
      %broadcast_in_dim3A_561 = vector.broadcast %reduce_sum3A_560 : f32 to vector<16xf32>
      %select_n3A_562 = arith.select %eq3A_556, %broadcast_in_dim3A_561, %select_n3A_520 : vector<16xi1>, vector<16xf32>
      %add3A_563 = arith.constant 11 : i32
      %add3A_564 = arith.addi %mul3A_101, %add3A_563 : i32
      %get3A_565 = arith.index_cast %add3A_564 : i32 to index
      %get3A_566 = arith.constant 0 : index
      %get3A_567 = tpu.vector_load %arg9[%get3A_565, %get3A_566] {strides = array<i32>} : memref<256x64xf32, #tpu.memory_space<vmem>>, vector<16xf32>,
      %get3A_568 = arith.index_cast %add3A_564 : i32 to index
      %get3A_569 = arith.constant 0 : index
      %get3A_570 = tpu.vector_load %arg10[%get3A_568, %get3A_569] {strides = array<i32>} : memref<256x64xf32, #tpu.memory_space<vmem>>, vector<16xf32>,
      %mul3A_571 = arith.mulf %get3A_567, %get3A_570 : vector<16xf32>
      %get3A_572 = arith.index_cast %add3A_564 : i32 to index
      %get3A_573 = arith.constant 16 : index
      %get3A_574 = tpu.vector_load %arg9[%get3A_572, %get3A_573] {strides = array<i32>} : memref<256x64xf32, #tpu.memory_space<vmem>>, vector<16xf32>,
      %get3A_575 = arith.index_cast %add3A_564 : i32 to index
      %get3A_576 = arith.constant 16 : index
      %get3A_577 = tpu.vector_load %arg10[%get3A_575, %get3A_576] {strides = array<i32>} : memref<256x64xf32, #tpu.memory_space<vmem>>, vector<16xf32>,
      %mul3A_578 = arith.mulf %get3A_574, %get3A_577 : vector<16xf32>
      %add3A_579 = arith.addf %mul3A_571, %mul3A_578 : vector<16xf32>
      %get3A_580 = arith.index_cast %add3A_564 : i32 to index
      %get3A_581 = arith.constant 32 : index
      %get3A_582 = tpu.vector_load %arg9[%get3A_580, %get3A_581] {strides = array<i32>} : memref<256x64xf32, #tpu.memory_space<vmem>>, vector<16xf32>,
      %get3A_583 = arith.index_cast %add3A_564 : i32 to index
      %get3A_584 = arith.constant 32 : index
      %get3A_585 = tpu.vector_load %arg10[%get3A_583, %get3A_584] {strides = array<i32>} : memref<256x64xf32, #tpu.memory_space<vmem>>, vector<16xf32>,
      %mul3A_586 = arith.mulf %get3A_582, %get3A_585 : vector<16xf32>
      %add3A_587 = arith.addf %add3A_579, %mul3A_586 : vector<16xf32>
      %get3A_588 = arith.index_cast %add3A_564 : i32 to index
      %get3A_589 = arith.constant 48 : index
      %get3A_590 = tpu.vector_load %arg9[%get3A_588, %get3A_589] {strides = array<i32>} : memref<256x64xf32, #tpu.memory_space<vmem>>, vector<16xf32>,
      %get3A_591 = arith.index_cast %add3A_564 : i32 to index
      %get3A_592 = arith.constant 48 : index
      %get3A_593 = tpu.vector_load %arg10[%get3A_591, %get3A_592] {strides = array<i32>} : memref<256x64xf32, #tpu.memory_space<vmem>>, vector<16xf32>,
      %mul3A_594 = arith.mulf %get3A_590, %get3A_593 : vector<16xf32>
      %add3A_595 = arith.addf %add3A_587, %mul3A_594 : vector<16xf32>
      %eq3A_596 = arith.constant 11 : i32
      %eq3A_597 = vector.broadcast %eq3A_596 : i32 to vector<16xi32>
      %eq3A_598 = arith.cmpi eq, %iota3A, %eq3A_597 : vector<16xi32>
      %reduce_sum3A_599 = arith.constant true
      %reduce_sum3A_600 = vector.broadcast %reduce_sum3A_599 : i1 to vector<16xi1>
      %reduce_sum3A_601 = tpu.scan <sum>, %add3A_595 masked %reduce_sum3A_600 : vector<16xf32>, vector<16xi1> -> vector<16xf32>
      %reduce_sum3A_602 = vector.extract %reduce_sum3A_601[15] : f32 from vector<16xf32>
      %broadcast_in_dim3A_603 = vector.broadcast %reduce_sum3A_602 : f32 to vector<16xf32>
      %select_n3A_604 = arith.select %eq3A_598, %broadcast_in_dim3A_603, %select_n3A_562 : vector<16xi1>, vector<16xf32>
      %add3A_605 = arith.constant 12 : i32
      %add3A_606 = arith.addi %mul3A_101, %add3A_605 : i32
      %get3A_607 = arith.index_cast %add3A_606 : i32 to index
      %get3A_608 = arith.constant 0 : index
      %get3A_609 = tpu.vector_load %arg9[%get3A_607, %get3A_608] {strides = array<i32>} : memref<256x64xf32, #tpu.memory_space<vmem>>, vector<16xf32>,
      %get3A_610 = arith.index_cast %add3A_606 : i32 to index
      %get3A_611 = arith.constant 0 : index
      %get3A_612 = tpu.vector_load %arg10[%get3A_610, %get3A_611] {strides = array<i32>} : memref<256x64xf32, #tpu.memory_space<vmem>>, vector<16xf32>,
      %mul3A_613 = arith.mulf %get3A_609, %get3A_612 : vector<16xf32>
      %get3A_614 = arith.index_cast %add3A_606 : i32 to index
      %get3A_615 = arith.constant 16 : index
      %get3A_616 = tpu.vector_load %arg9[%get3A_614, %get3A_615] {strides = array<i32>} : memref<256x64xf32, #tpu.memory_space<vmem>>, vector<16xf32>,
      %get3A_617 = arith.index_cast %add3A_606 : i32 to index
      %get3A_618 = arith.constant 16 : index
      %get3A_619 = tpu.vector_load %arg10[%get3A_617, %get3A_618] {strides = array<i32>} : memref<256x64xf32, #tpu.memory_space<vmem>>, vector<16xf32>,
      %mul3A_620 = arith.mulf %get3A_616, %get3A_619 : vector<16xf32>
      %add3A_621 = arith.addf %mul3A_613, %mul3A_620 : vector<16xf32>
      %get3A_622 = arith.index_cast %add3A_606 : i32 to index
      %get3A_623 = arith.constant 32 : index
      %get3A_624 = tpu.vector_load %arg9[%get3A_622, %get3A_623] {strides = array<i32>} : memref<256x64xf32, #tpu.memory_space<vmem>>, vector<16xf32>,
      %get3A_625 = arith.index_cast %add3A_606 : i32 to index
      %get3A_626 = arith.constant 32 : index
      %get3A_627 = tpu.vector_load %arg10[%get3A_625, %get3A_626] {strides = array<i32>} : memref<256x64xf32, #tpu.memory_space<vmem>>, vector<16xf32>,
      %mul3A_628 = arith.mulf %get3A_624, %get3A_627 : vector<16xf32>
      %add3A_629 = arith.addf %add3A_621, %mul3A_628 : vector<16xf32>
      %get3A_630 = arith.index_cast %add3A_606 : i32 to index
      %get3A_631 = arith.constant 48 : index
      %get3A_632 = tpu.vector_load %arg9[%get3A_630, %get3A_631] {strides = array<i32>} : memref<256x64xf32, #tpu.memory_space<vmem>>, vector<16xf32>,
      %get3A_633 = arith.index_cast %add3A_606 : i32 to index
      %get3A_634 = arith.constant 48 : index
      %get3A_635 = tpu.vector_load %arg10[%get3A_633, %get3A_634] {strides = array<i32>} : memref<256x64xf32, #tpu.memory_space<vmem>>, vector<16xf32>,
      %mul3A_636 = arith.mulf %get3A_632, %get3A_635 : vector<16xf32>
      %add3A_637 = arith.addf %add3A_629, %mul3A_636 : vector<16xf32>
      %eq3A_638 = arith.constant 12 : i32
      %eq3A_639 = vector.broadcast %eq3A_638 : i32 to vector<16xi32>
      %eq3A_640 = arith.cmpi eq, %iota3A, %eq3A_639 : vector<16xi32>
      %reduce_sum3A_641 = arith.constant true
      %reduce_sum3A_642 = vector.broadcast %reduce_sum3A_641 : i1 to vector<16xi1>
      %reduce_sum3A_643 = tpu.scan <sum>, %add3A_637 masked %reduce_sum3A_642 : vector<16xf32>, vector<16xi1> -> vector<16xf32>
      %reduce_sum3A_644 = vector.extract %reduce_sum3A_643[15] : f32 from vector<16xf32>
      %broadcast_in_dim3A_645 = vector.broadcast %reduce_sum3A_644 : f32 to vector<16xf32>
      %select_n3A_646 = arith.select %eq3A_640, %broadcast_in_dim3A_645, %select_n3A_604 : vector<16xi1>, vector<16xf32>
      %add3A_647 = arith.constant 13 : i32
      %add3A_648 = arith.addi %mul3A_101, %add3A_647 : i32
      %get3A_649 = arith.index_cast %add3A_648 : i32 to index
      %get3A_650 = arith.constant 0 : index
      %get3A_651 = tpu.vector_load %arg9[%get3A_649, %get3A_650] {strides = array<i32>} : memref<256x64xf32, #tpu.memory_space<vmem>>, vector<16xf32>,
      %get3A_652 = arith.index_cast %add3A_648 : i32 to index
      %get3A_653 = arith.constant 0 : index
      %get3A_654 = tpu.vector_load %arg10[%get3A_652, %get3A_653] {strides = array<i32>} : memref<256x64xf32, #tpu.memory_space<vmem>>, vector<16xf32>,
      %mul3A_655 = arith.mulf %get3A_651, %get3A_654 : vector<16xf32>
      %get3A_656 = arith.index_cast %add3A_648 : i32 to index
      %get3A_657 = arith.constant 16 : index
      %get3A_658 = tpu.vector_load %arg9[%get3A_656, %get3A_657] {strides = array<i32>} : memref<256x64xf32, #tpu.memory_space<vmem>>, vector<16xf32>,
      %get3A_659 = arith.index_cast %add3A_648 : i32 to index
      %get3A_660 = arith.constant 16 : index
      %get3A_661 = tpu.vector_load %arg10[%get3A_659, %get3A_660] {strides = array<i32>} : memref<256x64xf32, #tpu.memory_space<vmem>>, vector<16xf32>,
      %mul3A_662 = arith.mulf %get3A_658, %get3A_661 : vector<16xf32>
      %add3A_663 = arith.addf %mul3A_655, %mul3A_662 : vector<16xf32>
      %get3A_664 = arith.index_cast %add3A_648 : i32 to index
      %get3A_665 = arith.constant 32 : index
      %get3A_666 = tpu.vector_load %arg9[%get3A_664, %get3A_665] {strides = array<i32>} : memref<256x64xf32, #tpu.memory_space<vmem>>, vector<16xf32>,
      %get3A_667 = arith.index_cast %add3A_648 : i32 to index
      %get3A_668 = arith.constant 32 : index
      %get3A_669 = tpu.vector_load %arg10[%get3A_667, %get3A_668] {strides = array<i32>} : memref<256x64xf32, #tpu.memory_space<vmem>>, vector<16xf32>,
      %mul3A_670 = arith.mulf %get3A_666, %get3A_669 : vector<16xf32>
      %add3A_671 = arith.addf %add3A_663, %mul3A_670 : vector<16xf32>
      %get3A_672 = arith.index_cast %add3A_648 : i32 to index
      %get3A_673 = arith.constant 48 : index
      %get3A_674 = tpu.vector_load %arg9[%get3A_672, %get3A_673] {strides = array<i32>} : memref<256x64xf32, #tpu.memory_space<vmem>>, vector<16xf32>,
      %get3A_675 = arith.index_cast %add3A_648 : i32 to index
      %get3A_676 = arith.constant 48 : index
      %get3A_677 = tpu.vector_load %arg10[%get3A_675, %get3A_676] {strides = array<i32>} : memref<256x64xf32, #tpu.memory_space<vmem>>, vector<16xf32>,
      %mul3A_678 = arith.mulf %get3A_674, %get3A_677 : vector<16xf32>
      %add3A_679 = arith.addf %add3A_671, %mul3A_678 : vector<16xf32>
      %eq3A_680 = arith.constant 13 : i32
      %eq3A_681 = vector.broadcast %eq3A_680 : i32 to vector<16xi32>
      %eq3A_682 = arith.cmpi eq, %iota3A, %eq3A_681 : vector<16xi32>
      %reduce_sum3A_683 = arith.constant true
      %reduce_sum3A_684 = vector.broadcast %reduce_sum3A_683 : i1 to vector<16xi1>
      %reduce_sum3A_685 = tpu.scan <sum>, %add3A_679 masked %reduce_sum3A_684 : vector<16xf32>, vector<16xi1> -> vector<16xf32>
      %reduce_sum3A_686 = vector.extract %reduce_sum3A_685[15] : f32 from vector<16xf32>
      %broadcast_in_dim3A_687 = vector.broadcast %reduce_sum3A_686 : f32 to vector<16xf32>
      %select_n3A_688 = arith.select %eq3A_682, %broadcast_in_dim3A_687, %select_n3A_646 : vector<16xi1>, vector<16xf32>
      %add3A_689 = arith.constant 14 : i32
      %add3A_690 = arith.addi %mul3A_101, %add3A_689 : i32
      %get3A_691 = arith.index_cast %add3A_690 : i32 to index
      %get3A_692 = arith.constant 0 : index
      %get3A_693 = tpu.vector_load %arg9[%get3A_691, %get3A_692] {strides = array<i32>} : memref<256x64xf32, #tpu.memory_space<vmem>>, vector<16xf32>,
      %get3A_694 = arith.index_cast %add3A_690 : i32 to index
      %get3A_695 = arith.constant 0 : index
      %get3A_696 = tpu.vector_load %arg10[%get3A_694, %get3A_695] {strides = array<i32>} : memref<256x64xf32, #tpu.memory_space<vmem>>, vector<16xf32>,
      %mul3A_697 = arith.mulf %get3A_693, %get3A_696 : vector<16xf32>
      %get3A_698 = arith.index_cast %add3A_690 : i32 to index
      %get3A_699 = arith.constant 16 : index
      %get3A_700 = tpu.vector_load %arg9[%get3A_698, %get3A_699] {strides = array<i32>} : memref<256x64xf32, #tpu.memory_space<vmem>>, vector<16xf32>,
      %get3A_701 = arith.index_cast %add3A_690 : i32 to index
      %get3A_702 = arith.constant 16 : index
      %get3A_703 = tpu.vector_load %arg10[%get3A_701, %get3A_702] {strides = array<i32>} : memref<256x64xf32, #tpu.memory_space<vmem>>, vector<16xf32>,
      %mul3A_704 = arith.mulf %get3A_700, %get3A_703 : vector<16xf32>
      %add3A_705 = arith.addf %mul3A_697, %mul3A_704 : vector<16xf32>
      %get3A_706 = arith.index_cast %add3A_690 : i32 to index
      %get3A_707 = arith.constant 32 : index
      %get3A_708 = tpu.vector_load %arg9[%get3A_706, %get3A_707] {strides = array<i32>} : memref<256x64xf32, #tpu.memory_space<vmem>>, vector<16xf32>,
      %get3A_709 = arith.index_cast %add3A_690 : i32 to index
      %get3A_710 = arith.constant 32 : index
      %get3A_711 = tpu.vector_load %arg10[%get3A_709, %get3A_710] {strides = array<i32>} : memref<256x64xf32, #tpu.memory_space<vmem>>, vector<16xf32>,
      %mul3A_712 = arith.mulf %get3A_708, %get3A_711 : vector<16xf32>
      %add3A_713 = arith.addf %add3A_705, %mul3A_712 : vector<16xf32>
      %get3A_714 = arith.index_cast %add3A_690 : i32 to index
      %get3A_715 = arith.constant 48 : index
      %get3A_716 = tpu.vector_load %arg9[%get3A_714, %get3A_715] {strides = array<i32>} : memref<256x64xf32, #tpu.memory_space<vmem>>, vector<16xf32>,
      %get3A_717 = arith.index_cast %add3A_690 : i32 to index
      %get3A_718 = arith.constant 48 : index
      %get3A_719 = tpu.vector_load %arg10[%get3A_717, %get3A_718] {strides = array<i32>} : memref<256x64xf32, #tpu.memory_space<vmem>>, vector<16xf32>,
      %mul3A_720 = arith.mulf %get3A_716, %get3A_719 : vector<16xf32>
      %add3A_721 = arith.addf %add3A_713, %mul3A_720 : vector<16xf32>
      %eq3A_722 = arith.constant 14 : i32
      %eq3A_723 = vector.broadcast %eq3A_722 : i32 to vector<16xi32>
      %eq3A_724 = arith.cmpi eq, %iota3A, %eq3A_723 : vector<16xi32>
      %reduce_sum3A_725 = arith.constant true
      %reduce_sum3A_726 = vector.broadcast %reduce_sum3A_725 : i1 to vector<16xi1>
      %reduce_sum3A_727 = tpu.scan <sum>, %add3A_721 masked %reduce_sum3A_726 : vector<16xf32>, vector<16xi1> -> vector<16xf32>
      %reduce_sum3A_728 = vector.extract %reduce_sum3A_727[15] : f32 from vector<16xf32>
      %broadcast_in_dim3A_729 = vector.broadcast %reduce_sum3A_728 : f32 to vector<16xf32>
      %select_n3A_730 = arith.select %eq3A_724, %broadcast_in_dim3A_729, %select_n3A_688 : vector<16xi1>, vector<16xf32>
      %add3A_731 = arith.constant 15 : i32
      %add3A_732 = arith.addi %mul3A_101, %add3A_731 : i32
      %get3A_733 = arith.index_cast %add3A_732 : i32 to index
      %get3A_734 = arith.constant 0 : index
      %get3A_735 = tpu.vector_load %arg9[%get3A_733, %get3A_734] {strides = array<i32>} : memref<256x64xf32, #tpu.memory_space<vmem>>, vector<16xf32>,
      %get3A_736 = arith.index_cast %add3A_732 : i32 to index
      %get3A_737 = arith.constant 0 : index
      %get3A_738 = tpu.vector_load %arg10[%get3A_736, %get3A_737] {strides = array<i32>} : memref<256x64xf32, #tpu.memory_space<vmem>>, vector<16xf32>,
      %mul3A_739 = arith.mulf %get3A_735, %get3A_738 : vector<16xf32>
      %get3A_740 = arith.index_cast %add3A_732 : i32 to index
      %get3A_741 = arith.constant 16 : index
      %get3A_742 = tpu.vector_load %arg9[%get3A_740, %get3A_741] {strides = array<i32>} : memref<256x64xf32, #tpu.memory_space<vmem>>, vector<16xf32>,
      %get3A_743 = arith.index_cast %add3A_732 : i32 to index
      %get3A_744 = arith.constant 16 : index
      %get3A_745 = tpu.vector_load %arg10[%get3A_743, %get3A_744] {strides = array<i32>} : memref<256x64xf32, #tpu.memory_space<vmem>>, vector<16xf32>,
      %mul3A_746 = arith.mulf %get3A_742, %get3A_745 : vector<16xf32>
      %add3A_747 = arith.addf %mul3A_739, %mul3A_746 : vector<16xf32>
      %get3A_748 = arith.index_cast %add3A_732 : i32 to index
      %get3A_749 = arith.constant 32 : index
      %get3A_750 = tpu.vector_load %arg9[%get3A_748, %get3A_749] {strides = array<i32>} : memref<256x64xf32, #tpu.memory_space<vmem>>, vector<16xf32>,
      %get3A_751 = arith.index_cast %add3A_732 : i32 to index
      %get3A_752 = arith.constant 32 : index
      %get3A_753 = tpu.vector_load %arg10[%get3A_751, %get3A_752] {strides = array<i32>} : memref<256x64xf32, #tpu.memory_space<vmem>>, vector<16xf32>,
      %mul3A_754 = arith.mulf %get3A_750, %get3A_753 : vector<16xf32>
      %add3A_755 = arith.addf %add3A_747, %mul3A_754 : vector<16xf32>
      %get3A_756 = arith.index_cast %add3A_732 : i32 to index
      %get3A_757 = arith.constant 48 : index
      %get3A_758 = tpu.vector_load %arg9[%get3A_756, %get3A_757] {strides = array<i32>} : memref<256x64xf32, #tpu.memory_space<vmem>>, vector<16xf32>,
      %get3A_759 = arith.index_cast %add3A_732 : i32 to index
      %get3A_760 = arith.constant 48 : index
      %get3A_761 = tpu.vector_load %arg10[%get3A_759, %get3A_760] {strides = array<i32>} : memref<256x64xf32, #tpu.memory_space<vmem>>, vector<16xf32>,
      %mul3A_762 = arith.mulf %get3A_758, %get3A_761 : vector<16xf32>
      %add3A_763 = arith.addf %add3A_755, %mul3A_762 : vector<16xf32>
      %eq3A_764 = arith.constant 15 : i32
      %eq3A_765 = vector.broadcast %eq3A_764 : i32 to vector<16xi32>
      %eq3A_766 = arith.cmpi eq, %iota3A, %eq3A_765 : vector<16xi32>
      %reduce_sum3A_767 = arith.constant true
      %reduce_sum3A_768 = vector.broadcast %reduce_sum3A_767 : i1 to vector<16xi1>
      %reduce_sum3A_769 = tpu.scan <sum>, %add3A_763 masked %reduce_sum3A_768 : vector<16xf32>, vector<16xi1> -> vector<16xf32>
      %reduce_sum3A_770 = vector.extract %reduce_sum3A_769[15] : f32 from vector<16xf32>
      %broadcast_in_dim3A_771 = vector.broadcast %reduce_sum3A_770 : f32 to vector<16xf32>
      %select_n3A_772 = arith.select %eq3A_766, %broadcast_in_dim3A_771, %select_n3A_730 : vector<16xi1>, vector<16xf32>
      %get3A_773 = arith.index_cast %mul3A_90 : i32 to index
      %get3A_774 = tpu.vector_load %arg11[%get3A_773] {strides = array<i32>} : memref<512xf32, #tpu.memory_space<vmem>>, vector<16xf32>,
      %add3A_775 = arith.addf %select_n3A_772, %get3A_774 : vector<16xf32>
      %get3A_776 = arith.index_cast %mul3A_90 : i32 to index
      %get3A_777 = tpu.vector_load %arg12[%get3A_776] {strides = array<i32>} : memref<512xf32, #tpu.memory_space<vmem>>, vector<16xf32>,
      %add3A_778 = arith.addf %add3A_775, %get3A_777 : vector<16xf32>
      %swap3A = arith.index_cast %mul3A_90 : i32 to index
      %swap3A_779 = tpu.vector_load %arg13[%swap3A] {strides = array<i32>} : memref<512xf32, #tpu.memory_space<vmem>>, vector<16xf32>,
      tpu.vector_store %arg13[%swap3A], %add3A_778 {strides = array<i32>} : memref<512xf32, #tpu.memory_space<vmem>>, vector<16xf32>,
    }
    %scan3A_87 = arith.constant 16 : i32
    "tpu.region"() ({
      %run_scoped3A = tpu.sem_alloc : memref<!tpu.dma_semaphore, #tpu.memory_space<semaphore_mem>>
      %dma_start3A_88 = tpu.memref_slice %arg7[%mul3A_2] : memref<16384xf32, #tpu.memory_space<hbm>> -> memref<512xf32, #tpu.memory_space<hbm>>
      %dma_start3A_89 = tpu.memref_slice %arg7[%mul3A_2] : memref<16384xf32, #tpu.memory_space<hbm>> -> memref<512xf32, #tpu.memory_space<hbm>>
      tpu.enqueue_dma source(%arg13 : memref<512xf32, #tpu.memory_space<vmem>>) target(%dma_start3A_89 : memref<512xf32, #tpu.memory_space<hbm>>) target_semaphore(%run_scoped3A : memref<!tpu.dma_semaphore, #tpu.memory_space<semaphore_mem>>)
      %dma_wait3A_90 = tpu.memref_slice %arg7[%mul3A_2] : memref<16384xf32, #tpu.memory_space<hbm>> -> memref<512xf32, #tpu.memory_space<hbm>>
      %dma_wait3A_91 = tpu.memref_slice %arg7[%mul3A_2] : memref<16384xf32, #tpu.memory_space<hbm>> -> memref<512xf32, #tpu.memory_space<hbm>>
      tpu.wait_dma2 semaphore(%run_scoped3A : memref<!tpu.dma_semaphore, #tpu.memory_space<semaphore_mem>>) src(%arg13 : memref<512xf32, #tpu.memory_space<vmem>>) dst(%dma_wait3A_91 : memref<512xf32, #tpu.memory_space<hbm>>)
      tpu.yield
    }) : () -> ()
    return
  }
}

</mosaic_0001>

<sc_bundles>
// kernel: kernel.4.cloned.1.call-start
scs
__scs_entry_jumppad:
0x0: {  	(pc) =	sbr.rel $0x88, $3  }
0x1: {  	(tag) =	ssettag $0x0;
	lr =	simm.s32 $0x1  }
0x2: {  	[smem:$0x3F9B] =	sst lr;
	_ =	strace $0xD0000000  }
0x3: {  	_ = 	snop  }
0x4: {  	_ = 	snop  }
0x5: {  	_ = 	snop  }
0x6: {  	_ = 	snop  }
0x7: {  	_ = 	snop  }
__scs_overlays_trampoline_lowered:
0x8: {  	[smem:$0x3FAA] =	sst s0  }
0x9: {  	[smem:$0x3FAB] =	sst s1  }
0xa: {  	[smem:$0x3FAC] =	sst s2  }
0xb: {  	[smem:$0x3FAD] =	sst s3  }
0xc: {  	[smem:$0x3FAE] =	sst s4  }
0xd: {  	[smem:$0x3FAF] =	sst s5  }
0xe: {  	[smem:$0x3FB0] =	sst s6  }
0xf: {  	[smem:$0x3FB1] =	sst s7  }
0x10: {  	[smem:$0x3FB2] =	sst s8  }
0x11: {  	[smem:$0x3FB3] =	sst s9;
	s0 =	simm.s32 @!p0 $0x0  }
0x12: {  	s1 =	sld [smem:$0x3F99];
	s0 =	simm.s32 @p0 $0x1  }
0x13: {  	[smem:$0x3FB4] =	sst s0;
	s0 =	simm.s32 @!p1 $0x0  }
0x14: {  	s2 =	sld [smem:$0x3F98];
	s0 =	simm.s32 @p1 $0x1  }
0x15: {  	[smem:$0x3FB5] =	sst s0;
	s0 =	simm.s32 @!p2 $0x0  }
0x16: {  	s3 =	sld [smem:$0x3FDB];
	s0 =	simm.s32 @p2 $0x1  }
0x17: {  	s4 =	simm.s32 $0x1BF5;
	[smem:$0x3FB7] =	sst s0  }
0x18: {  	s0 =	sld [smem:$0x3F9A];
	_ =	swait.ge [sflag:s4], $0x0  }
0x19: {  	s7 =	sld [smem:$0x3F9B]  }
0x1a: {  	s8 =	sadd.s32 $0xFFFFE003, lr  }
0x1b: {  	s9 =	sadd.s32 $0xFFFFFEF7, lr;
	s5 =	simm.s32 $0xFFFFFFFF;
	p2 =	slt.u32 s8, $0xFFFFF086  }
0x1c: {  	p1 =	slt.u32 s9, $0xF7A;
	s5 =	simm.s32 @!p2 $0x0  }
0x1d: {  	s5 =	simm.s32 @p1 $0x1;
	p0 =	seq.s32 s7, s2  }
0x1e: {  	s7 =	smul.u32 @!p0 $0xF7A, s2;
	p2 =	seq.s32 @!p0 s5, $0x0  }
0x1f: {  	s9 =	smul.u32 $0xF7A, s1;
	s8 =	simm.s32 @!p0 $0x1BF5;
	p2 =	por !p2, p0  }
0x20: {  	[sflag:s8] =	ssyncset.s32 @!p0 $0xFFFFF086;
	s6 =	sadd.s32 @!p0 s3, s7;
	s7 =	simm.s32 @!p0 $0x108  }
0x21: {  	s3 =	sadd.s32 s3, s9;
	s6 =	sadd.s32 @!p0 $0x88, s6;
	s7 =	simm.s32 @p2 $0x1082  }
0x22: {  	[simem:s7], [sflag:s8] =	dma.local @!p0 [hbm:s6], $0xF7A  }
0x23: {  	s9 =	sor.u32 $0xD0000000, s2;
	s6 =	simm.s32 $0x108;
	_ =	swait.ge @!p0 [sflag:s8], $0x0  }
0x24: {  	s3 =	sadd.s32 $0x88, s3;
	s6 =	simm.s32 @!p1 $0x1082;
	[sflag:s4] =	ssyncset.s32 $0xFFFFF086  }
0x25: {  	[simem:s6], [sflag:s4] =	dma.local [hbm:s3], $0xF7A  }
0x26: {  	[smem:$0x3F9B] =	sst s1;
	(tag) =	ssettag s2;
	_ =	strace s9  }
0x27: {  	s1 =	sld [smem:$0x3FAB]  }
0x28: {  	s2 =	sld [smem:$0x3FAC]  }
0x29: {  	s4 =	sld [smem:$0x3FAE]  }
0x2a: {  	p0 =	seq.s32 s5, $0x0;
	s5 =	sld [smem:$0x3FAF]  }
0x2b: {  	s6 =	sld [smem:$0x3FB0]  }
0x2c: {  	s7 =	sld [smem:$0x3FB1]  }
0x2d: {  	s3 =	simm.s32 $0x108;
	s8 =	sld [smem:$0x3FB2]  }
0x2e: {  	s3 =	simm.s32 @!p0 $0x1082;
	s9 =	sld [smem:$0x3FB3]  }
0x2f: {  	lr =	sadd.s32 s0, s3;
	s0 =	sld [smem:$0x3FAA]  }
0x30: {  	s3 =	sld [smem:$0x3FAD]  }
0x31: {  	[smem:$0x3FB6] =	sst s10  }
0x32: {  	s10 =	sld [smem:$0x3FB4];
	_ =	sdelay $0x3  }
0x33: {  	p0 =	seq.s32 s10, $0x1;
	s10 =	sld [smem:$0x3FB6];
	_ =	sdelay $0x3  }
0x34: {  	[smem:$0x3FB6] =	sst s10  }
0x35: {  	s10 =	sld [smem:$0x3FB5];
	_ =	sdelay $0x3  }
0x36: {  	p1 =	seq.s32 s10, $0x1;
	s10 =	sld [smem:$0x3FB6];
	_ =	sdelay $0x3  }
0x37: {  	[smem:$0x3FB6] =	sst s10  }
0x38: {  	s10 =	sld [smem:$0x3FB7]  }
0x39: {  	_ = 	snop;
	(pc) =	sbr.ind lr, $3  }
0x3a: {  	_ = 	snop  }
0x3b: {  	_ = 	snop  }
0x3c: {  	p2 =	seq.s32 s10, $0x1;
	s10 =	sld [smem:$0x3FB6]  }
0x3d: {  	_ =	shalt  }
0x3e: {  	_ =	shalt  }
0x3f: {  	_ =	shalt  }
0x40: {  	_ =	shalt  }
0x41: {  	_ =	shalt  }
0x42: {  	_ =	shalt  }
0x43: {  	_ =	shalt  }
0x44: {  	_ =	shalt  }
0x45: {  	_ =	shalt  }
0x46: {  	_ =	shalt  }
0x47: {  	_ =	shalt  }
0x48: {  	_ =	shalt  }
0x49: {  	_ =	shalt  }
0x4a: {  	_ =	shalt  }
0x4b: {  	_ =	shalt  }
0x4c: {  	_ =	shalt  }
0x4d: {  	_ =	shalt  }
0x4e: {  	_ =	shalt  }
0x4f: {  	_ =	shalt  }
0x50: {  	_ =	shalt  }
0x51: {  	_ =	shalt  }
0x52: {  	_ =	shalt  }
0x53: {  	_ =	shalt  }
0x54: {  	_ =	shalt  }
0x55: {  	_ =	shalt  }
0x56: {  	_ =	shalt  }
0x57: {  	_ =	shalt  }
0x58: {  	_ =	shalt  }
0x59: {  	_ =	shalt  }
0x5a: {  	_ =	shalt  }
0x5b: {  	_ =	shalt  }
0x5c: {  	_ =	shalt  }
0x5d: {  	_ =	shalt  }
0x5e: {  	_ =	shalt  }
0x5f: {  	_ =	shalt  }
0x60: {  	_ =	shalt  }
0x61: {  	_ =	shalt  }
0x62: {  	_ =	shalt  }
0x63: {  	_ =	shalt  }
0x64: {  	_ =	shalt  }
0x65: {  	_ =	shalt  }
0x66: {  	_ =	shalt  }
0x67: {  	_ =	shalt  }
0x68: {  	_ =	shalt  }
0x69: {  	_ =	shalt  }
0x6a: {  	_ =	shalt  }
0x6b: {  	_ =	shalt  }
0x6c: {  	_ =	shalt  }
0x6d: {  	_ =	shalt  }
0x6e: {  	_ =	shalt  }
0x6f: {  	_ =	shalt  }
0x70: {  	_ =	shalt  }
0x71: {  	_ =	shalt  }
0x72: {  	_ =	shalt  }
0x73: {  	_ =	shalt  }
0x74: {  	_ =	shalt  }
0x75: {  	_ =	shalt  }
0x76: {  	_ =	shalt  }
0x77: {  	_ =	shalt  }
0x78: {  	_ =	shalt  }
0x79: {  	_ =	shalt  }
0x7a: {  	_ =	shalt  }
0x7b: {  	_ =	shalt  }
0x7c: {  	_ =	shalt  }
0x7d: {  	_ =	shalt  }
0x7e: {  	_ =	shalt  }
0x7f: {  	_ =	shalt  }
0x80: {  	_ =	shalt  }
0x81: {  	_ =	shalt  }
0x82: {  	_ =	shalt  }
0x83: {  	_ =	shalt  }
0x84: {  	_ =	shalt  }
0x85: {  	_ =	shalt  }
0x86: {  	_ =	shalt  }
0x87: {  	_ =	shalt  }
.Lfunc_end0:
.L_simem_size_0:
called_computation_lowered:
.L_overlay_start_0:
0x88: {  	s2 =	sld [smem:$0x3FD9]  }
0x89: {  	s3 =	sld [smem:$0x3FFE];
	_ =	sdelay $0x1  }
0x8a: {  	s1 =	srdreg.scid  }
0x8b: {  	s0 =	sand.u32 $0x1, s1  }
0x8c: {  	s17 =	sshll.u32 s0, $0xA;
	s2 =	sadd.s32 s3, s2  }
0x8d: {  	s2 =	sadd.s32 s2, s17  }
0x8e: {  	[smem:$0x3FC2] =	sst s2  }
0x8f: {  	_ = 	snop  }
0x90: {  	s2 =	sld [smem:$0x3FC9];
	(tm) =	ssettm $0x1  }
0x91: {  	s18 =	sld [smem:$0x3FFB];
	_ =	sdelay $0x3  }
0x92: {  	_ =	strace s18  }
0x93: {  	s3 =	sld [smem:$0x3FFC];
	_ =	sdelay $0x3  }
0x94: {  	_ =	strace s3  }
0x95: {  	s3 =	sld [smem:$0x3FFD];
	_ =	sdelay $0x3  }
0x96: {  	_ =	strace s3  }
0x97: {  	_ =	strace $0x8FFFFFFF  }
0x98: {  	s19 =	sld [smem:$0x3FDB];
	_ =	sdelay $0x1  }
0x99: {  	s4 =	simm.s32 $_scs_section_size  }
0x9a: {  	s5 =	simm.s32 $_size__tile_overlayer_lowered;
	s6 =	simm.s32 $_tile_overlayer_lowered  }
0x9b: {  	s22 =	simm.s32 $0x1BFF;
	s21 =	sshll.u32 s6, $0x1;
	s3 =	sadd.s32 s4, s19  }
0x9c: {  	s7 =	simm.s32 $0x0;
	s20 =	sshll.u32 s5, $0x1;
	s5 =	sadd.s32 s21, s3  }
0x9d: {  	[timem:s7], [sflag:s22] =	dma.local [hbm:s5], s20  }
0x9e: {  	_ =	swait.ge [sflag:s22], s20  }
0x9f: {  	s4 =	ssub.s32 $0x0, s20;
	[sflag:s22] =	ssyncset.done $0x0  }
0xa0: {  	[sflag:s22] =	ssyncadd.s32 s4;
	_ =	sdelay $0x1  }
0xa1: {  	s23 =	simm.s32 $0x1B8B  }
0xa2: {  	_ =	swait.ge [sflag:s23], $0x1  }
0xa3: {  	[sflag:s23] =	ssyncset.done $0x0  }
0xa4: {  	s25 =	simm.s32 $0x1B8E;
	s24 =	sld [smem:$0x3FFE];
	[sflag:s23] =	ssyncadd.s32 $0xFFFFFFFF  }
0xa5: {  	s26 =	simm.s32 $execute0_lowered;
	[smem:$0x3FD2] =	sst s25  }
0xa6: {  	s5 =	sshll.u32 s26, $0x1;
	_ =	strace $0x80000046;
	[dreg:$0x1] =	wrdreg $0xFFFFFFFF  }
0xa7: {  	s28 =	simm.s32 $_size_execute0_lowered;
	s3 =	sadd.s32 s3, s5;
	[dreg:$0x0] =	wrdreg $0x0  }
0xa8: {  	s5 =	sshll.u32 s28, $0x1;
	[dreg:$0x2] =	wrdreg s3  }
0xa9: {  	[dreg:$0x3] =	wrdreg s5  }
0xaa: {  	[dreg:$0x4] =	wrdreg $0xC0  }
0xab: {  	_ =	task [dreg:s7], $0x5FFFF  }
0xac: {  	[dreg:$0x1] =	wrdreg $0xFFFFFFFF  }
0xad: {  	[dreg:$0x0] =	wrdreg $0x60  }
0xae: {  	[dreg:$0x2] =	wrdreg s2  }
0xaf: {  	[dreg:$0x3] =	wrdreg s24  }
0xb0: {  	[dreg:$0x4] =	wrdreg $0x9  }
0xb1: {  	_ =	task.clear_ibuf [dreg:s7], $0x5FFFF;
	_ =	strace $0x90000046  }
0xb2: {  	s29 =	simm.s32 $0x9;
	_ =	strace $0x80000048  }
0xb3: {  	_ =	swait.ge [sflag:s29], $0x1  }
0xb4: {  	[sflag:s29] =	ssyncadd.s32 $0xFFFFFFFF  }
0xb5: {  	_ =	strace $0x90000048  }
0xb6: {  	_ =	sfence  }
0xb7: {  	s30 =	sld [smem:$0x0];
	_ =	sdelay $0x2  }
0xb8: {  	s31 =	sshll.u32 s1, $0xD;
	s1 =	sshrl.u32 s1, $0x2  }
0xb9: {  	s3 =	sand.u32 $0x4000, s31;
	s1 =	sadd.s32 s1, s30  }
0xba: {  	s0 =	sor.u32 s3, s0;
	s1 =	sshll.u32 s1, $0x11  }
0xbb: {  	s0 =	sor.u32 s1, s0  }
0xbc: {  	s0 =	sadd.s32 $0x8F2B, s0  }
0xbd: {  	[sflag:s0] =	ssyncadd.remote.s32 $0x1  }
0xbe: {  	_ =	sfence.sel $0xFFFF  }
0xbf: {  	[dreg:$0x0] =	wrdreg $0xFFFFFFFF;
	(pc) =	sbr.abs _section_cstart, $3  }
0xc0: {  	[dreg:$0x1] =	wrdreg $0xFFFFFFFF  }
0xc1: {  	_ =	task.clear_ibuf [dreg:s7], $0x2FFFF;
	_ =	strace $0x9FFFFFFF  }
0xc2: {  	(tm) =	ssettm $0x7FFFFFFF  }
0xc3: {  	_ =	shalt  }
tec
execute0_lowered:
.L_overlay_start_1:
0x0: {  	(tag) =	ssettag $0x1  }
0x1: {  	s0 =	rddreg [dreg:$0x0]  }
0x2: {  	s1 =	rddreg [dreg:$0x1]  }
0x3: {  	s2 =	simm.s32 $0x0;
	s3 =	srdreg.scid;
	s4 =	stileid.u32  }
0x4: {  	s10 =	simm.s32 $0x3;
	s11 =	simm.s32 $0x80;
	s18 =	simm.s32 $0x1  }
0x5: {  	s19 =	simm.s32 $0x200;
	s20 =	simm.s32 $0x2;
	s21 =	simm.s32 $0x0  }
0x6: {  	[smem:$0x7FF] =	sst s2;
	s5 =	sand.u32 $0x1, s3;
	s6 =	sshll.u32 s4, $0xA  }
0x7: {  	s3 =	sadd.s32 $0x2200, s1;
	s4 =	sadd.s32 $0x188C00, s1;
	s7 =	sshll.u32 s5, $0x9  }
0x8: {  	_ =	strace $0x80000047;
	s5 =	ssub.s32 $0x2, s5;
	s6 =	sor.u32 s7, s6  }
0x9: {  	s8 =	sshrl.u32 s5, $0x1;
	s7 =	sshll.u32 s6, $0x4;
	s6 =	sshrl.u32 s6, $0x3  }
0xa: {  	s9 =	ssub.s32 s5, s8;
	s7 =	sadd.s32 s7, s1;
	s0 =	sadd.s32 s0, s6  }
0xb: {  	s1 =	sadd.s32 s6, s1;
	[dreg:$0x3] =	wrdreg s0;
	s30 =	sadd.s32 $0x18BE00, s7  }
0xc: {  	s9 =	smax.u32 s9, $0x1;
	s31 =	sadd.s32 $0x18CE00, s7;
	[dreg:$0x4] =	wrdreg s30  }
0xd: {  	s8 =	sadd.s32 $0x1CBE00, s1;
	s1 =	simm.s32 $0x8200;
	[dreg:$0x5] =	wrdreg s31  }
.LBB2_1:
0xe: {  	s0 =	rddreg [dreg:$0x3]  }
0xf: {  	[tilespmem:s2], [sflag:$0x3] =	stream.linear.gather [hbm4b:s0+s2], $0x200, $0x38;
	[tilespmem:$0x8400] =	vst v63  }
0x10: {  	_ =	swait.ge [sflag:s10], $0x200  }
0x11: {  	[sflag:s10] =	ssyncset.done $0x0  }
0x12: {  	[sflag:s10] =	ssyncadd.s32 $0xFFFFFE00  }
0x13: {  	[tilespmem:s1], [sflag:$0x2] =	stream.indirect.gather [hbm4b:s4+s11], $0x1, s2, s11, $0xb8;
	[tilespmem:$0x8400] =	vst v63  }
0x14: {  	s26 =	simm.s32 $0x8280  }
0x15: {  	[tilespmem:s26], [sflag:$0x2] =	stream.indirect.gather [hbm4b:s4+s11], $0x1, s11, s11, $0xb8;
	[tilespmem:$0x8400] =	vst v63  }
0x16: {  	s28 =	simm.s32 $0x100;
	s29 =	simm.s32 $0x8300  }
0x17: {  	[tilespmem:s29], [sflag:$0x2] =	stream.indirect.gather [hbm4b:s4+s11], $0x1, s28, s11, $0xb8;
	[tilespmem:$0x8400] =	vst v63  }
0x18: {  	s30 =	simm.s32 $0x180;
	s31 =	simm.s32 $0x8380  }
0x19: {  	[tilespmem:s31], [sflag:$0x2] =	stream.indirect.gather [hbm4b:s4+s11], $0x1, s30, s11, $0xb8;
	[tilespmem:$0x8400] =	vst v63  }
0x1a: {  	v0 =	vld [tilespmem:s2+$0x0];
	_ =	sdelay $0x4  }
0x1b: {  	v0 =	vshll.u32 v0, $0x4  }
0x1c: {  	(v2sf) =	vpush v0, $0x0  }
0x1d: {  	(v2sf) =	vpush v0, $0x1  }
0x1e: {  	(v2sf) =	vpush v0, $0x2;
	_ =	sdelay $0x1  }
0x1f: {  	(v2sf) =	vpush v0, $0x4;
	_ =	sdelay $0x1  }
0x20: {  	(v2sf) =	vpush v0, $0x3  }
0x21: {  	(v2sf) =	vpush v0, $0x5  }
0x22: {  	s23 =	simm.s32 $0x2000;
	s22 =	simm.s32 $0x0;
	s24 =	simm.s32 $0x0;
	(v2sf) =	vpush v0, $0x6  }
.LBB2_2:
0x23: {  	p0 =	sne.s32 s23, $0x1E000  }
0x24: {  	s14 =	sadd.s32 $0x280, s22;
	s29 =	sadd.s32 $0x780, s22;
	s25 =	smov.u32 s23  }
0x25: {  	s23 =	sadd.s32 $0x2000, s23;
	s0 =	sadd.s32 $0x580, s22;
	s26 =	sadd.s32 $0x800, s22;
	(v2sf) =	vpush v0, $0x7  }
0x26: {  	s13 =	sadd.s32 $0x480, s22;
	s31 =	sadd.s32 $0x600, s22;
	s28 =	sadd.s32 $0x880, s22  }
0x27: {  	s15 =	sadd.s32 $0x200, s22;
	s16 =	sadd.s32 $0x400, s22;
	(v2sf) =	vpush v0, $0x8  }
0x28: {  	s17 =	sadd.s32 $0x500, s22;
	s24 =	sadd.s32 $0x10, s24  }
0x29: {  	s12 =	sadd.s32 $0x300, s22;
	s30 =	sadd.s32 $0x700, s22;
	s1 =	spop (v2sf);
	(v2sf) =	vpush v0, $0x9  }
0x2a: {  	s5 =	sand.u32 $0x1FFFFFF0, s1;
	s1 =	sadd.s32 $0x680, s22;
	s6 =	spop (v2sf)  }
0x2b: {  	s5 =	sadd.s32 s3, s5;
	s6 =	sand.u32 $0x1FFFFFF0, s6;
	s7 =	spop (v2sf);
	(v2sf) =	vpush v0, $0xA  }
0x2c: {  	[tilespmem:s15], [sflag:$0x1] =	stream.linear.gather [hbm4b:s5+s2], $0x80, $0x38;
	[tilespmem:$0x8400] =	vst v63  }
0x2d: {  	s5 =	sadd.s32 s3, s6;
	s6 =	sadd.s32 $0x380, s22;
	s15 =	spop (v2sf);
	(v2sf) =	vpush v0, $0xB  }
0x2e: {  	[tilespmem:s14], [sflag:$0x1] =	stream.linear.gather [hbm4b:s5+s2], $0x80, $0x38;
	[tilespmem:$0x8400] =	vst v63  }
0x2f: {  	s5 =	sand.u32 $0x1FFFFFF0, s7;
	s7 =	sand.u32 $0x1FFFFFF0, s15;
	s14 =	spop (v2sf);
	(v2sf) =	vpush v0, $0xC  }
0x30: {  	s5 =	sadd.s32 s3, s5;
	s14 =	sand.u32 $0x1FFFFFF0, s14;
	s15 =	spop (v2sf)  }
0x31: {  	[tilespmem:s12], [sflag:$0x1] =	stream.linear.gather [hbm4b:s5+s2], $0x80, $0x38;
	(v2sf) =	vpush v0, $0xD;
	[tilespmem:$0x8400] =	vst v63  }
0x32: {  	s5 =	sadd.s32 s3, s14;
	s12 =	sand.u32 $0x1FFFFFF0, s15;
	s14 =	spop (v2sf)  }
0x33: {  	[tilespmem:s6], [sflag:$0x1] =	stream.linear.gather [hbm4b:s5+s2], $0x80, $0x38;
	(v2sf) =	vpush v0, $0xE;
	[tilespmem:$0x8400] =	vst v63  }
0x34: {  	s5 =	sadd.s32 s3, s7;
	s6 =	sand.u32 $0x1FFFFFF0, s14;
	s7 =	spop (v2sf)  }
0x35: {  	[tilespmem:s16], [sflag:$0x1] =	stream.linear.gather [hbm4b:s5+s2], $0x80, $0x38;
	(v2sf) =	vpush v0, $0xF;
	[tilespmem:$0x8400] =	vst v63  }
0x36: {  	s5 =	sadd.s32 s3, s12;
	s7 =	sand.u32 $0x1FFFFFF0, s7;
	s12 =	spop (v2sf)  }
0x37: {  	[tilespmem:s13], [sflag:$0x1] =	stream.linear.gather [hbm4b:s5+s2], $0x80, $0x38;
	[tilespmem:$0x8400] =	vst v63  }
0x38: {  	s5 =	sadd.s32 s3, s6;
	s6 =	sand.u32 $0x1FFFFFF0, s12;
	s12 =	spop (v2sf)  }
0x39: {  	[tilespmem:s17], [sflag:$0x1] =	stream.linear.gather [hbm4b:s5+s2], $0x80, $0x38;
	[tilespmem:$0x8400] =	vst v63  }
0x3a: {  	s5 =	sadd.s32 s3, s7;
	s7 =	sand.u32 $0x1FFFFFF0, s12;
	s12 =	spop (v2sf)  }
0x3b: {  	[tilespmem:s0], [sflag:$0x1] =	stream.linear.gather [hbm4b:s5+s2], $0x80, $0x38;
	[tilespmem:$0x8400] =	vst v63  }
0x3c: {  	s0 =	sadd.s32 s3, s6;
	s5 =	sand.u32 $0x1FFFFFF0, s12;
	s6 =	spop (v2sf)  }
0x3d: {  	[tilespmem:s31], [sflag:$0x1] =	stream.linear.gather [hbm4b:s0+s2], $0x80, $0x38;
	[tilespmem:$0x8400] =	vst v63  }
0x3e: {  	s0 =	sadd.s32 s3, s7;
	s6 =	sand.u32 $0x1FFFFFF0, s6;
	s7 =	spop (v2sf)  }
0x3f: {  	[tilespmem:s1], [sflag:$0x1] =	stream.linear.gather [hbm4b:s0+s2], $0x80, $0x38;
	[tilespmem:$0x8400] =	vst v63  }
0x40: {  	s0 =	sadd.s32 s3, s5;
	s1 =	sand.u32 $0x1FFFFFF0, s7;
	s5 =	spop (v2sf)  }
0x41: {  	[tilespmem:s30], [sflag:$0x1] =	stream.linear.gather [hbm4b:s0+s2], $0x80, $0x38;
	[tilespmem:$0x8400] =	vst v63  }
0x42: {  	s0 =	sadd.s32 s3, s6;
	s5 =	sand.u32 $0x1FFFFFF0, s5;
	s6 =	spop (v2sf)  }
0x43: {  	[tilespmem:s29], [sflag:$0x1] =	stream.linear.gather [hbm4b:s0+s2], $0x80, $0x38;
	[tilespmem:$0x8400] =	vst v63  }
0x44: {  	s0 =	sadd.s32 s3, s1;
	s1 =	sand.u32 $0x1FFFFFF0, s6;
	s6 =	spop (v2sf)  }
0x45: {  	[tilespmem:s26], [sflag:$0x1] =	stream.linear.gather [hbm4b:s0+s2], $0x80, $0x38;
	[tilespmem:$0x8400] =	vst v63  }
0x46: {  	s0 =	sadd.s32 s3, s5;
	s5 =	sand.u32 $0x1FFFFFF0, s6  }
0x47: {  	[tilespmem:s28], [sflag:$0x1] =	stream.linear.gather [hbm4b:s0+s2], $0x80, $0x38;
	[tilespmem:$0x8400] =	vst v63  }
0x48: {  	s1 =	sadd.s32 s3, s1;
	s0 =	sadd.s32 $0x900, s22  }
0x49: {  	[tilespmem:s0], [sflag:$0x1] =	stream.linear.gather [hbm4b:s1+s2], $0x80, $0x38;
	[tilespmem:$0x8400] =	vst v63  }
0x4a: {  	s0 =	sadd.s32 $0x980, s22;
	s1 =	sadd.s32 s3, s5  }
0x4b: {  	[tilespmem:s0], [sflag:$0x1] =	stream.linear.gather [hbm4b:s1+s2], $0x80, $0x38;
	[tilespmem:$0x8400] =	vst v63  }
0x4c: {  	v0 =	vld [tilespmem:s24+$0x0];
	_ =	sdelay $0x4  }
0x4d: {  	v0 =	vshll.u32 v0, $0x4  }
0x4e: {  	(v2sf) =	vpush v0, $0x0  }
0x4f: {  	(v2sf) =	vpush v0, $0x1  }
0x50: {  	(v2sf) =	vpush v0, $0x2;
	_ =	sdelay $0x1  }
0x51: {  	(v2sf) =	vpush v0, $0x4  }
.Ltmp0:
0x52: {  	(pc) =	sbr.rel @p0 .LBB2_2-.Ltmp0, $3  }
0x53: {  	(v2sf) =	vpush v0, $0x3  }
0x54: {  	(v2sf) =	vpush v0, $0x5;
	_ =	sdelay $0x1  }
0x55: {  	s22 =	sshra.s32 s25, $0x2;
	(v2sf) =	vpush v0, $0x6  }
0x56: {  	_ =	sdelay $0x1  }
0x57: {  	s1 =	sadd.s32 $0x280, s22;
	s24 =	sadd.s32 $0x780, s22  }
0x58: {  	s5 =	sadd.s32 $0x580, s22;
	s0 =	sadd.s32 $0x800, s22;
	(v2sf) =	vpush v0, $0x7;
	s6 =	sadd.s32 $0x480, s22  }
0x59: {  	s7 =	sadd.s32 $0x600, s22;
	s23 =	sadd.s32 $0x880, s22;
	s12 =	sadd.s32 $0x200, s22  }
0x5a: {  	s13 =	sadd.s32 $0x400, s22;
	s14 =	sadd.s32 $0x500, s22;
	(v2sf) =	vpush v0, $0x8;
	s15 =	spop (v2sf)  }
0x5b: {  	s16 =	sadd.s32 $0x300, s22;
	s15 =	sand.u32 $0x1FFFFFF0, s15;
	s17 =	spop (v2sf)  }
0x5c: {  	(v2sf) =	vpush v0, $0x9;
	s15 =	sadd.s32 s3, s15;
	s17 =	sand.u32 $0x1FFFFFF0, s17;
	s25 =	spop (v2sf)  }
0x5d: {  	[tilespmem:s12], [sflag:$0x1] =	stream.linear.gather [hbm4b:s15+s2], $0x80, $0x38;
	[tilespmem:$0x8400] =	vst v63  }
0x5e: {  	s26 =	sadd.s32 $0x380, s22;
	(v2sf) =	vpush v0, $0xA;
	s30 =	sadd.s32 s3, s17;
	s31 =	spop (v2sf)  }
0x5f: {  	[tilespmem:s1], [sflag:$0x1] =	stream.linear.gather [hbm4b:s30+s2], $0x80, $0x38;
	[tilespmem:$0x8400] =	vst v63  }
0x60: {  	s12 =	sadd.s32 $0x700, s22;
	s28 =	sand.u32 $0x1FFFFFF0, s25;
	(v2sf) =	vpush v0, $0xB;
	s29 =	spop (v2sf)  }
0x61: {  	s15 =	sadd.s32 s3, s28;
	s1 =	sadd.s32 $0x680, s22;
	s25 =	sand.u32 $0x1FFFFFF0, s29  }
0x62: {  	(v2sf) =	vpush v0, $0xC;
	[tilespmem:s16], [sflag:$0x1] =	stream.linear.gather [hbm4b:s15+s2], $0x80, $0x38;
	[tilespmem:$0x8400] =	vst v63  }
0x63: {  	s30 =	sand.u32 $0x1FFFFFF0, s31;
	s31 =	spop (v2sf);
	s28 =	sadd.s32 s3, s25  }
0x64: {  	(v2sf) =	vpush v0, $0xD;
	[tilespmem:s26], [sflag:$0x1] =	stream.linear.gather [hbm4b:s28+s2], $0x80, $0x38;
	[tilespmem:$0x8400] =	vst v63  }
0x65: {  	s15 =	sadd.s32 s3, s30;
	s16 =	sand.u32 $0x1FFFFFF0, s31;
	s29 =	spop (v2sf)  }
0x66: {  	(v2sf) =	vpush v0, $0xE;
	[tilespmem:s13], [sflag:$0x1] =	stream.linear.gather [hbm4b:s15+s2], $0x80, $0x38;
	[tilespmem:$0x8400] =	vst v63  }
0x67: {  	s16 =	sadd.s32 s3, s16;
	s30 =	sand.u32 $0x1FFFFFF0, s29;
	s31 =	spop (v2sf)  }
0x68: {  	(v2sf) =	vpush v0, $0xF;
	[tilespmem:s6], [sflag:$0x1] =	stream.linear.gather [hbm4b:s16+s2], $0x80, $0x38;
	[tilespmem:$0x8400] =	vst v63  }
0x69: {  	s17 =	sand.u32 $0x1FFFFFF0, s31;
	s25 =	spop (v2sf);
	s13 =	sadd.s32 s3, s30  }
0x6a: {  	[tilespmem:s14], [sflag:$0x1] =	stream.linear.gather [hbm4b:s13+s2], $0x80, $0x38;
	[tilespmem:$0x8400] =	vst v63  }
0x6b: {  	s26 =	sand.u32 $0x1FFFFFF0, s25;
	s6 =	sadd.s32 s3, s17;
	s28 =	spop (v2sf)  }
0x6c: {  	[tilespmem:s5], [sflag:$0x1] =	stream.linear.gather [hbm4b:s6+s2], $0x80, $0x38;
	[tilespmem:$0x8400] =	vst v63  }
0x6d: {  	s13 =	sadd.s32 s3, s26;
	s29 =	sand.u32 $0x1FFFFFF0, s28;
	s30 =	spop (v2sf)  }
0x6e: {  	[tilespmem:s7], [sflag:$0x1] =	stream.linear.gather [hbm4b:s13+s2], $0x80, $0x38;
	[tilespmem:$0x8400] =	vst v63  }
0x6f: {  	s6 =	sand.u32 $0x1FFFFFF0, s30;
	s5 =	sadd.s32 s3, s29;
	s31 =	spop (v2sf)  }
0x70: {  	[tilespmem:s1], [sflag:$0x1] =	stream.linear.gather [hbm4b:s5+s2], $0x80, $0x38;
	[tilespmem:$0x8400] =	vst v63  }
0x71: {  	s6 =	sadd.s32 s3, s6;
	s13 =	sand.u32 $0x1FFFFFF0, s31;
	s14 =	spop (v2sf)  }
0x72: {  	[tilespmem:s12], [sflag:$0x1] =	stream.linear.gather [hbm4b:s6+s2], $0x80, $0x38;
	[tilespmem:$0x8400] =	vst v63  }
0x73: {  	s1 =	sadd.s32 s3, s13;
	s5 =	sand.u32 $0x1FFFFFF0, s14;
	s15 =	spop (v2sf)  }
0x74: {  	[tilespmem:s24], [sflag:$0x1] =	stream.linear.gather [hbm4b:s1+s2], $0x80, $0x38;
	[tilespmem:$0x8400] =	vst v63  }
0x75: {  	s16 =	sand.u32 $0x1FFFFFF0, s15;
	s5 =	sadd.s32 s3, s5;
	s17 =	spop (v2sf)  }
0x76: {  	[tilespmem:s0], [sflag:$0x1] =	stream.linear.gather [hbm4b:s5+s2], $0x80, $0x38;
	[tilespmem:$0x8400] =	vst v63  }
0x77: {  	s24 =	sand.u32 $0x1FFFFFF0, s17;
	s25 =	spop (v2sf);
	s1 =	sadd.s32 s3, s16  }
0x78: {  	[tilespmem:s23], [sflag:$0x1] =	stream.linear.gather [hbm4b:s1+s2], $0x80, $0x38;
	[tilespmem:$0x8400] =	vst v63  }
0x79: {  	s28 =	sadd.s32 $0x900, s22;
	s26 =	sand.u32 $0x1FFFFFF0, s25;
	s0 =	sadd.s32 s3, s24  }
0x7a: {  	[tilespmem:s28], [sflag:$0x1] =	stream.linear.gather [hbm4b:s0+s2], $0x80, $0x38;
	[tilespmem:$0x8400] =	vst v63  }
0x7b: {  	s29 =	sadd.s32 $0x980, s22;
	s1 =	sadd.s32 s3, s26  }
0x7c: {  	[tilespmem:s29], [sflag:$0x1] =	stream.linear.gather [hbm4b:s1+s2], $0x80, $0x38;
	[tilespmem:$0x8400] =	vst v63  }
0x7d: {  	_ =	swait.ge [sflag:s18], $0x8000  }
0x7e: {  	[sflag:s18] =	ssyncset.done $0x0  }
0x7f: {  	s30 =	simm.s32 $0x0;
	s31 =	rddreg [dreg:$0x4];
	[sflag:s18] =	ssyncadd.s32 $0xFFFF8000  }
0x80: {  	[hbm4b:s31+s30] =	stream.linear.scatter [tilespmem:s19], [sflag:$0x3], $0x8000, $0x38;
	[tilespmem:$0x8400] =	vst v63  }
0x81: {  	_ =	swait.ge [sflag:s10], $0x8000  }
0x82: {  	[sflag:s10] =	ssyncset.done $0x0  }
0x83: {  	s23 =	simm.s32 $0x100;
	[sflag:s10] =	ssyncadd.s32 $0xFFFF8000  }
0x84: {  	v0 =	vld [tilespmem:s23+$0x0];
	_ =	sdelay $0x4  }
0x85: {  	v0 =	vshll.u32 v0, $0x4  }
0x86: {  	(v2sf) =	vpush v0, $0x0  }
0x87: {  	(v2sf) =	vpush v0, $0x1  }
0x88: {  	(v2sf) =	vpush v0, $0x2;
	_ =	sdelay $0x1  }
0x89: {  	(v2sf) =	vpush v0, $0x4;
	_ =	sdelay $0x1  }
0x8a: {  	(v2sf) =	vpush v0, $0x3  }
0x8b: {  	(v2sf) =	vpush v0, $0x5  }
0x8c: {  	s22 =	simm.s32 $0x0;
	s24 =	simm.s32 $0x2000;
	(v2sf) =	vpush v0, $0x6  }
.LBB2_4:
0x8d: {  	p0 =	sne.s32 s24, $0x1E000  }
0x8e: {  	s5 =	sadd.s32 $0x280, s22;
	s29 =	sadd.s32 $0x780, s22;
	s25 =	smov.u32 s24  }
0x8f: {  	s24 =	sadd.s32 $0x2000, s24;
	s0 =	sadd.s32 $0x580, s22;
	s26 =	sadd.s32 $0x800, s22;
	(v2sf) =	vpush v0, $0x7  }
0x90: {  	s13 =	sadd.s32 $0x480, s22;
	s31 =	sadd.s32 $0x600, s22;
	s28 =	sadd.s32 $0x880, s22  }
0x91: {  	s6 =	sadd.s32 $0x200, s22;
	s7 =	sadd.s32 $0x400, s22;
	(v2sf) =	vpush v0, $0x8  }
0x92: {  	s12 =	sadd.s32 $0x500, s22;
	s23 =	sadd.s32 $0x10, s23  }
0x93: {  	s14 =	sadd.s32 $0x300, s22;
	s30 =	sadd.s32 $0x700, s22;
	s1 =	spop (v2sf);
	(v2sf) =	vpush v0, $0x9  }
0x94: {  	s15 =	sand.u32 $0x1FFFFFF0, s1;
	s1 =	sadd.s32 $0x680, s22;
	s16 =	spop (v2sf)  }
0x95: {  	s15 =	sadd.s32 s3, s15;
	s16 =	sand.u32 $0x1FFFFFF0, s16;
	s17 =	spop (v2sf);
	(v2sf) =	vpush v0, $0xA  }
0x96: {  	[tilespmem:s6], [sflag:$0x1] =	stream.linear.gather [hbm4b:s15+s2], $0x80, $0x38;
	[tilespmem:$0x8400] =	vst v63  }
0x97: {  	s6 =	sadd.s32 s3, s16;
	s15 =	sadd.s32 $0x380, s22;
	s16 =	spop (v2sf);
	(v2sf) =	vpush v0, $0xB  }
0x98: {  	[tilespmem:s5], [sflag:$0x1] =	stream.linear.gather [hbm4b:s6+s2], $0x80, $0x38;
	[tilespmem:$0x8400] =	vst v63  }
0x99: {  	s5 =	sand.u32 $0x1FFFFFF0, s17;
	s6 =	sand.u32 $0x1FFFFFF0, s16;
	s16 =	spop (v2sf);
	(v2sf) =	vpush v0, $0xC  }
0x9a: {  	s5 =	sadd.s32 s3, s5;
	s16 =	sand.u32 $0x1FFFFFF0, s16;
	s17 =	spop (v2sf)  }
0x9b: {  	[tilespmem:s14], [sflag:$0x1] =	stream.linear.gather [hbm4b:s5+s2], $0x80, $0x38;
	(v2sf) =	vpush v0, $0xD;
	[tilespmem:$0x8400] =	vst v63  }
0x9c: {  	s5 =	sadd.s32 s3, s16;
	s14 =	sand.u32 $0x1FFFFFF0, s17;
	s16 =	spop (v2sf)  }
0x9d: {  	[tilespmem:s15], [sflag:$0x1] =	stream.linear.gather [hbm4b:s5+s2], $0x80, $0x38;
	(v2sf) =	vpush v0, $0xE;
	[tilespmem:$0x8400] =	vst v63  }
0x9e: {  	s5 =	sadd.s32 s3, s6;
	s6 =	sand.u32 $0x1FFFFFF0, s16;
	s15 =	spop (v2sf)  }
0x9f: {  	[tilespmem:s7], [sflag:$0x1] =	stream.linear.gather [hbm4b:s5+s2], $0x80, $0x38;
	(v2sf) =	vpush v0, $0xF;
	[tilespmem:$0x8400] =	vst v63  }
0xa0: {  	s5 =	sadd.s32 s3, s14;
	s7 =	sand.u32 $0x1FFFFFF0, s15;
	s14 =	spop (v2sf)  }
0xa1: {  	[tilespmem:s13], [sflag:$0x1] =	stream.linear.gather [hbm4b:s5+s2], $0x80, $0x38;
	[tilespmem:$0x8400] =	vst v63  }
0xa2: {  	s5 =	sadd.s32 s3, s6;
	s6 =	sand.u32 $0x1FFFFFF0, s14;
	s13 =	spop (v2sf)  }
0xa3: {  	[tilespmem:s12], [sflag:$0x1] =	stream.linear.gather [hbm4b:s5+s2], $0x80, $0x38;
	[tilespmem:$0x8400] =	vst v63  }
0xa4: {  	s5 =	sadd.s32 s3, s7;
	s7 =	sand.u32 $0x1FFFFFF0, s13;
	s12 =	spop (v2sf)  }
0xa5: {  	[tilespmem:s0], [sflag:$0x1] =	stream.linear.gather [hbm4b:s5+s2], $0x80, $0x38;
	[tilespmem:$0x8400] =	vst v63  }
0xa6: {  	s0 =	sadd.s32 s3, s6;
	s5 =	sand.u32 $0x1FFFFFF0, s12;
	s6 =	spop (v2sf)  }
0xa7: {  	[tilespmem:s31], [sflag:$0x1] =	stream.linear.gather [hbm4b:s0+s2], $0x80, $0x38;
	[tilespmem:$0x8400] =	vst v63  }
0xa8: {  	s0 =	sadd.s32 s3, s7;
	s6 =	sand.u32 $0x1FFFFFF0, s6;
	s7 =	spop (v2sf)  }
0xa9: {  	[tilespmem:s1], [sflag:$0x1] =	stream.linear.gather [hbm4b:s0+s2], $0x80, $0x38;
	[tilespmem:$0x8400] =	vst v63  }
0xaa: {  	s0 =	sadd.s32 s3, s5;
	s1 =	sand.u32 $0x1FFFFFF0, s7;
	s5 =	spop (v2sf)  }
0xab: {  	[tilespmem:s30], [sflag:$0x1] =	stream.linear.gather [hbm4b:s0+s2], $0x80, $0x38;
	[tilespmem:$0x8400] =	vst v63  }
0xac: {  	s0 =	sadd.s32 s3, s6;
	s5 =	sand.u32 $0x1FFFFFF0, s5;
	s6 =	spop (v2sf)  }
0xad: {  	[tilespmem:s29], [sflag:$0x1] =	stream.linear.gather [hbm4b:s0+s2], $0x80, $0x38;
	[tilespmem:$0x8400] =	vst v63  }
0xae: {  	s0 =	sadd.s32 s3, s1;
	s1 =	sand.u32 $0x1FFFFFF0, s6;
	s6 =	spop (v2sf)  }
0xaf: {  	[tilespmem:s26], [sflag:$0x1] =	stream.linear.gather [hbm4b:s0+s2], $0x80, $0x38;
	[tilespmem:$0x8400] =	vst v63  }
0xb0: {  	s0 =	sadd.s32 s3, s5;
	s5 =	sand.u32 $0x1FFFFFF0, s6  }
0xb1: {  	[tilespmem:s28], [sflag:$0x1] =	stream.linear.gather [hbm4b:s0+s2], $0x80, $0x38;
	[tilespmem:$0x8400] =	vst v63  }
0xb2: {  	s1 =	sadd.s32 s3, s1;
	s0 =	sadd.s32 $0x900, s22  }
0xb3: {  	[tilespmem:s0], [sflag:$0x1] =	stream.linear.gather [hbm4b:s1+s2], $0x80, $0x38;
	[tilespmem:$0x8400] =	vst v63  }
0xb4: {  	s0 =	sadd.s32 $0x980, s22;
	s1 =	sadd.s32 s3, s5  }
0xb5: {  	[tilespmem:s0], [sflag:$0x1] =	stream.linear.gather [hbm4b:s1+s2], $0x80, $0x38;
	[tilespmem:$0x8400] =	vst v63  }
0xb6: {  	v0 =	vld [tilespmem:s23+$0x0];
	_ =	sdelay $0x4  }
0xb7: {  	v0 =	vshll.u32 v0, $0x4  }
0xb8: {  	(v2sf) =	vpush v0, $0x0  }
0xb9: {  	(v2sf) =	vpush v0, $0x1  }
0xba: {  	(v2sf) =	vpush v0, $0x2;
	_ =	sdelay $0x1  }
0xbb: {  	(v2sf) =	vpush v0, $0x4  }
.Ltmp1:
0xbc: {  	(pc) =	sbr.rel @p0 .LBB2_4-.Ltmp1, $3  }
0xbd: {  	(v2sf) =	vpush v0, $0x3  }
0xbe: {  	(v2sf) =	vpush v0, $0x5;
	_ =	sdelay $0x1  }
0xbf: {  	s22 =	sshra.s32 s25, $0x2;
	(v2sf) =	vpush v0, $0x6  }
0xc0: {  	_ =	sdelay $0x5  }
0xc1: {  	s0 =	spop (v2sf)  }
0xc2: {  	s1 =	spop (v2sf)  }
0xc3: {  	s12 =	spop (v2sf)  }
0xc4: {  	s15 =	spop (v2sf);
	(v2sf) =	vpush v0, $0x7  }
0xc5: {  	s0 =	sand.u32 $0x1FFFFFF0, s0  }
0xc6: {  	s5 =	sadd.s32 $0x200, s22;
	s0 =	sadd.s32 s3, s0  }
0xc7: {  	[tilespmem:s5], [sflag:$0x1] =	stream.linear.gather [hbm4b:s0+s2], $0x80, $0x38;
	[tilespmem:$0x8400] =	vst v63  }
0xc8: {  	s1 =	sand.u32 $0x1FFFFFF0, s1;
	s16 =	spop (v2sf);
	(v2sf) =	vpush v0, $0x8  }
0xc9: {  	s7 =	sadd.s32 $0x280, s22;
	s1 =	sadd.s32 s3, s1  }
0xca: {  	[tilespmem:s7], [sflag:$0x1] =	stream.linear.gather [hbm4b:s1+s2], $0x80, $0x38;
	[tilespmem:$0x8400] =	vst v63  }
0xcb: {  	s13 =	sand.u32 $0x1FFFFFF0, s12;
	s25 =	spop (v2sf);
	(v2sf) =	vpush v0, $0x9  }
0xcc: {  	s14 =	sadd.s32 $0x300, s22;
	s0 =	sadd.s32 s3, s13  }
0xcd: {  	[tilespmem:s14], [sflag:$0x1] =	stream.linear.gather [hbm4b:s0+s2], $0x80, $0x38;
	[tilespmem:$0x8400] =	vst v63  }
0xce: {  	s0 =	sand.u32 $0x1FFFFFF0, s16;
	s28 =	spop (v2sf);
	(v2sf) =	vpush v0, $0xA  }
0xcf: {  	s17 =	sadd.s32 $0x380, s22;
	s23 =	sand.u32 $0x1FFFFFF0, s15;
	s0 =	sadd.s32 s3, s0  }
0xd0: {  	[tilespmem:s17], [sflag:$0x1] =	stream.linear.gather [hbm4b:s0+s2], $0x80, $0x38;
	[tilespmem:$0x8400] =	vst v63  }
0xd1: {  	s24 =	sadd.s32 $0x400, s22;
	s0 =	sadd.s32 s3, s23  }
0xd2: {  	[tilespmem:s24], [sflag:$0x1] =	stream.linear.gather [hbm4b:s0+s2], $0x80, $0x38;
	[tilespmem:$0x8400] =	vst v63  }
0xd3: {  	s0 =	sand.u32 $0x1FFFFFF0, s25;
	s30 =	spop (v2sf);
	(v2sf) =	vpush v0, $0xB  }
0xd4: {  	s26 =	sadd.s32 $0x480, s22;
	s0 =	sadd.s32 s3, s0  }
0xd5: {  	[tilespmem:s26], [sflag:$0x1] =	stream.linear.gather [hbm4b:s0+s2], $0x80, $0x38;
	[tilespmem:$0x8400] =	vst v63  }
0xd6: {  	s0 =	sand.u32 $0x1FFFFFF0, s28  }
0xd7: {  	s29 =	sadd.s32 $0x500, s22;
	s0 =	sadd.s32 s3, s0;
	s5 =	spop (v2sf);
	(v2sf) =	vpush v0, $0xC  }
0xd8: {  	[tilespmem:s29], [sflag:$0x1] =	stream.linear.gather [hbm4b:s0+s2], $0x80, $0x38;
	[tilespmem:$0x8400] =	vst v63  }
0xd9: {  	s0 =	sand.u32 $0x1FFFFFF0, s30  }
0xda: {  	s31 =	sadd.s32 $0x580, s22;
	s0 =	sadd.s32 s3, s0;
	s7 =	spop (v2sf);
	(v2sf) =	vpush v0, $0xD  }
0xdb: {  	[tilespmem:s31], [sflag:$0x1] =	stream.linear.gather [hbm4b:s0+s2], $0x80, $0x38;
	[tilespmem:$0x8400] =	vst v63  }
0xdc: {  	s0 =	sand.u32 $0x1FFFFFF0, s5  }
0xdd: {  	s6 =	sadd.s32 $0x600, s22;
	s0 =	sadd.s32 s3, s0;
	s13 =	spop (v2sf);
	(v2sf) =	vpush v0, $0xE  }
0xde: {  	[tilespmem:s6], [sflag:$0x1] =	stream.linear.gather [hbm4b:s0+s2], $0x80, $0x38;
	[tilespmem:$0x8400] =	vst v63  }
0xdf: {  	s0 =	sand.u32 $0x1FFFFFF0, s7  }
0xe0: {  	s12 =	sadd.s32 $0x680, s22;
	s0 =	sadd.s32 s3, s0  }
0xe1: {  	[tilespmem:s12], [sflag:$0x1] =	stream.linear.gather [hbm4b:s0+s2], $0x80, $0x38;
	[tilespmem:$0x8400] =	vst v63  }
0xe2: {  	s0 =	sand.u32 $0x1FFFFFF0, s13;
	s15 =	spop (v2sf);
	(v2sf) =	vpush v0, $0xF  }
0xe3: {  	s14 =	sadd.s32 $0x700, s22;
	s0 =	sadd.s32 s3, s0  }
0xe4: {  	[tilespmem:s14], [sflag:$0x1] =	stream.linear.gather [hbm4b:s0+s2], $0x80, $0x38;
	[tilespmem:$0x8400] =	vst v63  }
0xe5: {  	s0 =	sand.u32 $0x1FFFFFF0, s15  }
0xe6: {  	s16 =	sadd.s32 $0x780, s22;
	s0 =	sadd.s32 s3, s0;
	s17 =	spop (v2sf)  }
0xe7: {  	[tilespmem:s16], [sflag:$0x1] =	stream.linear.gather [hbm4b:s0+s2], $0x80, $0x38;
	[tilespmem:$0x8400] =	vst v63  }
0xe8: {  	s0 =	sand.u32 $0x1FFFFFF0, s17  }
0xe9: {  	s23 =	sadd.s32 $0x800, s22;
	s24 =	spop (v2sf);
	s0 =	sadd.s32 s3, s0  }
0xea: {  	[tilespmem:s23], [sflag:$0x1] =	stream.linear.gather [hbm4b:s0+s2], $0x80, $0x38;
	[tilespmem:$0x8400] =	vst v63  }
0xeb: {  	s0 =	sand.u32 $0x1FFFFFF0, s24  }
0xec: {  	s25 =	sadd.s32 $0x880, s22;
	s26 =	spop (v2sf);
	s0 =	sadd.s32 s3, s0  }
0xed: {  	[tilespmem:s25], [sflag:$0x1] =	stream.linear.gather [hbm4b:s0+s2], $0x80, $0x38;
	[tilespmem:$0x8400] =	vst v63  }
0xee: {  	s0 =	sand.u32 $0x1FFFFFF0, s26  }
0xef: {  	s28 =	sadd.s32 $0x900, s22;
	s0 =	sadd.s32 s3, s0  }
0xf0: {  	[tilespmem:s28], [sflag:$0x1] =	stream.linear.gather [hbm4b:s0+s2], $0x80, $0x38;
	[tilespmem:$0x8400] =	vst v63  }
0xf1: {  	s29 =	spop (v2sf)  }
0xf2: {  	s0 =	sand.u32 $0x1FFFFFF0, s29  }
0xf3: {  	s30 =	sadd.s32 $0x980, s22;
	s0 =	sadd.s32 s3, s0  }
0xf4: {  	[tilespmem:s30], [sflag:$0x1] =	stream.linear.gather [hbm4b:s0+s2], $0x80, $0x38;
	[tilespmem:$0x8400] =	vst v63  }
0xf5: {  	_ =	swait.ge [sflag:s18], $0x8000  }
0xf6: {  	[sflag:s18] =	ssyncset.done $0x0  }
0xf7: {  	s31 =	rddreg [dreg:$0x5];
	[sflag:s18] =	ssyncadd.s32 $0xFFFF8000  }
0xf8: {  	[hbm4b:s31+s2] =	stream.linear.scatter [tilespmem:s19], [sflag:$0x3], $0x8000, $0x38;
	[tilespmem:$0x8400] =	vst v63  }
0xf9: {  	_ =	swait.ge [sflag:s10], $0x8000  }
0xfa: {  	[sflag:s10] =	ssyncset.done $0x0  }
0xfb: {  	[sflag:s10] =	ssyncadd.s32 $0xFFFF8000  }
0xfc: {  	s21 =	sadd.s32 $0x1, s21;
	_ =	swait.ge [sflag:s20], $0x200  }
0xfd: {  	p0 =	sne.s32 s21, s9;
	[sflag:s20] =	ssyncset.done $0x0  }
.Ltmp2:
0xfe: {  	s1 =	simm.s32 $0x8200;
	[sflag:s20] =	ssyncadd.s32 $0xFFFFFE00;
	(pc) =	sbr.rel @p0 .LBB2_1-.Ltmp2, $4  }
0xff: {  	[hbm4b:s8+s2] =	stream.linear.scatter [tilespmem:s1], [sflag:$0x3], $0x200, $0x38;
	[tilespmem:$0x8400] =	vst v63  }
0x100: {  	_ =	swait.ge [sflag:s10], $0x200  }
0x101: {  	[sflag:s10] =	ssyncset.done $0x0  }
0x102: {  	[sflag:s10] =	ssyncadd.s32 $0xFFFFFE00  }
0x103: {  	_ =	sfence.sel $0x180000  }
0x104: {  	[bflag:$0x0] =	sbarrier.arrive $0xFFFF  }
0x105: {  	_ =	strace $0x90000047  }
0x106: {  	s0 =	stileid.u32;
	[bflag:$0x2] =	sbarrier.arrive $0xFFFF  }
0x107: {  	p0 =	sne.s32 s0, $0x0;
	s0 =	rddreg [dreg:$0x2]  }
0x108: {  	s0 =	sadd.s32 @!p0 $0x100000, s0  }
0x109: {  	[sflag:s0] =	ssyncadd.tile.s32 @!p0 $0x1;
	_ =	shalt  }
.Lfunc_end2:
_tile_overlayer_lowered:
.L_overlay_start_2:
0x10a: {  	(tag) =	ssettag $0x2  }
0x10b: {  	s0 =	rddreg [dreg:$0x0];
	s2 =	stileid.u32  }
0x10c: {  	s1 =	rddreg [dreg:$0x1];
	p0 =	sne.s32 s2, $0x0  }
0x10d: {  	s3 =	rddreg [dreg:$0x2];
	[bflag:$0x3] =	sbarrier.arrive $0xFFFF;
	s2 =	simm.s32 @!p0 $0x1C03  }
0x10e: {  	[timem:s3], [sflag:s2] =	dma.local @!p0 [hbm:s0], s1  }
0x10f: {  	s0 =	simm.s32 @!p0 $0x3  }
0x110: {  	_ =	swait.ge @!p0 [sflag:s0], s1  }
0x111: {  	s1 =	ssub.s32 @!p0 $0x0, s1;
	[sflag:s0] =	ssyncset.done @!p0 $0x0  }
0x112: {  	[sflag:s0] =	ssyncadd.s32 @!p0 s1  }
0x113: {  	[bflag:$0x3] =	sbarrier.arrive $0xFFFF  }
0x114: {  	_ =	shalt  }

// kernel: kernel.7.cloned.1.call-start
scs
__scs_entry_jumppad:
0x0: {  	(pc) =	sbr.rel $0x88, $3  }
0x1: {  	(tag) =	ssettag $0x0;
	lr =	simm.s32 $0x1  }
0x2: {  	[smem:$0x3F9B] =	sst lr;
	_ =	strace $0xD0000000  }
0x3: {  	_ = 	snop  }
0x4: {  	_ = 	snop  }
0x5: {  	_ = 	snop  }
0x6: {  	_ = 	snop  }
0x7: {  	_ = 	snop  }
__scs_overlays_trampoline_lowered:
0x8: {  	[smem:$0x3FAA] =	sst s0  }
0x9: {  	[smem:$0x3FAB] =	sst s1  }
0xa: {  	[smem:$0x3FAC] =	sst s2  }
0xb: {  	[smem:$0x3FAD] =	sst s3  }
0xc: {  	[smem:$0x3FAE] =	sst s4  }
0xd: {  	[smem:$0x3FAF] =	sst s5  }
0xe: {  	[smem:$0x3FB0] =	sst s6  }
0xf: {  	[smem:$0x3FB1] =	sst s7  }
0x10: {  	[smem:$0x3FB2] =	sst s8  }
0x11: {  	[smem:$0x3FB3] =	sst s9;
	s0 =	simm.s32 @!p0 $0x0  }
0x12: {  	s1 =	sld [smem:$0x3F99];
	s0 =	simm.s32 @p0 $0x1  }
0x13: {  	[smem:$0x3FB4] =	sst s0;
	s0 =	simm.s32 @!p1 $0x0  }
0x14: {  	s2 =	sld [smem:$0x3F98];
	s0 =	simm.s32 @p1 $0x1  }
0x15: {  	[smem:$0x3FB5] =	sst s0;
	s0 =	simm.s32 @!p2 $0x0  }
0x16: {  	s3 =	sld [smem:$0x3FDB];
	s0 =	simm.s32 @p2 $0x1  }
0x17: {  	s4 =	simm.s32 $0x1BF5;
	[smem:$0x3FB7] =	sst s0  }
0x18: {  	s0 =	sld [smem:$0x3F9A];
	_ =	swait.ge [sflag:s4], $0x0  }
0x19: {  	s7 =	sld [smem:$0x3F9B]  }
0x1a: {  	s8 =	sadd.s32 $0xFFFFE003, lr  }
0x1b: {  	s9 =	sadd.s32 $0xFFFFFEF7, lr;
	s5 =	simm.s32 $0xFFFFFFFF;
	p2 =	slt.u32 s8, $0xFFFFF086  }
0x1c: {  	p1 =	slt.u32 s9, $0xF7A;
	s5 =	simm.s32 @!p2 $0x0  }
0x1d: {  	s5 =	simm.s32 @p1 $0x1;
	p0 =	seq.s32 s7, s2  }
0x1e: {  	s7 =	smul.u32 @!p0 $0xF7A, s2;
	p2 =	seq.s32 @!p0 s5, $0x0  }
0x1f: {  	s9 =	smul.u32 $0xF7A, s1;
	s8 =	simm.s32 @!p0 $0x1BF5;
	p2 =	por !p2, p0  }
0x20: {  	[sflag:s8] =	ssyncset.s32 @!p0 $0xFFFFF086;
	s6 =	sadd.s32 @!p0 s3, s7;
	s7 =	simm.s32 @!p0 $0x108  }
0x21: {  	s3 =	sadd.s32 s3, s9;
	s6 =	sadd.s32 @!p0 $0x88, s6;
	s7 =	simm.s32 @p2 $0x1082  }
0x22: {  	[simem:s7], [sflag:s8] =	dma.local @!p0 [hbm:s6], $0xF7A  }
0x23: {  	s9 =	sor.u32 $0xD0000000, s2;
	s6 =	simm.s32 $0x108;
	_ =	swait.ge @!p0 [sflag:s8], $0x0  }
0x24: {  	s3 =	sadd.s32 $0x88, s3;
	s6 =	simm.s32 @!p1 $0x1082;
	[sflag:s4] =	ssyncset.s32 $0xFFFFF086  }
0x25: {  	[simem:s6], [sflag:s4] =	dma.local [hbm:s3], $0xF7A  }
0x26: {  	[smem:$0x3F9B] =	sst s1;
	(tag) =	ssettag s2;
	_ =	strace s9  }
0x27: {  	s1 =	sld [smem:$0x3FAB]  }
0x28: {  	s2 =	sld [smem:$0x3FAC]  }
0x29: {  	s4 =	sld [smem:$0x3FAE]  }
0x2a: {  	p0 =	seq.s32 s5, $0x0;
	s5 =	sld [smem:$0x3FAF]  }
0x2b: {  	s6 =	sld [smem:$0x3FB0]  }
0x2c: {  	s7 =	sld [smem:$0x3FB1]  }
0x2d: {  	s3 =	simm.s32 $0x108;
	s8 =	sld [smem:$0x3FB2]  }
0x2e: {  	s3 =	simm.s32 @!p0 $0x1082;
	s9 =	sld [smem:$0x3FB3]  }
0x2f: {  	lr =	sadd.s32 s0, s3;
	s0 =	sld [smem:$0x3FAA]  }
0x30: {  	s3 =	sld [smem:$0x3FAD]  }
0x31: {  	[smem:$0x3FB6] =	sst s10  }
0x32: {  	s10 =	sld [smem:$0x3FB4];
	_ =	sdelay $0x3  }
0x33: {  	p0 =	seq.s32 s10, $0x1;
	s10 =	sld [smem:$0x3FB6];
	_ =	sdelay $0x3  }
0x34: {  	[smem:$0x3FB6] =	sst s10  }
0x35: {  	s10 =	sld [smem:$0x3FB5];
	_ =	sdelay $0x3  }
0x36: {  	p1 =	seq.s32 s10, $0x1;
	s10 =	sld [smem:$0x3FB6];
	_ =	sdelay $0x3  }
0x37: {  	[smem:$0x3FB6] =	sst s10  }
0x38: {  	s10 =	sld [smem:$0x3FB7]  }
0x39: {  	_ = 	snop;
	(pc) =	sbr.ind lr, $3  }
0x3a: {  	_ = 	snop  }
0x3b: {  	_ = 	snop  }
0x3c: {  	p2 =	seq.s32 s10, $0x1;
	s10 =	sld [smem:$0x3FB6]  }
0x3d: {  	_ =	shalt  }
0x3e: {  	_ =	shalt  }
0x3f: {  	_ =	shalt  }
0x40: {  	_ =	shalt  }
0x41: {  	_ =	shalt  }
0x42: {  	_ =	shalt  }
0x43: {  	_ =	shalt  }
0x44: {  	_ =	shalt  }
0x45: {  	_ =	shalt  }
0x46: {  	_ =	shalt  }
0x47: {  	_ =	shalt  }
0x48: {  	_ =	shalt  }
0x49: {  	_ =	shalt  }
0x4a: {  	_ =	shalt  }
0x4b: {  	_ =	shalt  }
0x4c: {  	_ =	shalt  }
0x4d: {  	_ =	shalt  }
0x4e: {  	_ =	shalt  }
0x4f: {  	_ =	shalt  }
0x50: {  	_ =	shalt  }
0x51: {  	_ =	shalt  }
0x52: {  	_ =	shalt  }
0x53: {  	_ =	shalt  }
0x54: {  	_ =	shalt  }
0x55: {  	_ =	shalt  }
0x56: {  	_ =	shalt  }
0x57: {  	_ =	shalt  }
0x58: {  	_ =	shalt  }
0x59: {  	_ =	shalt  }
0x5a: {  	_ =	shalt  }
0x5b: {  	_ =	shalt  }
0x5c: {  	_ =	shalt  }
0x5d: {  	_ =	shalt  }
0x5e: {  	_ =	shalt  }
0x5f: {  	_ =	shalt  }
0x60: {  	_ =	shalt  }
0x61: {  	_ =	shalt  }
0x62: {  	_ =	shalt  }
0x63: {  	_ =	shalt  }
0x64: {  	_ =	shalt  }
0x65: {  	_ =	shalt  }
0x66: {  	_ =	shalt  }
0x67: {  	_ =	shalt  }
0x68: {  	_ =	shalt  }
0x69: {  	_ =	shalt  }
0x6a: {  	_ =	shalt  }
0x6b: {  	_ =	shalt  }
0x6c: {  	_ =	shalt  }
0x6d: {  	_ =	shalt  }
0x6e: {  	_ =	shalt  }
0x6f: {  	_ =	shalt  }
0x70: {  	_ =	shalt  }
0x71: {  	_ =	shalt  }
0x72: {  	_ =	shalt  }
0x73: {  	_ =	shalt  }
0x74: {  	_ =	shalt  }
0x75: {  	_ =	shalt  }
0x76: {  	_ =	shalt  }
0x77: {  	_ =	shalt  }
0x78: {  	_ =	shalt  }
0x79: {  	_ =	shalt  }
0x7a: {  	_ =	shalt  }
0x7b: {  	_ =	shalt  }
0x7c: {  	_ =	shalt  }
0x7d: {  	_ =	shalt  }
0x7e: {  	_ =	shalt  }
0x7f: {  	_ =	shalt  }
0x80: {  	_ =	shalt  }
0x81: {  	_ =	shalt  }
0x82: {  	_ =	shalt  }
0x83: {  	_ =	shalt  }
0x84: {  	_ =	shalt  }
0x85: {  	_ =	shalt  }
0x86: {  	_ =	shalt  }
0x87: {  	_ =	shalt  }
.Lfunc_end0:
.L_simem_size_0:
called_computation.1_lowered:
.L_overlay_start_0:
0x88: {  	s2 =	sld [smem:$0x3FD9]  }
0x89: {  	s3 =	sld [smem:$0x3FFE];
	_ =	sdelay $0x1  }
0x8a: {  	s1 =	srdreg.scid  }
0x8b: {  	s0 =	sand.u32 $0x1, s1  }
0x8c: {  	s17 =	sshll.u32 s0, $0xA;
	s2 =	sadd.s32 s3, s2  }
0x8d: {  	s2 =	sadd.s32 s2, s17  }
0x8e: {  	[smem:$0x3FC2] =	sst s2  }
0x8f: {  	_ = 	snop  }
0x90: {  	s2 =	sld [smem:$0x3FC8]  }
0x91: {  	s18 =	sld [smem:$0x3FD0];
	(tm) =	ssettm $0x1  }
0x92: {  	s4 =	sld [smem:$0x3FFB];
	_ =	sdelay $0x3  }
0x93: {  	_ =	strace s4  }
0x94: {  	s4 =	sld [smem:$0x3FFC];
	_ =	sdelay $0x3  }
0x95: {  	_ =	strace s4  }
0x96: {  	s4 =	sld [smem:$0x3FFD];
	_ =	sdelay $0x3  }
0x97: {  	_ =	strace s4  }
0x98: {  	_ =	strace $0x8FFFFFFF  }
0x99: {  	s19 =	sld [smem:$0x3FDB];
	_ =	sdelay $0x1  }
0x9a: {  	s5 =	simm.s32 $_scs_section_size  }
0x9b: {  	s6 =	simm.s32 $_size__tile_overlayer_lowered;
	s7 =	simm.s32 $_tile_overlayer_lowered  }
0x9c: {  	s22 =	simm.s32 $0x1BFF;
	s21 =	sshll.u32 s7, $0x1;
	s4 =	sadd.s32 s5, s19  }
0x9d: {  	s8 =	simm.s32 $0x0;
	s20 =	sshll.u32 s6, $0x1;
	s6 =	sadd.s32 s21, s4  }
0x9e: {  	[timem:s8], [sflag:s22] =	dma.local [hbm:s6], s20  }
0x9f: {  	_ =	swait.ge [sflag:s22], s20  }
0xa0: {  	s5 =	ssub.s32 $0x0, s20;
	[sflag:s22] =	ssyncset.done $0x0  }
0xa1: {  	[sflag:s22] =	ssyncadd.s32 s5;
	_ =	sdelay $0x1  }
0xa2: {  	s23 =	simm.s32 $0x1B8B  }
0xa3: {  	_ =	swait.ge [sflag:s23], $0x1  }
0xa4: {  	[sflag:s23] =	ssyncset.done $0x0  }
0xa5: {  	s25 =	simm.s32 $0x1B8E;
	s24 =	sld [smem:$0x3FFE];
	[sflag:s23] =	ssyncadd.s32 $0xFFFFFFFF  }
0xa6: {  	s26 =	simm.s32 $execute0_lowered;
	[smem:$0x3FD2] =	sst s25  }
0xa7: {  	s6 =	sshll.u32 s26, $0x1;
	_ =	strace $0x80000049;
	[dreg:$0x1] =	wrdreg $0xFFFFFFFF  }
0xa8: {  	s28 =	simm.s32 $_size_execute0_lowered;
	s4 =	sadd.s32 s4, s6;
	[dreg:$0x0] =	wrdreg $0x0  }
0xa9: {  	s6 =	sshll.u32 s28, $0x1;
	[dreg:$0x2] =	wrdreg s4  }
0xaa: {  	[dreg:$0x3] =	wrdreg s6  }
0xab: {  	[dreg:$0x4] =	wrdreg $0xC0  }
0xac: {  	_ =	task [dreg:s8], $0x5FFFF  }
0xad: {  	[dreg:$0x1] =	wrdreg $0xFFFFFFFF  }
0xae: {  	[dreg:$0x0] =	wrdreg $0x60  }
0xaf: {  	[dreg:$0x2] =	wrdreg s2  }
0xb0: {  	[dreg:$0x3] =	wrdreg s24  }
0xb1: {  	[dreg:$0x4] =	wrdreg s18  }
0xb2: {  	[dreg:$0x5] =	wrdreg $0x9  }
0xb3: {  	_ =	task.clear_ibuf [dreg:s8], $0x6FFFF;
	_ =	strace $0x90000049  }
0xb4: {  	s29 =	simm.s32 $0x9;
	_ =	strace $0x8000004B  }
0xb5: {  	_ =	swait.ge [sflag:s29], $0x1  }
0xb6: {  	[sflag:s29] =	ssyncadd.s32 $0xFFFFFFFF  }
0xb7: {  	_ =	strace $0x9000004B  }
0xb8: {  	_ =	sfence  }
0xb9: {  	s30 =	sld [smem:$0x0];
	_ =	sdelay $0x2  }
0xba: {  	s31 =	sshll.u32 s1, $0xD;
	s1 =	sshrl.u32 s1, $0x2  }
0xbb: {  	s3 =	sand.u32 $0x4000, s31;
	s1 =	sadd.s32 s1, s30  }
0xbc: {  	s0 =	sor.u32 s3, s0;
	s1 =	sshll.u32 s1, $0x11  }
0xbd: {  	s0 =	sor.u32 s1, s0  }
0xbe: {  	s0 =	sadd.s32 $0x8F2B, s0  }
0xbf: {  	[sflag:s0] =	ssyncadd.remote.s32 $0x1  }
0xc0: {  	_ =	sfence.sel $0xFFFF  }
0xc1: {  	[dreg:$0x0] =	wrdreg $0xFFFFFFFF;
	(pc) =	sbr.abs _section_cstart, $3  }
0xc2: {  	[dreg:$0x1] =	wrdreg $0xFFFFFFFF  }
0xc3: {  	_ =	task.clear_ibuf [dreg:s8], $0x2FFFF;
	_ =	strace $0x9FFFFFFF  }
0xc4: {  	(tm) =	ssettm $0x7FFFFFFF  }
0xc5: {  	_ =	shalt  }
tec
execute0_lowered:
.L_overlay_start_1:
0x0: {  	(tag) =	ssettag $0x1  }
0x1: {  	s0 =	rddreg [dreg:$0x0]  }
0x2: {  	s1 =	rddreg [dreg:$0x1]  }
0x3: {  	s9 =	rddreg [dreg:$0x2];
	s2 =	simm.s32 $0x0  }
0x4: {  	s3 =	srdreg.scid;
	s4 =	stileid.u32;
	s12 =	simm.s32 $0x80  }
0x5: {  	s20 =	simm.s32 $0x2;
	s22 =	simm.s32 $0x3;
	s23 =	simm.s32 $0x1  }
0x6: {  	s25 =	simm.s32 $0x0;
	[smem:$0x7FF] =	sst s2;
	s5 =	sand.u32 $0x1, s3  }
0x7: {  	s3 =	sadd.s32 $0x1CC600, s1;
	s6 =	sshll.u32 s4, $0xA;
	s7 =	sshll.u32 s5, $0x9  }
0x8: {  	s4 =	sadd.s32 $0x353000, s1;
	_ =	strace $0x8000004A;
	s6 =	sor.u32 s7, s6  }
0x9: {  	s5 =	ssub.s32 $0x2, s5;
	s7 =	sshll.u32 s6, $0x4;
	s10 =	sshrl.u32 s6, $0x3  }
0xa: {  	vm0 =	vmmov $0x1;
	vm1 =	vmmov $0x3;
	vm2 =	vmmov $0x7;
	s8 =	sadd.s32 s7, s1;
	s1 =	sadd.s32 s10, s1;
	s0 =	sadd.s32 s0, s10  }
0xb: {  	vm3 =	vmmov $0xf;
	vm4 =	vmmov $0x1f;
	vm5 =	vmmov $0x3f;
	s28 =	sshrl.u32 s5, $0x1;
	[dreg:$0x4] =	wrdreg s0;
	s29 =	sadd.s32 $0x1CBE00, s1  }
0xc: {  	vm6 =	vmmov $0x7f;
	vm7 =	vmmov $0xff;
	vm8 =	vmmov $0x1ff;
	s11 =	ssub.s32 s5, s28;
	s30 =	sadd.s32 $0x18BE00, s8;
	[dreg:$0x5] =	wrdreg s29  }
0xd: {  	vm9 =	vmmov $0x3ff;
	vm10 =	vmmov $0x7ff;
	vm11 =	vmmov $0xfff;
	s9 =	sadd.s32 s9, s10;
	s31 =	sadd.s32 $0x18CE00, s8;
	[dreg:$0x6] =	wrdreg s30  }
0xe: {  	vm12 =	vmmov $0x1fff;
	vm13 =	vmmov $0x3fff;
	vm14 =	vmmov $0x7fff;
	s10 =	smax.u32 s11, $0x1;
	s11 =	simm.s32 $0x4;
	[dreg:$0x7] =	wrdreg s31  }
.LBB2_1:
0xf: {  	s0 =	rddreg [dreg:$0x4]  }
0x10: {  	[tilespmem:s2], [sflag:$0x4] =	stream.linear.gather [hbm4b:s0+s2], $0x200, $0x38;
	[tilespmem:$0x10800] =	vst v63  }
0x11: {  	_ =	swait.ge [sflag:s11], $0x200  }
0x12: {  	[sflag:s11] =	ssyncset.done $0x0  }
0x13: {  	s18 =	simm.s32 $0x10400;
	[sflag:s11] =	ssyncadd.s32 $0xFFFFFE00  }
0x14: {  	[tilespmem:s18], [sflag:$0x2] =	stream.indirect.gather [hbm4b:s4+s12], $0x1, s2, s12, $0xb8;
	[tilespmem:$0x10800] =	vst v63  }
0x15: {  	s19 =	simm.s32 $0x10480  }
0x16: {  	[tilespmem:s19], [sflag:$0x2] =	stream.indirect.gather [hbm4b:s4+s12], $0x1, s12, s12, $0xb8;
	[tilespmem:$0x10800] =	vst v63  }
0x17: {  	s21 =	simm.s32 $0x100;
	s1 =	simm.s32 $0x10500  }
0x18: {  	[tilespmem:s1], [sflag:$0x2] =	stream.indirect.gather [hbm4b:s4+s12], $0x1, s21, s12, $0xb8;
	[tilespmem:$0x10800] =	vst v63  }
0x19: {  	s24 =	simm.s32 $0x180;
	s26 =	simm.s32 $0x10580  }
0x1a: {  	[tilespmem:s26], [sflag:$0x2] =	stream.indirect.gather [hbm4b:s4+s12], $0x1, s24, s12, $0xb8;
	[tilespmem:$0x10800] =	vst v63  }
0x1b: {  	s31 =	simm.s32 $0x10200;
	s30 =	rddreg [dreg:$0x5]  }
0x1c: {  	[tilespmem:s31], [sflag:$0x4] =	stream.linear.gather [hbm4b:s30+s2], $0x200, $0x38;
	[tilespmem:$0x10800] =	vst v63  }
0x1d: {  	_ =	swait.ge [sflag:s11], $0x200  }
0x1e: {  	[sflag:s11] =	ssyncset.done $0x0  }
0x1f: {  	[sflag:s11] =	ssyncadd.s32 $0xFFFFFE00  }
0x20: {  	_ =	swait.ge [sflag:s20], $0x200  }
0x21: {  	[sflag:s20] =	ssyncset.done $0x0  }
0x22: {  	[sflag:s20] =	ssyncadd.s32 $0xFFFFFE00  }
0x23: {  	v0 =	vld [tilespmem:s2+$0x0];
	_ =	sdelay $0x4  }
0x24: {  	v0 =	vshll.u32 v0, $0x4  }
0x25: {  	(v2sf) =	vpush v0, $0x0  }
0x26: {  	(v2sf) =	vpush v0, $0x1  }
0x27: {  	(v2sf) =	vpush v0, $0x2;
	_ =	sdelay $0x1  }
0x28: {  	(v2sf) =	vpush v0, $0x4;
	_ =	sdelay $0x1  }
0x29: {  	(v2sf) =	vpush v0, $0x3  }
0x2a: {  	(v2sf) =	vpush v0, $0x5  }
0x2b: {  	s28 =	simm.s32 $0x2000;
	s29 =	simm.s32 $0x0;
	s26 =	simm.s32 $0x0;
	(v2sf) =	vpush v0, $0x6  }
.LBB2_2:
0x2c: {  	p0 =	sne.s32 s28, $0x1E000  }
0x2d: {  	s18 =	sadd.s32 $0x8280, s26;
	s1 =	sadd.s32 $0x8780, s26;
	s30 =	smov.u32 s28  }
0x2e: {  	s28 =	sadd.s32 $0x2000, s28;
	s15 =	sadd.s32 $0x8580, s26;
	s31 =	sadd.s32 $0x8800, s26;
	(v2sf) =	vpush v0, $0x7  }
0x2f: {  	s17 =	sadd.s32 $0x8480, s26;
	s14 =	sadd.s32 $0x8600, s26;
	s0 =	sadd.s32 $0x8880, s26  }
0x30: {  	s19 =	sadd.s32 $0x8200, s26;
	s24 =	sadd.s32 $0x8400, s26;
	(v2sf) =	vpush v0, $0x8  }
0x31: {  	s21 =	sadd.s32 $0x8500, s26;
	s29 =	sadd.s32 $0x10, s29  }
0x32: {  	s5 =	sadd.s32 $0x8300, s26;
	s13 =	sadd.s32 $0x8700, s26;
	s16 =	spop (v2sf);
	(v2sf) =	vpush v0, $0x9  }
0x33: {  	s6 =	sand.u32 $0x1FFFFFF0, s16;
	s16 =	sadd.s32 $0x8680, s26;
	s7 =	spop (v2sf)  }
0x34: {  	s6 =	sadd.s32 s3, s6;
	s7 =	sand.u32 $0x1FFFFFF0, s7;
	s8 =	spop (v2sf);
	(v2sf) =	vpush v0, $0xA  }
0x35: {  	[tilespmem:s19], [sflag:$0x1] =	stream.linear.gather [hbm4b:s6+s2], $0x80, $0x38;
	[tilespmem:$0x10800] =	vst v63  }
0x36: {  	s6 =	sadd.s32 s3, s7;
	s7 =	sadd.s32 $0x8380, s26;
	s19 =	spop (v2sf);
	(v2sf) =	vpush v0, $0xB  }
0x37: {  	[tilespmem:s18], [sflag:$0x1] =	stream.linear.gather [hbm4b:s6+s2], $0x80, $0x38;
	[tilespmem:$0x10800] =	vst v63  }
0x38: {  	s6 =	sand.u32 $0x1FFFFFF0, s8;
	s8 =	sand.u32 $0x1FFFFFF0, s19;
	s18 =	spop (v2sf);
	(v2sf) =	vpush v0, $0xC  }
0x39: {  	s6 =	sadd.s32 s3, s6;
	s18 =	sand.u32 $0x1FFFFFF0, s18;
	s19 =	spop (v2sf)  }
0x3a: {  	[tilespmem:s5], [sflag:$0x1] =	stream.linear.gather [hbm4b:s6+s2], $0x80, $0x38;
	(v2sf) =	vpush v0, $0xD;
	[tilespmem:$0x10800] =	vst v63  }
0x3b: {  	s5 =	sadd.s32 s3, s18;
	s6 =	sand.u32 $0x1FFFFFF0, s19;
	s18 =	spop (v2sf)  }
0x3c: {  	[tilespmem:s7], [sflag:$0x1] =	stream.linear.gather [hbm4b:s5+s2], $0x80, $0x38;
	(v2sf) =	vpush v0, $0xE;
	[tilespmem:$0x10800] =	vst v63  }
0x3d: {  	s5 =	sadd.s32 s3, s8;
	s7 =	sand.u32 $0x1FFFFFF0, s18;
	s8 =	spop (v2sf)  }
0x3e: {  	[tilespmem:s24], [sflag:$0x1] =	stream.linear.gather [hbm4b:s5+s2], $0x80, $0x38;
	(v2sf) =	vpush v0, $0xF;
	[tilespmem:$0x10800] =	vst v63  }
0x3f: {  	s5 =	sadd.s32 s3, s6;
	s6 =	sand.u32 $0x1FFFFFF0, s8;
	s8 =	spop (v2sf)  }
0x40: {  	[tilespmem:s17], [sflag:$0x1] =	stream.linear.gather [hbm4b:s5+s2], $0x80, $0x38;
	[tilespmem:$0x10800] =	vst v63  }
0x41: {  	s5 =	sadd.s32 s3, s7;
	s7 =	sand.u32 $0x1FFFFFF0, s8;
	s8 =	spop (v2sf)  }
0x42: {  	[tilespmem:s21], [sflag:$0x1] =	stream.linear.gather [hbm4b:s5+s2], $0x80, $0x38;
	[tilespmem:$0x10800] =	vst v63  }
0x43: {  	s5 =	sadd.s32 s3, s6;
	s6 =	sand.u32 $0x1FFFFFF0, s8;
	s8 =	spop (v2sf)  }
0x44: {  	[tilespmem:s15], [sflag:$0x1] =	stream.linear.gather [hbm4b:s5+s2], $0x80, $0x38;
	[tilespmem:$0x10800] =	vst v63  }
0x45: {  	s5 =	sadd.s32 s3, s7;
	s7 =	sand.u32 $0x1FFFFFF0, s8;
	s8 =	spop (v2sf)  }
0x46: {  	[tilespmem:s14], [sflag:$0x1] =	stream.linear.gather [hbm4b:s5+s2], $0x80, $0x38;
	[tilespmem:$0x10800] =	vst v63  }
0x47: {  	s5 =	sadd.s32 s3, s6;
	s6 =	sand.u32 $0x1FFFFFF0, s8;
	s8 =	spop (v2sf)  }
0x48: {  	[tilespmem:s16], [sflag:$0x1] =	stream.linear.gather [hbm4b:s5+s2], $0x80, $0x38;
	[tilespmem:$0x10800] =	vst v63  }
0x49: {  	s5 =	sadd.s32 s3, s7;
	s7 =	sand.u32 $0x1FFFFFF0, s8;
	s8 =	spop (v2sf)  }
0x4a: {  	[tilespmem:s13], [sflag:$0x1] =	stream.linear.gather [hbm4b:s5+s2], $0x80, $0x38;
	[tilespmem:$0x10800] =	vst v63  }
0x4b: {  	s5 =	sadd.s32 s3, s6;
	s6 =	sand.u32 $0x1FFFFFF0, s8;
	s8 =	spop (v2sf)  }
0x4c: {  	[tilespmem:s1], [sflag:$0x1] =	stream.linear.gather [hbm4b:s5+s2], $0x80, $0x38;
	[tilespmem:$0x10800] =	vst v63  }
0x4d: {  	s1 =	sadd.s32 s3, s7;
	s5 =	sand.u32 $0x1FFFFFF0, s8;
	s7 =	spop (v2sf)  }
0x4e: {  	[tilespmem:s31], [sflag:$0x1] =	stream.linear.gather [hbm4b:s1+s2], $0x80, $0x38;
	[tilespmem:$0x10800] =	vst v63  }
0x4f: {  	s1 =	sadd.s32 s3, s6;
	s6 =	sand.u32 $0x1FFFFFF0, s7  }
0x50: {  	[tilespmem:s0], [sflag:$0x1] =	stream.linear.gather [hbm4b:s1+s2], $0x80, $0x38;
	[tilespmem:$0x10800] =	vst v63  }
0x51: {  	s0 =	sadd.s32 $0x8900, s26;
	s1 =	sadd.s32 s3, s5  }
0x52: {  	[tilespmem:s0], [sflag:$0x1] =	stream.linear.gather [hbm4b:s1+s2], $0x80, $0x38;
	[tilespmem:$0x10800] =	vst v63  }
0x53: {  	s0 =	sadd.s32 $0x8980, s26;
	s1 =	sadd.s32 s3, s6  }
0x54: {  	[tilespmem:s0], [sflag:$0x1] =	stream.linear.gather [hbm4b:s1+s2], $0x80, $0x38;
	[tilespmem:$0x10800] =	vst v63  }
0x55: {  	v0 =	vld [tilespmem:s29+$0x0];
	_ =	sdelay $0x4  }
0x56: {  	v0 =	vshll.u32 v0, $0x4  }
0x57: {  	(v2sf) =	vpush v0, $0x0  }
0x58: {  	(v2sf) =	vpush v0, $0x1  }
0x59: {  	(v2sf) =	vpush v0, $0x2;
	_ =	sdelay $0x1  }
0x5a: {  	(v2sf) =	vpush v0, $0x4  }
.Ltmp0:
0x5b: {  	(pc) =	sbr.rel @p0 .LBB2_2-.Ltmp0, $3  }
0x5c: {  	(v2sf) =	vpush v0, $0x3  }
0x5d: {  	(v2sf) =	vpush v0, $0x5;
	_ =	sdelay $0x1  }
0x5e: {  	s26 =	sshra.s32 s30, $0x2;
	(v2sf) =	vpush v0, $0x6  }
0x5f: {  	_ =	sdelay $0x1  }
0x60: {  	s5 =	sadd.s32 $0x8280, s26;
	s13 =	sadd.s32 $0x8780, s26  }
0x61: {  	s6 =	sadd.s32 $0x8580, s26;
	s0 =	sadd.s32 $0x8800, s26;
	(v2sf) =	vpush v0, $0x7;
	s7 =	sadd.s32 $0x8480, s26  }
0x62: {  	s8 =	sadd.s32 $0x8600, s26;
	s1 =	sadd.s32 $0x8880, s26;
	s14 =	sadd.s32 $0x8200, s26  }
0x63: {  	s15 =	sadd.s32 $0x8400, s26;
	s16 =	sadd.s32 $0x8500, s26;
	(v2sf) =	vpush v0, $0x8;
	s17 =	spop (v2sf)  }
0x64: {  	s18 =	sadd.s32 $0x8300, s26;
	s17 =	sand.u32 $0x1FFFFFF0, s17;
	s19 =	spop (v2sf)  }
0x65: {  	(v2sf) =	vpush v0, $0x9;
	s17 =	sadd.s32 s3, s17;
	s19 =	sand.u32 $0x1FFFFFF0, s19;
	s21 =	spop (v2sf)  }
0x66: {  	[tilespmem:s14], [sflag:$0x1] =	stream.linear.gather [hbm4b:s17+s2], $0x80, $0x38;
	[tilespmem:$0x10800] =	vst v63  }
0x67: {  	s24 =	sadd.s32 $0x8380, s26;
	(v2sf) =	vpush v0, $0xA;
	s31 =	sadd.s32 s3, s19;
	s19 =	spop (v2sf)  }
0x68: {  	[tilespmem:s5], [sflag:$0x1] =	stream.linear.gather [hbm4b:s31+s2], $0x80, $0x38;
	[tilespmem:$0x10800] =	vst v63  }
0x69: {  	s14 =	sadd.s32 $0x8700, s26;
	s21 =	sand.u32 $0x1FFFFFF0, s21;
	(v2sf) =	vpush v0, $0xB;
	s31 =	spop (v2sf)  }
0x6a: {  	s17 =	sadd.s32 s3, s21;
	s5 =	sadd.s32 $0x8680, s26;
	s21 =	sand.u32 $0x1FFFFFF0, s31  }
0x6b: {  	(v2sf) =	vpush v0, $0xC;
	[tilespmem:s18], [sflag:$0x1] =	stream.linear.gather [hbm4b:s17+s2], $0x80, $0x38;
	[tilespmem:$0x10800] =	vst v63  }
0x6c: {  	s17 =	sand.u32 $0x1FFFFFF0, s19;
	s31 =	spop (v2sf);
	s21 =	sadd.s32 s3, s21  }
0x6d: {  	(v2sf) =	vpush v0, $0xD;
	[tilespmem:s24], [sflag:$0x1] =	stream.linear.gather [hbm4b:s21+s2], $0x80, $0x38;
	[tilespmem:$0x10800] =	vst v63  }
0x6e: {  	s18 =	sand.u32 $0x1FFFFFF0, s31;
	s17 =	sadd.s32 s3, s17;
	s24 =	spop (v2sf)  }
0x6f: {  	(v2sf) =	vpush v0, $0xE;
	[tilespmem:s15], [sflag:$0x1] =	stream.linear.gather [hbm4b:s17+s2], $0x80, $0x38;
	[tilespmem:$0x10800] =	vst v63  }
0x70: {  	s18 =	sadd.s32 s3, s18;
	s31 =	sand.u32 $0x1FFFFFF0, s24;
	s19 =	spop (v2sf)  }
0x71: {  	(v2sf) =	vpush v0, $0xF;
	[tilespmem:s7], [sflag:$0x1] =	stream.linear.gather [hbm4b:s18+s2], $0x80, $0x38;
	[tilespmem:$0x10800] =	vst v63  }
0x72: {  	s21 =	sand.u32 $0x1FFFFFF0, s19;
	s24 =	spop (v2sf);
	s15 =	sadd.s32 s3, s31  }
0x73: {  	[tilespmem:s16], [sflag:$0x1] =	stream.linear.gather [hbm4b:s15+s2], $0x80, $0x38;
	[tilespmem:$0x10800] =	vst v63  }
0x74: {  	s31 =	sand.u32 $0x1FFFFFF0, s24;
	s7 =	sadd.s32 s3, s21;
	s17 =	spop (v2sf)  }
0x75: {  	[tilespmem:s6], [sflag:$0x1] =	stream.linear.gather [hbm4b:s7+s2], $0x80, $0x38;
	[tilespmem:$0x10800] =	vst v63  }
0x76: {  	s15 =	sadd.s32 s3, s31;
	s18 =	sand.u32 $0x1FFFFFF0, s17;
	s19 =	spop (v2sf)  }
0x77: {  	[tilespmem:s8], [sflag:$0x1] =	stream.linear.gather [hbm4b:s15+s2], $0x80, $0x38;
	[tilespmem:$0x10800] =	vst v63  }
0x78: {  	s7 =	sand.u32 $0x1FFFFFF0, s19;
	s6 =	sadd.s32 s3, s18;
	s21 =	spop (v2sf)  }
0x79: {  	[tilespmem:s5], [sflag:$0x1] =	stream.linear.gather [hbm4b:s6+s2], $0x80, $0x38;
	[tilespmem:$0x10800] =	vst v63  }
0x7a: {  	s7 =	sadd.s32 s3, s7;
	s24 =	sand.u32 $0x1FFFFFF0, s21;
	s31 =	spop (v2sf)  }
0x7b: {  	[tilespmem:s14], [sflag:$0x1] =	stream.linear.gather [hbm4b:s7+s2], $0x80, $0x38;
	[tilespmem:$0x10800] =	vst v63  }
0x7c: {  	s5 =	sadd.s32 s3, s24;
	s6 =	sand.u32 $0x1FFFFFF0, s31;
	s8 =	spop (v2sf)  }
0x7d: {  	[tilespmem:s13], [sflag:$0x1] =	stream.linear.gather [hbm4b:s5+s2], $0x80, $0x38;
	[tilespmem:$0x10800] =	vst v63  }
0x7e: {  	s14 =	sand.u32 $0x1FFFFFF0, s8;
	s6 =	sadd.s32 s3, s6;
	s15 =	spop (v2sf)  }
0x7f: {  	[tilespmem:s0], [sflag:$0x1] =	stream.linear.gather [hbm4b:s6+s2], $0x80, $0x38;
	[tilespmem:$0x10800] =	vst v63  }
0x80: {  	s16 =	sand.u32 $0x1FFFFFF0, s15;
	s17 =	spop (v2sf);
	s5 =	sadd.s32 s3, s14  }
0x81: {  	[tilespmem:s1], [sflag:$0x1] =	stream.linear.gather [hbm4b:s5+s2], $0x80, $0x38;
	[tilespmem:$0x10800] =	vst v63  }
0x82: {  	s19 =	sadd.s32 $0x8900, s26;
	s18 =	sand.u32 $0x1FFFFFF0, s17;
	s0 =	sadd.s32 s3, s16  }
0x83: {  	[tilespmem:s19], [sflag:$0x1] =	stream.linear.gather [hbm4b:s0+s2], $0x80, $0x38;
	[tilespmem:$0x10800] =	vst v63  }
0x84: {  	s21 =	sadd.s32 $0x8980, s26;
	s1 =	sadd.s32 s3, s18  }
0x85: {  	[tilespmem:s21], [sflag:$0x1] =	stream.linear.gather [hbm4b:s1+s2], $0x80, $0x38;
	[tilespmem:$0x10800] =	vst v63  }
0x86: {  	s26 =	simm.s32 $0x0;
	s24 =	rddreg [dreg:$0x6];
	s31 =	simm.s32 $0x200  }
0x87: {  	[tilespmem:s31], [sflag:$0x3] =	stream.linear.gather [hbm4b:s24+s26], $0x8000, $0x38;
	[tilespmem:$0x10800] =	vst v63  }
0x88: {  	_ =	swait.ge [sflag:s22], $0x8000  }
0x89: {  	[sflag:s22] =	ssyncset.done $0x0  }
0x8a: {  	[sflag:s22] =	ssyncadd.s32 $0xFFFF8000  }
0x8b: {  	_ =	swait.ge [sflag:s23], $0x8000  }
0x8c: {  	[sflag:s23] =	ssyncset.done $0x0  }
0x8d: {  	s29 =	simm.s32 $0x600;
	[sflag:s23] =	ssyncadd.s32 $0xFFFF8000  }
0x8e: {  	s28 =	simm.s32 $0x8600;
	v5 =	vld [tilespmem:s29+$0x330]  }
0x8f: {  	v7 =	vld [tilespmem:s28+$0x330]  }
0x90: {  	v48 =	vld [tilespmem:s29+$0x380]  }
0x91: {  	v49 =	vld [tilespmem:s28+$0x380]  }
0x92: {  	v50 =	vld [tilespmem:s29+$0x390]  }
0x93: {  	v51 =	vld [tilespmem:s28+$0x390]  }
0x94: {  	v52 =	vld [tilespmem:s29+$0x320]  }
0x95: {  	v63 =	vld [tilespmem:s28+$0x320]  }
0x96: {  	v13 =	vld [tilespmem:s29+$0x230]  }
0x97: {  	v14 =	vld [tilespmem:s28+$0x230]  }
0x98: {  	v53 =	vld [tilespmem:s29+$0x2A0]  }
0x99: {  	v30 =	vld [tilespmem:s29+$0x300]  }
0x9a: {  	v31 =	vld [tilespmem:s28+$0x300]  }
0x9b: {  	v32 =	vld [tilespmem:s29+$0x310]  }
0x9c: {  	v29 =	vld [tilespmem:s28+$0x310]  }
0x9d: {  	v20 =	vld [tilespmem:s29+$0x1B0]  }
0x9e: {  	v54 =	vld [tilespmem:s29+$0x220]  }
0x9f: {  	v55 =	vld [tilespmem:s28+$0x220]  }
0xa0: {  	v56 =	vld [tilespmem:s29+$0x280]  }
0xa1: {  	v57 =	vld [tilespmem:s28+$0x280]  }
0xa2: {  	v58 =	vld [tilespmem:s29+$0x290]  }
0xa3: {  	v59 =	vld [tilespmem:s28+$0x290]  }
0xa4: {  	v62 =	vld [tilespmem:s29+$0x1A0]  }
0xa5: {  	v33 =	vld [tilespmem:s28+$0x1A0]  }
0xa6: {  	v42 =	vld [tilespmem:s29+$0x200]  }
0xa7: {  	v43 =	vld [tilespmem:s28+$0x200]  }
0xa8: {  	v44 =	vld [tilespmem:s29+$0x210]  }
0xa9: {  	v45 =	vld [tilespmem:s28+$0x210]  }
0xaa: {  	v6 =	vld [tilespmem:s29+$0xB0]  }
0xab: {  	v8 =	vld [tilespmem:s28+$0xB0]  }
0xac: {  	v60 =	vld [tilespmem:s29+$0x120]  }
0xad: {  	v1 =	vld [tilespmem:s28+$0x180]  }
0xae: {  	v2 =	vld [tilespmem:s29+$0x190]  }
0xaf: {  	v3 =	vld [tilespmem:s29+$0x30]  }
0xb0: {  	v4 =	vld [tilespmem:s28+$0x30]  }
0xb1: {  	v34 =	vld [tilespmem:s29+$0xA0]  }
0xb2: {  	v61 =	vld [tilespmem:s29+$0x100]  }
0xb3: {  	v9 =	vld [tilespmem:s28+$0x100]  }
0xb4: {  	v10 =	vld [tilespmem:s29+$0x110]  }
0xb5: {  	v11 =	vld [tilespmem:s28+$0x110]  }
0xb6: {  	v35 =	vld [tilespmem:s29+$0x20]  }
0xb7: {  	v36 =	vld [tilespmem:s28+$0x20]  }
0xb8: {  	v23 =	vld [tilespmem:s29+$0xFFFFFF30]  }
0xb9: {  	v37 =	vld [tilespmem:s28+$0xFFFFFF30]  }
0xba: {  	v38 =	vld [tilespmem:s29+$0xFFFFFFA0]  }
0xbb: {  	v46 =	vld [tilespmem:s28+$0x0]  }
0xbc: {  	v47 =	vld [tilespmem:s29+$0x10]  }
0xbd: {  	v41 =	vld [tilespmem:s28+$0x10]  }
0xbe: {  	v15 =	vld [tilespmem:s29+$0xFFFFFF80]  }
0xbf: {  	v16 =	vld [tilespmem:s28+$0xFFFFFF80]  }
0xc0: {  	v17 =	vld [tilespmem:s29+$0xFFFFFF90]  }
0xc1: {  	v18 =	vld [tilespmem:s28+$0xFFFFFF90]  }
0xc2: {  	v39 =	vld [tilespmem:s29+$0xFFFFFEA0]  }
0xc3: {  	v40 =	vld [tilespmem:s28+$0xFFFFFEA0]  }
0xc4: {  	v22 =	vld [tilespmem:s28+$0xFFFFFF00]  }
0xc5: {  	v21 =	vld [tilespmem:s28+$0xFFFFFF10]  }
0xc6: {  	v12 =	vld [tilespmem:s28+$0xFFFFFDB0]  }
0xc7: {  	v19 =	vld [tilespmem:s29+$0xFFFFFE20]  }
0xc8: {  	v27 =	vld [tilespmem:s29+$0xFFFFFD30]  }
0xc9: {  	v28 =	vld [tilespmem:s28+$0xFFFFFD30]  }
0xca: {  	v24 =	vld [tilespmem:s28+$0xFFFFFE00]  }
0xcb: {  	v25 =	vld [tilespmem:s29+$0xFFFFFE10]  }
0xcc: {  	v26 =	vld [tilespmem:s28+$0xFFFFFE10]  }
0xcd: {  	[tilespmem:$0x1FEA0] =	vst v49;
	v49 =	vld [tilespmem:s28+$0x1B0]  }
0xce: {  	[tilespmem:$0x1FE90] =	vst v48;
	v48 =	vld [tilespmem:s29+$0x180]  }
0xcf: {  	[tilespmem:$0x1FEC0] =	vst v51;
	v51 =	vld [tilespmem:s28+$0x190]  }
0xd0: {  	[tilespmem:$0x1FFA0] =	vst v55;
	v55 =	vld [tilespmem:s28+$0xA0]  }
0xd1: {  	[tilespmem:$0x1FF00] =	vst v58;
	v58 =	vld [tilespmem:s29+$0x80]  }
0xd2: {  	[tilespmem:$0x1FF10] =	vst v59;
	v59 =	vld [tilespmem:s28+$0x80]  }
0xd3: {  	[tilespmem:$0x1FF20] =	vst v60;
	v60 =	vld [tilespmem:s29+$0x90]  }
0xd4: {  	[tilespmem:$0x1FF30] =	vst v61;
	v61 =	vld [tilespmem:s28+$0x90]  }
0xd5: {  	[tilespmem:$0x1FF80] =	vst v52;
	v52 =	vld [tilespmem:s29+$0x0]  }
0xd6: {  	[tilespmem:$0x1FF40] =	vst v9;
	v9 =	vld [tilespmem:s29+$0xFFFFFEB0]  }
0xd7: {  	[tilespmem:$0x1FF60] =	vst v11;
	v11 =	vld [tilespmem:s28+$0xFFFFFEB0]  }
0xd8: {  	[tilespmem:$0x1FF90] =	vst v54;
	v54 =	vld [tilespmem:s29+$0xFFFFFF20]  }
0xd9: {  	[tilespmem:$0x1FED0] =	vst v53;
	v53 =	vld [tilespmem:s28+$0xFFFFFF20]  }
0xda: {  	[tilespmem:$0x1FFC0] =	vst v36;
	v36 =	vld [tilespmem:s29+$0xFFFFFF00]  }
0xdb: {  	[tilespmem:$0x1FFB0] =	vst v35;
	v35 =	vld [tilespmem:s29+$0xFFFFFF10]  }
0xdc: {  	[tilespmem:$0x1FF50] =	vst v10;
	v10 =	vld [tilespmem:s29+$0xFFFFFDB0]  }
0xdd: {  	[tilespmem:$0x1FFF0] =	vst v40;
	v40 =	vld [tilespmem:s29+$0xFFFFFE80]  }
0xde: {  	[tilespmem:$0x1FF70] =	vst v38;
	v38 =	vld [tilespmem:s28+$0xFFFFFE80]  }
0xdf: {  	[tilespmem:$0x1FFE0] =	vst v39;
	v39 =	vld [tilespmem:s29+$0xFFFFFE90]  }
0xe0: {  	[tilespmem:$0x1FFD0] =	vst v37;
	v37 =	vld [tilespmem:s28+$0xFFFFFE90]  }
0xe1: {  	[tilespmem:$0x1FEF0] =	vst v57;
	v57 =	vld [tilespmem:s29+$0xFFFFFDA0]  }
0xe2: {  	[tilespmem:$0x1FEE0] =	vst v56;
	v56 =	vld [tilespmem:s28+$0xFFFFFDA0]  }
0xe3: {  	[tilespmem:$0x1FEB0] =	vst v50;
	v50 =	vld [tilespmem:s29+$0xFFFFFE00]  }
0xe4: {  	v32 =	vmul.f32 v29, v32;
	v29 =	vld [tilespmem:s29+$0xFFFFFC30]  }
0xe5: {  	v31 =	vmul.f32 v31, v30;
	v30 =	vld [tilespmem:s28+$0xFFFFFC30]  }
0xe6: {  	v42 =	vmul.f32 v43, v42;
	v43 =	vmul.f32 v45, v44;
	v0 =	vld [tilespmem:$0x1FF80]  }
0xe7: {  	v33 =	vmul.f32 v33, v62;
	v62 =	vld [tilespmem:$0x1FFB0]  }
0xe8: {  	v42 =	vadd.f32 v43, v42;
	v43 =	vld [tilespmem:s28+$0xFFFFFD00]  }
0xe9: {  	v44 =	vmul.f32 v1, v48;
	v48 =	vld [tilespmem:$0x1FF90]  }
0xea: {  	v45 =	vmul.f32 v51, v2;
	v51 =	vld [tilespmem:$0x1FFA0]  }
0xeb: {  	v2 =	vld [tilespmem:s29+$0xFFFFFD90]  }
0xec: {  	v58 =	vmul.f32 v59, v58;
	v59 =	vmul.f32 v46, v52;
	v46 =	vld [tilespmem:s29+$0xFFFFFD00]  }
0xed: {  	v21 =	vmul.f32 v21, v35;
	v35 =	vld [tilespmem:s28+$0xFFFFFC00]  }
0xee: {  	v22 =	vmul.f32 v22, v36;
	v36 =	vld [tilespmem:s29+$0xFFFFFC00];
	v63 =	vmul.f32 v63, v0;
	v0 =	vadd.f32 v32, v31  }
0xef: {  	v37 =	vmul.f32 v37, v39;
	v39 =	vld [tilespmem:s28+$0xFFFFFC10]  }
0xf0: {  	v38 =	vmul.f32 v38, v40;
	v40 =	vld [tilespmem:s28+$0xFFFFFC80];
	v0 =	vadd.f32 v63, v0;
	v63 =	vmul.f32 v51, v48  }
0xf1: {  	v31 =	vld [tilespmem:s29+$0xFFFFFD20];
	v44 =	vadd.f32 v45, v44;
	v21 =	vadd.f32 v21, v22;
	v51 =	vmul.f32 v7, v5  }
0xf2: {  	v45 =	vld [tilespmem:s28+$0xFFFFFD80];
	v22 =	vmul.f32 v53, v54;
	v42 =	vadd.f32 v63, v42;
	v63 =	vmul.f32 v14, v13  }
0xf3: {  	v53 =	vld [tilespmem:$0x1FFD0];
	v44 =	vadd.f32 v33, v44;
	v5 =	vmul.f32 v49, v20;
	v0 =	vadd.f32 v51, v0  }
0xf4: {  	v42 =	vadd.f32 v63, v42;
	v63 =	vld [tilespmem:$0x1FFC0]  }
0xf5: {  	v54 =	vld [tilespmem:$0x1FFE0];
	v49 =	vmul.f32 v55, v34;
	v55 =	vadd.f32 v5, v44;
	(xrf2) =	vadd.scan.msk.f32 $0xffff, v0  }
0xf6: {  	v48 =	vld [tilespmem:s29+$0xFFFFFD80];
	v7 =	vmul.f32 v61, v60;
	(xrf2) =	vadd.scan.msk.f32 $0xffff, v42  }
0xf7: {  	v41 =	vmul.f32 v41, v47;
	v51 =	vld [tilespmem:s28+$0xFFFFFD90];
	(xrf2) =	vadd.scan.msk.f32 $0xffff, v55  }
0xf8: {  	v58 =	vadd.f32 v7, v58;
	v55 =	vld [tilespmem:$0x1FFF0]  }
0xf9: {  	v32 =	vld [tilespmem:s28+$0xFFFFFD20];
	v61 =	vadd.f32 v41, v59;
	v7 =	vmul.f32 v63, v62  }
0xfa: {  	v52 =	vmul.f32 v4, v3;
	v60 =	vmul.f32 v8, v6;
	v41 =	vld [tilespmem:s29+$0xFFFFFD10];
	v0 =	vadd.f32 v49, v58  }
0xfb: {  	v21 =	vadd.f32 v22, v21;
	v8 =	vld [tilespmem:s28+$0xFFFFFD10];
	v22 =	vmul.f32 v53, v23;
	v49 =	vadd.f32 v7, v61  }
0xfc: {  	v38 =	vadd.f32 v37, v38;
	v37 =	vld [tilespmem:s29+$0xFFFFFC10];
	v0 =	vadd.f32 v60, v0;
	v60 =	vmul.f32 v45, v48  }
0xfd: {  	v33 =	vld [tilespmem:s29+$0xFFFFFC20];
	v22 =	vadd.f32 v22, v21;
	v61 =	vmul.f32 v51, v2;
	v58 =	vmul.f32 v55, v54  }
0xfe: {  	v34 =	vld [tilespmem:s28+$0xFFFFFC20];
	v44 =	vmul.f32 v43, v46;
	v62 =	vmul.f32 v11, v9;
	v59 =	vadd.f32 v52, v49  }
0xff: {  	v43 =	vld [tilespmem:s28+$0xFFFFFC90];
	(xrf2) =	vadd.scan.msk.f32 $0xffff, v0;
	v63 =	vmul.f32 v56, v57;
	v45 =	vadd.f32 v61, v60;
	v42 =	vadd.f32 v58, v38;
	v49, _, _ =	vpop (xrf2)  }
0x100: {  	v47 =	vmul.f32 v8, v41;
	v41 =	vld [tilespmem:s29+$0xFFFFFC90];
	(xrf2) =	vadd.scan.msk.f32 $0xffff, v59;
	v21, _, _ =	vpop (xrf2)  }
0x101: {  	s30 =	simm.s32 $0x40;
	v46 =	vmul.f32 v12, v10;
	v38 =	vld [tilespmem:s29+$0xFFFFFC80];
	v45 =	vadd.f32 v63, v45;
	(xrf2) =	vadd.scan.msk.f32 $0xffff, v22;
	v42 =	vadd.f32 v62, v42;
	v22, _, _ =	vpop (xrf2)  }
.LBB2_4:
0x102: {  	v48 =	vld [tilespmem:s29+$0xFFFFFCA0]  }
0x103: {  	v8 =	vld [tilespmem:s28+$0xFFFFFCA0]  }
0x104: {  	v10 =	vld [tilespmem:s29+$0xFFFFFCB0]  }
0x105: {  	v11 =	vld [tilespmem:s28+$0xFFFFFCB0]  }
0x106: {  	v15 =	vmul.f32 v16, v15;
	v16 =	vmul.f32 v18, v17;
	v17 =	vld [tilespmem:s28+$0x120]  }
0x107: {  	v0 =	vld [tilespmem:$0x1FF70]  }
0x108: {  	v1 =	vld [tilespmem:$0x1FF40]  }
0x109: {  	v51 =	vld [tilespmem:$0x1FF50]  }
0x10a: {  	v52 =	vld [tilespmem:$0x1FF60]  }
0x10b: {  	v12 =	vld [tilespmem:s28+$0x2A0]  }
0x10c: {  	v53 =	vld [tilespmem:$0x1FF20]  }
0x10d: {  	v54 =	vld [tilespmem:s28+$0x2B0]  }
0x10e: {  	v55 =	vld [tilespmem:$0x1FEE0]  }
0x10f: {  	v56 =	vld [tilespmem:$0x1FEF0]  }
0x110: {  	v57 =	vld [tilespmem:$0x1FF00]  }
0x111: {  	v58 =	vld [tilespmem:$0x1FF10];
	v32 =	vmul.f32 v32, v31  }
0x112: {  	v59 =	vld [tilespmem:$0x1FED0];
	v35 =	vmul.f32 v35, v36;
	v7 =	vmul.f32 v39, v37  }
0x113: {  	v61 =	vld [tilespmem:$0x1FE90];
	v44 =	vadd.f32 v47, v44;
	(xrf2) =	vadd.scan.msk.f32 $0xffff, v42;
	v27 =	vmul.f32 v28, v27;
	v33 =	vmul.f32 v34, v33  }
0x114: {  	v9 =	vadd.f32 v46, v45;
	v47 =	vld [tilespmem:s28+$0xFFFFFE30];
	v40 =	vmul.f32 v40, v38;
	v43 =	vmul.f32 v43, v41  }
0x115: {  	v29 =	vmul.f32 v30, v29;
	v32 =	vadd.f32 v32, v44;
	v28 =	vadd.f32 v7, v35;
	v44 =	vld [tilespmem:s28+$0xFFFFFE20]  }
0x116: {  	v30 =	vld [tilespmem:s29+$0xFFFFFE30];
	v23 =	vmul.f32 v24, v50;
	v24 =	vmul.f32 v26, v25;
	v31, _, _ =	vpop (xrf2);
	(xrf2) =	vadd.scan.msk.f32 $0xffff, v9;
	v45 =	vadd.f32 v43, v40  }
0x117: {  	v25 =	vld [tilespmem:s28+$0xFFFFFFA0];
	v46 =	vmul.f32 v8, v48;
	v27 =	vadd.f32 v27, v32;
	v28 =	vadd.f32 v33, v28  }
0x118: {  	v50 =	vld [tilespmem:$0x1FF30]  }
0x119: {  	v48 =	vld [tilespmem:s29+$0xFFFFFFB0];
	v38, _, _ =	vpop (xrf2);
	(xrf2) =	vadd.scan.msk.f32 $0xffff, v27;
	v27 =	vadd.f32 v29, v28;
	v28 =	vadd.f32 v46, v45;
	v29 =	vmul.f32 v11, v10  }
0x11a: {  	v23 =	vadd.f32 v24, v23;
	v24 =	vld [tilespmem:s28+$0xFFFFFFB0];
	v20 =	vmul.f32 v44, v19  }
0x11b: {  	v62 =	vld [tilespmem:$0x1FEA0];
	v26, _, _ =	vpop (xrf2);
	(xrf2) =	vadd.scan.msk.f32 $0xffff, v27;
	v27 =	vadd.f32 v29, v28  }
0x11c: {  	v15 =	vadd.f32 v16, v15;
	v16 =	vld [tilespmem:s28+$0x130];
	v20 =	vadd.f32 v20, v23;
	v23 =	vmul.f32 v47, v30  }
0x11d: {  	v14 =	vmul.f32 v25, v0;
	v18, _, _ =	vpop (xrf2);
	v28 =	vld [tilespmem:s29+$0x130];
	(xrf2) =	vadd.scan.msk.f32 $0xffff, v27  }
0x11e: {  	v34 =	vld [tilespmem:$0x1FEC0];
	v10 =	vmul.f32 v1, v50;
	v11 =	vmul.f32 v52, v51;
	v20 =	vadd.f32 v23, v20  }
0x11f: {  	v33 =	vld [tilespmem:$0x1FEB0];
	v14 =	vadd.f32 v14, v15;
	v15 =	vmul.f32 v24, v48  }
0x120: {  	v9 =	vmul.f32 v17, v53;
	v10 =	vadd.f32 v11, v10;
	v13, _, _ =	vpop (xrf2);
	v23 =	vld [tilespmem:s29+$0x2B0];
	(xrf2) =	vadd.scan.msk.f32 $0xffff, v20  }
0x121: {  	v5 =	vmul.f32 v56, v55;
	v6 =	vmul.f32 v58, v57;
	v7 =	vld [tilespmem:s29+$0x3A0];
	v14 =	vadd.f32 v15, v14  }
0x122: {  	v15 =	vld [tilespmem:s28+$0x3A0];
	v9 =	vadd.f32 v9, v10;
	v16 =	vmul.f32 v16, v28  }
0x123: {  	v60 =	vld [tilespmem:s29+$0x3B0];
	v4 =	vmul.f32 v12, v59;
	v5 =	vadd.f32 v6, v5;
	v8, _, _ =	vpop (xrf2);
	(xrf2) =	vadd.scan.msk.f32 $0xffff, v14  }
0x124: {  	v3 =	vld [tilespmem:s28+$0x3B0];
	v2 =	vmul.f32 v62, v61;
	v9 =	vadd.f32 v16, v9  }
0x125: {  	v12 =	vadd.f32 v4, v5;
	v0 =	vmul.f32 v34, v33;
	v32 =	vmul.f32 v54, v23  }
0x126: {  	v63, _, _ =	vpop (xrf2);
	(xrf2) =	vadd.scan.msk.f32 $0xffff, v9  }
0x127: {  	v0 =	vadd.f32 v0, v2;
	v36 =	vmul.f32 v15, v7;
	v35 =	vadd.f32 v32, v12;
	v37, _, _ =	vpop (xrf2)  }
0x128: {  	v39 =	vbroadcast v63, $0xF;
	v40 =	vbroadcast v37, $0xF  }
0x129: {  	v42 =	vmul.f32 v3, v60;
	v0 =	vadd.f32 v36, v0;
	v41 =	vbroadcast v8, $0xF;
	(xrf2) =	vadd.scan.msk.f32 $0xffff, v35  }
0x12a: {  	v44 =	vbroadcast v13, $0xF;
	v43 =	vsel vm0, v39, v40;
	v45, _, _ =	vpop (xrf2)  }
0x12b: {  	v0 =	vadd.f32 v42, v0;
	v1 =	vsel vm1, v43, v41;
	v46 =	vbroadcast v45, $0xF  }
0x12c: {  	v47 =	vbroadcast v18, $0xF;
	v1 =	vsel vm2, v1, v44  }
0x12d: {  	v48 =	vbroadcast v26, $0xF;
	v1 =	vsel vm3, v1, v46;
	v50, _, _ =	vpop (xrf2);
	(xrf2) =	vadd.scan.msk.f32 $0xffff, v0  }
0x12e: {  	v51 =	vsel vm4, v1, v47;
	v52 =	vbroadcast v50, $0xF  }
0x12f: {  	v53 =	vbroadcast v38, $0xF;
	v0 =	vsel vm5, v51, v48  }
0x130: {  	v54 =	vbroadcast v31, $0xF;
	v55, _, _ =	vpop (xrf2);
	v0 =	vsel vm6, v0, v52  }
0x131: {  	v56 =	vbroadcast v55, $0xF;
	v0 =	vsel vm7, v0, v53  }
0x132: {  	v57 =	vbroadcast v22, $0xF;
	v0 =	vsel vm8, v0, v54  }
0x133: {  	s0 =	sshra.s32 s26, $0x2;
	v58 =	vbroadcast v21, $0xF;
	v59, _, _ =	vpop (xrf2);
	v0 =	vsel vm9, v0, v56  }
0x134: {  	v61 =	vld [tilespmem:s0+$0x10200];
	v60 =	vbroadcast v59, $0xF;
	v0 =	vsel vm10, v0, v57  }
0x135: {  	v62 =	vbroadcast v49, $0xF;
	v0 =	vsel vm11, v0, v58  }
0x136: {  	v63 =	vld [tilespmem:s0+$0x10400];
	v0 =	vsel vm12, v0, v60  }
0x137: {  	v0 =	vsel vm13, v0, v62;
	v5, _, _ =	vpop (xrf2)  }
0x138: {  	v0 =	vsel vm14, v0, v5  }
0x139: {  	v0 =	vadd.f32 v0, v61;
	_ =	sdelay $0x1  }
0x13a: {  	v0 =	vadd.f32 v0, v63;
	_ =	sdelay $0x1  }
0x13b: {  	s29 =	sadd.s32 $0x800, s29;
	[tilespmem:s0+$0x10600] =	vst v0  }
0x13c: {  	s28 =	sadd.s32 $0x800, s28;
	v0 =	vld [tilespmem:s29+$0x330]  }
0x13d: {  	v21 =	vld [tilespmem:s28+$0x330]  }
0x13e: {  	v6 =	vld [tilespmem:s29+$0x380]  }
0x13f: {  	v7 =	vld [tilespmem:s28+$0x380]  }
0x140: {  	v8 =	vld [tilespmem:s29+$0x390]  }
0x141: {  	v9 =	vld [tilespmem:s28+$0x390]  }
0x142: {  	v26 =	vld [tilespmem:s29+$0x320]  }
0x143: {  	v29 =	vld [tilespmem:s28+$0x320]  }
0x144: {  	v33 =	vld [tilespmem:s29+$0x230]  }
0x145: {  	v35 =	vld [tilespmem:s28+$0x230]  }
0x146: {  	v10 =	vld [tilespmem:s29+$0x2A0]  }
0x147: {  	v24 =	vld [tilespmem:s29+$0x300]  }
0x148: {  	v25 =	vld [tilespmem:s28+$0x300]  }
0x149: {  	v30 =	vld [tilespmem:s29+$0x310]  }
0x14a: {  	v47 =	vld [tilespmem:s28+$0x310]  }
0x14b: {  	v22 =	vld [tilespmem:s29+$0x1B0]  }
0x14c: {  	v34 =	vld [tilespmem:s28+$0x1B0]  }
0x14d: {  	v31 =	vld [tilespmem:s29+$0x220]  }
0x14e: {  	v32 =	vld [tilespmem:s28+$0x220]  }
0x14f: {  	v11 =	vld [tilespmem:s29+$0x280]  }
0x150: {  	v36 =	vld [tilespmem:s28+$0x280]  }
0x151: {  	v37 =	vld [tilespmem:s29+$0x290]  }
0x152: {  	v38 =	vld [tilespmem:s28+$0x290]  }
0x153: {  	v41 =	vld [tilespmem:s29+$0x1A0]  }
0x154: {  	v44 =	vld [tilespmem:s28+$0x1A0]  }
0x155: {  	v53 =	vld [tilespmem:s29+$0x200]  }
0x156: {  	v54 =	vld [tilespmem:s28+$0x200]  }
0x157: {  	v55 =	vld [tilespmem:s29+$0x210]  }
0x158: {  	v56 =	vld [tilespmem:s28+$0x210]  }
0x159: {  	v39 =	vld [tilespmem:s29+$0xB0]  }
0x15a: {  	v40 =	vld [tilespmem:s29+$0x120]  }
0x15b: {  	v57 =	vld [tilespmem:s29+$0x180]  }
0x15c: {  	v58 =	vld [tilespmem:s28+$0x180]  }
0x15d: {  	v59 =	vld [tilespmem:s29+$0x190]  }
0x15e: {  	v60 =	vld [tilespmem:s28+$0x190]  }
0x15f: {  	v42 =	vld [tilespmem:s29+$0x30]  }
0x160: {  	v51 =	vld [tilespmem:s29+$0xA0]  }
0x161: {  	v52 =	vld [tilespmem:s28+$0xA0]  }
0x162: {  	v43 =	vld [tilespmem:s29+$0x100]  }
0x163: {  	v45 =	vld [tilespmem:s28+$0x100]  }
0x164: {  	v46 =	vld [tilespmem:s29+$0x110]  }
0x165: {  	v48 =	vld [tilespmem:s28+$0x110]  }
0x166: {  	v61 =	vld [tilespmem:s29+$0x80]  }
0x167: {  	v62 =	vld [tilespmem:s28+$0x80]  }
0x168: {  	v63 =	vld [tilespmem:s29+$0x90]  }
0x169: {  	v49 =	vld [tilespmem:s29+$0xFFFFFFA0]  }
0x16a: {  	v1 =	vld [tilespmem:s29+$0x0]  }
0x16b: {  	v2 =	vld [tilespmem:s28+$0x0]  }
0x16c: {  	v3 =	vld [tilespmem:s29+$0x10]  }
0x16d: {  	v4 =	vld [tilespmem:s28+$0x10]  }
0x16e: {  	v50 =	vld [tilespmem:s29+$0xFFFFFEB0]  }
0x16f: {  	v5 =	vld [tilespmem:s29+$0xFFFFFF20]  }
0x170: {  	v23 =	vld [tilespmem:s28+$0xFFFFFF80]  }
0x171: {  	v12 =	vld [tilespmem:s28+$0xFFFFFF10]  }
0x172: {  	v13 =	vld [tilespmem:s29+$0xFFFFFDB0]  }
0x173: {  	v19 =	vld [tilespmem:s29+$0xFFFFFE20]  }
0x174: {  	v14 =	vld [tilespmem:s28+$0xFFFFFE80]  }
0x175: {  	v15 =	vld [tilespmem:s29+$0xFFFFFE90]  }
0x176: {  	v16 =	vld [tilespmem:s28+$0xFFFFFE90]  }
0x177: {  	v27 =	vld [tilespmem:s29+$0xFFFFFD30]  }
0x178: {  	v28 =	vld [tilespmem:s28+$0xFFFFFD30]  }
0x179: {  	v17 =	vld [tilespmem:s29+$0xFFFFFDA0]  }
0x17a: {  	v18 =	vld [tilespmem:s28+$0xFFFFFDA0]  }
0x17b: {  	[tilespmem:$0x1FE50] =	vst v39;
	v39 =	vld [tilespmem:s28+$0xB0]  }
0x17c: {  	[tilespmem:$0x1FF10] =	vst v38;
	v38 =	vld [tilespmem:s28+$0x30]  }
0x17d: {  	[tilespmem:$0x1FF60] =	vst v48;
	v48 =	vld [tilespmem:s29+$0x20]  }
0x17e: {  	[tilespmem:$0x1FEF0] =	vst v36;
	v36 =	vld [tilespmem:s28+$0x20]  }
0x17f: {  	[tilespmem:$0x1FE40] =	vst v0;
	v0 =	vld [tilespmem:s28+$0x90]  }
0x180: {  	[tilespmem:$0x1FF00] =	vst v37;
	v37 =	vld [tilespmem:s29+$0xFFFFFF30]  }
0x181: {  	[tilespmem:$0x1FF40] =	vst v45;
	v45 =	vld [tilespmem:s28+$0xFFFFFF30]  }
0x182: {  	[tilespmem:$0x1FF20] =	vst v40;
	v40 =	vld [tilespmem:s28+$0xFFFFFEB0]  }
0x183: {  	[tilespmem:$0x1FE90] =	vst v6;
	v6 =	vld [tilespmem:s28+$0xFFFFFF20]  }
0x184: {  	[tilespmem:$0x1FF70] =	vst v49;
	v49 =	vld [tilespmem:s29+$0xFFFFFF80]  }
0x185: {  	[tilespmem:$0x1FF30] =	vst v43;
	v43 =	vld [tilespmem:s29+$0xFFFFFF90]  }
0x186: {  	[tilespmem:$0x1FE60] =	vst v42;
	v42 =	vld [tilespmem:s28+$0xFFFFFF90]  }
0x187: {  	[tilespmem:$0x1FEA0] =	vst v7;
	v7 =	vld [tilespmem:s29+$0xFFFFFEA0]  }
0x188: {  	[tilespmem:$0x1FEB0] =	vst v8;
	v8 =	vld [tilespmem:s28+$0xFFFFFEA0]  }
0x189: {  	[tilespmem:$0x1FEC0] =	vst v9;
	v9 =	vld [tilespmem:s29+$0xFFFFFF00]  }
0x18a: {  	[tilespmem:$0x1FED0] =	vst v10;
	v10 =	vld [tilespmem:s28+$0xFFFFFF00]  }
0x18b: {  	[tilespmem:$0x1FEE0] =	vst v11;
	v11 =	vld [tilespmem:s29+$0xFFFFFF10]  }
0x18c: {  	[tilespmem:$0x1FF50] =	vst v46;
	v46 =	vld [tilespmem:s28+$0xFFFFFDB0]  }
0x18d: {  	[tilespmem:$0x1FE80] =	vst v13;
	v13 =	vld [tilespmem:s29+$0xFFFFFE80]  }
0x18e: {  	[tilespmem:$0x1FE70] =	vst v50;
	v50 =	vld [tilespmem:s29+$0xFFFFFE00]  }
0x18f: {  	v20 =	vmul.f32 v25, v24;
	v24 =	vld [tilespmem:s28+$0xFFFFFE00]  }
0x190: {  	v30 =	vmul.f32 v47, v30;
	v25 =	vld [tilespmem:s29+$0xFFFFFE10]  }
0x191: {  	v47 =	vmul.f32 v54, v53;
	v53 =	vmul.f32 v32, v31;
	v31 =	vld [tilespmem:s29+$0xFFFFFD20]  }
0x192: {  	v32 =	vld [tilespmem:s28+$0xFFFFFD20]  }
0x193: {  	v58 =	vmul.f32 v58, v57;
	v57 =	vmul.f32 v60, v59;
	v60 =	vld [tilespmem:s28+$0xFFFFFD90]  }
0x194: {  	v22 =	vmul.f32 v34, v22;
	v34 =	vld [tilespmem:s28+$0xFFFFFC20];
	v20 =	vadd.f32 v30, v20;
	v30 =	vmul.f32 v29, v26  }
0x195: {  	v41 =	vmul.f32 v44, v41;
	v44 =	vld [tilespmem:s28+$0xFFFFFD00]  }
0x196: {  	v20 =	vadd.f32 v30, v20;
	v30 =	vld [tilespmem:$0x1FE40]  }
0x197: {  	v59 =	vmul.f32 v62, v61;
	v61 =	vmul.f32 v52, v51;
	v52 =	vld [tilespmem:s28+$0xFFFFFD10]  }
0x198: {  	v51 =	vld [tilespmem:$0x1FE60];
	v58 =	vadd.f32 v57, v58  }
0x199: {  	v56 =	vmul.f32 v56, v55;
	v26 =	vld [tilespmem:s28+$0xFFFFFE10]  }
0x19a: {  	v33 =	vmul.f32 v35, v33;
	v29 =	vld [tilespmem:s29+$0xFFFFFC30];
	v35 =	vadd.f32 v41, v58  }
0x19b: {  	v47 =	vadd.f32 v56, v47;
	v41 =	vld [tilespmem:s29+$0xFFFFFC90];
	v21 =	vmul.f32 v21, v30  }
0x19c: {  	v0 =	vmul.f32 v0, v63;
	v57 =	vmul.f32 v45, v37;
	v37 =	vld [tilespmem:s29+$0xFFFFFC10];
	v63 =	vadd.f32 v22, v35  }
0x19d: {  	v35 =	vld [tilespmem:$0x1FE50];
	v20 =	vadd.f32 v21, v20;
	v21 =	vadd.f32 v53, v47  }
0x19e: {  	v1 =	vmul.f32 v2, v1;
	v22 =	vld [tilespmem:s29+$0xFFFFFD00]  }
0x19f: {  	v62 =	vmul.f32 v4, v3;
	v2 =	vmul.f32 v38, v51;
	v38 =	vld [tilespmem:s29+$0xFFFFFC80];
	v21 =	vadd.f32 v33, v21  }
0x1a0: {  	v47 =	vld [tilespmem:s29+$0xFFFFFD80];
	(xrf2) =	vadd.scan.msk.f32 $0xffff, v20  }
0x1a1: {  	v1 =	vadd.f32 v62, v1;
	v9 =	vmul.f32 v10, v9;
	v62 =	vmul.f32 v12, v11;
	v20 =	vld [tilespmem:s28+$0xFFFFFD80];
	(xrf2) =	vadd.scan.msk.f32 $0xffff, v21  }
0x1a2: {  	v0 =	vadd.f32 v0, v59;
	(xrf2) =	vadd.scan.msk.f32 $0xffff, v63;
	v63 =	vld [tilespmem:s29+$0xFFFFFD10]  }
0x1a3: {  	v55 =	vmul.f32 v16, v15;
	v9 =	vadd.f32 v62, v9;
	v62 =	vmul.f32 v18, v17;
	v53 =	vld [tilespmem:s29+$0xFFFFFD90]  }
0x1a4: {  	v17 =	vmovc v43;
	v43 =	vld [tilespmem:s28+$0xFFFFFC90];
	v0 =	vadd.f32 v61, v0;
	v4 =	vmul.f32 v39, v35;
	v39 =	vmul.f32 v36, v48  }
0x1a5: {  	v5 =	vmul.f32 v6, v5;
	v54 =	vmul.f32 v14, v13;
	v61 =	vld [tilespmem:$0x1FE70]  }
0x1a6: {  	v58 =	vmul.f32 v8, v7;
	v30 =	vld [tilespmem:s28+$0xFFFFFC30];
	v0 =	vadd.f32 v4, v0;
	v1 =	vadd.f32 v39, v1  }
0x1a7: {  	p0 =	sne.s32 s30, $0x3C0;
	v56 =	vadd.f32 v5, v9;
	v59 =	vmul.f32 v20, v47;
	v47 =	vmul.f32 v52, v63;
	v63 =	vld [tilespmem:$0x1FE80]  }
.Ltmp1:
0x1a8: {  	v35 =	vld [tilespmem:s28+$0xFFFFFC00];
	v1 =	vadd.f32 v2, v1;
	v60 =	vmul.f32 v60, v53;
	(xrf2) =	vadd.scan.msk.f32 $0xffff, v0;
	v0 =	vadd.f32 v55, v54;
	(pc) =	sbr.rel @p0 .LBB2_4-.Ltmp1, $4  }
0x1a9: {  	v15 =	vmov v49;
	v36 =	vld [tilespmem:s29+$0xFFFFFC00];
	v2 =	vadd.f32 v57, v56  }
0x1aa: {  	v33 =	vld [tilespmem:s29+$0xFFFFFC20];
	v5 =	vmul.f32 v40, v61;
	v0 =	vadd.f32 v58, v0;
	v49, _, _ =	vpop (xrf2);
	(xrf2) =	vadd.scan.msk.f32 $0xffff, v1;
	v1 =	vadd.f32 v60, v59  }
0x1ab: {  	v16 =	vmov v23;
	v18 =	vmov v42;
	v44 =	vmul.f32 v44, v22;
	v39 =	vld [tilespmem:s28+$0xFFFFFC10];
	v21, _, _ =	vpop (xrf2)  }
0x1ac: {  	s26 =	smov.u32 s30;
	s30 =	sadd.s32 $0x40, s30;
	v40 =	vld [tilespmem:s28+$0xFFFFFC80];
	v42 =	vadd.f32 v5, v0;
	(xrf2) =	vadd.scan.msk.f32 $0xffff, v2;
	v45 =	vadd.f32 v62, v1;
	v22, _, _ =	vpop (xrf2);
	v46 =	vmul.f32 v46, v63  }
0x1ad: {  	v0 =	vld [tilespmem:s29+$0xFFFFFCA0]  }
0x1ae: {  	v1 =	vld [tilespmem:s28+$0xFFFFFCA0]  }
0x1af: {  	v4 =	vld [tilespmem:s29+$0xFFFFFCB0]  }
0x1b0: {  	v8 =	vld [tilespmem:s28+$0xFFFFFCB0]  }
0x1b1: {  	v10 =	vld [tilespmem:s28+$0xFFFFFE20]  }
0x1b2: {  	v12 =	vld [tilespmem:s29+$0xFFFFFE30]  }
0x1b3: {  	v14 =	vld [tilespmem:s28+$0xFFFFFFA0]  }
0x1b4: {  	v23 =	vld [tilespmem:s29+$0xFFFFFFB0]  }
0x1b5: {  	v2 =	vadd.f32 v47, v44;
	v3 =	vmul.f32 v32, v31;
	v20 =	vmul.f32 v26, v25;
	v25 =	vld [tilespmem:s28+$0xFFFFFFB0]  }
0x1b6: {  	v9 =	vmul.f32 v43, v41;
	v26 =	vld [tilespmem:s28+$0x120]  }
0x1b7: {  	v11 =	vmul.f32 v28, v27;
	v28 =	vld [tilespmem:s29+$0x130];
	v2 =	vadd.f32 v3, v2;
	v3 =	vmul.f32 v40, v38  }
0x1b8: {  	v13 =	vmul.f32 v30, v29;
	v29 =	vld [tilespmem:s28+$0x130]  }
0x1b9: {  	v30 =	vld [tilespmem:$0x1FF40];
	v0 =	vmul.f32 v1, v0;
	v3 =	vadd.f32 v9, v3  }
0x1ba: {  	v31 =	vld [tilespmem:$0x1FF50];
	v5 =	vmul.f32 v35, v36;
	v7 =	vadd.f32 v46, v45;
	v6 =	vmul.f32 v39, v37  }
0x1bb: {  	v32 =	vld [tilespmem:$0x1FF60];
	(xrf2) =	vadd.scan.msk.f32 $0xffff, v42;
	v2 =	vadd.f32 v11, v2;
	v0 =	vadd.f32 v0, v3;
	v3 =	vmul.f32 v8, v4  }
0x1bc: {  	v41 =	vld [tilespmem:s29+$0x3A0];
	v62 =	vmul.f32 v34, v33;
	(xrf2) =	vadd.scan.msk.f32 $0xffff, v7;
	v5 =	vadd.f32 v6, v5  }
0x1bd: {  	v1 =	vld [tilespmem:s28+$0xFFFFFE30];
	(xrf2) =	vadd.scan.msk.f32 $0xffff, v2;
	v2 =	vmul.f32 v16, v15;
	v0 =	vadd.f32 v3, v0;
	v3 =	vmul.f32 v18, v17  }
0x1be: {  	v63 =	vmul.f32 v24, v50;
	v48 =	vld [tilespmem:$0x1FE90]  }
0x1bf: {  	v5 =	vadd.f32 v62, v5;
	v2 =	vadd.f32 v3, v2;
	v3 =	vld [tilespmem:$0x1FF70]  }
0x1c0: {  	v50 =	vld [tilespmem:$0x1FEA0];
	v6 =	vadd.f32 v20, v63;
	v24 =	vmul.f32 v10, v19  }
0x1c1: {  	v53 =	vld [tilespmem:$0x1FEB0];
	v5 =	vadd.f32 v13, v5  }
0x1c2: {  	v54 =	vld [tilespmem:$0x1FEC0];
	v27 =	vadd.f32 v24, v6;
	v1 =	vmul.f32 v1, v12  }
0x1c3: {  	v36 =	vld [tilespmem:$0x1FF20];
	(xrf2) =	vadd.scan.msk.f32 $0xffff, v5  }
0x1c4: {  	(xrf2) =	vadd.scan.msk.f32 $0xffff, v0;
	v0 =	vadd.f32 v1, v27;
	v1 =	vld [tilespmem:$0x1FF30];
	v3 =	vmul.f32 v14, v3  }
0x1c5: {  	v39 =	vld [tilespmem:$0x1FF00]  }
0x1c6: {  	v38 =	vld [tilespmem:$0x1FEF0];
	v2 =	vadd.f32 v3, v2;
	v3 =	vmul.f32 v25, v23  }
0x1c7: {  	v40 =	vld [tilespmem:$0x1FF10]  }
0x1c8: {  	v2 =	vadd.f32 v3, v2;
	v3 =	vld [tilespmem:$0x1FEE0]  }
0x1c9: {  	v46 =	vld [tilespmem:$0x1FED0];
	v5 =	vmul.f32 v32, v31;
	v1 =	vmul.f32 v30, v1  }
0x1ca: {  	v33 =	vld [tilespmem:s28+$0x2A0]  }
0x1cb: {  	v34 =	vld [tilespmem:s29+$0x2B0];
	v35, _, _ =	vpop (xrf2);
	(xrf2) =	vadd.scan.msk.f32 $0xffff, v0;
	v1 =	vadd.f32 v5, v1;
	v5 =	vmul.f32 v26, v36  }
0x1cc: {  	v37 =	vld [tilespmem:s28+$0x2B0];
	v43 =	vmul.f32 v29, v28;
	v0, _, _ =	vpop (xrf2)  }
0x1cd: {  	v44 =	vld [tilespmem:s28+$0x3A0];
	v11 =	vmul.f32 v40, v39;
	v42, _, _ =	vpop (xrf2);
	v1 =	vadd.f32 v5, v1;
	v3 =	vmul.f32 v38, v3  }
0x1ce: {  	v47 =	vld [tilespmem:s29+$0x3B0];
	v45, _, _ =	vpop (xrf2);
	(xrf2) =	vadd.scan.msk.f32 $0xffff, v2  }
0x1cf: {  	v51 =	vld [tilespmem:s28+$0x3B0];
	v10 =	vmul.f32 v33, v46;
	v1 =	vadd.f32 v43, v1;
	v2, _, _ =	vpop (xrf2);
	v3 =	vadd.f32 v11, v3  }
0x1d0: {  	v9 =	vmul.f32 v54, v53;
	v52, _, _ =	vpop (xrf2)  }
0x1d1: {  	v4 =	vmul.f32 v37, v34;
	v5 =	vmul.f32 v50, v48;
	(xrf2) =	vadd.scan.msk.f32 $0xffff, v1;
	v55, _, _ =	vpop (xrf2);
	v3 =	vadd.f32 v10, v3  }
0x1d2: {  	v56 =	vmul.f32 v44, v41;
	v57, _, _ =	vpop (xrf2);
	v58 =	vbroadcast v55, $0xF  }
0x1d3: {  	v1 =	vadd.f32 v4, v3;
	v3 =	vadd.f32 v9, v5;
	v5 =	vbroadcast v57, $0xF  }
0x1d4: {  	v60 =	vmul.f32 v51, v47;
	v59 =	vbroadcast v52, $0xF  }
0x1d5: {  	v2 =	vbroadcast v2, $0xF;
	v61, _, _ =	vpop (xrf2);
	v3 =	vadd.f32 v56, v3;
	(xrf2) =	vadd.scan.msk.f32 $0xffff, v1;
	v1 =	vsel vm0, v58, v5  }
0x1d6: {  	v5 =	vbroadcast v61, $0xF;
	v1 =	vsel vm1, v1, v59  }
0x1d7: {  	v3 =	vadd.f32 v60, v3;
	v1 =	vsel vm2, v1, v2;
	v2 =	vbroadcast v45, $0xF  }
0x1d8: {  	v62 =	vbroadcast v42, $0xF;
	v63, _, _ =	vpop (xrf2);
	v1 =	vsel vm3, v1, v5  }
0x1d9: {  	v1 =	vsel vm4, v1, v2;
	v2 =	vbroadcast v63, $0xF  }
0x1da: {  	v0 =	vbroadcast v0, $0xF;
	(xrf2) =	vadd.scan.msk.f32 $0xffff, v3;
	v1 =	vsel vm5, v1, v62  }
0x1db: {  	v1 =	vsel vm6, v1, v2;
	v2 =	vbroadcast v35, $0xF;
	v3, _, _ =	vpop (xrf2)  }
0x1dc: {  	v0 =	vsel vm7, v1, v0;
	v1 =	vbroadcast v3, $0xF  }
0x1dd: {  	v0 =	vsel vm8, v0, v2;
	v2 =	vbroadcast v22, $0xF  }
0x1de: {  	v0 =	vsel vm9, v0, v1;
	v1 =	vbroadcast v21, $0xF  }
0x1df: {  	v0 =	vsel vm10, v0, v2  }
0x1e0: {  	s0 =	sshra.s32 s26, $0x2;
	v3, _, _ =	vpop (xrf2);
	v0 =	vsel vm11, v0, v1;
	v1 =	vbroadcast v49, $0xF  }
0x1e1: {  	v2 =	vbroadcast v3, $0xF;
	v3 =	vld [tilespmem:s0+$0x10200];
	_ =	sdelay $0x1  }
0x1e2: {  	v0 =	vsel vm12, v0, v2;
	v2 =	vld [tilespmem:s0+$0x10400]  }
0x1e3: {  	v0 =	vsel vm13, v0, v1;
	v1, _, _ =	vpop (xrf2)  }
0x1e4: {  	v0 =	vsel vm14, v0, v1  }
0x1e5: {  	v0 =	vadd.f32 v0, v3;
	_ =	sdelay $0x1  }
0x1e6: {  	v0 =	vadd.f32 v0, v2;
	_ =	sdelay $0x1  }
0x1e7: {  	s28 =	simm.s32 $0x100;
	[tilespmem:s0+$0x10600] =	vst v0  }
0x1e8: {  	v0 =	vld [tilespmem:s28+$0x0];
	_ =	sdelay $0x4  }
0x1e9: {  	v0 =	vshll.u32 v0, $0x4  }
0x1ea: {  	(v2sf) =	vpush v0, $0x0  }
0x1eb: {  	(v2sf) =	vpush v0, $0x1  }
0x1ec: {  	(v2sf) =	vpush v0, $0x2;
	_ =	sdelay $0x1  }
0x1ed: {  	(v2sf) =	vpush v0, $0x4;
	_ =	sdelay $0x1  }
0x1ee: {  	(v2sf) =	vpush v0, $0x3  }
0x1ef: {  	(v2sf) =	vpush v0, $0x5  }
0x1f0: {  	s26 =	simm.s32 $0x0;
	s29 =	simm.s32 $0x2000;
	(v2sf) =	vpush v0, $0x6  }
.LBB2_6:
0x1f1: {  	p0 =	sne.s32 s29, $0x1E000  }
0x1f2: {  	s5 =	sadd.s32 $0x8280, s26;
	s1 =	sadd.s32 $0x8780, s26;
	s30 =	smov.u32 s29  }
0x1f3: {  	s29 =	sadd.s32 $0x2000, s29;
	s15 =	sadd.s32 $0x8580, s26;
	s0 =	sadd.s32 $0x8800, s26;
	(v2sf) =	vpush v0, $0x7  }
0x1f4: {  	s17 =	sadd.s32 $0x8480, s26;
	s14 =	sadd.s32 $0x8600, s26;
	s31 =	sadd.s32 $0x8880, s26  }
0x1f5: {  	s6 =	sadd.s32 $0x8200, s26;
	s7 =	sadd.s32 $0x8400, s26;
	(v2sf) =	vpush v0, $0x8  }
0x1f6: {  	s8 =	sadd.s32 $0x8500, s26;
	s28 =	sadd.s32 $0x10, s28  }
0x1f7: {  	s18 =	sadd.s32 $0x8300, s26;
	s13 =	sadd.s32 $0x8700, s26;
	s16 =	spop (v2sf);
	(v2sf) =	vpush v0, $0x9  }
0x1f8: {  	s19 =	sand.u32 $0x1FFFFFF0, s16;
	s16 =	sadd.s32 $0x8680, s26;
	s21 =	spop (v2sf)  }
0x1f9: {  	s19 =	sadd.s32 s3, s19;
	s21 =	sand.u32 $0x1FFFFFF0, s21;
	s24 =	spop (v2sf);
	(v2sf) =	vpush v0, $0xA  }
0x1fa: {  	[tilespmem:s6], [sflag:$0x1] =	stream.linear.gather [hbm4b:s19+s2], $0x80, $0x38;
	[tilespmem:$0x10800] =	vst v63  }
0x1fb: {  	s6 =	sadd.s32 s3, s21;
	s19 =	sadd.s32 $0x8380, s26;
	s21 =	spop (v2sf);
	(v2sf) =	vpush v0, $0xB  }
0x1fc: {  	[tilespmem:s5], [sflag:$0x1] =	stream.linear.gather [hbm4b:s6+s2], $0x80, $0x38;
	[tilespmem:$0x10800] =	vst v63  }
0x1fd: {  	s5 =	sand.u32 $0x1FFFFFF0, s24;
	s6 =	sand.u32 $0x1FFFFFF0, s21;
	s21 =	spop (v2sf);
	(v2sf) =	vpush v0, $0xC  }
0x1fe: {  	s5 =	sadd.s32 s3, s5;
	s21 =	sand.u32 $0x1FFFFFF0, s21;
	s24 =	spop (v2sf)  }
0x1ff: {  	[tilespmem:s18], [sflag:$0x1] =	stream.linear.gather [hbm4b:s5+s2], $0x80, $0x38;
	(v2sf) =	vpush v0, $0xD;
	[tilespmem:$0x10800] =	vst v63  }
0x200: {  	s5 =	sadd.s32 s3, s21;
	s18 =	sand.u32 $0x1FFFFFF0, s24;
	s21 =	spop (v2sf)  }
0x201: {  	[tilespmem:s19], [sflag:$0x1] =	stream.linear.gather [hbm4b:s5+s2], $0x80, $0x38;
	(v2sf) =	vpush v0, $0xE;
	[tilespmem:$0x10800] =	vst v63  }
0x202: {  	s5 =	sadd.s32 s3, s6;
	s6 =	sand.u32 $0x1FFFFFF0, s21;
	s19 =	spop (v2sf)  }
0x203: {  	[tilespmem:s7], [sflag:$0x1] =	stream.linear.gather [hbm4b:s5+s2], $0x80, $0x38;
	(v2sf) =	vpush v0, $0xF;
	[tilespmem:$0x10800] =	vst v63  }
0x204: {  	s5 =	sadd.s32 s3, s18;
	s7 =	sand.u32 $0x1FFFFFF0, s19;
	s18 =	spop (v2sf)  }
0x205: {  	[tilespmem:s17], [sflag:$0x1] =	stream.linear.gather [hbm4b:s5+s2], $0x80, $0x38;
	[tilespmem:$0x10800] =	vst v63  }
0x206: {  	s5 =	sadd.s32 s3, s6;
	s6 =	sand.u32 $0x1FFFFFF0, s18;
	s17 =	spop (v2sf)  }
0x207: {  	[tilespmem:s8], [sflag:$0x1] =	stream.linear.gather [hbm4b:s5+s2], $0x80, $0x38;
	[tilespmem:$0x10800] =	vst v63  }
0x208: {  	s5 =	sadd.s32 s3, s7;
	s7 =	sand.u32 $0x1FFFFFF0, s17;
	s8 =	spop (v2sf)  }
0x209: {  	[tilespmem:s15], [sflag:$0x1] =	stream.linear.gather [hbm4b:s5+s2], $0x80, $0x38;
	[tilespmem:$0x10800] =	vst v63  }
0x20a: {  	s5 =	sadd.s32 s3, s6;
	s6 =	sand.u32 $0x1FFFFFF0, s8;
	s8 =	spop (v2sf)  }
0x20b: {  	[tilespmem:s14], [sflag:$0x1] =	stream.linear.gather [hbm4b:s5+s2], $0x80, $0x38;
	[tilespmem:$0x10800] =	vst v63  }
0x20c: {  	s5 =	sadd.s32 s3, s7;
	s7 =	sand.u32 $0x1FFFFFF0, s8;
	s8 =	spop (v2sf)  }
0x20d: {  	[tilespmem:s16], [sflag:$0x1] =	stream.linear.gather [hbm4b:s5+s2], $0x80, $0x38;
	[tilespmem:$0x10800] =	vst v63  }
0x20e: {  	s5 =	sadd.s32 s3, s6;
	s6 =	sand.u32 $0x1FFFFFF0, s8;
	s8 =	spop (v2sf)  }
0x20f: {  	[tilespmem:s13], [sflag:$0x1] =	stream.linear.gather [hbm4b:s5+s2], $0x80, $0x38;
	[tilespmem:$0x10800] =	vst v63  }
0x210: {  	s5 =	sadd.s32 s3, s7;
	s7 =	sand.u32 $0x1FFFFFF0, s8;
	s8 =	spop (v2sf)  }
0x211: {  	[tilespmem:s1], [sflag:$0x1] =	stream.linear.gather [hbm4b:s5+s2], $0x80, $0x38;
	[tilespmem:$0x10800] =	vst v63  }
0x212: {  	s1 =	sadd.s32 s3, s6;
	s5 =	sand.u32 $0x1FFFFFF0, s8;
	s6 =	spop (v2sf)  }
0x213: {  	[tilespmem:s0], [sflag:$0x1] =	stream.linear.gather [hbm4b:s1+s2], $0x80, $0x38;
	[tilespmem:$0x10800] =	vst v63  }
0x214: {  	s0 =	sadd.s32 s3, s7;
	s1 =	sand.u32 $0x1FFFFFF0, s6  }
0x215: {  	[tilespmem:s31], [sflag:$0x1] =	stream.linear.gather [hbm4b:s0+s2], $0x80, $0x38;
	[tilespmem:$0x10800] =	vst v63  }
0x216: {  	s5 =	sadd.s32 s3, s5;
	s0 =	sadd.s32 $0x8900, s26  }
0x217: {  	[tilespmem:s0], [sflag:$0x1] =	stream.linear.gather [hbm4b:s5+s2], $0x80, $0x38;
	[tilespmem:$0x10800] =	vst v63  }
0x218: {  	s1 =	sadd.s32 s3, s1;
	s0 =	sadd.s32 $0x8980, s26  }
0x219: {  	[tilespmem:s0], [sflag:$0x1] =	stream.linear.gather [hbm4b:s1+s2], $0x80, $0x38;
	[tilespmem:$0x10800] =	vst v63  }
0x21a: {  	v0 =	vld [tilespmem:s28+$0x0];
	_ =	sdelay $0x4  }
0x21b: {  	v0 =	vshll.u32 v0, $0x4  }
0x21c: {  	(v2sf) =	vpush v0, $0x0  }
0x21d: {  	(v2sf) =	vpush v0, $0x1  }
0x21e: {  	(v2sf) =	vpush v0, $0x2;
	_ =	sdelay $0x1  }
0x21f: {  	(v2sf) =	vpush v0, $0x4  }
.Ltmp2:
0x220: {  	(pc) =	sbr.rel @p0 .LBB2_6-.Ltmp2, $3  }
0x221: {  	(v2sf) =	vpush v0, $0x3  }
0x222: {  	(v2sf) =	vpush v0, $0x5;
	_ =	sdelay $0x1  }
0x223: {  	s26 =	sshra.s32 s30, $0x2;
	(v2sf) =	vpush v0, $0x6  }
0x224: {  	_ =	sdelay $0x1  }
0x225: {  	s5 =	sadd.s32 $0x8280, s26;
	s13 =	sadd.s32 $0x8780, s26  }
0x226: {  	s6 =	sadd.s32 $0x8580, s26;
	s0 =	sadd.s32 $0x8800, s26;
	(v2sf) =	vpush v0, $0x7;
	s7 =	sadd.s32 $0x8480, s26  }
0x227: {  	s8 =	sadd.s32 $0x8600, s26;
	s1 =	sadd.s32 $0x8880, s26;
	s14 =	sadd.s32 $0x8200, s26  }
0x228: {  	s15 =	sadd.s32 $0x8400, s26;
	s16 =	sadd.s32 $0x8500, s26;
	(v2sf) =	vpush v0, $0x8;
	s17 =	spop (v2sf)  }
0x229: {  	s18 =	sadd.s32 $0x8300, s26;
	s17 =	sand.u32 $0x1FFFFFF0, s17;
	s19 =	spop (v2sf)  }
0x22a: {  	(v2sf) =	vpush v0, $0x9;
	s17 =	sadd.s32 s3, s17;
	s19 =	sand.u32 $0x1FFFFFF0, s19;
	s21 =	spop (v2sf)  }
0x22b: {  	[tilespmem:s14], [sflag:$0x1] =	stream.linear.gather [hbm4b:s17+s2], $0x80, $0x38;
	[tilespmem:$0x10800] =	vst v63  }
0x22c: {  	s24 =	sadd.s32 $0x8380, s26;
	(v2sf) =	vpush v0, $0xA;
	s31 =	sadd.s32 s3, s19;
	s19 =	spop (v2sf)  }
0x22d: {  	[tilespmem:s5], [sflag:$0x1] =	stream.linear.gather [hbm4b:s31+s2], $0x80, $0x38;
	[tilespmem:$0x10800] =	vst v63  }
0x22e: {  	s14 =	sadd.s32 $0x8700, s26;
	s21 =	sand.u32 $0x1FFFFFF0, s21;
	(v2sf) =	vpush v0, $0xB;
	s31 =	spop (v2sf)  }
0x22f: {  	s17 =	sadd.s32 s3, s21;
	s5 =	sadd.s32 $0x8680, s26;
	s21 =	sand.u32 $0x1FFFFFF0, s31  }
0x230: {  	(v2sf) =	vpush v0, $0xC;
	[tilespmem:s18], [sflag:$0x1] =	stream.linear.gather [hbm4b:s17+s2], $0x80, $0x38;
	[tilespmem:$0x10800] =	vst v63  }
0x231: {  	s17 =	sand.u32 $0x1FFFFFF0, s19;
	s31 =	spop (v2sf);
	s21 =	sadd.s32 s3, s21  }
0x232: {  	(v2sf) =	vpush v0, $0xD;
	[tilespmem:s24], [sflag:$0x1] =	stream.linear.gather [hbm4b:s21+s2], $0x80, $0x38;
	[tilespmem:$0x10800] =	vst v63  }
0x233: {  	s18 =	sand.u32 $0x1FFFFFF0, s31;
	s17 =	sadd.s32 s3, s17;
	s24 =	spop (v2sf)  }
0x234: {  	(v2sf) =	vpush v0, $0xE;
	[tilespmem:s15], [sflag:$0x1] =	stream.linear.gather [hbm4b:s17+s2], $0x80, $0x38;
	[tilespmem:$0x10800] =	vst v63  }
0x235: {  	s18 =	sadd.s32 s3, s18;
	s31 =	sand.u32 $0x1FFFFFF0, s24;
	s19 =	spop (v2sf)  }
0x236: {  	(v2sf) =	vpush v0, $0xF;
	[tilespmem:s7], [sflag:$0x1] =	stream.linear.gather [hbm4b:s18+s2], $0x80, $0x38;
	[tilespmem:$0x10800] =	vst v63  }
0x237: {  	s21 =	sand.u32 $0x1FFFFFF0, s19;
	s24 =	spop (v2sf);
	s15 =	sadd.s32 s3, s31  }
0x238: {  	[tilespmem:s16], [sflag:$0x1] =	stream.linear.gather [hbm4b:s15+s2], $0x80, $0x38;
	[tilespmem:$0x10800] =	vst v63  }
0x239: {  	s31 =	sand.u32 $0x1FFFFFF0, s24;
	s7 =	sadd.s32 s3, s21;
	s17 =	spop (v2sf)  }
0x23a: {  	[tilespmem:s6], [sflag:$0x1] =	stream.linear.gather [hbm4b:s7+s2], $0x80, $0x38;
	[tilespmem:$0x10800] =	vst v63  }
0x23b: {  	s15 =	sadd.s32 s3, s31;
	s18 =	sand.u32 $0x1FFFFFF0, s17;
	s19 =	spop (v2sf)  }
0x23c: {  	[tilespmem:s8], [sflag:$0x1] =	stream.linear.gather [hbm4b:s15+s2], $0x80, $0x38;
	[tilespmem:$0x10800] =	vst v63  }
0x23d: {  	s7 =	sand.u32 $0x1FFFFFF0, s19;
	s6 =	sadd.s32 s3, s18;
	s21 =	spop (v2sf)  }
0x23e: {  	[tilespmem:s5], [sflag:$0x1] =	stream.linear.gather [hbm4b:s6+s2], $0x80, $0x38;
	[tilespmem:$0x10800] =	vst v63  }
0x23f: {  	s7 =	sadd.s32 s3, s7;
	s24 =	sand.u32 $0x1FFFFFF0, s21;
	s31 =	spop (v2sf)  }
0x240: {  	[tilespmem:s14], [sflag:$0x1] =	stream.linear.gather [hbm4b:s7+s2], $0x80, $0x38;
	[tilespmem:$0x10800] =	vst v63  }
0x241: {  	s5 =	sadd.s32 s3, s24;
	s6 =	sand.u32 $0x1FFFFFF0, s31;
	s8 =	spop (v2sf)  }
0x242: {  	[tilespmem:s13], [sflag:$0x1] =	stream.linear.gather [hbm4b:s5+s2], $0x80, $0x38;
	[tilespmem:$0x10800] =	vst v63  }
0x243: {  	s14 =	sand.u32 $0x1FFFFFF0, s8;
	s6 =	sadd.s32 s3, s6;
	s15 =	spop (v2sf)  }
0x244: {  	[tilespmem:s0], [sflag:$0x1] =	stream.linear.gather [hbm4b:s6+s2], $0x80, $0x38;
	[tilespmem:$0x10800] =	vst v63  }
0x245: {  	s16 =	sand.u32 $0x1FFFFFF0, s15;
	s17 =	spop (v2sf);
	s5 =	sadd.s32 s3, s14  }
0x246: {  	[tilespmem:s1], [sflag:$0x1] =	stream.linear.gather [hbm4b:s5+s2], $0x80, $0x38;
	[tilespmem:$0x10800] =	vst v63  }
0x247: {  	s19 =	sadd.s32 $0x8900, s26;
	s18 =	sand.u32 $0x1FFFFFF0, s17;
	s0 =	sadd.s32 s3, s16  }
0x248: {  	[tilespmem:s19], [sflag:$0x1] =	stream.linear.gather [hbm4b:s0+s2], $0x80, $0x38;
	[tilespmem:$0x10800] =	vst v63  }
0x249: {  	s21 =	sadd.s32 $0x8980, s26;
	s1 =	sadd.s32 s3, s18  }
0x24a: {  	[tilespmem:s21], [sflag:$0x1] =	stream.linear.gather [hbm4b:s1+s2], $0x80, $0x38;
	[tilespmem:$0x10800] =	vst v63  }
0x24b: {  	s26 =	simm.s32 $0x0;
	s24 =	rddreg [dreg:$0x7];
	s31 =	simm.s32 $0x200  }
0x24c: {  	[tilespmem:s31], [sflag:$0x3] =	stream.linear.gather [hbm4b:s24+s26], $0x8000, $0x38;
	[tilespmem:$0x10800] =	vst v63  }
0x24d: {  	_ =	swait.ge [sflag:s22], $0x8000  }
0x24e: {  	[sflag:s22] =	ssyncset.done $0x0  }
0x24f: {  	[sflag:s22] =	ssyncadd.s32 $0xFFFF8000  }
0x250: {  	_ =	swait.ge [sflag:s23], $0x8000  }
0x251: {  	[sflag:s23] =	ssyncset.done $0x0  }
0x252: {  	s29 =	simm.s32 $0x600;
	[sflag:s23] =	ssyncadd.s32 $0xFFFF8000  }
0x253: {  	s28 =	simm.s32 $0x8600;
	v5 =	vld [tilespmem:s29+$0x330]  }
0x254: {  	v7 =	vld [tilespmem:s28+$0x330]  }
0x255: {  	v48 =	vld [tilespmem:s29+$0x380]  }
0x256: {  	v49 =	vld [tilespmem:s28+$0x380]  }
0x257: {  	v50 =	vld [tilespmem:s29+$0x390]  }
0x258: {  	v51 =	vld [tilespmem:s28+$0x390]  }
0x259: {  	v52 =	vld [tilespmem:s29+$0x320]  }
0x25a: {  	v63 =	vld [tilespmem:s28+$0x320]  }
0x25b: {  	v13 =	vld [tilespmem:s29+$0x230]  }
0x25c: {  	v14 =	vld [tilespmem:s28+$0x230]  }
0x25d: {  	v53 =	vld [tilespmem:s29+$0x2A0]  }
0x25e: {  	v30 =	vld [tilespmem:s29+$0x300]  }
0x25f: {  	v31 =	vld [tilespmem:s28+$0x300]  }
0x260: {  	v32 =	vld [tilespmem:s29+$0x310]  }
0x261: {  	v29 =	vld [tilespmem:s28+$0x310]  }
0x262: {  	v20 =	vld [tilespmem:s29+$0x1B0]  }
0x263: {  	v54 =	vld [tilespmem:s29+$0x220]  }
0x264: {  	v55 =	vld [tilespmem:s28+$0x220]  }
0x265: {  	v56 =	vld [tilespmem:s29+$0x280]  }
0x266: {  	v57 =	vld [tilespmem:s28+$0x280]  }
0x267: {  	v58 =	vld [tilespmem:s29+$0x290]  }
0x268: {  	v59 =	vld [tilespmem:s28+$0x290]  }
0x269: {  	v62 =	vld [tilespmem:s29+$0x1A0]  }
0x26a: {  	v33 =	vld [tilespmem:s28+$0x1A0]  }
0x26b: {  	v42 =	vld [tilespmem:s29+$0x200]  }
0x26c: {  	v43 =	vld [tilespmem:s28+$0x200]  }
0x26d: {  	v44 =	vld [tilespmem:s29+$0x210]  }
0x26e: {  	v45 =	vld [tilespmem:s28+$0x210]  }
0x26f: {  	v6 =	vld [tilespmem:s29+$0xB0]  }
0x270: {  	v8 =	vld [tilespmem:s28+$0xB0]  }
0x271: {  	v60 =	vld [tilespmem:s29+$0x120]  }
0x272: {  	v1 =	vld [tilespmem:s28+$0x180]  }
0x273: {  	v2 =	vld [tilespmem:s29+$0x190]  }
0x274: {  	v3 =	vld [tilespmem:s29+$0x30]  }
0x275: {  	v4 =	vld [tilespmem:s28+$0x30]  }
0x276: {  	v34 =	vld [tilespmem:s29+$0xA0]  }
0x277: {  	v61 =	vld [tilespmem:s29+$0x100]  }
0x278: {  	v9 =	vld [tilespmem:s28+$0x100]  }
0x279: {  	v10 =	vld [tilespmem:s29+$0x110]  }
0x27a: {  	v11 =	vld [tilespmem:s28+$0x110]  }
0x27b: {  	v35 =	vld [tilespmem:s29+$0x20]  }
0x27c: {  	v36 =	vld [tilespmem:s28+$0x20]  }
0x27d: {  	v23 =	vld [tilespmem:s29+$0xFFFFFF30]  }
0x27e: {  	v37 =	vld [tilespmem:s28+$0xFFFFFF30]  }
0x27f: {  	v38 =	vld [tilespmem:s29+$0xFFFFFFA0]  }
0x280: {  	v46 =	vld [tilespmem:s28+$0x0]  }
0x281: {  	v47 =	vld [tilespmem:s29+$0x10]  }
0x282: {  	v41 =	vld [tilespmem:s28+$0x10]  }
0x283: {  	v15 =	vld [tilespmem:s29+$0xFFFFFF80]  }
0x284: {  	v16 =	vld [tilespmem:s28+$0xFFFFFF80]  }
0x285: {  	v17 =	vld [tilespmem:s29+$0xFFFFFF90]  }
0x286: {  	v18 =	vld [tilespmem:s28+$0xFFFFFF90]  }
0x287: {  	v39 =	vld [tilespmem:s29+$0xFFFFFEA0]  }
0x288: {  	v40 =	vld [tilespmem:s28+$0xFFFFFEA0]  }
0x289: {  	v22 =	vld [tilespmem:s28+$0xFFFFFF00]  }
0x28a: {  	v21 =	vld [tilespmem:s28+$0xFFFFFF10]  }
0x28b: {  	v12 =	vld [tilespmem:s28+$0xFFFFFDB0]  }
0x28c: {  	v19 =	vld [tilespmem:s29+$0xFFFFFE20]  }
0x28d: {  	v27 =	vld [tilespmem:s29+$0xFFFFFD30]  }
0x28e: {  	v28 =	vld [tilespmem:s28+$0xFFFFFD30]  }
0x28f: {  	v24 =	vld [tilespmem:s28+$0xFFFFFE00]  }
0x290: {  	v25 =	vld [tilespmem:s29+$0xFFFFFE10]  }
0x291: {  	v26 =	vld [tilespmem:s28+$0xFFFFFE10]  }
0x292: {  	[tilespmem:$0x1FCE0] =	vst v49;
	v49 =	vld [tilespmem:s28+$0x1B0]  }
0x293: {  	[tilespmem:$0x1FCD0] =	vst v48;
	v48 =	vld [tilespmem:s29+$0x180]  }
0x294: {  	[tilespmem:$0x1FD00] =	vst v51;
	v51 =	vld [tilespmem:s28+$0x190]  }
0x295: {  	[tilespmem:$0x1FDE0] =	vst v55;
	v55 =	vld [tilespmem:s28+$0xA0]  }
0x296: {  	[tilespmem:$0x1FD40] =	vst v58;
	v58 =	vld [tilespmem:s29+$0x80]  }
0x297: {  	[tilespmem:$0x1FD50] =	vst v59;
	v59 =	vld [tilespmem:s28+$0x80]  }
0x298: {  	[tilespmem:$0x1FD60] =	vst v60;
	v60 =	vld [tilespmem:s29+$0x90]  }
0x299: {  	[tilespmem:$0x1FD70] =	vst v61;
	v61 =	vld [tilespmem:s28+$0x90]  }
0x29a: {  	[tilespmem:$0x1FDC0] =	vst v52;
	v52 =	vld [tilespmem:s29+$0x0]  }
0x29b: {  	[tilespmem:$0x1FD80] =	vst v9;
	v9 =	vld [tilespmem:s29+$0xFFFFFEB0]  }
0x29c: {  	[tilespmem:$0x1FDA0] =	vst v11;
	v11 =	vld [tilespmem:s28+$0xFFFFFEB0]  }
0x29d: {  	[tilespmem:$0x1FDD0] =	vst v54;
	v54 =	vld [tilespmem:s29+$0xFFFFFF20]  }
0x29e: {  	[tilespmem:$0x1FD10] =	vst v53;
	v53 =	vld [tilespmem:s28+$0xFFFFFF20]  }
0x29f: {  	[tilespmem:$0x1FE00] =	vst v36;
	v36 =	vld [tilespmem:s29+$0xFFFFFF00]  }
0x2a0: {  	[tilespmem:$0x1FDF0] =	vst v35;
	v35 =	vld [tilespmem:s29+$0xFFFFFF10]  }
0x2a1: {  	[tilespmem:$0x1FD90] =	vst v10;
	v10 =	vld [tilespmem:s29+$0xFFFFFDB0]  }
0x2a2: {  	[tilespmem:$0x1FE30] =	vst v40;
	v40 =	vld [tilespmem:s29+$0xFFFFFE80]  }
0x2a3: {  	[tilespmem:$0x1FDB0] =	vst v38;
	v38 =	vld [tilespmem:s28+$0xFFFFFE80]  }
0x2a4: {  	[tilespmem:$0x1FE20] =	vst v39;
	v39 =	vld [tilespmem:s29+$0xFFFFFE90]  }
0x2a5: {  	[tilespmem:$0x1FE10] =	vst v37;
	v37 =	vld [tilespmem:s28+$0xFFFFFE90]  }
0x2a6: {  	[tilespmem:$0x1FD30] =	vst v57;
	v57 =	vld [tilespmem:s29+$0xFFFFFDA0]  }
0x2a7: {  	[tilespmem:$0x1FD20] =	vst v56;
	v56 =	vld [tilespmem:s28+$0xFFFFFDA0]  }
0x2a8: {  	[tilespmem:$0x1FCF0] =	vst v50;
	v50 =	vld [tilespmem:s29+$0xFFFFFE00]  }
0x2a9: {  	v32 =	vmul.f32 v29, v32;
	v29 =	vld [tilespmem:s29+$0xFFFFFC30]  }
0x2aa: {  	v31 =	vmul.f32 v31, v30;
	v30 =	vld [tilespmem:s28+$0xFFFFFC30]  }
0x2ab: {  	v42 =	vmul.f32 v43, v42;
	v43 =	vmul.f32 v45, v44;
	v0 =	vld [tilespmem:$0x1FDC0]  }
0x2ac: {  	v33 =	vmul.f32 v33, v62;
	v62 =	vld [tilespmem:$0x1FDF0]  }
0x2ad: {  	v42 =	vadd.f32 v43, v42;
	v43 =	vld [tilespmem:s28+$0xFFFFFD00]  }
0x2ae: {  	v44 =	vmul.f32 v1, v48;
	v48 =	vld [tilespmem:$0x1FDD0]  }
0x2af: {  	v45 =	vmul.f32 v51, v2;
	v51 =	vld [tilespmem:$0x1FDE0]  }
0x2b0: {  	v2 =	vld [tilespmem:s29+$0xFFFFFD90]  }
0x2b1: {  	v58 =	vmul.f32 v59, v58;
	v59 =	vmul.f32 v46, v52;
	v46 =	vld [tilespmem:s29+$0xFFFFFD00]  }
0x2b2: {  	v21 =	vmul.f32 v21, v35;
	v35 =	vld [tilespmem:s28+$0xFFFFFC00]  }
0x2b3: {  	v22 =	vmul.f32 v22, v36;
	v36 =	vld [tilespmem:s29+$0xFFFFFC00];
	v63 =	vmul.f32 v63, v0;
	v0 =	vadd.f32 v32, v31  }
0x2b4: {  	v37 =	vmul.f32 v37, v39;
	v39 =	vld [tilespmem:s28+$0xFFFFFC10]  }
0x2b5: {  	v38 =	vmul.f32 v38, v40;
	v40 =	vld [tilespmem:s28+$0xFFFFFC80];
	v0 =	vadd.f32 v63, v0;
	v63 =	vmul.f32 v51, v48  }
0x2b6: {  	v31 =	vld [tilespmem:s29+$0xFFFFFD20];
	v44 =	vadd.f32 v45, v44;
	v21 =	vadd.f32 v21, v22;
	v51 =	vmul.f32 v7, v5  }
0x2b7: {  	v45 =	vld [tilespmem:s28+$0xFFFFFD80];
	v22 =	vmul.f32 v53, v54;
	v42 =	vadd.f32 v63, v42;
	v63 =	vmul.f32 v14, v13  }
0x2b8: {  	v53 =	vld [tilespmem:$0x1FE10];
	v44 =	vadd.f32 v33, v44;
	v5 =	vmul.f32 v49, v20;
	v0 =	vadd.f32 v51, v0  }
0x2b9: {  	v42 =	vadd.f32 v63, v42;
	v63 =	vld [tilespmem:$0x1FE00]  }
0x2ba: {  	v54 =	vld [tilespmem:$0x1FE20];
	v49 =	vmul.f32 v55, v34;
	v55 =	vadd.f32 v5, v44;
	(xrf2) =	vadd.scan.msk.f32 $0xffff, v0  }
0x2bb: {  	v48 =	vld [tilespmem:s29+$0xFFFFFD80];
	v7 =	vmul.f32 v61, v60;
	(xrf2) =	vadd.scan.msk.f32 $0xffff, v42  }
0x2bc: {  	v41 =	vmul.f32 v41, v47;
	v51 =	vld [tilespmem:s28+$0xFFFFFD90];
	(xrf2) =	vadd.scan.msk.f32 $0xffff, v55  }
0x2bd: {  	v58 =	vadd.f32 v7, v58;
	v55 =	vld [tilespmem:$0x1FE30]  }
0x2be: {  	v32 =	vld [tilespmem:s28+$0xFFFFFD20];
	v61 =	vadd.f32 v41, v59;
	v7 =	vmul.f32 v63, v62  }
0x2bf: {  	v52 =	vmul.f32 v4, v3;
	v60 =	vmul.f32 v8, v6;
	v41 =	vld [tilespmem:s29+$0xFFFFFD10];
	v0 =	vadd.f32 v49, v58  }
0x2c0: {  	v21 =	vadd.f32 v22, v21;
	v8 =	vld [tilespmem:s28+$0xFFFFFD10];
	v22 =	vmul.f32 v53, v23;
	v49 =	vadd.f32 v7, v61  }
0x2c1: {  	v38 =	vadd.f32 v37, v38;
	v37 =	vld [tilespmem:s29+$0xFFFFFC10];
	v0 =	vadd.f32 v60, v0;
	v60 =	vmul.f32 v45, v48  }
0x2c2: {  	v33 =	vld [tilespmem:s29+$0xFFFFFC20];
	v22 =	vadd.f32 v22, v21;
	v61 =	vmul.f32 v51, v2;
	v58 =	vmul.f32 v55, v54  }
0x2c3: {  	v34 =	vld [tilespmem:s28+$0xFFFFFC20];
	v44 =	vmul.f32 v43, v46;
	v62 =	vmul.f32 v11, v9;
	v59 =	vadd.f32 v52, v49  }
0x2c4: {  	v43 =	vld [tilespmem:s28+$0xFFFFFC90];
	(xrf2) =	vadd.scan.msk.f32 $0xffff, v0;
	v63 =	vmul.f32 v56, v57;
	v45 =	vadd.f32 v61, v60;
	v42 =	vadd.f32 v58, v38;
	v49, _, _ =	vpop (xrf2)  }
0x2c5: {  	v47 =	vmul.f32 v8, v41;
	v41 =	vld [tilespmem:s29+$0xFFFFFC90];
	(xrf2) =	vadd.scan.msk.f32 $0xffff, v59;
	v21, _, _ =	vpop (xrf2)  }
0x2c6: {  	s30 =	simm.s32 $0x40;
	v46 =	vmul.f32 v12, v10;
	v38 =	vld [tilespmem:s29+$0xFFFFFC80];
	v45 =	vadd.f32 v63, v45;
	(xrf2) =	vadd.scan.msk.f32 $0xffff, v22;
	v42 =	vadd.f32 v62, v42;
	v22, _, _ =	vpop (xrf2)  }
.LBB2_8:
0x2c7: {  	v48 =	vld [tilespmem:s29+$0xFFFFFCA0]  }
0x2c8: {  	v8 =	vld [tilespmem:s28+$0xFFFFFCA0]  }
0x2c9: {  	v10 =	vld [tilespmem:s29+$0xFFFFFCB0]  }
0x2ca: {  	v11 =	vld [tilespmem:s28+$0xFFFFFCB0]  }
0x2cb: {  	v15 =	vmul.f32 v16, v15;
	v16 =	vmul.f32 v18, v17;
	v17 =	vld [tilespmem:s28+$0x120]  }
0x2cc: {  	v0 =	vld [tilespmem:$0x1FDB0]  }
0x2cd: {  	v1 =	vld [tilespmem:$0x1FD80]  }
0x2ce: {  	v51 =	vld [tilespmem:$0x1FD90]  }
0x2cf: {  	v52 =	vld [tilespmem:$0x1FDA0]  }
0x2d0: {  	v12 =	vld [tilespmem:s28+$0x2A0]  }
0x2d1: {  	v53 =	vld [tilespmem:$0x1FD60]  }
0x2d2: {  	v54 =	vld [tilespmem:s28+$0x2B0]  }
0x2d3: {  	v55 =	vld [tilespmem:$0x1FD20]  }
0x2d4: {  	v56 =	vld [tilespmem:$0x1FD30]  }
0x2d5: {  	v57 =	vld [tilespmem:$0x1FD40]  }
0x2d6: {  	v58 =	vld [tilespmem:$0x1FD50];
	v32 =	vmul.f32 v32, v31  }
0x2d7: {  	v59 =	vld [tilespmem:$0x1FD10];
	v35 =	vmul.f32 v35, v36;
	v7 =	vmul.f32 v39, v37  }
0x2d8: {  	v61 =	vld [tilespmem:$0x1FCD0];
	v44 =	vadd.f32 v47, v44;
	(xrf2) =	vadd.scan.msk.f32 $0xffff, v42;
	v27 =	vmul.f32 v28, v27;
	v33 =	vmul.f32 v34, v33  }
0x2d9: {  	v9 =	vadd.f32 v46, v45;
	v47 =	vld [tilespmem:s28+$0xFFFFFE30];
	v40 =	vmul.f32 v40, v38;
	v43 =	vmul.f32 v43, v41  }
0x2da: {  	v29 =	vmul.f32 v30, v29;
	v32 =	vadd.f32 v32, v44;
	v28 =	vadd.f32 v7, v35;
	v44 =	vld [tilespmem:s28+$0xFFFFFE20]  }
0x2db: {  	v30 =	vld [tilespmem:s29+$0xFFFFFE30];
	v23 =	vmul.f32 v24, v50;
	v24 =	vmul.f32 v26, v25;
	v31, _, _ =	vpop (xrf2);
	(xrf2) =	vadd.scan.msk.f32 $0xffff, v9;
	v45 =	vadd.f32 v43, v40  }
0x2dc: {  	v25 =	vld [tilespmem:s28+$0xFFFFFFA0];
	v46 =	vmul.f32 v8, v48;
	v27 =	vadd.f32 v27, v32;
	v28 =	vadd.f32 v33, v28  }
0x2dd: {  	v50 =	vld [tilespmem:$0x1FD70]  }
0x2de: {  	v48 =	vld [tilespmem:s29+$0xFFFFFFB0];
	v38, _, _ =	vpop (xrf2);
	(xrf2) =	vadd.scan.msk.f32 $0xffff, v27;
	v27 =	vadd.f32 v29, v28;
	v28 =	vadd.f32 v46, v45;
	v29 =	vmul.f32 v11, v10  }
0x2df: {  	v23 =	vadd.f32 v24, v23;
	v24 =	vld [tilespmem:s28+$0xFFFFFFB0];
	v20 =	vmul.f32 v44, v19  }
0x2e0: {  	v62 =	vld [tilespmem:$0x1FCE0];
	v26, _, _ =	vpop (xrf2);
	(xrf2) =	vadd.scan.msk.f32 $0xffff, v27;
	v27 =	vadd.f32 v29, v28  }
0x2e1: {  	v15 =	vadd.f32 v16, v15;
	v16 =	vld [tilespmem:s28+$0x130];
	v20 =	vadd.f32 v20, v23;
	v23 =	vmul.f32 v47, v30  }
0x2e2: {  	v14 =	vmul.f32 v25, v0;
	v18, _, _ =	vpop (xrf2);
	v28 =	vld [tilespmem:s29+$0x130];
	(xrf2) =	vadd.scan.msk.f32 $0xffff, v27  }
0x2e3: {  	v34 =	vld [tilespmem:$0x1FD00];
	v10 =	vmul.f32 v1, v50;
	v11 =	vmul.f32 v52, v51;
	v20 =	vadd.f32 v23, v20  }
0x2e4: {  	v33 =	vld [tilespmem:$0x1FCF0];
	v14 =	vadd.f32 v14, v15;
	v15 =	vmul.f32 v24, v48  }
0x2e5: {  	v9 =	vmul.f32 v17, v53;
	v10 =	vadd.f32 v11, v10;
	v13, _, _ =	vpop (xrf2);
	v23 =	vld [tilespmem:s29+$0x2B0];
	(xrf2) =	vadd.scan.msk.f32 $0xffff, v20  }
0x2e6: {  	v5 =	vmul.f32 v56, v55;
	v6 =	vmul.f32 v58, v57;
	v7 =	vld [tilespmem:s29+$0x3A0];
	v14 =	vadd.f32 v15, v14  }
0x2e7: {  	v15 =	vld [tilespmem:s28+$0x3A0];
	v9 =	vadd.f32 v9, v10;
	v16 =	vmul.f32 v16, v28  }
0x2e8: {  	v60 =	vld [tilespmem:s29+$0x3B0];
	v4 =	vmul.f32 v12, v59;
	v5 =	vadd.f32 v6, v5;
	v8, _, _ =	vpop (xrf2);
	(xrf2) =	vadd.scan.msk.f32 $0xffff, v14  }
0x2e9: {  	v3 =	vld [tilespmem:s28+$0x3B0];
	v2 =	vmul.f32 v62, v61;
	v9 =	vadd.f32 v16, v9  }
0x2ea: {  	v12 =	vadd.f32 v4, v5;
	v0 =	vmul.f32 v34, v33;
	v32 =	vmul.f32 v54, v23  }
0x2eb: {  	v63, _, _ =	vpop (xrf2);
	(xrf2) =	vadd.scan.msk.f32 $0xffff, v9  }
0x2ec: {  	v0 =	vadd.f32 v0, v2;
	v36 =	vmul.f32 v15, v7;
	v35 =	vadd.f32 v32, v12;
	v37, _, _ =	vpop (xrf2)  }
0x2ed: {  	v39 =	vbroadcast v63, $0xF;
	v40 =	vbroadcast v37, $0xF  }
0x2ee: {  	v42 =	vmul.f32 v3, v60;
	v0 =	vadd.f32 v36, v0;
	v41 =	vbroadcast v8, $0xF;
	(xrf2) =	vadd.scan.msk.f32 $0xffff, v35  }
0x2ef: {  	v44 =	vbroadcast v13, $0xF;
	v43 =	vsel vm0, v39, v40;
	v45, _, _ =	vpop (xrf2)  }
0x2f0: {  	v0 =	vadd.f32 v42, v0;
	v1 =	vsel vm1, v43, v41;
	v46 =	vbroadcast v45, $0xF  }
0x2f1: {  	v47 =	vbroadcast v18, $0xF;
	v1 =	vsel vm2, v1, v44  }
0x2f2: {  	v48 =	vbroadcast v26, $0xF;
	v1 =	vsel vm3, v1, v46;
	v50, _, _ =	vpop (xrf2);
	(xrf2) =	vadd.scan.msk.f32 $0xffff, v0  }
0x2f3: {  	v51 =	vsel vm4, v1, v47;
	v52 =	vbroadcast v50, $0xF  }
0x2f4: {  	v53 =	vbroadcast v38, $0xF;
	v0 =	vsel vm5, v51, v48  }
0x2f5: {  	v54 =	vbroadcast v31, $0xF;
	v55, _, _ =	vpop (xrf2);
	v0 =	vsel vm6, v0, v52  }
0x2f6: {  	v56 =	vbroadcast v55, $0xF;
	v0 =	vsel vm7, v0, v53  }
0x2f7: {  	v57 =	vbroadcast v22, $0xF;
	v0 =	vsel vm8, v0, v54  }
0x2f8: {  	s0 =	sshra.s32 s26, $0x2;
	v58 =	vbroadcast v21, $0xF;
	v59, _, _ =	vpop (xrf2);
	v0 =	vsel vm9, v0, v56  }
0x2f9: {  	v61 =	vld [tilespmem:s0+$0x10300];
	v60 =	vbroadcast v59, $0xF;
	v0 =	vsel vm10, v0, v57  }
0x2fa: {  	v62 =	vbroadcast v49, $0xF;
	v0 =	vsel vm11, v0, v58  }
0x2fb: {  	v63 =	vld [tilespmem:s0+$0x10500];
	v0 =	vsel vm12, v0, v60  }
0x2fc: {  	v0 =	vsel vm13, v0, v62;
	v5, _, _ =	vpop (xrf2)  }
0x2fd: {  	v0 =	vsel vm14, v0, v5  }
0x2fe: {  	v0 =	vadd.f32 v0, v61;
	_ =	sdelay $0x1  }
0x2ff: {  	v0 =	vadd.f32 v0, v63;
	_ =	sdelay $0x1  }
0x300: {  	s29 =	sadd.s32 $0x800, s29;
	[tilespmem:s0+$0x10700] =	vst v0  }
0x301: {  	s28 =	sadd.s32 $0x800, s28;
	v0 =	vld [tilespmem:s29+$0x330]  }
0x302: {  	v21 =	vld [tilespmem:s28+$0x330]  }
0x303: {  	v6 =	vld [tilespmem:s29+$0x380]  }
0x304: {  	v7 =	vld [tilespmem:s28+$0x380]  }
0x305: {  	v8 =	vld [tilespmem:s29+$0x390]  }
0x306: {  	v9 =	vld [tilespmem:s28+$0x390]  }
0x307: {  	v26 =	vld [tilespmem:s29+$0x320]  }
0x308: {  	v29 =	vld [tilespmem:s28+$0x320]  }
0x309: {  	v33 =	vld [tilespmem:s29+$0x230]  }
0x30a: {  	v35 =	vld [tilespmem:s28+$0x230]  }
0x30b: {  	v10 =	vld [tilespmem:s29+$0x2A0]  }
0x30c: {  	v24 =	vld [tilespmem:s29+$0x300]  }
0x30d: {  	v25 =	vld [tilespmem:s28+$0x300]  }
0x30e: {  	v30 =	vld [tilespmem:s29+$0x310]  }
0x30f: {  	v47 =	vld [tilespmem:s28+$0x310]  }
0x310: {  	v22 =	vld [tilespmem:s29+$0x1B0]  }
0x311: {  	v34 =	vld [tilespmem:s28+$0x1B0]  }
0x312: {  	v31 =	vld [tilespmem:s29+$0x220]  }
0x313: {  	v32 =	vld [tilespmem:s28+$0x220]  }
0x314: {  	v11 =	vld [tilespmem:s29+$0x280]  }
0x315: {  	v36 =	vld [tilespmem:s28+$0x280]  }
0x316: {  	v37 =	vld [tilespmem:s29+$0x290]  }
0x317: {  	v38 =	vld [tilespmem:s28+$0x290]  }
0x318: {  	v41 =	vld [tilespmem:s29+$0x1A0]  }
0x319: {  	v44 =	vld [tilespmem:s28+$0x1A0]  }
0x31a: {  	v53 =	vld [tilespmem:s29+$0x200]  }
0x31b: {  	v54 =	vld [tilespmem:s28+$0x200]  }
0x31c: {  	v55 =	vld [tilespmem:s29+$0x210]  }
0x31d: {  	v56 =	vld [tilespmem:s28+$0x210]  }
0x31e: {  	v39 =	vld [tilespmem:s29+$0xB0]  }
0x31f: {  	v40 =	vld [tilespmem:s29+$0x120]  }
0x320: {  	v57 =	vld [tilespmem:s29+$0x180]  }
0x321: {  	v58 =	vld [tilespmem:s28+$0x180]  }
0x322: {  	v59 =	vld [tilespmem:s29+$0x190]  }
0x323: {  	v60 =	vld [tilespmem:s28+$0x190]  }
0x324: {  	v42 =	vld [tilespmem:s29+$0x30]  }
0x325: {  	v51 =	vld [tilespmem:s29+$0xA0]  }
0x326: {  	v52 =	vld [tilespmem:s28+$0xA0]  }
0x327: {  	v43 =	vld [tilespmem:s29+$0x100]  }
0x328: {  	v45 =	vld [tilespmem:s28+$0x100]  }
0x329: {  	v46 =	vld [tilespmem:s29+$0x110]  }
0x32a: {  	v48 =	vld [tilespmem:s28+$0x110]  }
0x32b: {  	v61 =	vld [tilespmem:s29+$0x80]  }
0x32c: {  	v62 =	vld [tilespmem:s28+$0x80]  }
0x32d: {  	v63 =	vld [tilespmem:s29+$0x90]  }
0x32e: {  	v49 =	vld [tilespmem:s29+$0xFFFFFFA0]  }
0x32f: {  	v1 =	vld [tilespmem:s29+$0x0]  }
0x330: {  	v2 =	vld [tilespmem:s28+$0x0]  }
0x331: {  	v3 =	vld [tilespmem:s29+$0x10]  }
0x332: {  	v4 =	vld [tilespmem:s28+$0x10]  }
0x333: {  	v50 =	vld [tilespmem:s29+$0xFFFFFEB0]  }
0x334: {  	v5 =	vld [tilespmem:s29+$0xFFFFFF20]  }
0x335: {  	v23 =	vld [tilespmem:s28+$0xFFFFFF80]  }
0x336: {  	v12 =	vld [tilespmem:s28+$0xFFFFFF10]  }
0x337: {  	v13 =	vld [tilespmem:s29+$0xFFFFFDB0]  }
0x338: {  	v19 =	vld [tilespmem:s29+$0xFFFFFE20]  }
0x339: {  	v14 =	vld [tilespmem:s28+$0xFFFFFE80]  }
0x33a: {  	v15 =	vld [tilespmem:s29+$0xFFFFFE90]  }
0x33b: {  	v16 =	vld [tilespmem:s28+$0xFFFFFE90]  }
0x33c: {  	v27 =	vld [tilespmem:s29+$0xFFFFFD30]  }
0x33d: {  	v28 =	vld [tilespmem:s28+$0xFFFFFD30]  }
0x33e: {  	v17 =	vld [tilespmem:s29+$0xFFFFFDA0]  }
0x33f: {  	v18 =	vld [tilespmem:s28+$0xFFFFFDA0]  }
0x340: {  	[tilespmem:$0x1FC90] =	vst v39;
	v39 =	vld [tilespmem:s28+$0xB0]  }
0x341: {  	[tilespmem:$0x1FD50] =	vst v38;
	v38 =	vld [tilespmem:s28+$0x30]  }
0x342: {  	[tilespmem:$0x1FDA0] =	vst v48;
	v48 =	vld [tilespmem:s29+$0x20]  }
0x343: {  	[tilespmem:$0x1FD30] =	vst v36;
	v36 =	vld [tilespmem:s28+$0x20]  }
0x344: {  	[tilespmem:$0x1FC80] =	vst v0;
	v0 =	vld [tilespmem:s28+$0x90]  }
0x345: {  	[tilespmem:$0x1FD40] =	vst v37;
	v37 =	vld [tilespmem:s29+$0xFFFFFF30]  }
0x346: {  	[tilespmem:$0x1FD80] =	vst v45;
	v45 =	vld [tilespmem:s28+$0xFFFFFF30]  }
0x347: {  	[tilespmem:$0x1FD60] =	vst v40;
	v40 =	vld [tilespmem:s28+$0xFFFFFEB0]  }
0x348: {  	[tilespmem:$0x1FCD0] =	vst v6;
	v6 =	vld [tilespmem:s28+$0xFFFFFF20]  }
0x349: {  	[tilespmem:$0x1FDB0] =	vst v49;
	v49 =	vld [tilespmem:s29+$0xFFFFFF80]  }
0x34a: {  	[tilespmem:$0x1FD70] =	vst v43;
	v43 =	vld [tilespmem:s29+$0xFFFFFF90]  }
0x34b: {  	[tilespmem:$0x1FCA0] =	vst v42;
	v42 =	vld [tilespmem:s28+$0xFFFFFF90]  }
0x34c: {  	[tilespmem:$0x1FCE0] =	vst v7;
	v7 =	vld [tilespmem:s29+$0xFFFFFEA0]  }
0x34d: {  	[tilespmem:$0x1FCF0] =	vst v8;
	v8 =	vld [tilespmem:s28+$0xFFFFFEA0]  }
0x34e: {  	[tilespmem:$0x1FD00] =	vst v9;
	v9 =	vld [tilespmem:s29+$0xFFFFFF00]  }
0x34f: {  	[tilespmem:$0x1FD10] =	vst v10;
	v10 =	vld [tilespmem:s28+$0xFFFFFF00]  }
0x350: {  	[tilespmem:$0x1FD20] =	vst v11;
	v11 =	vld [tilespmem:s29+$0xFFFFFF10]  }
0x351: {  	[tilespmem:$0x1FD90] =	vst v46;
	v46 =	vld [tilespmem:s28+$0xFFFFFDB0]  }
0x352: {  	[tilespmem:$0x1FCC0] =	vst v13;
	v13 =	vld [tilespmem:s29+$0xFFFFFE80]  }
0x353: {  	[tilespmem:$0x1FCB0] =	vst v50;
	v50 =	vld [tilespmem:s29+$0xFFFFFE00]  }
0x354: {  	v20 =	vmul.f32 v25, v24;
	v24 =	vld [tilespmem:s28+$0xFFFFFE00]  }
0x355: {  	v30 =	vmul.f32 v47, v30;
	v25 =	vld [tilespmem:s29+$0xFFFFFE10]  }
0x356: {  	v47 =	vmul.f32 v54, v53;
	v53 =	vmul.f32 v32, v31;
	v31 =	vld [tilespmem:s29+$0xFFFFFD20]  }
0x357: {  	v32 =	vld [tilespmem:s28+$0xFFFFFD20]  }
0x358: {  	v58 =	vmul.f32 v58, v57;
	v57 =	vmul.f32 v60, v59;
	v60 =	vld [tilespmem:s28+$0xFFFFFD90]  }
0x359: {  	v22 =	vmul.f32 v34, v22;
	v34 =	vld [tilespmem:s28+$0xFFFFFC20];
	v20 =	vadd.f32 v30, v20;
	v30 =	vmul.f32 v29, v26  }
0x35a: {  	v41 =	vmul.f32 v44, v41;
	v44 =	vld [tilespmem:s28+$0xFFFFFD00]  }
0x35b: {  	v20 =	vadd.f32 v30, v20;
	v30 =	vld [tilespmem:$0x1FC80]  }
0x35c: {  	v59 =	vmul.f32 v62, v61;
	v61 =	vmul.f32 v52, v51;
	v52 =	vld [tilespmem:s28+$0xFFFFFD10]  }
0x35d: {  	v51 =	vld [tilespmem:$0x1FCA0];
	v58 =	vadd.f32 v57, v58  }
0x35e: {  	v56 =	vmul.f32 v56, v55;
	v26 =	vld [tilespmem:s28+$0xFFFFFE10]  }
0x35f: {  	v33 =	vmul.f32 v35, v33;
	v29 =	vld [tilespmem:s29+$0xFFFFFC30];
	v35 =	vadd.f32 v41, v58  }
0x360: {  	v47 =	vadd.f32 v56, v47;
	v41 =	vld [tilespmem:s29+$0xFFFFFC90];
	v21 =	vmul.f32 v21, v30  }
0x361: {  	v0 =	vmul.f32 v0, v63;
	v57 =	vmul.f32 v45, v37;
	v37 =	vld [tilespmem:s29+$0xFFFFFC10];
	v63 =	vadd.f32 v22, v35  }
0x362: {  	v35 =	vld [tilespmem:$0x1FC90];
	v20 =	vadd.f32 v21, v20;
	v21 =	vadd.f32 v53, v47  }
0x363: {  	v1 =	vmul.f32 v2, v1;
	v22 =	vld [tilespmem:s29+$0xFFFFFD00]  }
0x364: {  	v62 =	vmul.f32 v4, v3;
	v2 =	vmul.f32 v38, v51;
	v38 =	vld [tilespmem:s29+$0xFFFFFC80];
	v21 =	vadd.f32 v33, v21  }
0x365: {  	v47 =	vld [tilespmem:s29+$0xFFFFFD80];
	(xrf2) =	vadd.scan.msk.f32 $0xffff, v20  }
0x366: {  	v1 =	vadd.f32 v62, v1;
	v9 =	vmul.f32 v10, v9;
	v62 =	vmul.f32 v12, v11;
	v20 =	vld [tilespmem:s28+$0xFFFFFD80];
	(xrf2) =	vadd.scan.msk.f32 $0xffff, v21  }
0x367: {  	v0 =	vadd.f32 v0, v59;
	(xrf2) =	vadd.scan.msk.f32 $0xffff, v63;
	v63 =	vld [tilespmem:s29+$0xFFFFFD10]  }
0x368: {  	v55 =	vmul.f32 v16, v15;
	v9 =	vadd.f32 v62, v9;
	v62 =	vmul.f32 v18, v17;
	v53 =	vld [tilespmem:s29+$0xFFFFFD90]  }
0x369: {  	v17 =	vmovc v43;
	v43 =	vld [tilespmem:s28+$0xFFFFFC90];
	v0 =	vadd.f32 v61, v0;
	v4 =	vmul.f32 v39, v35;
	v39 =	vmul.f32 v36, v48  }
0x36a: {  	v5 =	vmul.f32 v6, v5;
	v54 =	vmul.f32 v14, v13;
	v61 =	vld [tilespmem:$0x1FCB0]  }
0x36b: {  	v58 =	vmul.f32 v8, v7;
	v30 =	vld [tilespmem:s28+$0xFFFFFC30];
	v0 =	vadd.f32 v4, v0;
	v1 =	vadd.f32 v39, v1  }
0x36c: {  	p0 =	sne.s32 s30, $0x3C0;
	v56 =	vadd.f32 v5, v9;
	v59 =	vmul.f32 v20, v47;
	v47 =	vmul.f32 v52, v63;
	v63 =	vld [tilespmem:$0x1FCC0]  }
.Ltmp3:
0x36d: {  	v35 =	vld [tilespmem:s28+$0xFFFFFC00];
	v1 =	vadd.f32 v2, v1;
	v60 =	vmul.f32 v60, v53;
	(xrf2) =	vadd.scan.msk.f32 $0xffff, v0;
	v0 =	vadd.f32 v55, v54;
	(pc) =	sbr.rel @p0 .LBB2_8-.Ltmp3, $4  }
0x36e: {  	v15 =	vmov v49;
	v36 =	vld [tilespmem:s29+$0xFFFFFC00];
	v2 =	vadd.f32 v57, v56  }
0x36f: {  	v33 =	vld [tilespmem:s29+$0xFFFFFC20];
	v5 =	vmul.f32 v40, v61;
	v0 =	vadd.f32 v58, v0;
	v49, _, _ =	vpop (xrf2);
	(xrf2) =	vadd.scan.msk.f32 $0xffff, v1;
	v1 =	vadd.f32 v60, v59  }
0x370: {  	v16 =	vmov v23;
	v18 =	vmov v42;
	v44 =	vmul.f32 v44, v22;
	v39 =	vld [tilespmem:s28+$0xFFFFFC10];
	v21, _, _ =	vpop (xrf2)  }
0x371: {  	s26 =	smov.u32 s30;
	s30 =	sadd.s32 $0x40, s30;
	v40 =	vld [tilespmem:s28+$0xFFFFFC80];
	v42 =	vadd.f32 v5, v0;
	(xrf2) =	vadd.scan.msk.f32 $0xffff, v2;
	v45 =	vadd.f32 v62, v1;
	v22, _, _ =	vpop (xrf2);
	v46 =	vmul.f32 v46, v63  }
0x372: {  	v0 =	vld [tilespmem:s29+$0xFFFFFCA0]  }
0x373: {  	v1 =	vld [tilespmem:s28+$0xFFFFFCA0]  }
0x374: {  	v4 =	vld [tilespmem:s29+$0xFFFFFCB0]  }
0x375: {  	v8 =	vld [tilespmem:s28+$0xFFFFFCB0]  }
0x376: {  	v10 =	vld [tilespmem:s28+$0xFFFFFE20]  }
0x377: {  	v12 =	vld [tilespmem:s29+$0xFFFFFE30]  }
0x378: {  	v14 =	vld [tilespmem:s28+$0xFFFFFFA0]  }
0x379: {  	v9 =	vmul.f32 v43, v41;
	v41 =	vld [tilespmem:s29+$0xFFFFFFB0]  }
0x37a: {  	v43 =	vld [tilespmem:s28+$0xFFFFFFB0]  }
0x37b: {  	v48 =	vld [tilespmem:s29+$0x130]  }
0x37c: {  	v51 =	vld [tilespmem:s28+$0x130]  }
0x37d: {  	v53 =	vld [tilespmem:$0x1FD70]  }
0x37e: {  	v54 =	vld [tilespmem:$0x1FD80]  }
0x37f: {  	v55 =	vld [tilespmem:$0x1FD90]  }
0x380: {  	v56 =	vld [tilespmem:$0x1FDA0]  }
0x381: {  	v57 =	vld [tilespmem:s28+$0x2A0]  }
0x382: {  	v59 =	vld [tilespmem:s29+$0x2B0]  }
0x383: {  	v3 =	vmul.f32 v32, v31;
	v11 =	vmul.f32 v28, v27;
	v61 =	vld [tilespmem:$0x1FD60]  }
0x384: {  	v62 =	vld [tilespmem:s28+$0x2B0];
	v5 =	vmul.f32 v35, v36;
	v6 =	vmul.f32 v39, v37  }
0x385: {  	v2 =	vadd.f32 v47, v44;
	v13 =	vmul.f32 v30, v29;
	v20 =	vld [tilespmem:$0x1FD40];
	v35 =	vmul.f32 v40, v38  }
0x386: {  	v23 =	vld [tilespmem:$0x1FD50];
	v7 =	vadd.f32 v46, v45;
	v36 =	vmul.f32 v34, v33;
	v5 =	vadd.f32 v6, v5  }
0x387: {  	v2 =	vadd.f32 v3, v2;
	v37 =	vld [tilespmem:s28+$0xFFFFFE30];
	v0 =	vmul.f32 v1, v0;
	v3 =	vadd.f32 v9, v35  }
0x388: {  	v39 =	vmul.f32 v26, v25;
	v38 =	vmul.f32 v24, v50;
	v50 =	vld [tilespmem:$0x1FDB0];
	v5 =	vadd.f32 v36, v5  }
0x389: {  	v29 =	vld [tilespmem:$0x1FD10];
	(xrf2) =	vadd.scan.msk.f32 $0xffff, v42;
	v2 =	vadd.f32 v11, v2;
	v40 =	vmul.f32 v8, v4;
	v0 =	vadd.f32 v0, v3  }
0x38a: {  	v46 =	vld [tilespmem:s28+$0x120];
	(xrf2) =	vadd.scan.msk.f32 $0xffff, v7;
	v42 =	vmul.f32 v10, v19;
	v6 =	vadd.f32 v39, v38;
	v5 =	vadd.f32 v13, v5  }
0x38b: {  	v44 =	vmul.f32 v16, v15;
	v45 =	vmul.f32 v18, v17;
	v18 =	vld [tilespmem:$0x1FD20];
	(xrf2) =	vadd.scan.msk.f32 $0xffff, v2;
	v0 =	vadd.f32 v40, v0  }
0x38c: {  	v19 =	vld [tilespmem:$0x1FD30];
	v47 =	vadd.f32 v42, v6;
	v1 =	vmul.f32 v37, v12;
	(xrf2) =	vadd.scan.msk.f32 $0xffff, v5  }
0x38d: {  	v32 =	vld [tilespmem:$0x1FCD0];
	v2 =	vadd.f32 v45, v44;
	v3 =	vmul.f32 v14, v50;
	(xrf2) =	vadd.scan.msk.f32 $0xffff, v0  }
0x38e: {  	v33 =	vld [tilespmem:$0x1FCE0];
	v52 =	vadd.f32 v1, v47;
	v1 =	vmul.f32 v54, v53;
	v5 =	vmul.f32 v56, v55  }
0x38f: {  	v58 =	vmul.f32 v43, v41;
	v36 =	vld [tilespmem:$0x1FCF0];
	v2 =	vadd.f32 v3, v2  }
0x390: {  	v60, _, _ =	vpop (xrf2);
	v37 =	vld [tilespmem:$0x1FD00];
	v1 =	vadd.f32 v5, v1;
	v5 =	vmul.f32 v46, v61;
	(xrf2) =	vadd.scan.msk.f32 $0xffff, v52  }
0x391: {  	v27 =	vld [tilespmem:s28+$0x3A0];
	v11 =	vmul.f32 v23, v20;
	v63, _, _ =	vpop (xrf2);
	v3 =	vmul.f32 v19, v18;
	v2 =	vadd.f32 v58, v2  }
0x392: {  	v24 =	vld [tilespmem:s29+$0x3A0];
	v26 =	vmul.f32 v51, v48;
	v25, _, _ =	vpop (xrf2);
	v1 =	vadd.f32 v5, v1  }
0x393: {  	v30 =	vld [tilespmem:s29+$0x3B0];
	v10 =	vmul.f32 v57, v29;
	v28, _, _ =	vpop (xrf2);
	v3 =	vadd.f32 v11, v3;
	(xrf2) =	vadd.scan.msk.f32 $0xffff, v2  }
0x394: {  	v34 =	vld [tilespmem:s28+$0x3B0];
	v4 =	vmul.f32 v62, v59;
	v31, _, _ =	vpop (xrf2);
	v1 =	vadd.f32 v26, v1  }
0x395: {  	v9 =	vmul.f32 v37, v36;
	v5 =	vmul.f32 v33, v32;
	v3 =	vadd.f32 v10, v3;
	v35, _, _ =	vpop (xrf2)  }
0x396: {  	(xrf2) =	vadd.scan.msk.f32 $0xffff, v1;
	v38, _, _ =	vpop (xrf2)  }
0x397: {  	v41 =	vmul.f32 v27, v24;
	v39 =	vadd.f32 v4, v3;
	v40 =	vadd.f32 v9, v5;
	v42, _, _ =	vpop (xrf2)  }
0x398: {  	v43 =	vbroadcast v38, $0xF;
	v5 =	vbroadcast v42, $0xF  }
0x399: {  	v45 =	vmul.f32 v34, v30;
	v44 =	vbroadcast v35, $0xF;
	v3 =	vadd.f32 v41, v40;
	(xrf2) =	vadd.scan.msk.f32 $0xffff, v39  }
0x39a: {  	v2 =	vbroadcast v31, $0xF;
	v47, _, _ =	vpop (xrf2);
	v46 =	vsel vm0, v43, v5  }
0x39b: {  	v3 =	vadd.f32 v45, v3;
	v5 =	vbroadcast v47, $0xF;
	v1 =	vsel vm1, v46, v44  }
0x39c: {  	v48 =	vbroadcast v28, $0xF;
	v1 =	vsel vm2, v1, v2  }
0x39d: {  	v50 =	vbroadcast v25, $0xF;
	(xrf2) =	vadd.scan.msk.f32 $0xffff, v3;
	v51, _, _ =	vpop (xrf2);
	v1 =	vsel vm3, v1, v5  }
0x39e: {  	v52 =	vbroadcast v51, $0xF;
	v1 =	vsel vm4, v1, v48  }
0x39f: {  	v0 =	vbroadcast v63, $0xF;
	v1 =	vsel vm5, v1, v50  }
0x3a0: {  	v53 =	vbroadcast v60, $0xF;
	v54, _, _ =	vpop (xrf2);
	v1 =	vsel vm6, v1, v52  }
0x3a1: {  	v55 =	vbroadcast v54, $0xF;
	v0 =	vsel vm7, v1, v0  }
0x3a2: {  	v56 =	vbroadcast v22, $0xF;
	v0 =	vsel vm8, v0, v53  }
0x3a3: {  	s0 =	sshra.s32 s26, $0x2;
	v57 =	vbroadcast v21, $0xF;
	v58, _, _ =	vpop (xrf2);
	v0 =	vsel vm9, v0, v55  }
0x3a4: {  	v60 =	vld [tilespmem:s0+$0x10300];
	v59 =	vbroadcast v58, $0xF;
	v0 =	vsel vm10, v0, v56  }
0x3a5: {  	v61 =	vbroadcast v49, $0xF;
	v0 =	vsel vm11, v0, v57  }
0x3a6: {  	v62 =	vld [tilespmem:s0+$0x10500];
	v0 =	vsel vm12, v0, v59  }
0x3a7: {  	v63, _, _ =	vpop (xrf2);
	v0 =	vsel vm13, v0, v61  }
0x3a8: {  	v0 =	vsel vm14, v0, v63  }
0x3a9: {  	v0 =	vadd.f32 v0, v60;
	_ =	sdelay $0x1  }
0x3aa: {  	s25 =	sadd.s32 $0x1, s25;
	v0 =	vadd.f32 v0, v62  }
0x3ab: {  	p0 =	sne.s32 s25, s10  }
.Ltmp4:
0x3ac: {  	s31 =	simm.s32 $0x10600;
	[tilespmem:s0+$0x10700] =	vst v0;
	(pc) =	sbr.rel @p0 .LBB2_1-.Ltmp4, $4  }
0x3ad: {  	[hbm4b:s9+s2] =	stream.linear.scatter [tilespmem:s31], [sflag:$0x4], $0x200, $0x38;
	[tilespmem:$0x10800] =	vst v63  }
0x3ae: {  	_ =	swait.ge [sflag:s11], $0x200  }
0x3af: {  	[sflag:s11] =	ssyncset.done $0x0  }
0x3b0: {  	[sflag:s11] =	ssyncadd.s32 $0xFFFFFE00  }
0x3b1: {  	_ =	sfence.sel $0x180000  }
0x3b2: {  	[bflag:$0x0] =	sbarrier.arrive $0xFFFF  }
0x3b3: {  	_ =	strace $0x9000004A  }
0x3b4: {  	s0 =	stileid.u32;
	[bflag:$0x2] =	sbarrier.arrive $0xFFFF  }
0x3b5: {  	p0 =	sne.s32 s0, $0x0;
	s0 =	rddreg [dreg:$0x3]  }
0x3b6: {  	s0 =	sadd.s32 @!p0 $0x100000, s0  }
0x3b7: {  	[sflag:s0] =	ssyncadd.tile.s32 @!p0 $0x1;
	_ =	shalt  }
.Lfunc_end2:
_tile_overlayer_lowered:
.L_overlay_start_2:
0x3b8: {  	(tag) =	ssettag $0x2  }
0x3b9: {  	s0 =	rddreg [dreg:$0x0];
	s2 =	stileid.u32  }
0x3ba: {  	s1 =	rddreg [dreg:$0x1];
	p0 =	sne.s32 s2, $0x0  }
0x3bb: {  	s3 =	rddreg [dreg:$0x2];
	[bflag:$0x3] =	sbarrier.arrive $0xFFFF;
	s2 =	simm.s32 @!p0 $0x1C04  }
0x3bc: {  	[timem:s3], [sflag:s2] =	dma.local @!p0 [hbm:s0], s1  }
0x3bd: {  	s0 =	simm.s32 @!p0 $0x4  }
0x3be: {  	_ =	swait.ge @!p0 [sflag:s0], s1  }
0x3bf: {  	s1 =	ssub.s32 @!p0 $0x0, s1;
	[sflag:s0] =	ssyncset.done @!p0 $0x0  }
0x3c0: {  	[sflag:s0] =	ssyncadd.s32 @!p0 s1  }
0x3c1: {  	[bflag:$0x3] =	sbarrier.arrive $0xFFFF  }
0x3c2: {  	_ =	shalt  }

</sc_bundles>
